<compile_context>
chip_gen: v7x
topology: tpu7x:2x2x1
jax: 0.10.2.dev20260603
libtpu: 0.0.44.dev20260713+nightly
codegen_flags: <defaults>
</compile_context>

<pallas_src>
import functools

import jax
import jax.numpy as jnp
from jax import lax
from jax.experimental import pallas as pl
from jax.experimental.pallas import tpu as pltpu
from jax.experimental.pallas import tpu_sc as plsc

N = 10000
NP = 10240
E = 320000
D = 128
NC = 2
NS = 16
NW = NC * NS
EW = E // NW
CD = 2000
CE = 8000
NCH = E // CE
NBUF = 2
RT = D // NW
VEC = 16

_mesh = plsc.VectorSubcoreMesh(core_axis_name="c", subcore_axis_name="s")


def _wid():
    return lax.axis_index("s") * NC + lax.axis_index("c")


@functools.partial(
    pl.kernel,
    out_type=(jax.ShapeDtypeStruct((NW, NP), jnp.float32),
              jax.ShapeDtypeStruct((NW, NP), jnp.float32)),
    mesh=_mesh,
    compiler_params=pltpu.CompilerParams(needs_layout_passes=False, disable_bounds_checks=True),
    scratch_types=[pltpu.VMEM((NP,), jnp.float32),
                   pltpu.VMEM((NP,), jnp.float32),
                   pltpu.VMEM((CD,), jnp.int32),
                   pltpu.VMEM((CD,), jnp.int32),
                   pltpu.VMEM((CD,), jnp.float32)],
)
def _k_deg(src_hbm, dst_hbm, w_hbm, od_hbm, id_hbm, od_v, id_v, s_v, d_v, w_v):
    wid = _wid()

    def zero_body(i, _):
        z = jnp.zeros((VEC,), jnp.float32)
        od_v[pl.ds(i * VEC, VEC)] = z
        id_v[pl.ds(i * VEC, VEC)] = z
        return 0

    lax.fori_loop(0, NP // VEC, zero_body, 0)
    ebase = wid * EW

    def chunk(k, _):
        base = ebase + k * CD
        pltpu.sync_copy(src_hbm.at[pl.ds(base, CD)], s_v)
        pltpu.sync_copy(dst_hbm.at[pl.ds(base, CD)], d_v)
        pltpu.sync_copy(w_hbm.at[pl.ds(base, CD)], w_v)

        def body(i, _):
            o = i * VEC
            s = s_v[pl.ds(o, VEC)]
            d = d_v[pl.ds(o, VEC)]
            wv = w_v[pl.ds(o, VEC)]
            plsc.addupdate_scatter(od_v, [s], wv)
            plsc.addupdate_scatter(id_v, [d], wv)
            return 0

        lax.fori_loop(0, CD // VEC, body, 0)
        return 0

    lax.fori_loop(0, EW // CD, chunk, 0)
    pltpu.sync_copy(od_v, od_hbm.at[wid])
    pltpu.sync_copy(id_v, id_hbm.at[wid])


def _pack_pairs(y):
    y2 = y.reshape(D // 2, 2, y.shape[-1])
    e = lax.bitcast_convert_type(y2[:, 0, :].astype(jnp.bfloat16),
                                 jnp.uint16).astype(jnp.uint32)
    o = lax.bitcast_convert_type(y2[:, 1, :].astype(jnp.bfloat16),
                                 jnp.uint16).astype(jnp.uint32)
    return (e | (o << 16)).astype(jnp.int32)


def _norm_body(od_ref, id_ref, x_ref, out_ref, xt_ref):
    deg_o = jnp.sum(od_ref[...], axis=0, keepdims=True)
    deg_i = jnp.sum(id_ref[...], axis=0, keepdims=True)
    inv_o = jnp.where(deg_o > 0, lax.rsqrt(jnp.maximum(deg_o, 1e-12)), 0.0)
    inv_i = jnp.where(deg_i > 0, lax.rsqrt(jnp.maximum(deg_i, 1e-12)), 0.0)
    out_ref[...] = jnp.concatenate([inv_o, inv_i], axis=0)
    xt_ref[...] = _pack_pairs(jnp.pad(x_ref[...].T, ((0, 0), (0, NP - N))))


_k_norm_tc = pl.pallas_call(
    _norm_body, out_shape=(jax.ShapeDtypeStruct((2, NP), jnp.float32),
                           jax.ShapeDtypeStruct((D // 2, NP), jnp.int32)))


@functools.partial(
    pl.kernel,
    out_type=(jax.ShapeDtypeStruct((E,), jnp.float32),
              jax.ShapeDtypeStruct((E,), jnp.int32)),
    mesh=_mesh,
    compiler_params=pltpu.CompilerParams(needs_layout_passes=False, disable_bounds_checks=True),
    scratch_types=[pltpu.VMEM((NP,), jnp.float32),
                   pltpu.VMEM((NP,), jnp.float32),
                   pltpu.VMEM((CD,), jnp.int32),
                   pltpu.VMEM((CD,), jnp.int32),
                   pltpu.VMEM((CD,), jnp.float32),
                   pltpu.VMEM((CD,), jnp.float32),
                   pltpu.VMEM((CD,), jnp.int32)],
)
def _k_normw(src_hbm, dst_hbm, w_hbm, inv_hbm, nw_hbm, pk_hbm,
             io_v, ii_v, s_v, d_v, w_v, o_v, o2_v):
    wid = _wid()
    pltpu.sync_copy(inv_hbm.at[0], io_v)
    pltpu.sync_copy(inv_hbm.at[1], ii_v)
    ebase = wid * EW

    def chunk(k, _):
        base = ebase + k * CD
        pltpu.sync_copy(src_hbm.at[pl.ds(base, CD)], s_v)
        pltpu.sync_copy(dst_hbm.at[pl.ds(base, CD)], d_v)
        pltpu.sync_copy(w_hbm.at[pl.ds(base, CD)], w_v)

        def body(i, _):
            o = i * VEC
            s = s_v[pl.ds(o, VEC)]
            d = d_v[pl.ds(o, VEC)]
            wv = w_v[pl.ds(o, VEC)]
            nw = wv * plsc.load_gather(io_v, [s]) * plsc.load_gather(ii_v, [d])
            o_v[pl.ds(o, VEC)] = nw
            o2_v[pl.ds(o, VEC)] = s | (d << 16)
            return 0

        lax.fori_loop(0, CD // VEC, body, 0)
        pltpu.sync_copy(o_v, nw_hbm.at[pl.ds(base, CD)])
        pltpu.sync_copy(o2_v, pk_hbm.at[pl.ds(base, CD)])
        return 0

    lax.fori_loop(0, EW // CD, chunk, 0)


@functools.partial(
    pl.kernel,
    out_type=jax.ShapeDtypeStruct((D, NP), jnp.float32),
    mesh=_mesh,
    compiler_params=pltpu.CompilerParams(needs_layout_passes=False, disable_bounds_checks=True),
    scratch_types=[pltpu.VMEM((RT // 2, NP), jnp.int32),
                   pltpu.VMEM((RT, NP), jnp.float32),
                   pltpu.VMEM((CE,), jnp.int32),
                   pltpu.VMEM((CE,), jnp.int32),
                   pltpu.VMEM((CE,), jnp.float32),
                   pltpu.VMEM((CE,), jnp.float32),
                   pltpu.SemaphoreType.DMA,
                   pltpu.SemaphoreType.DMA,
                   pltpu.SemaphoreType.DMA],
)
def _k_spmm(f_hbm, pk_hbm, nw_hbm, agg_hbm, x_v, a_v,
            p0_v, p1_v, w0_v, w1_v, sem0, sem1, xsem):
    wid = _wid()
    r0 = wid * RT
    sems = (sem0, sem1)
    pbufs = (p0_v, p1_v)
    wbufs = (w0_v, w1_v)
    xcopy = pltpu.async_copy(f_hbm.at[pl.ds(wid * (RT // 2), RT // 2)], x_v, xsem)
    for b in range(NBUF):
        base = b * CE
        pltpu.async_copy(pk_hbm.at[pl.ds(base, CE)], pbufs[b], sems[b])
        pltpu.async_copy(nw_hbm.at[pl.ds(base, CE)], wbufs[b], sems[b])

    def zero_body(i, _):
        z = jnp.zeros((VEC,), jnp.float32)
        for r in range(RT):
            a_v[r, pl.ds(i * VEC, VEC)] = z
        return 0

    lax.fori_loop(0, NP // VEC, zero_body, 0)
    xcopy.wait()

    def do_chunk(b):
        pltpu.make_async_copy(pk_hbm.at[pl.ds(0, CE)], pbufs[b],
                              sems[b]).wait()
        pltpu.make_async_copy(nw_hbm.at[pl.ds(0, CE)], wbufs[b],
                              sems[b]).wait()

        def body(i):
            o = i * VEC
            p = pbufs[b][pl.ds(o, VEC)]
            s = p & 0xFFFF
            d = lax.shift_right_logical(p, 16)
            wv = wbufs[b][pl.ds(o, VEC)]
            for j in range(RT // 2):
                jv = jnp.full((VEC,), j, jnp.int32)
                pu = plsc.load_gather(x_v, [jv, s])
                xe, xo = plsc.unpack(plsc.bitcast(pu, jnp.bfloat16),
                                     format=plsc.PackFormat.INTERLEAVED)
                rv0 = jnp.full((VEC,), 2 * j, jnp.int32)
                rv1 = jnp.full((VEC,), 2 * j + 1, jnp.int32)
                plsc.addupdate_scatter(a_v, [rv0, d], xe * wv)
                plsc.addupdate_scatter(a_v, [rv1, d], xo * wv)

        plsc.parallel_loop(0, CE // VEC, unroll=4)(body)

    def outer(k2, _):
        for b in range(NBUF):
            k = k2 * NBUF + b
            do_chunk(b)
            nk = k + NBUF

            @pl.when(nk < NCH)
            def _():
                nbase = nk * CE
                pltpu.async_copy(pk_hbm.at[pl.ds(nbase, CE)], pbufs[b],
                                 sems[b])
                pltpu.async_copy(nw_hbm.at[pl.ds(nbase, CE)], wbufs[b],
                                 sems[b])

        return 0

    lax.fori_loop(0, NCH // NBUF, outer, 0)
    pltpu.sync_copy(a_v, agg_hbm.at[pl.ds(r0, RT)])


def _mm_body(a_ref, w_ref, b_ref, o_ref):
    y = lax.dot_general(w_ref[...], a_ref[...], (((0,), (0,)), ((), ())),
                        preferred_element_type=jnp.float32)
    y = y + b_ref[...]
    o_ref[...] = _pack_pairs(jnp.where(y > 0, y,
                                       jnp.exp(jnp.minimum(y, 0.0)) - 1.0))


_k_mm = pl.pallas_call(
    _mm_body, out_shape=jax.ShapeDtypeStruct((D // 2, NP), jnp.int32))


def _mm_t_body(a_ref, w_ref, b_ref, o_ref):
    y = lax.dot_general(w_ref[...], a_ref[...], (((0,), (0,)), ((), ())),
                        preferred_element_type=jnp.float32)
    y = y + b_ref[...]
    z = jnp.where(y > 0, y, jnp.exp(jnp.minimum(y, 0.0)) - 1.0)
    o_ref[...] = z.T[:N, :]


_k_mm_t = pl.pallas_call(
    _mm_t_body, out_shape=jax.ShapeDtypeStruct((N, D), jnp.float32))


def kernel(x, edge_index, edge_weight, W0, b0, W1, b1, W2, b2):
    src = edge_index[0]
    dst = edge_index[1]
    w = edge_weight[:, 0]

    od_p, id_p = _k_deg(src, dst, w)
    inv, f = _k_norm_tc(od_p, id_p, x)
    nw, pk = _k_normw(src, dst, w, inv)
    for W, b in ((W0, b0), (W1, b1)):
        agg = _k_spmm(f, pk, nw)
        f = _k_mm(agg, W, b.reshape(D, 1))
    agg = _k_spmm(f, pk, nw)
    return _k_mm_t(agg, W2, b2.reshape(D, 1))

# --- scband reference (transcript-rebuilt; emitter-appended) ---
"""Pipeline reference for scband-hetero-gcnconv-9869834846327 (READ-ONLY COPY).

The authoritative reference and input builder live on the scoring server;
editing this copy changes nothing except your own understanding.
"""

import jax, jax.numpy as jnp
import numpy as np

N = 10000
E = 320000
D = 128
L = 3


def setup_inputs(seed: int = 0) -> dict:
    key = jax.random.key(seed)
    ks = jax.random.split(key, 3 + 2 * L)
    x = jax.random.normal(ks[0], (N, D), dtype=jnp.float32)
    edge_index = jax.random.randint(ks[1], (2, E), 0, N, dtype=jnp.int32)
    edge_weight = jax.random.uniform(ks[2], (E, 1), dtype=jnp.float32, minval=0.1, maxval=1.0)
    inp = {"x": x, "edge_index": edge_index, "edge_weight": edge_weight}
    for i in range(L):
        inp[f"W{i}"] = jax.random.normal(ks[3 + 2 * i], (D, D), dtype=jnp.float32) / np.sqrt(D)
        inp[f"b{i}"] = jnp.zeros((D,), dtype=jnp.float32)
    return inp


def reference(x, edge_index, edge_weight, W0, b0, W1, b1, W2, b2):
    # Metapath-reachable subgraph is represented directly as a homogeneous edge list.
    src = edge_index[0]
    dst = edge_index[1]
    w = edge_weight[:, 0]  # edge_weight.squeeze(1)

    # dgl EdgeWeightNorm(norm='both'):
    #   c_e = w_e / sqrt(weighted_out_deg(src_e) * weighted_in_deg(dst_e))
    out_deg = jax.ops.segment_sum(w, src, num_segments=N)
    in_deg = jax.ops.segment_sum(w, dst, num_segments=N)
    inv_out = jnp.where(out_deg > 0, jnp.power(jnp.maximum(out_deg, 1e-12), -0.5), 0.0)
    inv_in = jnp.where(in_deg > 0, jnp.power(jnp.maximum(in_deg, 1e-12), -0.5), 0.0)
    norm_w = w * inv_out[src] * inv_in[dst]

    # 3 x GraphConv(norm='none', activation=elu), in_size == out_size so DGL
    # aggregates first then applies the linear transform.
    feats = x
    for W, b in ((W0, b0), (W1, b1), (W2, b2)):
        msg = feats[src] * norm_w[:, None]          # gather + edge-weight message
        agg = jax.ops.segment_sum(msg, dst, num_segments=N)  # scatter-add to dst
        feats = jax.nn.elu(agg @ W + b)
    return feats

if __name__ == "__main__":
    import jax
    _d = setup_inputs()
    print(jax.jit(kernel)(*tuple(_d.values())))

</pallas_src>

<mosaic_0001>
#map = affine_map<(d0, d1) -> (0)>
#map1 = affine_map<(d0, d1) -> (0, 0)>
module attributes {stable_mosaic.version = 14 : i64} {
  func.func @_k_deg(%arg0: i32, %arg1: i32, %arg2: memref<320000xi32, #tpu.memory_space<hbm>>, %arg3: memref<320000xi32, #tpu.memory_space<hbm>>, %arg4: memref<320000xf32, #tpu.memory_space<hbm>>, %arg5: memref<32x10240xf32, #tpu.memory_space<hbm>>, %arg6: memref<32x10240xf32, #tpu.memory_space<hbm>>, %arg7: memref<10240xf32, #tpu.memory_space<vmem>>, %arg8: memref<10240xf32, #tpu.memory_space<vmem>>, %arg9: memref<2000xi32, #tpu.memory_space<vmem>>, %arg10: memref<2000xi32, #tpu.memory_space<vmem>>, %arg11: memref<2000xf32, #tpu.memory_space<vmem>>) attributes {dimension_semantics = [#tpu.dimension_semantics<core_parallel>, #tpu.dimension_semantics<subcore_parallel>], iteration_bounds = array<i64: 2, 16>, scalar_prefetch = 0 : i64, scratch_operands = 5 : i64, tpu.core_type = #tpu.core_type<sc_vector_subcore>, window_params = [{transform_indices = #map}, {transform_indices = #map}, {transform_indices = #map}, {transform_indices = #map1}, {transform_indices = #map1}]} {
    %mul3A = arith.constant 2 : i32
    %mul3A_0 = arith.muli %arg1, %mul3A : i32
    %add3A = arith.addi %mul3A_0, %arg0 : i32
    %scan3A = arith.constant 0 : i32
    %scan3A_1 = arith.constant 0 : i32
    %scan3A_2 = arith.constant 640 : i32
    %scan3A_3 = arith.addi %scan3A_1, %scan3A_2 : i32
    %scan3A_4 = arith.constant 1 : i32
    %scan3A_5 = scf.for %scan3A_16 = %scan3A_1 to %scan3A_3 step %scan3A_4 iter_args(%scan3A_17 = %scan3A) -> (i32)  : i32 {
      %broadcast_in_dim3A = arith.constant 0.000000e+00 : f32
      %broadcast_in_dim3A_18 = vector.broadcast %broadcast_in_dim3A : f32 to vector<16xf32>
      %mul3A_19 = arith.constant 16 : i32
      %mul3A_20 = arith.muli %scan3A_16, %mul3A_19 : i32
      %swap3A = arith.index_cast %mul3A_20 : i32 to index
      %swap3A_21 = tpu.vector_load %arg7[%swap3A] {strides = array<i32>} : memref<10240xf32, #tpu.memory_space<vmem>>, vector<16xf32>,
      tpu.vector_store %arg7[%swap3A], %broadcast_in_dim3A_18 {strides = array<i32>} : memref<10240xf32, #tpu.memory_space<vmem>>, vector<16xf32>,
      %mul3A_22 = arith.constant 16 : i32
      %mul3A_23 = arith.muli %scan3A_16, %mul3A_22 : i32
      %swap3A_24 = arith.index_cast %mul3A_23 : i32 to index
      %swap3A_25 = tpu.vector_load %arg8[%swap3A_24] {strides = array<i32>} : memref<10240xf32, #tpu.memory_space<vmem>>, vector<16xf32>,
      tpu.vector_store %arg8[%swap3A_24], %broadcast_in_dim3A_18 {strides = array<i32>} : memref<10240xf32, #tpu.memory_space<vmem>>, vector<16xf32>,
      %scan3A_26 = arith.constant 0 : i32
      scf.yield %scan3A_26 : i32
    }
    %scan3A_6 = arith.constant 640 : i32
    %mul3A_7 = arith.constant 10000 : i32
    %mul3A_8 = arith.muli %add3A, %mul3A_7 : i32
    %scan3A_9 = arith.constant 0 : i32
    %scan3A_10 = arith.constant 0 : i32
    %scan3A_11 = arith.constant 5 : i32
    %scan3A_12 = arith.addi %scan3A_10, %scan3A_11 : i32
    %scan3A_13 = arith.constant 1 : i32
    %scan3A_14 = scf.for %scan3A_16 = %scan3A_10 to %scan3A_12 step %scan3A_13 iter_args(%scan3A_17 = %scan3A_9) -> (i32)  : i32 {
      %mul3A_18 = arith.constant 2000 : i32
      %mul3A_19 = arith.muli %scan3A_16, %mul3A_18 : i32
      %add3A_20 = arith.addi %mul3A_8, %mul3A_19 : i32
      "tpu.region"() ({
        %run_scoped3A = tpu.sem_alloc : memref<!tpu.dma_semaphore, #tpu.memory_space<semaphore_mem>>
        %dma_start3A = tpu.memref_slice %arg2[%add3A_20] : memref<320000xi32, #tpu.memory_space<hbm>> -> memref<2000xi32, #tpu.memory_space<hbm>>
        %dma_start3A_29 = tpu.memref_slice %arg2[%add3A_20] : memref<320000xi32, #tpu.memory_space<hbm>> -> memref<2000xi32, #tpu.memory_space<hbm>>
        tpu.enqueue_dma source(%dma_start3A_29 : memref<2000xi32, #tpu.memory_space<hbm>>) target(%arg9 : memref<2000xi32, #tpu.memory_space<vmem>>) target_semaphore(%run_scoped3A : memref<!tpu.dma_semaphore, #tpu.memory_space<semaphore_mem>>)
        %dma_wait3A = tpu.memref_slice %arg2[%add3A_20] : memref<320000xi32, #tpu.memory_space<hbm>> -> memref<2000xi32, #tpu.memory_space<hbm>>
        %dma_wait3A_30 = tpu.memref_slice %arg2[%add3A_20] : memref<320000xi32, #tpu.memory_space<hbm>> -> memref<2000xi32, #tpu.memory_space<hbm>>
        tpu.wait_dma2 semaphore(%run_scoped3A : memref<!tpu.dma_semaphore, #tpu.memory_space<semaphore_mem>>) src(%dma_wait3A_30 : memref<2000xi32, #tpu.memory_space<hbm>>) dst(%arg9 : memref<2000xi32, #tpu.memory_space<vmem>>)
        tpu.yield
      }) : () -> ()
      "tpu.region"() ({
        %run_scoped3A = tpu.sem_alloc : memref<!tpu.dma_semaphore, #tpu.memory_space<semaphore_mem>>
        %dma_start3A = tpu.memref_slice %arg3[%add3A_20] : memref<320000xi32, #tpu.memory_space<hbm>> -> memref<2000xi32, #tpu.memory_space<hbm>>
        %dma_start3A_29 = tpu.memref_slice %arg3[%add3A_20] : memref<320000xi32, #tpu.memory_space<hbm>> -> memref<2000xi32, #tpu.memory_space<hbm>>
        tpu.enqueue_dma source(%dma_start3A_29 : memref<2000xi32, #tpu.memory_space<hbm>>) target(%arg10 : memref<2000xi32, #tpu.memory_space<vmem>>) target_semaphore(%run_scoped3A : memref<!tpu.dma_semaphore, #tpu.memory_space<semaphore_mem>>)
        %dma_wait3A = tpu.memref_slice %arg3[%add3A_20] : memref<320000xi32, #tpu.memory_space<hbm>> -> memref<2000xi32, #tpu.memory_space<hbm>>
        %dma_wait3A_30 = tpu.memref_slice %arg3[%add3A_20] : memref<320000xi32, #tpu.memory_space<hbm>> -> memref<2000xi32, #tpu.memory_space<hbm>>
        tpu.wait_dma2 semaphore(%run_scoped3A : memref<!tpu.dma_semaphore, #tpu.memory_space<semaphore_mem>>) src(%dma_wait3A_30 : memref<2000xi32, #tpu.memory_space<hbm>>) dst(%arg10 : memref<2000xi32, #tpu.memory_space<vmem>>)
        tpu.yield
      }) : () -> ()
      "tpu.region"() ({
        %run_scoped3A = tpu.sem_alloc : memref<!tpu.dma_semaphore, #tpu.memory_space<semaphore_mem>>
        %dma_start3A = tpu.memref_slice %arg4[%add3A_20] : memref<320000xf32, #tpu.memory_space<hbm>> -> memref<2000xf32, #tpu.memory_space<hbm>>
        %dma_start3A_29 = tpu.memref_slice %arg4[%add3A_20] : memref<320000xf32, #tpu.memory_space<hbm>> -> memref<2000xf32, #tpu.memory_space<hbm>>
        tpu.enqueue_dma source(%dma_start3A_29 : memref<2000xf32, #tpu.memory_space<hbm>>) target(%arg11 : memref<2000xf32, #tpu.memory_space<vmem>>) target_semaphore(%run_scoped3A : memref<!tpu.dma_semaphore, #tpu.memory_space<semaphore_mem>>)
        %dma_wait3A = tpu.memref_slice %arg4[%add3A_20] : memref<320000xf32, #tpu.memory_space<hbm>> -> memref<2000xf32, #tpu.memory_space<hbm>>
        %dma_wait3A_30 = tpu.memref_slice %arg4[%add3A_20] : memref<320000xf32, #tpu.memory_space<hbm>> -> memref<2000xf32, #tpu.memory_space<hbm>>
        tpu.wait_dma2 semaphore(%run_scoped3A : memref<!tpu.dma_semaphore, #tpu.memory_space<semaphore_mem>>) src(%dma_wait3A_30 : memref<2000xf32, #tpu.memory_space<hbm>>) dst(%arg11 : memref<2000xf32, #tpu.memory_space<vmem>>)
        tpu.yield
      }) : () -> ()
      %scan3A_21 = arith.constant 0 : i32
      %scan3A_22 = arith.constant 0 : i32
      %scan3A_23 = arith.constant 125 : i32
      %scan3A_24 = arith.addi %scan3A_22, %scan3A_23 : i32
      %scan3A_25 = arith.constant 1 : i32
      %scan3A_26 = scf.for %scan3A_29 = %scan3A_22 to %scan3A_24 step %scan3A_25 iter_args(%scan3A_30 = %scan3A_21) -> (i32)  : i32 {
        %mul3A_31 = arith.constant 16 : i32
        %mul3A_32 = arith.muli %scan3A_29, %mul3A_31 : i32
        %get3A = arith.index_cast %mul3A_32 : i32 to index
        %get3A_33 = tpu.vector_load %arg9[%get3A] {strides = array<i32>} : memref<2000xi32, #tpu.memory_space<vmem>>, vector<16xi32>,
        %get3A_34 = arith.index_cast %mul3A_32 : i32 to index
        %get3A_35 = tpu.vector_load %arg10[%get3A_34] {strides = array<i32>} : memref<2000xi32, #tpu.memory_space<vmem>>, vector<16xi32>,
        %get3A_36 = arith.index_cast %mul3A_32 : i32 to index
        %get3A_37 = tpu.vector_load %arg11[%get3A_36] {strides = array<i32>} : memref<2000xf32, #tpu.memory_space<vmem>>, vector<16xf32>,
        tpu.vector_store_idx %arg7[%get3A_33], %get3A_37 {add = true} : memref<10240xf32, #tpu.memory_space<vmem>>[vector<16xi32>], vector<16xf32>,
        tpu.vector_store_idx %arg8[%get3A_35], %get3A_37 {add = true} : memref<10240xf32, #tpu.memory_space<vmem>>[vector<16xi32>], vector<16xf32>,
        %scan3A_38 = arith.constant 0 : i32
        scf.yield %scan3A_38 : i32
      }
      %scan3A_27 = arith.constant 125 : i32
      %scan3A_28 = arith.constant 0 : i32
      scf.yield %scan3A_28 : i32
    }
    %scan3A_15 = arith.constant 5 : i32
    "tpu.region"() ({
      %run_scoped3A = tpu.sem_alloc : memref<!tpu.dma_semaphore, #tpu.memory_space<semaphore_mem>>
      %dma_start3A = arith.constant 0 : i32
      %dma_start3A_16 = tpu.memref_slice %arg5[%add3A, %dma_start3A] : memref<32x10240xf32, #tpu.memory_space<hbm>> -> memref<1x10240xf32, #tpu.memory_space<hbm>>
      %dma_start3A_17 = tpu.memref_squeeze %dma_start3A_16 : memref<1x10240xf32, #tpu.memory_space<hbm>> -> memref<10240xf32, #tpu.memory_space<hbm>>
      %dma_start3A_18 = arith.constant 0 : i32
      %dma_start3A_19 = tpu.memref_slice %arg5[%add3A, %dma_start3A_18] : memref<32x10240xf32, #tpu.memory_space<hbm>> -> memref<1x10240xf32, #tpu.memory_space<hbm>>
      %dma_start3A_20 = tpu.memref_squeeze %dma_start3A_19 : memref<1x10240xf32, #tpu.memory_space<hbm>> -> memref<10240xf32, #tpu.memory_space<hbm>>
      tpu.enqueue_dma source(%arg7 : memref<10240xf32, #tpu.memory_space<vmem>>) target(%dma_start3A_20 : memref<10240xf32, #tpu.memory_space<hbm>>) target_semaphore(%run_scoped3A : memref<!tpu.dma_semaphore, #tpu.memory_space<semaphore_mem>>)
      %dma_wait3A = arith.constant 0 : i32
      %dma_wait3A_21 = tpu.memref_slice %arg5[%add3A, %dma_wait3A] : memref<32x10240xf32, #tpu.memory_space<hbm>> -> memref<1x10240xf32, #tpu.memory_space<hbm>>
      %dma_wait3A_22 = tpu.memref_squeeze %dma_wait3A_21 : memref<1x10240xf32, #tpu.memory_space<hbm>> -> memref<10240xf32, #tpu.memory_space<hbm>>
      %dma_wait3A_23 = arith.constant 0 : i32
      %dma_wait3A_24 = tpu.memref_slice %arg5[%add3A, %dma_wait3A_23] : memref<32x10240xf32, #tpu.memory_space<hbm>> -> memref<1x10240xf32, #tpu.memory_space<hbm>>
      %dma_wait3A_25 = tpu.memref_squeeze %dma_wait3A_24 : memref<1x10240xf32, #tpu.memory_space<hbm>> -> memref<10240xf32, #tpu.memory_space<hbm>>
      tpu.wait_dma2 semaphore(%run_scoped3A : memref<!tpu.dma_semaphore, #tpu.memory_space<semaphore_mem>>) src(%arg7 : memref<10240xf32, #tpu.memory_space<vmem>>) dst(%dma_wait3A_25 : memref<10240xf32, #tpu.memory_space<hbm>>)
      tpu.yield
    }) : () -> ()
    "tpu.region"() ({
      %run_scoped3A = tpu.sem_alloc : memref<!tpu.dma_semaphore, #tpu.memory_space<semaphore_mem>>
      %dma_start3A = arith.constant 0 : i32
      %dma_start3A_16 = tpu.memref_slice %arg6[%add3A, %dma_start3A] : memref<32x10240xf32, #tpu.memory_space<hbm>> -> memref<1x10240xf32, #tpu.memory_space<hbm>>
      %dma_start3A_17 = tpu.memref_squeeze %dma_start3A_16 : memref<1x10240xf32, #tpu.memory_space<hbm>> -> memref<10240xf32, #tpu.memory_space<hbm>>
      %dma_start3A_18 = arith.constant 0 : i32
      %dma_start3A_19 = tpu.memref_slice %arg6[%add3A, %dma_start3A_18] : memref<32x10240xf32, #tpu.memory_space<hbm>> -> memref<1x10240xf32, #tpu.memory_space<hbm>>
      %dma_start3A_20 = tpu.memref_squeeze %dma_start3A_19 : memref<1x10240xf32, #tpu.memory_space<hbm>> -> memref<10240xf32, #tpu.memory_space<hbm>>
      tpu.enqueue_dma source(%arg8 : memref<10240xf32, #tpu.memory_space<vmem>>) target(%dma_start3A_20 : memref<10240xf32, #tpu.memory_space<hbm>>) target_semaphore(%run_scoped3A : memref<!tpu.dma_semaphore, #tpu.memory_space<semaphore_mem>>)
      %dma_wait3A = arith.constant 0 : i32
      %dma_wait3A_21 = tpu.memref_slice %arg6[%add3A, %dma_wait3A] : memref<32x10240xf32, #tpu.memory_space<hbm>> -> memref<1x10240xf32, #tpu.memory_space<hbm>>
      %dma_wait3A_22 = tpu.memref_squeeze %dma_wait3A_21 : memref<1x10240xf32, #tpu.memory_space<hbm>> -> memref<10240xf32, #tpu.memory_space<hbm>>
      %dma_wait3A_23 = arith.constant 0 : i32
      %dma_wait3A_24 = tpu.memref_slice %arg6[%add3A, %dma_wait3A_23] : memref<32x10240xf32, #tpu.memory_space<hbm>> -> memref<1x10240xf32, #tpu.memory_space<hbm>>
      %dma_wait3A_25 = tpu.memref_squeeze %dma_wait3A_24 : memref<1x10240xf32, #tpu.memory_space<hbm>> -> memref<10240xf32, #tpu.memory_space<hbm>>
      tpu.wait_dma2 semaphore(%run_scoped3A : memref<!tpu.dma_semaphore, #tpu.memory_space<semaphore_mem>>) src(%arg8 : memref<10240xf32, #tpu.memory_space<vmem>>) dst(%dma_wait3A_25 : memref<10240xf32, #tpu.memory_space<hbm>>)
      tpu.yield
    }) : () -> ()
    return
  }
}

#map = affine_map<(d0, d1) -> (0, 0)>
#map1 = affine_map<(d0, d1) -> (0)>
module attributes {stable_mosaic.version = 14 : i64} {
  func.func @_k_spmm(%arg0: i32, %arg1: i32, %arg2: memref<64x10240xi32, #tpu.memory_space<hbm>>, %arg3: memref<320000xi32, #tpu.memory_space<hbm>>, %arg4: memref<320000xf32, #tpu.memory_space<hbm>>, %arg5: memref<128x10240xf32, #tpu.memory_space<hbm>>, %arg6: memref<2x10240xi32, #tpu.memory_space<vmem>>, %arg7: memref<4x10240xf32, #tpu.memory_space<vmem>>, %arg8: memref<8000xi32, #tpu.memory_space<vmem>>, %arg9: memref<8000xi32, #tpu.memory_space<vmem>>, %arg10: memref<8000xf32, #tpu.memory_space<vmem>>, %arg11: memref<8000xf32, #tpu.memory_space<vmem>>, %arg12: memref<!tpu.dma_semaphore, #tpu.memory_space<semaphore_mem>>, %arg13: memref<!tpu.dma_semaphore, #tpu.memory_space<semaphore_mem>>, %arg14: memref<!tpu.dma_semaphore, #tpu.memory_space<semaphore_mem>>) attributes {dimension_semantics = [#tpu.dimension_semantics<core_parallel>, #tpu.dimension_semantics<subcore_parallel>], iteration_bounds = array<i64: 2, 16>, scalar_prefetch = 0 : i64, scratch_operands = 9 : i64, tpu.core_type = #tpu.core_type<sc_vector_subcore>, window_params = [{transform_indices = #map}, {transform_indices = #map1}, {transform_indices = #map1}, {transform_indices = #map}]} {
    %mul3A = arith.constant 2 : i32
    %mul3A_0 = arith.muli %arg1, %mul3A : i32
    %add3A = arith.addi %mul3A_0, %arg0 : i32
    %mul3A_1 = arith.constant 4 : i32
    %mul3A_2 = arith.muli %add3A, %mul3A_1 : i32
    %mul3A_3 = arith.constant 2 : i32
    %mul3A_4 = arith.muli %add3A, %mul3A_3 : i32
    %dma_start3A = arith.constant 0 : i32
    %dma_start3A_5 = tpu.memref_slice %arg2[%mul3A_4, %dma_start3A] : memref<64x10240xi32, #tpu.memory_space<hbm>> -> memref<2x10240xi32, #tpu.memory_space<hbm>>
    %dma_start3A_6 = arith.constant 0 : i32
    %dma_start3A_7 = tpu.memref_slice %arg2[%mul3A_4, %dma_start3A_6] : memref<64x10240xi32, #tpu.memory_space<hbm>> -> memref<2x10240xi32, #tpu.memory_space<hbm>>
    tpu.enqueue_dma source(%dma_start3A_7 : memref<2x10240xi32, #tpu.memory_space<hbm>>) target(%arg6 : memref<2x10240xi32, #tpu.memory_space<vmem>>) target_semaphore(%arg14 : memref<!tpu.dma_semaphore, #tpu.memory_space<semaphore_mem>>)
    %dma_start3A_8 = arith.constant 0 : i32
    %dma_start3A_9 = tpu.memref_slice %arg3[%dma_start3A_8] : memref<320000xi32, #tpu.memory_space<hbm>> -> memref<8000xi32, #tpu.memory_space<hbm>>
    %dma_start3A_10 = arith.constant 0 : i32
    %dma_start3A_11 = tpu.memref_slice %arg3[%dma_start3A_10] : memref<320000xi32, #tpu.memory_space<hbm>> -> memref<8000xi32, #tpu.memory_space<hbm>>
    tpu.enqueue_dma source(%dma_start3A_11 : memref<8000xi32, #tpu.memory_space<hbm>>) target(%arg8 : memref<8000xi32, #tpu.memory_space<vmem>>) target_semaphore(%arg12 : memref<!tpu.dma_semaphore, #tpu.memory_space<semaphore_mem>>)
    %dma_start3A_12 = arith.constant 0 : i32
    %dma_start3A_13 = tpu.memref_slice %arg4[%dma_start3A_12] : memref<320000xf32, #tpu.memory_space<hbm>> -> memref<8000xf32, #tpu.memory_space<hbm>>
    %dma_start3A_14 = arith.constant 0 : i32
    %dma_start3A_15 = tpu.memref_slice %arg4[%dma_start3A_14] : memref<320000xf32, #tpu.memory_space<hbm>> -> memref<8000xf32, #tpu.memory_space<hbm>>
    tpu.enqueue_dma source(%dma_start3A_15 : memref<8000xf32, #tpu.memory_space<hbm>>) target(%arg10 : memref<8000xf32, #tpu.memory_space<vmem>>) target_semaphore(%arg12 : memref<!tpu.dma_semaphore, #tpu.memory_space<semaphore_mem>>)
    %dma_start3A_16 = arith.constant 8000 : i32
    %dma_start3A_17 = tpu.memref_slice %arg3[%dma_start3A_16] : memref<320000xi32, #tpu.memory_space<hbm>> -> memref<8000xi32, #tpu.memory_space<hbm>>
    %dma_start3A_18 = arith.constant 8000 : i32
    %dma_start3A_19 = tpu.memref_slice %arg3[%dma_start3A_18] : memref<320000xi32, #tpu.memory_space<hbm>> -> memref<8000xi32, #tpu.memory_space<hbm>>
    tpu.enqueue_dma source(%dma_start3A_19 : memref<8000xi32, #tpu.memory_space<hbm>>) target(%arg9 : memref<8000xi32, #tpu.memory_space<vmem>>) target_semaphore(%arg13 : memref<!tpu.dma_semaphore, #tpu.memory_space<semaphore_mem>>)
    %dma_start3A_20 = arith.constant 8000 : i32
    %dma_start3A_21 = tpu.memref_slice %arg4[%dma_start3A_20] : memref<320000xf32, #tpu.memory_space<hbm>> -> memref<8000xf32, #tpu.memory_space<hbm>>
    %dma_start3A_22 = arith.constant 8000 : i32
    %dma_start3A_23 = tpu.memref_slice %arg4[%dma_start3A_22] : memref<320000xf32, #tpu.memory_space<hbm>> -> memref<8000xf32, #tpu.memory_space<hbm>>
    tpu.enqueue_dma source(%dma_start3A_23 : memref<8000xf32, #tpu.memory_space<hbm>>) target(%arg11 : memref<8000xf32, #tpu.memory_space<vmem>>) target_semaphore(%arg13 : memref<!tpu.dma_semaphore, #tpu.memory_space<semaphore_mem>>)
    %scan3A = arith.constant 0 : i32
    %scan3A_24 = arith.constant 0 : i32
    %scan3A_25 = arith.constant 640 : i32
    %scan3A_26 = arith.addi %scan3A_24, %scan3A_25 : i32
    %scan3A_27 = arith.constant 1 : i32
    %scan3A_28 = scf.for %scan3A_40 = %scan3A_24 to %scan3A_26 step %scan3A_27 iter_args(%scan3A_41 = %scan3A) -> (i32)  : i32 {
      %broadcast_in_dim3A = arith.constant 0.000000e+00 : f32
      %broadcast_in_dim3A_42 = vector.broadcast %broadcast_in_dim3A : f32 to vector<16xf32>
      %mul3A_43 = arith.constant 16 : i32
      %mul3A_44 = arith.muli %scan3A_40, %mul3A_43 : i32
      %swap3A = arith.constant 0 : i32
      %swap3A_45 = arith.index_cast %swap3A : i32 to index
      %swap3A_46 = arith.index_cast %mul3A_44 : i32 to index
      %swap3A_47 = tpu.vector_load %arg7[%swap3A_45, %swap3A_46] {strides = array<i32>} : memref<4x10240xf32, #tpu.memory_space<vmem>>, vector<16xf32>,
      tpu.vector_store %arg7[%swap3A_45, %swap3A_46], %broadcast_in_dim3A_42 {strides = array<i32>} : memref<4x10240xf32, #tpu.memory_space<vmem>>, vector<16xf32>,
      %mul3A_48 = arith.constant 16 : i32
      %mul3A_49 = arith.muli %scan3A_40, %mul3A_48 : i32
      %swap3A_50 = arith.constant 1 : i32
      %swap3A_51 = arith.index_cast %swap3A_50 : i32 to index
      %swap3A_52 = arith.index_cast %mul3A_49 : i32 to index
      %swap3A_53 = tpu.vector_load %arg7[%swap3A_51, %swap3A_52] {strides = array<i32>} : memref<4x10240xf32, #tpu.memory_space<vmem>>, vector<16xf32>,
      tpu.vector_store %arg7[%swap3A_51, %swap3A_52], %broadcast_in_dim3A_42 {strides = array<i32>} : memref<4x10240xf32, #tpu.memory_space<vmem>>, vector<16xf32>,
      %mul3A_54 = arith.constant 16 : i32
      %mul3A_55 = arith.muli %scan3A_40, %mul3A_54 : i32
      %swap3A_56 = arith.constant 2 : i32
      %swap3A_57 = arith.index_cast %swap3A_56 : i32 to index
      %swap3A_58 = arith.index_cast %mul3A_55 : i32 to index
      %swap3A_59 = tpu.vector_load %arg7[%swap3A_57, %swap3A_58] {strides = array<i32>} : memref<4x10240xf32, #tpu.memory_space<vmem>>, vector<16xf32>,
      tpu.vector_store %arg7[%swap3A_57, %swap3A_58], %broadcast_in_dim3A_42 {strides = array<i32>} : memref<4x10240xf32, #tpu.memory_space<vmem>>, vector<16xf32>,
      %mul3A_60 = arith.constant 16 : i32
      %mul3A_61 = arith.muli %scan3A_40, %mul3A_60 : i32
      %swap3A_62 = arith.constant 3 : i32
      %swap3A_63 = arith.index_cast %swap3A_62 : i32 to index
      %swap3A_64 = arith.index_cast %mul3A_61 : i32 to index
      %swap3A_65 = tpu.vector_load %arg7[%swap3A_63, %swap3A_64] {strides = array<i32>} : memref<4x10240xf32, #tpu.memory_space<vmem>>, vector<16xf32>,
      tpu.vector_store %arg7[%swap3A_63, %swap3A_64], %broadcast_in_dim3A_42 {strides = array<i32>} : memref<4x10240xf32, #tpu.memory_space<vmem>>, vector<16xf32>,
      %scan3A_66 = arith.constant 0 : i32
      scf.yield %scan3A_66 : i32
    }
    %scan3A_29 = arith.constant 640 : i32
    %dma_wait3A = arith.constant 0 : i32
    %dma_wait3A_30 = tpu.memref_slice %arg2[%mul3A_4, %dma_wait3A] : memref<64x10240xi32, #tpu.memory_space<hbm>> -> memref<2x10240xi32, #tpu.memory_space<hbm>>
    %dma_wait3A_31 = arith.constant 0 : i32
    %dma_wait3A_32 = tpu.memref_slice %arg2[%mul3A_4, %dma_wait3A_31] : memref<64x10240xi32, #tpu.memory_space<hbm>> -> memref<2x10240xi32, #tpu.memory_space<hbm>>
    tpu.wait_dma2 semaphore(%arg14 : memref<!tpu.dma_semaphore, #tpu.memory_space<semaphore_mem>>) src(%dma_wait3A_32 : memref<2x10240xi32, #tpu.memory_space<hbm>>) dst(%arg6 : memref<2x10240xi32, #tpu.memory_space<vmem>>)
    %scan3A_33 = arith.constant 0 : i32
    %scan3A_34 = arith.constant 0 : i32
    %scan3A_35 = arith.constant 20 : i32
    %scan3A_36 = arith.addi %scan3A_34, %scan3A_35 : i32
    %scan3A_37 = arith.constant 1 : i32
    %scan3A_38 = scf.for %scan3A_40 = %scan3A_34 to %scan3A_36 step %scan3A_37 iter_args(%scan3A_41 = %scan3A_33) -> (i32)  : i32 {
      %mul3A_42 = arith.constant 2 : i32
      %mul3A_43 = arith.muli %scan3A_40, %mul3A_42 : i32
      %add3A_44 = arith.constant 0 : i32
      %add3A_45 = arith.addi %mul3A_43, %add3A_44 : i32
      %dma_wait3A_46 = arith.constant 0 : i32
      %dma_wait3A_47 = tpu.memref_slice %arg3[%dma_wait3A_46] : memref<320000xi32, #tpu.memory_space<hbm>> -> memref<8000xi32, #tpu.memory_space<hbm>>
      %dma_wait3A_48 = arith.constant 0 : i32
      %dma_wait3A_49 = tpu.memref_slice %arg3[%dma_wait3A_48] : memref<320000xi32, #tpu.memory_space<hbm>> -> memref<8000xi32, #tpu.memory_space<hbm>>
      tpu.wait_dma2 semaphore(%arg12 : memref<!tpu.dma_semaphore, #tpu.memory_space<semaphore_mem>>) src(%dma_wait3A_49 : memref<8000xi32, #tpu.memory_space<hbm>>) dst(%arg8 : memref<8000xi32, #tpu.memory_space<vmem>>)
      %dma_wait3A_50 = arith.constant 0 : i32
      %dma_wait3A_51 = tpu.memref_slice %arg4[%dma_wait3A_50] : memref<320000xf32, #tpu.memory_space<hbm>> -> memref<8000xf32, #tpu.memory_space<hbm>>
      %dma_wait3A_52 = arith.constant 0 : i32
      %dma_wait3A_53 = tpu.memref_slice %arg4[%dma_wait3A_52] : memref<320000xf32, #tpu.memory_space<hbm>> -> memref<8000xf32, #tpu.memory_space<hbm>>
      tpu.wait_dma2 semaphore(%arg12 : memref<!tpu.dma_semaphore, #tpu.memory_space<semaphore_mem>>) src(%dma_wait3A_53 : memref<8000xf32, #tpu.memory_space<hbm>>) dst(%arg10 : memref<8000xf32, #tpu.memory_space<vmem>>)
      %parallel_loop3A = arith.constant 0 : i32
      %parallel_loop3A_54 = arith.constant 500 : i32
      %parallel_loop3A_55 = arith.constant 1 : i32
      scf.for %parallel_loop3A_83 = %parallel_loop3A to %parallel_loop3A_54 step %parallel_loop3A_55  : i32 {
        %parallel_loop3A_84 = arith.constant 16 : i32
        %parallel_loop3A_85 = arith.muli %parallel_loop3A_83, %parallel_loop3A_84 : i32
        %parallel_loop3A_86 = arith.index_cast %parallel_loop3A_85 : i32 to index
        %parallel_loop3A_87 = tpu.vector_load %arg8[%parallel_loop3A_86] {strides = array<i32>} : memref<8000xi32, #tpu.memory_space<vmem>>, vector<16xi32>,
        %parallel_loop3A_88 = arith.constant 65535 : i32
        %parallel_loop3A_89 = vector.broadcast %parallel_loop3A_88 : i32 to vector<16xi32>
        %parallel_loop3A_90 = arith.andi %parallel_loop3A_87, %parallel_loop3A_89 : vector<16xi32>
        %parallel_loop3A_91 = arith.constant 16 : i32
        %parallel_loop3A_92 = vector.broadcast %parallel_loop3A_91 : i32 to vector<16xi32>
        %parallel_loop3A_93 = arith.shrui %parallel_loop3A_87, %parallel_loop3A_92 : vector<16xi32>
        %parallel_loop3A_94 = arith.index_cast %parallel_loop3A_85 : i32 to index
        %parallel_loop3A_95 = tpu.vector_load %arg10[%parallel_loop3A_94] {strides = array<i32>} : memref<8000xf32, #tpu.memory_space<vmem>>, vector<16xf32>,
        %parallel_loop3A_96 = arith.constant 0 : i32
        %parallel_loop3A_97 = vector.broadcast %parallel_loop3A_96 : i32 to vector<16xi32>
        %parallel_loop3A_98 = tpu.vector_load_idx %arg6[%parallel_loop3A_97, %parallel_loop3A_90] : memref<2x10240xi32, #tpu.memory_space<vmem>>[vector<16xi32>, vector<16xi32>], vector<16xi32>,
        %parallel_loop3A_99 = vector.bitcast %parallel_loop3A_98 : vector<16xi32> to vector<32xbf16>
        %parallel_loop3A_100 = tpu.unpack_subelements %parallel_loop3A_99, 0 {pack_format = #tpu.pack_format<interleaved>} : vector<32xbf16> -> vector<16xf32>
        %parallel_loop3A_101 = tpu.unpack_subelements %parallel_loop3A_99, 1 {pack_format = #tpu.pack_format<interleaved>} : vector<32xbf16> -> vector<16xf32>
        %parallel_loop3A_102 = arith.constant 0 : i32
        %parallel_loop3A_103 = vector.broadcast %parallel_loop3A_102 : i32 to vector<16xi32>
        %parallel_loop3A_104 = arith.constant 1 : i32
        %parallel_loop3A_105 = vector.broadcast %parallel_loop3A_104 : i32 to vector<16xi32>
        %parallel_loop3A_106 = arith.mulf %parallel_loop3A_100, %parallel_loop3A_95 : vector<16xf32>
        tpu.vector_store_idx %arg7[%parallel_loop3A_103, %parallel_loop3A_93], %parallel_loop3A_106 {add = true} : memref<4x10240xf32, #tpu.memory_space<vmem>>[vector<16xi32>, vector<16xi32>], vector<16xf32>,
        %parallel_loop3A_107 = arith.mulf %parallel_loop3A_101, %parallel_loop3A_95 : vector<16xf32>
        tpu.vector_store_idx %arg7[%parallel_loop3A_105, %parallel_loop3A_93], %parallel_loop3A_107 {add = true} : memref<4x10240xf32, #tpu.memory_space<vmem>>[vector<16xi32>, vector<16xi32>], vector<16xf32>,
        %parallel_loop3A_108 = arith.constant 1 : i32
        %parallel_loop3A_109 = vector.broadcast %parallel_loop3A_108 : i32 to vector<16xi32>
        %parallel_loop3A_110 = tpu.vector_load_idx %arg6[%parallel_loop3A_109, %parallel_loop3A_90] : memref<2x10240xi32, #tpu.memory_space<vmem>>[vector<16xi32>, vector<16xi32>], vector<16xi32>,
        %parallel_loop3A_111 = vector.bitcast %parallel_loop3A_110 : vector<16xi32> to vector<32xbf16>
        %parallel_loop3A_112 = tpu.unpack_subelements %parallel_loop3A_111, 0 {pack_format = #tpu.pack_format<interleaved>} : vector<32xbf16> -> vector<16xf32>
        %parallel_loop3A_113 = tpu.unpack_subelements %parallel_loop3A_111, 1 {pack_format = #tpu.pack_format<interleaved>} : vector<32xbf16> -> vector<16xf32>
        %parallel_loop3A_114 = arith.constant 2 : i32
        %parallel_loop3A_115 = vector.broadcast %parallel_loop3A_114 : i32 to vector<16xi32>
        %parallel_loop3A_116 = arith.constant 3 : i32
        %parallel_loop3A_117 = vector.broadcast %parallel_loop3A_116 : i32 to vector<16xi32>
        %parallel_loop3A_118 = arith.mulf %parallel_loop3A_112, %parallel_loop3A_95 : vector<16xf32>
        tpu.vector_store_idx %arg7[%parallel_loop3A_115, %parallel_loop3A_93], %parallel_loop3A_118 {add = true} : memref<4x10240xf32, #tpu.memory_space<vmem>>[vector<16xi32>, vector<16xi32>], vector<16xf32>,
        %parallel_loop3A_119 = arith.mulf %parallel_loop3A_113, %parallel_loop3A_95 : vector<16xf32>
        tpu.vector_store_idx %arg7[%parallel_loop3A_117, %parallel_loop3A_93], %parallel_loop3A_119 {add = true} : memref<4x10240xf32, #tpu.memory_space<vmem>>[vector<16xi32>, vector<16xi32>], vector<16xf32>,
      } {sc.loop_unroll_factor = 4 : i64, sc.parallel_access}
      %add3A_56 = arith.constant 2 : i32
      %add3A_57 = arith.addi %add3A_45, %add3A_56 : i32
      %lt3A = arith.constant 40 : i32
      %lt3A_58 = arith.cmpi slt, %add3A_57, %lt3A : i32
      %convert_element_type3A = arith.extui %lt3A_58 : i1 to i32
      %cond3A = arith.constant 0 : i32
      %cond3A_59 = arith.cmpi ne, %convert_element_type3A, %cond3A : i32
      scf.if %cond3A_59 {
        %mul3A_83 = arith.constant 8000 : i32
        %mul3A_84 = arith.muli %add3A_57, %mul3A_83 : i32
        %dma_start3A_85 = tpu.memref_slice %arg3[%mul3A_84] : memref<320000xi32, #tpu.memory_space<hbm>> -> memref<8000xi32, #tpu.memory_space<hbm>>
        %dma_start3A_86 = tpu.memref_slice %arg3[%mul3A_84] : memref<320000xi32, #tpu.memory_space<hbm>> -> memref<8000xi32, #tpu.memory_space<hbm>>
        tpu.enqueue_dma source(%dma_start3A_86 : memref<8000xi32, #tpu.memory_space<hbm>>) target(%arg8 : memref<8000xi32, #tpu.memory_space<vmem>>) target_semaphore(%arg12 : memref<!tpu.dma_semaphore, #tpu.memory_space<semaphore_mem>>)
        %dma_start3A_87 = tpu.memref_slice %arg4[%mul3A_84] : memref<320000xf32, #tpu.memory_space<hbm>> -> memref<8000xf32, #tpu.memory_space<hbm>>
        %dma_start3A_88 = tpu.memref_slice %arg4[%mul3A_84] : memref<320000xf32, #tpu.memory_space<hbm>> -> memref<8000xf32, #tpu.memory_space<hbm>>
        tpu.enqueue_dma source(%dma_start3A_88 : memref<8000xf32, #tpu.memory_space<hbm>>) target(%arg10 : memref<8000xf32, #tpu.memory_space<vmem>>) target_semaphore(%arg12 : memref<!tpu.dma_semaphore, #tpu.memory_space<semaphore_mem>>)
      } else {
      }
      %mul3A_60 = arith.constant 2 : i32
      %mul3A_61 = arith.muli %scan3A_40, %mul3A_60 : i32
      %add3A_62 = arith.constant 1 : i32
      %add3A_63 = arith.addi %mul3A_61, %add3A_62 : i32
      %dma_wait3A_64 = arith.constant 0 : i32
      %dma_wait3A_65 = tpu.memref_slice %arg3[%dma_wait3A_64] : memref<320000xi32, #tpu.memory_space<hbm>> -> memref<8000xi32, #tpu.memory_space<hbm>>
      %dma_wait3A_66 = arith.constant 0 : i32
      %dma_wait3A_67 = tpu.memref_slice %arg3[%dma_wait3A_66] : memref<320000xi32, #tpu.memory_space<hbm>> -> memref<8000xi32, #tpu.memory_space<hbm>>
      tpu.wait_dma2 semaphore(%arg13 : memref<!tpu.dma_semaphore, #tpu.memory_space<semaphore_mem>>) src(%dma_wait3A_67 : memref<8000xi32, #tpu.memory_space<hbm>>) dst(%arg9 : memref<8000xi32, #tpu.memory_space<vmem>>)
      %dma_wait3A_68 = arith.constant 0 : i32
      %dma_wait3A_69 = tpu.memref_slice %arg4[%dma_wait3A_68] : memref<320000xf32, #tpu.memory_space<hbm>> -> memref<8000xf32, #tpu.memory_space<hbm>>
      %dma_wait3A_70 = arith.constant 0 : i32
      %dma_wait3A_71 = tpu.memref_slice %arg4[%dma_wait3A_70] : memref<320000xf32, #tpu.memory_space<hbm>> -> memref<8000xf32, #tpu.memory_space<hbm>>
      tpu.wait_dma2 semaphore(%arg13 : memref<!tpu.dma_semaphore, #tpu.memory_space<semaphore_mem>>) src(%dma_wait3A_71 : memref<8000xf32, #tpu.memory_space<hbm>>) dst(%arg11 : memref<8000xf32, #tpu.memory_space<vmem>>)
      %parallel_loop3A_72 = arith.constant 0 : i32
      %parallel_loop3A_73 = arith.constant 500 : i32
      %parallel_loop3A_74 = arith.constant 1 : i32
      scf.for %parallel_loop3A_83 = %parallel_loop3A_72 to %parallel_loop3A_73 step %parallel_loop3A_74  : i32 {
        %parallel_loop3A_84 = arith.constant 16 : i32
        %parallel_loop3A_85 = arith.muli %parallel_loop3A_83, %parallel_loop3A_84 : i32
        %parallel_loop3A_86 = arith.index_cast %parallel_loop3A_85 : i32 to index
        %parallel_loop3A_87 = tpu.vector_load %arg9[%parallel_loop3A_86] {strides = array<i32>} : memref<8000xi32, #tpu.memory_space<vmem>>, vector<16xi32>,
        %parallel_loop3A_88 = arith.constant 65535 : i32
        %parallel_loop3A_89 = vector.broadcast %parallel_loop3A_88 : i32 to vector<16xi32>
        %parallel_loop3A_90 = arith.andi %parallel_loop3A_87, %parallel_loop3A_89 : vector<16xi32>
        %parallel_loop3A_91 = arith.constant 16 : i32
        %parallel_loop3A_92 = vector.broadcast %parallel_loop3A_91 : i32 to vector<16xi32>
        %parallel_loop3A_93 = arith.shrui %parallel_loop3A_87, %parallel_loop3A_92 : vector<16xi32>
        %parallel_loop3A_94 = arith.index_cast %parallel_loop3A_85 : i32 to index
        %parallel_loop3A_95 = tpu.vector_load %arg11[%parallel_loop3A_94] {strides = array<i32>} : memref<8000xf32, #tpu.memory_space<vmem>>, vector<16xf32>,
        %parallel_loop3A_96 = arith.constant 0 : i32
        %parallel_loop3A_97 = vector.broadcast %parallel_loop3A_96 : i32 to vector<16xi32>
        %parallel_loop3A_98 = tpu.vector_load_idx %arg6[%parallel_loop3A_97, %parallel_loop3A_90] : memref<2x10240xi32, #tpu.memory_space<vmem>>[vector<16xi32>, vector<16xi32>], vector<16xi32>,
        %parallel_loop3A_99 = vector.bitcast %parallel_loop3A_98 : vector<16xi32> to vector<32xbf16>
        %parallel_loop3A_100 = tpu.unpack_subelements %parallel_loop3A_99, 0 {pack_format = #tpu.pack_format<interleaved>} : vector<32xbf16> -> vector<16xf32>
        %parallel_loop3A_101 = tpu.unpack_subelements %parallel_loop3A_99, 1 {pack_format = #tpu.pack_format<interleaved>} : vector<32xbf16> -> vector<16xf32>
        %parallel_loop3A_102 = arith.constant 0 : i32
        %parallel_loop3A_103 = vector.broadcast %parallel_loop3A_102 : i32 to vector<16xi32>
        %parallel_loop3A_104 = arith.constant 1 : i32
        %parallel_loop3A_105 = vector.broadcast %parallel_loop3A_104 : i32 to vector<16xi32>
        %parallel_loop3A_106 = arith.mulf %parallel_loop3A_100, %parallel_loop3A_95 : vector<16xf32>
        tpu.vector_store_idx %arg7[%parallel_loop3A_103, %parallel_loop3A_93], %parallel_loop3A_106 {add = true} : memref<4x10240xf32, #tpu.memory_space<vmem>>[vector<16xi32>, vector<16xi32>], vector<16xf32>,
        %parallel_loop3A_107 = arith.mulf %parallel_loop3A_101, %parallel_loop3A_95 : vector<16xf32>
        tpu.vector_store_idx %arg7[%parallel_loop3A_105, %parallel_loop3A_93], %parallel_loop3A_107 {add = true} : memref<4x10240xf32, #tpu.memory_space<vmem>>[vector<16xi32>, vector<16xi32>], vector<16xf32>,
        %parallel_loop3A_108 = arith.constant 1 : i32
        %parallel_loop3A_109 = vector.broadcast %parallel_loop3A_108 : i32 to vector<16xi32>
        %parallel_loop3A_110 = tpu.vector_load_idx %arg6[%parallel_loop3A_109, %parallel_loop3A_90] : memref<2x10240xi32, #tpu.memory_space<vmem>>[vector<16xi32>, vector<16xi32>], vector<16xi32>,
        %parallel_loop3A_111 = vector.bitcast %parallel_loop3A_110 : vector<16xi32> to vector<32xbf16>
        %parallel_loop3A_112 = tpu.unpack_subelements %parallel_loop3A_111, 0 {pack_format = #tpu.pack_format<interleaved>} : vector<32xbf16> -> vector<16xf32>
        %parallel_loop3A_113 = tpu.unpack_subelements %parallel_loop3A_111, 1 {pack_format = #tpu.pack_format<interleaved>} : vector<32xbf16> -> vector<16xf32>
        %parallel_loop3A_114 = arith.constant 2 : i32
        %parallel_loop3A_115 = vector.broadcast %parallel_loop3A_114 : i32 to vector<16xi32>
        %parallel_loop3A_116 = arith.constant 3 : i32
        %parallel_loop3A_117 = vector.broadcast %parallel_loop3A_116 : i32 to vector<16xi32>
        %parallel_loop3A_118 = arith.mulf %parallel_loop3A_112, %parallel_loop3A_95 : vector<16xf32>
        tpu.vector_store_idx %arg7[%parallel_loop3A_115, %parallel_loop3A_93], %parallel_loop3A_118 {add = true} : memref<4x10240xf32, #tpu.memory_space<vmem>>[vector<16xi32>, vector<16xi32>], vector<16xf32>,
        %parallel_loop3A_119 = arith.mulf %parallel_loop3A_113, %parallel_loop3A_95 : vector<16xf32>
        tpu.vector_store_idx %arg7[%parallel_loop3A_117, %parallel_loop3A_93], %parallel_loop3A_119 {add = true} : memref<4x10240xf32, #tpu.memory_space<vmem>>[vector<16xi32>, vector<16xi32>], vector<16xf32>,
      } {sc.loop_unroll_factor = 4 : i64, sc.parallel_access}
      %add3A_75 = arith.constant 2 : i32
      %add3A_76 = arith.addi %add3A_63, %add3A_75 : i32
      %lt3A_77 = arith.constant 40 : i32
      %lt3A_78 = arith.cmpi slt, %add3A_76, %lt3A_77 : i32
      %convert_element_type3A_79 = arith.extui %lt3A_78 : i1 to i32
      %cond3A_80 = arith.constant 0 : i32
      %cond3A_81 = arith.cmpi ne, %convert_element_type3A_79, %cond3A_80 : i32
      scf.if %cond3A_81 {
        %mul3A_83 = arith.constant 8000 : i32
        %mul3A_84 = arith.muli %add3A_76, %mul3A_83 : i32
        %dma_start3A_85 = tpu.memref_slice %arg3[%mul3A_84] : memref<320000xi32, #tpu.memory_space<hbm>> -> memref<8000xi32, #tpu.memory_space<hbm>>
        %dma_start3A_86 = tpu.memref_slice %arg3[%mul3A_84] : memref<320000xi32, #tpu.memory_space<hbm>> -> memref<8000xi32, #tpu.memory_space<hbm>>
        tpu.enqueue_dma source(%dma_start3A_86 : memref<8000xi32, #tpu.memory_space<hbm>>) target(%arg9 : memref<8000xi32, #tpu.memory_space<vmem>>) target_semaphore(%arg13 : memref<!tpu.dma_semaphore, #tpu.memory_space<semaphore_mem>>)
        %dma_start3A_87 = tpu.memref_slice %arg4[%mul3A_84] : memref<320000xf32, #tpu.memory_space<hbm>> -> memref<8000xf32, #tpu.memory_space<hbm>>
        %dma_start3A_88 = tpu.memref_slice %arg4[%mul3A_84] : memref<320000xf32, #tpu.memory_space<hbm>> -> memref<8000xf32, #tpu.memory_space<hbm>>
        tpu.enqueue_dma source(%dma_start3A_88 : memref<8000xf32, #tpu.memory_space<hbm>>) target(%arg11 : memref<8000xf32, #tpu.memory_space<vmem>>) target_semaphore(%arg13 : memref<!tpu.dma_semaphore, #tpu.memory_space<semaphore_mem>>)
      } else {
      }
      %scan3A_82 = arith.constant 0 : i32
      scf.yield %scan3A_82 : i32
    }
    %scan3A_39 = arith.constant 20 : i32
    "tpu.region"() ({
      %run_scoped3A = tpu.sem_alloc : memref<!tpu.dma_semaphore, #tpu.memory_space<semaphore_mem>>
      %dma_start3A_40 = arith.constant 0 : i32
      %dma_start3A_41 = tpu.memref_slice %arg5[%mul3A_2, %dma_start3A_40] : memref<128x10240xf32, #tpu.memory_space<hbm>> -> memref<4x10240xf32, #tpu.memory_space<hbm>>
      %dma_start3A_42 = arith.constant 0 : i32
      %dma_start3A_43 = tpu.memref_slice %arg5[%mul3A_2, %dma_start3A_42] : memref<128x10240xf32, #tpu.memory_space<hbm>> -> memref<4x10240xf32, #tpu.memory_space<hbm>>
      tpu.enqueue_dma source(%arg7 : memref<4x10240xf32, #tpu.memory_space<vmem>>) target(%dma_start3A_43 : memref<4x10240xf32, #tpu.memory_space<hbm>>) target_semaphore(%run_scoped3A : memref<!tpu.dma_semaphore, #tpu.memory_space<semaphore_mem>>)
      %dma_wait3A_44 = arith.constant 0 : i32
      %dma_wait3A_45 = tpu.memref_slice %arg5[%mul3A_2, %dma_wait3A_44] : memref<128x10240xf32, #tpu.memory_space<hbm>> -> memref<4x10240xf32, #tpu.memory_space<hbm>>
      %dma_wait3A_46 = arith.constant 0 : i32
      %dma_wait3A_47 = tpu.memref_slice %arg5[%mul3A_2, %dma_wait3A_46] : memref<128x10240xf32, #tpu.memory_space<hbm>> -> memref<4x10240xf32, #tpu.memory_space<hbm>>
      tpu.wait_dma2 semaphore(%run_scoped3A : memref<!tpu.dma_semaphore, #tpu.memory_space<semaphore_mem>>) src(%arg7 : memref<4x10240xf32, #tpu.memory_space<vmem>>) dst(%dma_wait3A_47 : memref<4x10240xf32, #tpu.memory_space<hbm>>)
      tpu.yield
    }) : () -> ()
    return
  }
}

#map = affine_map<(d0, d1) -> (0, 0)>
#map1 = affine_map<(d0, d1) -> (0)>
module attributes {stable_mosaic.version = 14 : i64} {
  func.func @_k_spmm(%arg0: i32, %arg1: i32, %arg2: memref<64x10240xi32, #tpu.memory_space<hbm>>, %arg3: memref<320000xi32, #tpu.memory_space<hbm>>, %arg4: memref<320000xf32, #tpu.memory_space<hbm>>, %arg5: memref<128x10240xf32, #tpu.memory_space<hbm>>, %arg6: memref<2x10240xi32, #tpu.memory_space<vmem>>, %arg7: memref<4x10240xf32, #tpu.memory_space<vmem>>, %arg8: memref<8000xi32, #tpu.memory_space<vmem>>, %arg9: memref<8000xi32, #tpu.memory_space<vmem>>, %arg10: memref<8000xf32, #tpu.memory_space<vmem>>, %arg11: memref<8000xf32, #tpu.memory_space<vmem>>, %arg12: memref<!tpu.dma_semaphore, #tpu.memory_space<semaphore_mem>>, %arg13: memref<!tpu.dma_semaphore, #tpu.memory_space<semaphore_mem>>, %arg14: memref<!tpu.dma_semaphore, #tpu.memory_space<semaphore_mem>>) attributes {dimension_semantics = [#tpu.dimension_semantics<core_parallel>, #tpu.dimension_semantics<subcore_parallel>], iteration_bounds = array<i64: 2, 16>, scalar_prefetch = 0 : i64, scratch_operands = 9 : i64, tpu.core_type = #tpu.core_type<sc_vector_subcore>, window_params = [{transform_indices = #map}, {transform_indices = #map1}, {transform_indices = #map1}, {transform_indices = #map}]} {
    %mul3A = arith.constant 2 : i32
    %mul3A_0 = arith.muli %arg1, %mul3A : i32
    %add3A = arith.addi %mul3A_0, %arg0 : i32
    %mul3A_1 = arith.constant 4 : i32
    %mul3A_2 = arith.muli %add3A, %mul3A_1 : i32
    %mul3A_3 = arith.constant 2 : i32
    %mul3A_4 = arith.muli %add3A, %mul3A_3 : i32
    %dma_start3A = arith.constant 0 : i32
    %dma_start3A_5 = tpu.memref_slice %arg2[%mul3A_4, %dma_start3A] : memref<64x10240xi32, #tpu.memory_space<hbm>> -> memref<2x10240xi32, #tpu.memory_space<hbm>>
    %dma_start3A_6 = arith.constant 0 : i32
    %dma_start3A_7 = tpu.memref_slice %arg2[%mul3A_4, %dma_start3A_6] : memref<64x10240xi32, #tpu.memory_space<hbm>> -> memref<2x10240xi32, #tpu.memory_space<hbm>>
    tpu.enqueue_dma source(%dma_start3A_7 : memref<2x10240xi32, #tpu.memory_space<hbm>>) target(%arg6 : memref<2x10240xi32, #tpu.memory_space<vmem>>) target_semaphore(%arg14 : memref<!tpu.dma_semaphore, #tpu.memory_space<semaphore_mem>>)
    %dma_start3A_8 = arith.constant 0 : i32
    %dma_start3A_9 = tpu.memref_slice %arg3[%dma_start3A_8] : memref<320000xi32, #tpu.memory_space<hbm>> -> memref<8000xi32, #tpu.memory_space<hbm>>
    %dma_start3A_10 = arith.constant 0 : i32
    %dma_start3A_11 = tpu.memref_slice %arg3[%dma_start3A_10] : memref<320000xi32, #tpu.memory_space<hbm>> -> memref<8000xi32, #tpu.memory_space<hbm>>
    tpu.enqueue_dma source(%dma_start3A_11 : memref<8000xi32, #tpu.memory_space<hbm>>) target(%arg8 : memref<8000xi32, #tpu.memory_space<vmem>>) target_semaphore(%arg12 : memref<!tpu.dma_semaphore, #tpu.memory_space<semaphore_mem>>)
    %dma_start3A_12 = arith.constant 0 : i32
    %dma_start3A_13 = tpu.memref_slice %arg4[%dma_start3A_12] : memref<320000xf32, #tpu.memory_space<hbm>> -> memref<8000xf32, #tpu.memory_space<hbm>>
    %dma_start3A_14 = arith.constant 0 : i32
    %dma_start3A_15 = tpu.memref_slice %arg4[%dma_start3A_14] : memref<320000xf32, #tpu.memory_space<hbm>> -> memref<8000xf32, #tpu.memory_space<hbm>>
    tpu.enqueue_dma source(%dma_start3A_15 : memref<8000xf32, #tpu.memory_space<hbm>>) target(%arg10 : memref<8000xf32, #tpu.memory_space<vmem>>) target_semaphore(%arg12 : memref<!tpu.dma_semaphore, #tpu.memory_space<semaphore_mem>>)
    %dma_start3A_16 = arith.constant 8000 : i32
    %dma_start3A_17 = tpu.memref_slice %arg3[%dma_start3A_16] : memref<320000xi32, #tpu.memory_space<hbm>> -> memref<8000xi32, #tpu.memory_space<hbm>>
    %dma_start3A_18 = arith.constant 8000 : i32
    %dma_start3A_19 = tpu.memref_slice %arg3[%dma_start3A_18] : memref<320000xi32, #tpu.memory_space<hbm>> -> memref<8000xi32, #tpu.memory_space<hbm>>
    tpu.enqueue_dma source(%dma_start3A_19 : memref<8000xi32, #tpu.memory_space<hbm>>) target(%arg9 : memref<8000xi32, #tpu.memory_space<vmem>>) target_semaphore(%arg13 : memref<!tpu.dma_semaphore, #tpu.memory_space<semaphore_mem>>)
    %dma_start3A_20 = arith.constant 8000 : i32
    %dma_start3A_21 = tpu.memref_slice %arg4[%dma_start3A_20] : memref<320000xf32, #tpu.memory_space<hbm>> -> memref<8000xf32, #tpu.memory_space<hbm>>
    %dma_start3A_22 = arith.constant 8000 : i32
    %dma_start3A_23 = tpu.memref_slice %arg4[%dma_start3A_22] : memref<320000xf32, #tpu.memory_space<hbm>> -> memref<8000xf32, #tpu.memory_space<hbm>>
    tpu.enqueue_dma source(%dma_start3A_23 : memref<8000xf32, #tpu.memory_space<hbm>>) target(%arg11 : memref<8000xf32, #tpu.memory_space<vmem>>) target_semaphore(%arg13 : memref<!tpu.dma_semaphore, #tpu.memory_space<semaphore_mem>>)
    %scan3A = arith.constant 0 : i32
    %scan3A_24 = arith.constant 0 : i32
    %scan3A_25 = arith.constant 640 : i32
    %scan3A_26 = arith.addi %scan3A_24, %scan3A_25 : i32
    %scan3A_27 = arith.constant 1 : i32
    %scan3A_28 = scf.for %scan3A_40 = %scan3A_24 to %scan3A_26 step %scan3A_27 iter_args(%scan3A_41 = %scan3A) -> (i32)  : i32 {
      %broadcast_in_dim3A = arith.constant 0.000000e+00 : f32
      %broadcast_in_dim3A_42 = vector.broadcast %broadcast_in_dim3A : f32 to vector<16xf32>
      %mul3A_43 = arith.constant 16 : i32
      %mul3A_44 = arith.muli %scan3A_40, %mul3A_43 : i32
      %swap3A = arith.constant 0 : i32
      %swap3A_45 = arith.index_cast %swap3A : i32 to index
      %swap3A_46 = arith.index_cast %mul3A_44 : i32 to index
      %swap3A_47 = tpu.vector_load %arg7[%swap3A_45, %swap3A_46] {strides = array<i32>} : memref<4x10240xf32, #tpu.memory_space<vmem>>, vector<16xf32>,
      tpu.vector_store %arg7[%swap3A_45, %swap3A_46], %broadcast_in_dim3A_42 {strides = array<i32>} : memref<4x10240xf32, #tpu.memory_space<vmem>>, vector<16xf32>,
      %mul3A_48 = arith.constant 16 : i32
      %mul3A_49 = arith.muli %scan3A_40, %mul3A_48 : i32
      %swap3A_50 = arith.constant 1 : i32
      %swap3A_51 = arith.index_cast %swap3A_50 : i32 to index
      %swap3A_52 = arith.index_cast %mul3A_49 : i32 to index
      %swap3A_53 = tpu.vector_load %arg7[%swap3A_51, %swap3A_52] {strides = array<i32>} : memref<4x10240xf32, #tpu.memory_space<vmem>>, vector<16xf32>,
      tpu.vector_store %arg7[%swap3A_51, %swap3A_52], %broadcast_in_dim3A_42 {strides = array<i32>} : memref<4x10240xf32, #tpu.memory_space<vmem>>, vector<16xf32>,
      %mul3A_54 = arith.constant 16 : i32
      %mul3A_55 = arith.muli %scan3A_40, %mul3A_54 : i32
      %swap3A_56 = arith.constant 2 : i32
      %swap3A_57 = arith.index_cast %swap3A_56 : i32 to index
      %swap3A_58 = arith.index_cast %mul3A_55 : i32 to index
      %swap3A_59 = tpu.vector_load %arg7[%swap3A_57, %swap3A_58] {strides = array<i32>} : memref<4x10240xf32, #tpu.memory_space<vmem>>, vector<16xf32>,
      tpu.vector_store %arg7[%swap3A_57, %swap3A_58], %broadcast_in_dim3A_42 {strides = array<i32>} : memref<4x10240xf32, #tpu.memory_space<vmem>>, vector<16xf32>,
      %mul3A_60 = arith.constant 16 : i32
      %mul3A_61 = arith.muli %scan3A_40, %mul3A_60 : i32
      %swap3A_62 = arith.constant 3 : i32
      %swap3A_63 = arith.index_cast %swap3A_62 : i32 to index
      %swap3A_64 = arith.index_cast %mul3A_61 : i32 to index
      %swap3A_65 = tpu.vector_load %arg7[%swap3A_63, %swap3A_64] {strides = array<i32>} : memref<4x10240xf32, #tpu.memory_space<vmem>>, vector<16xf32>,
      tpu.vector_store %arg7[%swap3A_63, %swap3A_64], %broadcast_in_dim3A_42 {strides = array<i32>} : memref<4x10240xf32, #tpu.memory_space<vmem>>, vector<16xf32>,
      %scan3A_66 = arith.constant 0 : i32
      scf.yield %scan3A_66 : i32
    }
    %scan3A_29 = arith.constant 640 : i32
    %dma_wait3A = arith.constant 0 : i32
    %dma_wait3A_30 = tpu.memref_slice %arg2[%mul3A_4, %dma_wait3A] : memref<64x10240xi32, #tpu.memory_space<hbm>> -> memref<2x10240xi32, #tpu.memory_space<hbm>>
    %dma_wait3A_31 = arith.constant 0 : i32
    %dma_wait3A_32 = tpu.memref_slice %arg2[%mul3A_4, %dma_wait3A_31] : memref<64x10240xi32, #tpu.memory_space<hbm>> -> memref<2x10240xi32, #tpu.memory_space<hbm>>
    tpu.wait_dma2 semaphore(%arg14 : memref<!tpu.dma_semaphore, #tpu.memory_space<semaphore_mem>>) src(%dma_wait3A_32 : memref<2x10240xi32, #tpu.memory_space<hbm>>) dst(%arg6 : memref<2x10240xi32, #tpu.memory_space<vmem>>)
    %scan3A_33 = arith.constant 0 : i32
    %scan3A_34 = arith.constant 0 : i32
    %scan3A_35 = arith.constant 20 : i32
    %scan3A_36 = arith.addi %scan3A_34, %scan3A_35 : i32
    %scan3A_37 = arith.constant 1 : i32
    %scan3A_38 = scf.for %scan3A_40 = %scan3A_34 to %scan3A_36 step %scan3A_37 iter_args(%scan3A_41 = %scan3A_33) -> (i32)  : i32 {
      %mul3A_42 = arith.constant 2 : i32
      %mul3A_43 = arith.muli %scan3A_40, %mul3A_42 : i32
      %add3A_44 = arith.constant 0 : i32
      %add3A_45 = arith.addi %mul3A_43, %add3A_44 : i32
      %dma_wait3A_46 = arith.constant 0 : i32
      %dma_wait3A_47 = tpu.memref_slice %arg3[%dma_wait3A_46] : memref<320000xi32, #tpu.memory_space<hbm>> -> memref<8000xi32, #tpu.memory_space<hbm>>
      %dma_wait3A_48 = arith.constant 0 : i32
      %dma_wait3A_49 = tpu.memref_slice %arg3[%dma_wait3A_48] : memref<320000xi32, #tpu.memory_space<hbm>> -> memref<8000xi32, #tpu.memory_space<hbm>>
      tpu.wait_dma2 semaphore(%arg12 : memref<!tpu.dma_semaphore, #tpu.memory_space<semaphore_mem>>) src(%dma_wait3A_49 : memref<8000xi32, #tpu.memory_space<hbm>>) dst(%arg8 : memref<8000xi32, #tpu.memory_space<vmem>>)
      %dma_wait3A_50 = arith.constant 0 : i32
      %dma_wait3A_51 = tpu.memref_slice %arg4[%dma_wait3A_50] : memref<320000xf32, #tpu.memory_space<hbm>> -> memref<8000xf32, #tpu.memory_space<hbm>>
      %dma_wait3A_52 = arith.constant 0 : i32
      %dma_wait3A_53 = tpu.memref_slice %arg4[%dma_wait3A_52] : memref<320000xf32, #tpu.memory_space<hbm>> -> memref<8000xf32, #tpu.memory_space<hbm>>
      tpu.wait_dma2 semaphore(%arg12 : memref<!tpu.dma_semaphore, #tpu.memory_space<semaphore_mem>>) src(%dma_wait3A_53 : memref<8000xf32, #tpu.memory_space<hbm>>) dst(%arg10 : memref<8000xf32, #tpu.memory_space<vmem>>)
      %parallel_loop3A = arith.constant 0 : i32
      %parallel_loop3A_54 = arith.constant 500 : i32
      %parallel_loop3A_55 = arith.constant 1 : i32
      scf.for %parallel_loop3A_83 = %parallel_loop3A to %parallel_loop3A_54 step %parallel_loop3A_55  : i32 {
        %parallel_loop3A_84 = arith.constant 16 : i32
        %parallel_loop3A_85 = arith.muli %parallel_loop3A_83, %parallel_loop3A_84 : i32
        %parallel_loop3A_86 = arith.index_cast %parallel_loop3A_85 : i32 to index
        %parallel_loop3A_87 = tpu.vector_load %arg8[%parallel_loop3A_86] {strides = array<i32>} : memref<8000xi32, #tpu.memory_space<vmem>>, vector<16xi32>,
        %parallel_loop3A_88 = arith.constant 65535 : i32
        %parallel_loop3A_89 = vector.broadcast %parallel_loop3A_88 : i32 to vector<16xi32>
        %parallel_loop3A_90 = arith.andi %parallel_loop3A_87, %parallel_loop3A_89 : vector<16xi32>
        %parallel_loop3A_91 = arith.constant 16 : i32
        %parallel_loop3A_92 = vector.broadcast %parallel_loop3A_91 : i32 to vector<16xi32>
        %parallel_loop3A_93 = arith.shrui %parallel_loop3A_87, %parallel_loop3A_92 : vector<16xi32>
        %parallel_loop3A_94 = arith.index_cast %parallel_loop3A_85 : i32 to index
        %parallel_loop3A_95 = tpu.vector_load %arg10[%parallel_loop3A_94] {strides = array<i32>} : memref<8000xf32, #tpu.memory_space<vmem>>, vector<16xf32>,
        %parallel_loop3A_96 = arith.constant 0 : i32
        %parallel_loop3A_97 = vector.broadcast %parallel_loop3A_96 : i32 to vector<16xi32>
        %parallel_loop3A_98 = tpu.vector_load_idx %arg6[%parallel_loop3A_97, %parallel_loop3A_90] : memref<2x10240xi32, #tpu.memory_space<vmem>>[vector<16xi32>, vector<16xi32>], vector<16xi32>,
        %parallel_loop3A_99 = vector.bitcast %parallel_loop3A_98 : vector<16xi32> to vector<32xbf16>
        %parallel_loop3A_100 = tpu.unpack_subelements %parallel_loop3A_99, 0 {pack_format = #tpu.pack_format<interleaved>} : vector<32xbf16> -> vector<16xf32>
        %parallel_loop3A_101 = tpu.unpack_subelements %parallel_loop3A_99, 1 {pack_format = #tpu.pack_format<interleaved>} : vector<32xbf16> -> vector<16xf32>
        %parallel_loop3A_102 = arith.constant 0 : i32
        %parallel_loop3A_103 = vector.broadcast %parallel_loop3A_102 : i32 to vector<16xi32>
        %parallel_loop3A_104 = arith.constant 1 : i32
        %parallel_loop3A_105 = vector.broadcast %parallel_loop3A_104 : i32 to vector<16xi32>
        %parallel_loop3A_106 = arith.mulf %parallel_loop3A_100, %parallel_loop3A_95 : vector<16xf32>
        tpu.vector_store_idx %arg7[%parallel_loop3A_103, %parallel_loop3A_93], %parallel_loop3A_106 {add = true} : memref<4x10240xf32, #tpu.memory_space<vmem>>[vector<16xi32>, vector<16xi32>], vector<16xf32>,
        %parallel_loop3A_107 = arith.mulf %parallel_loop3A_101, %parallel_loop3A_95 : vector<16xf32>
        tpu.vector_store_idx %arg7[%parallel_loop3A_105, %parallel_loop3A_93], %parallel_loop3A_107 {add = true} : memref<4x10240xf32, #tpu.memory_space<vmem>>[vector<16xi32>, vector<16xi32>], vector<16xf32>,
        %parallel_loop3A_108 = arith.constant 1 : i32
        %parallel_loop3A_109 = vector.broadcast %parallel_loop3A_108 : i32 to vector<16xi32>
        %parallel_loop3A_110 = tpu.vector_load_idx %arg6[%parallel_loop3A_109, %parallel_loop3A_90] : memref<2x10240xi32, #tpu.memory_space<vmem>>[vector<16xi32>, vector<16xi32>], vector<16xi32>,
        %parallel_loop3A_111 = vector.bitcast %parallel_loop3A_110 : vector<16xi32> to vector<32xbf16>
        %parallel_loop3A_112 = tpu.unpack_subelements %parallel_loop3A_111, 0 {pack_format = #tpu.pack_format<interleaved>} : vector<32xbf16> -> vector<16xf32>
        %parallel_loop3A_113 = tpu.unpack_subelements %parallel_loop3A_111, 1 {pack_format = #tpu.pack_format<interleaved>} : vector<32xbf16> -> vector<16xf32>
        %parallel_loop3A_114 = arith.constant 2 : i32
        %parallel_loop3A_115 = vector.broadcast %parallel_loop3A_114 : i32 to vector<16xi32>
        %parallel_loop3A_116 = arith.constant 3 : i32
        %parallel_loop3A_117 = vector.broadcast %parallel_loop3A_116 : i32 to vector<16xi32>
        %parallel_loop3A_118 = arith.mulf %parallel_loop3A_112, %parallel_loop3A_95 : vector<16xf32>
        tpu.vector_store_idx %arg7[%parallel_loop3A_115, %parallel_loop3A_93], %parallel_loop3A_118 {add = true} : memref<4x10240xf32, #tpu.memory_space<vmem>>[vector<16xi32>, vector<16xi32>], vector<16xf32>,
        %parallel_loop3A_119 = arith.mulf %parallel_loop3A_113, %parallel_loop3A_95 : vector<16xf32>
        tpu.vector_store_idx %arg7[%parallel_loop3A_117, %parallel_loop3A_93], %parallel_loop3A_119 {add = true} : memref<4x10240xf32, #tpu.memory_space<vmem>>[vector<16xi32>, vector<16xi32>], vector<16xf32>,
      } {sc.loop_unroll_factor = 4 : i64, sc.parallel_access}
      %add3A_56 = arith.constant 2 : i32
      %add3A_57 = arith.addi %add3A_45, %add3A_56 : i32
      %lt3A = arith.constant 40 : i32
      %lt3A_58 = arith.cmpi slt, %add3A_57, %lt3A : i32
      %convert_element_type3A = arith.extui %lt3A_58 : i1 to i32
      %cond3A = arith.constant 0 : i32
      %cond3A_59 = arith.cmpi ne, %convert_element_type3A, %cond3A : i32
      scf.if %cond3A_59 {
        %mul3A_83 = arith.constant 8000 : i32
        %mul3A_84 = arith.muli %add3A_57, %mul3A_83 : i32
        %dma_start3A_85 = tpu.memref_slice %arg3[%mul3A_84] : memref<320000xi32, #tpu.memory_space<hbm>> -> memref<8000xi32, #tpu.memory_space<hbm>>
        %dma_start3A_86 = tpu.memref_slice %arg3[%mul3A_84] : memref<320000xi32, #tpu.memory_space<hbm>> -> memref<8000xi32, #tpu.memory_space<hbm>>
        tpu.enqueue_dma source(%dma_start3A_86 : memref<8000xi32, #tpu.memory_space<hbm>>) target(%arg8 : memref<8000xi32, #tpu.memory_space<vmem>>) target_semaphore(%arg12 : memref<!tpu.dma_semaphore, #tpu.memory_space<semaphore_mem>>)
        %dma_start3A_87 = tpu.memref_slice %arg4[%mul3A_84] : memref<320000xf32, #tpu.memory_space<hbm>> -> memref<8000xf32, #tpu.memory_space<hbm>>
        %dma_start3A_88 = tpu.memref_slice %arg4[%mul3A_84] : memref<320000xf32, #tpu.memory_space<hbm>> -> memref<8000xf32, #tpu.memory_space<hbm>>
        tpu.enqueue_dma source(%dma_start3A_88 : memref<8000xf32, #tpu.memory_space<hbm>>) target(%arg10 : memref<8000xf32, #tpu.memory_space<vmem>>) target_semaphore(%arg12 : memref<!tpu.dma_semaphore, #tpu.memory_space<semaphore_mem>>)
      } else {
      }
      %mul3A_60 = arith.constant 2 : i32
      %mul3A_61 = arith.muli %scan3A_40, %mul3A_60 : i32
      %add3A_62 = arith.constant 1 : i32
      %add3A_63 = arith.addi %mul3A_61, %add3A_62 : i32
      %dma_wait3A_64 = arith.constant 0 : i32
      %dma_wait3A_65 = tpu.memref_slice %arg3[%dma_wait3A_64] : memref<320000xi32, #tpu.memory_space<hbm>> -> memref<8000xi32, #tpu.memory_space<hbm>>
      %dma_wait3A_66 = arith.constant 0 : i32
      %dma_wait3A_67 = tpu.memref_slice %arg3[%dma_wait3A_66] : memref<320000xi32, #tpu.memory_space<hbm>> -> memref<8000xi32, #tpu.memory_space<hbm>>
      tpu.wait_dma2 semaphore(%arg13 : memref<!tpu.dma_semaphore, #tpu.memory_space<semaphore_mem>>) src(%dma_wait3A_67 : memref<8000xi32, #tpu.memory_space<hbm>>) dst(%arg9 : memref<8000xi32, #tpu.memory_space<vmem>>)
      %dma_wait3A_68 = arith.constant 0 : i32
      %dma_wait3A_69 = tpu.memref_slice %arg4[%dma_wait3A_68] : memref<320000xf32, #tpu.memory_space<hbm>> -> memref<8000xf32, #tpu.memory_space<hbm>>
      %dma_wait3A_70 = arith.constant 0 : i32
      %dma_wait3A_71 = tpu.memref_slice %arg4[%dma_wait3A_70] : memref<320000xf32, #tpu.memory_space<hbm>> -> memref<8000xf32, #tpu.memory_space<hbm>>
      tpu.wait_dma2 semaphore(%arg13 : memref<!tpu.dma_semaphore, #tpu.memory_space<semaphore_mem>>) src(%dma_wait3A_71 : memref<8000xf32, #tpu.memory_space<hbm>>) dst(%arg11 : memref<8000xf32, #tpu.memory_space<vmem>>)
      %parallel_loop3A_72 = arith.constant 0 : i32
      %parallel_loop3A_73 = arith.constant 500 : i32
      %parallel_loop3A_74 = arith.constant 1 : i32
      scf.for %parallel_loop3A_83 = %parallel_loop3A_72 to %parallel_loop3A_73 step %parallel_loop3A_74  : i32 {
        %parallel_loop3A_84 = arith.constant 16 : i32
        %parallel_loop3A_85 = arith.muli %parallel_loop3A_83, %parallel_loop3A_84 : i32
        %parallel_loop3A_86 = arith.index_cast %parallel_loop3A_85 : i32 to index
        %parallel_loop3A_87 = tpu.vector_load %arg9[%parallel_loop3A_86] {strides = array<i32>} : memref<8000xi32, #tpu.memory_space<vmem>>, vector<16xi32>,
        %parallel_loop3A_88 = arith.constant 65535 : i32
        %parallel_loop3A_89 = vector.broadcast %parallel_loop3A_88 : i32 to vector<16xi32>
        %parallel_loop3A_90 = arith.andi %parallel_loop3A_87, %parallel_loop3A_89 : vector<16xi32>
        %parallel_loop3A_91 = arith.constant 16 : i32
        %parallel_loop3A_92 = vector.broadcast %parallel_loop3A_91 : i32 to vector<16xi32>
        %parallel_loop3A_93 = arith.shrui %parallel_loop3A_87, %parallel_loop3A_92 : vector<16xi32>
        %parallel_loop3A_94 = arith.index_cast %parallel_loop3A_85 : i32 to index
        %parallel_loop3A_95 = tpu.vector_load %arg11[%parallel_loop3A_94] {strides = array<i32>} : memref<8000xf32, #tpu.memory_space<vmem>>, vector<16xf32>,
        %parallel_loop3A_96 = arith.constant 0 : i32
        %parallel_loop3A_97 = vector.broadcast %parallel_loop3A_96 : i32 to vector<16xi32>
        %parallel_loop3A_98 = tpu.vector_load_idx %arg6[%parallel_loop3A_97, %parallel_loop3A_90] : memref<2x10240xi32, #tpu.memory_space<vmem>>[vector<16xi32>, vector<16xi32>], vector<16xi32>,
        %parallel_loop3A_99 = vector.bitcast %parallel_loop3A_98 : vector<16xi32> to vector<32xbf16>
        %parallel_loop3A_100 = tpu.unpack_subelements %parallel_loop3A_99, 0 {pack_format = #tpu.pack_format<interleaved>} : vector<32xbf16> -> vector<16xf32>
        %parallel_loop3A_101 = tpu.unpack_subelements %parallel_loop3A_99, 1 {pack_format = #tpu.pack_format<interleaved>} : vector<32xbf16> -> vector<16xf32>
        %parallel_loop3A_102 = arith.constant 0 : i32
        %parallel_loop3A_103 = vector.broadcast %parallel_loop3A_102 : i32 to vector<16xi32>
        %parallel_loop3A_104 = arith.constant 1 : i32
        %parallel_loop3A_105 = vector.broadcast %parallel_loop3A_104 : i32 to vector<16xi32>
        %parallel_loop3A_106 = arith.mulf %parallel_loop3A_100, %parallel_loop3A_95 : vector<16xf32>
        tpu.vector_store_idx %arg7[%parallel_loop3A_103, %parallel_loop3A_93], %parallel_loop3A_106 {add = true} : memref<4x10240xf32, #tpu.memory_space<vmem>>[vector<16xi32>, vector<16xi32>], vector<16xf32>,
        %parallel_loop3A_107 = arith.mulf %parallel_loop3A_101, %parallel_loop3A_95 : vector<16xf32>
        tpu.vector_store_idx %arg7[%parallel_loop3A_105, %parallel_loop3A_93], %parallel_loop3A_107 {add = true} : memref<4x10240xf32, #tpu.memory_space<vmem>>[vector<16xi32>, vector<16xi32>], vector<16xf32>,
        %parallel_loop3A_108 = arith.constant 1 : i32
        %parallel_loop3A_109 = vector.broadcast %parallel_loop3A_108 : i32 to vector<16xi32>
        %parallel_loop3A_110 = tpu.vector_load_idx %arg6[%parallel_loop3A_109, %parallel_loop3A_90] : memref<2x10240xi32, #tpu.memory_space<vmem>>[vector<16xi32>, vector<16xi32>], vector<16xi32>,
        %parallel_loop3A_111 = vector.bitcast %parallel_loop3A_110 : vector<16xi32> to vector<32xbf16>
        %parallel_loop3A_112 = tpu.unpack_subelements %parallel_loop3A_111, 0 {pack_format = #tpu.pack_format<interleaved>} : vector<32xbf16> -> vector<16xf32>
        %parallel_loop3A_113 = tpu.unpack_subelements %parallel_loop3A_111, 1 {pack_format = #tpu.pack_format<interleaved>} : vector<32xbf16> -> vector<16xf32>
        %parallel_loop3A_114 = arith.constant 2 : i32
        %parallel_loop3A_115 = vector.broadcast %parallel_loop3A_114 : i32 to vector<16xi32>
        %parallel_loop3A_116 = arith.constant 3 : i32
        %parallel_loop3A_117 = vector.broadcast %parallel_loop3A_116 : i32 to vector<16xi32>
        %parallel_loop3A_118 = arith.mulf %parallel_loop3A_112, %parallel_loop3A_95 : vector<16xf32>
        tpu.vector_store_idx %arg7[%parallel_loop3A_115, %parallel_loop3A_93], %parallel_loop3A_118 {add = true} : memref<4x10240xf32, #tpu.memory_space<vmem>>[vector<16xi32>, vector<16xi32>], vector<16xf32>,
        %parallel_loop3A_119 = arith.mulf %parallel_loop3A_113, %parallel_loop3A_95 : vector<16xf32>
        tpu.vector_store_idx %arg7[%parallel_loop3A_117, %parallel_loop3A_93], %parallel_loop3A_119 {add = true} : memref<4x10240xf32, #tpu.memory_space<vmem>>[vector<16xi32>, vector<16xi32>], vector<16xf32>,
      } {sc.loop_unroll_factor = 4 : i64, sc.parallel_access}
      %add3A_75 = arith.constant 2 : i32
      %add3A_76 = arith.addi %add3A_63, %add3A_75 : i32
      %lt3A_77 = arith.constant 40 : i32
      %lt3A_78 = arith.cmpi slt, %add3A_76, %lt3A_77 : i32
      %convert_element_type3A_79 = arith.extui %lt3A_78 : i1 to i32
      %cond3A_80 = arith.constant 0 : i32
      %cond3A_81 = arith.cmpi ne, %convert_element_type3A_79, %cond3A_80 : i32
      scf.if %cond3A_81 {
        %mul3A_83 = arith.constant 8000 : i32
        %mul3A_84 = arith.muli %add3A_76, %mul3A_83 : i32
        %dma_start3A_85 = tpu.memref_slice %arg3[%mul3A_84] : memref<320000xi32, #tpu.memory_space<hbm>> -> memref<8000xi32, #tpu.memory_space<hbm>>
        %dma_start3A_86 = tpu.memref_slice %arg3[%mul3A_84] : memref<320000xi32, #tpu.memory_space<hbm>> -> memref<8000xi32, #tpu.memory_space<hbm>>
        tpu.enqueue_dma source(%dma_start3A_86 : memref<8000xi32, #tpu.memory_space<hbm>>) target(%arg9 : memref<8000xi32, #tpu.memory_space<vmem>>) target_semaphore(%arg13 : memref<!tpu.dma_semaphore, #tpu.memory_space<semaphore_mem>>)
        %dma_start3A_87 = tpu.memref_slice %arg4[%mul3A_84] : memref<320000xf32, #tpu.memory_space<hbm>> -> memref<8000xf32, #tpu.memory_space<hbm>>
        %dma_start3A_88 = tpu.memref_slice %arg4[%mul3A_84] : memref<320000xf32, #tpu.memory_space<hbm>> -> memref<8000xf32, #tpu.memory_space<hbm>>
        tpu.enqueue_dma source(%dma_start3A_88 : memref<8000xf32, #tpu.memory_space<hbm>>) target(%arg11 : memref<8000xf32, #tpu.memory_space<vmem>>) target_semaphore(%arg13 : memref<!tpu.dma_semaphore, #tpu.memory_space<semaphore_mem>>)
      } else {
      }
      %scan3A_82 = arith.constant 0 : i32
      scf.yield %scan3A_82 : i32
    }
    %scan3A_39 = arith.constant 20 : i32
    "tpu.region"() ({
      %run_scoped3A = tpu.sem_alloc : memref<!tpu.dma_semaphore, #tpu.memory_space<semaphore_mem>>
      %dma_start3A_40 = arith.constant 0 : i32
      %dma_start3A_41 = tpu.memref_slice %arg5[%mul3A_2, %dma_start3A_40] : memref<128x10240xf32, #tpu.memory_space<hbm>> -> memref<4x10240xf32, #tpu.memory_space<hbm>>
      %dma_start3A_42 = arith.constant 0 : i32
      %dma_start3A_43 = tpu.memref_slice %arg5[%mul3A_2, %dma_start3A_42] : memref<128x10240xf32, #tpu.memory_space<hbm>> -> memref<4x10240xf32, #tpu.memory_space<hbm>>
      tpu.enqueue_dma source(%arg7 : memref<4x10240xf32, #tpu.memory_space<vmem>>) target(%dma_start3A_43 : memref<4x10240xf32, #tpu.memory_space<hbm>>) target_semaphore(%run_scoped3A : memref<!tpu.dma_semaphore, #tpu.memory_space<semaphore_mem>>)
      %dma_wait3A_44 = arith.constant 0 : i32
      %dma_wait3A_45 = tpu.memref_slice %arg5[%mul3A_2, %dma_wait3A_44] : memref<128x10240xf32, #tpu.memory_space<hbm>> -> memref<4x10240xf32, #tpu.memory_space<hbm>>
      %dma_wait3A_46 = arith.constant 0 : i32
      %dma_wait3A_47 = tpu.memref_slice %arg5[%mul3A_2, %dma_wait3A_46] : memref<128x10240xf32, #tpu.memory_space<hbm>> -> memref<4x10240xf32, #tpu.memory_space<hbm>>
      tpu.wait_dma2 semaphore(%run_scoped3A : memref<!tpu.dma_semaphore, #tpu.memory_space<semaphore_mem>>) src(%arg7 : memref<4x10240xf32, #tpu.memory_space<vmem>>) dst(%dma_wait3A_47 : memref<4x10240xf32, #tpu.memory_space<hbm>>)
      tpu.yield
    }) : () -> ()
    return
  }
}

#map = affine_map<(d0, d1) -> (0)>
#map1 = affine_map<(d0, d1) -> (0, 0)>
module attributes {stable_mosaic.version = 14 : i64} {
  func.func @_k_normw(%arg0: i32, %arg1: i32, %arg2: memref<320000xi32, #tpu.memory_space<hbm>>, %arg3: memref<320000xi32, #tpu.memory_space<hbm>>, %arg4: memref<320000xf32, #tpu.memory_space<hbm>>, %arg5: memref<2x10240xf32, #tpu.memory_space<hbm>>, %arg6: memref<320000xf32, #tpu.memory_space<hbm>>, %arg7: memref<320000xi32, #tpu.memory_space<hbm>>, %arg8: memref<10240xf32, #tpu.memory_space<vmem>>, %arg9: memref<10240xf32, #tpu.memory_space<vmem>>, %arg10: memref<2000xi32, #tpu.memory_space<vmem>>, %arg11: memref<2000xi32, #tpu.memory_space<vmem>>, %arg12: memref<2000xf32, #tpu.memory_space<vmem>>, %arg13: memref<2000xf32, #tpu.memory_space<vmem>>, %arg14: memref<2000xi32, #tpu.memory_space<vmem>>) attributes {dimension_semantics = [#tpu.dimension_semantics<core_parallel>, #tpu.dimension_semantics<subcore_parallel>], iteration_bounds = array<i64: 2, 16>, scalar_prefetch = 0 : i64, scratch_operands = 7 : i64, tpu.core_type = #tpu.core_type<sc_vector_subcore>, window_params = [{transform_indices = #map}, {transform_indices = #map}, {transform_indices = #map}, {transform_indices = #map1}, {transform_indices = #map}, {transform_indices = #map}]} {
    %mul3A = arith.constant 2 : i32
    %mul3A_0 = arith.muli %arg1, %mul3A : i32
    %add3A = arith.addi %mul3A_0, %arg0 : i32
    %run_scoped3A = arith.constant 0 : i32
    "tpu.region"() ({
      %run_scoped3A_10 = tpu.sem_alloc : memref<!tpu.dma_semaphore, #tpu.memory_space<semaphore_mem>>
      %dma_start3A = arith.constant 0 : i32
      %dma_start3A_11 = tpu.memref_slice %arg5[%run_scoped3A, %dma_start3A] : memref<2x10240xf32, #tpu.memory_space<hbm>> -> memref<1x10240xf32, #tpu.memory_space<hbm>>
      %dma_start3A_12 = tpu.memref_squeeze %dma_start3A_11 : memref<1x10240xf32, #tpu.memory_space<hbm>> -> memref<10240xf32, #tpu.memory_space<hbm>>
      %dma_start3A_13 = arith.constant 0 : i32
      %dma_start3A_14 = tpu.memref_slice %arg5[%run_scoped3A, %dma_start3A_13] : memref<2x10240xf32, #tpu.memory_space<hbm>> -> memref<1x10240xf32, #tpu.memory_space<hbm>>
      %dma_start3A_15 = tpu.memref_squeeze %dma_start3A_14 : memref<1x10240xf32, #tpu.memory_space<hbm>> -> memref<10240xf32, #tpu.memory_space<hbm>>
      tpu.enqueue_dma source(%dma_start3A_15 : memref<10240xf32, #tpu.memory_space<hbm>>) target(%arg8 : memref<10240xf32, #tpu.memory_space<vmem>>) target_semaphore(%run_scoped3A_10 : memref<!tpu.dma_semaphore, #tpu.memory_space<semaphore_mem>>)
      %dma_wait3A = arith.constant 0 : i32
      %dma_wait3A_16 = tpu.memref_slice %arg5[%run_scoped3A, %dma_wait3A] : memref<2x10240xf32, #tpu.memory_space<hbm>> -> memref<1x10240xf32, #tpu.memory_space<hbm>>
      %dma_wait3A_17 = tpu.memref_squeeze %dma_wait3A_16 : memref<1x10240xf32, #tpu.memory_space<hbm>> -> memref<10240xf32, #tpu.memory_space<hbm>>
      %dma_wait3A_18 = arith.constant 0 : i32
      %dma_wait3A_19 = tpu.memref_slice %arg5[%run_scoped3A, %dma_wait3A_18] : memref<2x10240xf32, #tpu.memory_space<hbm>> -> memref<1x10240xf32, #tpu.memory_space<hbm>>
      %dma_wait3A_20 = tpu.memref_squeeze %dma_wait3A_19 : memref<1x10240xf32, #tpu.memory_space<hbm>> -> memref<10240xf32, #tpu.memory_space<hbm>>
      tpu.wait_dma2 semaphore(%run_scoped3A_10 : memref<!tpu.dma_semaphore, #tpu.memory_space<semaphore_mem>>) src(%dma_wait3A_20 : memref<10240xf32, #tpu.memory_space<hbm>>) dst(%arg8 : memref<10240xf32, #tpu.memory_space<vmem>>)
      tpu.yield
    }) : () -> ()
    %run_scoped3A_1 = arith.constant 1 : i32
    "tpu.region"() ({
      %run_scoped3A_10 = tpu.sem_alloc : memref<!tpu.dma_semaphore, #tpu.memory_space<semaphore_mem>>
      %dma_start3A = arith.constant 0 : i32
      %dma_start3A_11 = tpu.memref_slice %arg5[%run_scoped3A_1, %dma_start3A] : memref<2x10240xf32, #tpu.memory_space<hbm>> -> memref<1x10240xf32, #tpu.memory_space<hbm>>
      %dma_start3A_12 = tpu.memref_squeeze %dma_start3A_11 : memref<1x10240xf32, #tpu.memory_space<hbm>> -> memref<10240xf32, #tpu.memory_space<hbm>>
      %dma_start3A_13 = arith.constant 0 : i32
      %dma_start3A_14 = tpu.memref_slice %arg5[%run_scoped3A_1, %dma_start3A_13] : memref<2x10240xf32, #tpu.memory_space<hbm>> -> memref<1x10240xf32, #tpu.memory_space<hbm>>
      %dma_start3A_15 = tpu.memref_squeeze %dma_start3A_14 : memref<1x10240xf32, #tpu.memory_space<hbm>> -> memref<10240xf32, #tpu.memory_space<hbm>>
      tpu.enqueue_dma source(%dma_start3A_15 : memref<10240xf32, #tpu.memory_space<hbm>>) target(%arg9 : memref<10240xf32, #tpu.memory_space<vmem>>) target_semaphore(%run_scoped3A_10 : memref<!tpu.dma_semaphore, #tpu.memory_space<semaphore_mem>>)
      %dma_wait3A = arith.constant 0 : i32
      %dma_wait3A_16 = tpu.memref_slice %arg5[%run_scoped3A_1, %dma_wait3A] : memref<2x10240xf32, #tpu.memory_space<hbm>> -> memref<1x10240xf32, #tpu.memory_space<hbm>>
      %dma_wait3A_17 = tpu.memref_squeeze %dma_wait3A_16 : memref<1x10240xf32, #tpu.memory_space<hbm>> -> memref<10240xf32, #tpu.memory_space<hbm>>
      %dma_wait3A_18 = arith.constant 0 : i32
      %dma_wait3A_19 = tpu.memref_slice %arg5[%run_scoped3A_1, %dma_wait3A_18] : memref<2x10240xf32, #tpu.memory_space<hbm>> -> memref<1x10240xf32, #tpu.memory_space<hbm>>
      %dma_wait3A_20 = tpu.memref_squeeze %dma_wait3A_19 : memref<1x10240xf32, #tpu.memory_space<hbm>> -> memref<10240xf32, #tpu.memory_space<hbm>>
      tpu.wait_dma2 semaphore(%run_scoped3A_10 : memref<!tpu.dma_semaphore, #tpu.memory_space<semaphore_mem>>) src(%dma_wait3A_20 : memref<10240xf32, #tpu.memory_space<hbm>>) dst(%arg9 : memref<10240xf32, #tpu.memory_space<vmem>>)
      tpu.yield
    }) : () -> ()
    %mul3A_2 = arith.constant 10000 : i32
    %mul3A_3 = arith.muli %add3A, %mul3A_2 : i32
    %scan3A = arith.constant 0 : i32
    %scan3A_4 = arith.constant 0 : i32
    %scan3A_5 = arith.constant 5 : i32
    %scan3A_6 = arith.addi %scan3A_4, %scan3A_5 : i32
    %scan3A_7 = arith.constant 1 : i32
    %scan3A_8 = scf.for %scan3A_10 = %scan3A_4 to %scan3A_6 step %scan3A_7 iter_args(%scan3A_11 = %scan3A) -> (i32)  : i32 {
      %mul3A_12 = arith.constant 2000 : i32
      %mul3A_13 = arith.muli %scan3A_10, %mul3A_12 : i32
      %add3A_14 = arith.addi %mul3A_3, %mul3A_13 : i32
      "tpu.region"() ({
        %run_scoped3A_23 = tpu.sem_alloc : memref<!tpu.dma_semaphore, #tpu.memory_space<semaphore_mem>>
        %dma_start3A = tpu.memref_slice %arg2[%add3A_14] : memref<320000xi32, #tpu.memory_space<hbm>> -> memref<2000xi32, #tpu.memory_space<hbm>>
        %dma_start3A_24 = tpu.memref_slice %arg2[%add3A_14] : memref<320000xi32, #tpu.memory_space<hbm>> -> memref<2000xi32, #tpu.memory_space<hbm>>
        tpu.enqueue_dma source(%dma_start3A_24 : memref<2000xi32, #tpu.memory_space<hbm>>) target(%arg10 : memref<2000xi32, #tpu.memory_space<vmem>>) target_semaphore(%run_scoped3A_23 : memref<!tpu.dma_semaphore, #tpu.memory_space<semaphore_mem>>)
        %dma_wait3A = tpu.memref_slice %arg2[%add3A_14] : memref<320000xi32, #tpu.memory_space<hbm>> -> memref<2000xi32, #tpu.memory_space<hbm>>
        %dma_wait3A_25 = tpu.memref_slice %arg2[%add3A_14] : memref<320000xi32, #tpu.memory_space<hbm>> -> memref<2000xi32, #tpu.memory_space<hbm>>
        tpu.wait_dma2 semaphore(%run_scoped3A_23 : memref<!tpu.dma_semaphore, #tpu.memory_space<semaphore_mem>>) src(%dma_wait3A_25 : memref<2000xi32, #tpu.memory_space<hbm>>) dst(%arg10 : memref<2000xi32, #tpu.memory_space<vmem>>)
        tpu.yield
      }) : () -> ()
      "tpu.region"() ({
        %run_scoped3A_23 = tpu.sem_alloc : memref<!tpu.dma_semaphore, #tpu.memory_space<semaphore_mem>>
        %dma_start3A = tpu.memref_slice %arg3[%add3A_14] : memref<320000xi32, #tpu.memory_space<hbm>> -> memref<2000xi32, #tpu.memory_space<hbm>>
        %dma_start3A_24 = tpu.memref_slice %arg3[%add3A_14] : memref<320000xi32, #tpu.memory_space<hbm>> -> memref<2000xi32, #tpu.memory_space<hbm>>
        tpu.enqueue_dma source(%dma_start3A_24 : memref<2000xi32, #tpu.memory_space<hbm>>) target(%arg11 : memref<2000xi32, #tpu.memory_space<vmem>>) target_semaphore(%run_scoped3A_23 : memref<!tpu.dma_semaphore, #tpu.memory_space<semaphore_mem>>)
        %dma_wait3A = tpu.memref_slice %arg3[%add3A_14] : memref<320000xi32, #tpu.memory_space<hbm>> -> memref<2000xi32, #tpu.memory_space<hbm>>
        %dma_wait3A_25 = tpu.memref_slice %arg3[%add3A_14] : memref<320000xi32, #tpu.memory_space<hbm>> -> memref<2000xi32, #tpu.memory_space<hbm>>
        tpu.wait_dma2 semaphore(%run_scoped3A_23 : memref<!tpu.dma_semaphore, #tpu.memory_space<semaphore_mem>>) src(%dma_wait3A_25 : memref<2000xi32, #tpu.memory_space<hbm>>) dst(%arg11 : memref<2000xi32, #tpu.memory_space<vmem>>)
        tpu.yield
      }) : () -> ()
      "tpu.region"() ({
        %run_scoped3A_23 = tpu.sem_alloc : memref<!tpu.dma_semaphore, #tpu.memory_space<semaphore_mem>>
        %dma_start3A = tpu.memref_slice %arg4[%add3A_14] : memref<320000xf32, #tpu.memory_space<hbm>> -> memref<2000xf32, #tpu.memory_space<hbm>>
        %dma_start3A_24 = tpu.memref_slice %arg4[%add3A_14] : memref<320000xf32, #tpu.memory_space<hbm>> -> memref<2000xf32, #tpu.memory_space<hbm>>
        tpu.enqueue_dma source(%dma_start3A_24 : memref<2000xf32, #tpu.memory_space<hbm>>) target(%arg12 : memref<2000xf32, #tpu.memory_space<vmem>>) target_semaphore(%run_scoped3A_23 : memref<!tpu.dma_semaphore, #tpu.memory_space<semaphore_mem>>)
        %dma_wait3A = tpu.memref_slice %arg4[%add3A_14] : memref<320000xf32, #tpu.memory_space<hbm>> -> memref<2000xf32, #tpu.memory_space<hbm>>
        %dma_wait3A_25 = tpu.memref_slice %arg4[%add3A_14] : memref<320000xf32, #tpu.memory_space<hbm>> -> memref<2000xf32, #tpu.memory_space<hbm>>
        tpu.wait_dma2 semaphore(%run_scoped3A_23 : memref<!tpu.dma_semaphore, #tpu.memory_space<semaphore_mem>>) src(%dma_wait3A_25 : memref<2000xf32, #tpu.memory_space<hbm>>) dst(%arg12 : memref<2000xf32, #tpu.memory_space<vmem>>)
        tpu.yield
      }) : () -> ()
      %scan3A_15 = arith.constant 0 : i32
      %scan3A_16 = arith.constant 0 : i32
      %scan3A_17 = arith.constant 125 : i32
      %scan3A_18 = arith.addi %scan3A_16, %scan3A_17 : i32
      %scan3A_19 = arith.constant 1 : i32
      %scan3A_20 = scf.for %scan3A_23 = %scan3A_16 to %scan3A_18 step %scan3A_19 iter_args(%scan3A_24 = %scan3A_15) -> (i32)  : i32 {
        %mul3A_25 = arith.constant 16 : i32
        %mul3A_26 = arith.muli %scan3A_23, %mul3A_25 : i32
        %get3A = arith.index_cast %mul3A_26 : i32 to index
        %get3A_27 = tpu.vector_load %arg10[%get3A] {strides = array<i32>} : memref<2000xi32, #tpu.memory_space<vmem>>, vector<16xi32>,
        %get3A_28 = arith.index_cast %mul3A_26 : i32 to index
        %get3A_29 = tpu.vector_load %arg11[%get3A_28] {strides = array<i32>} : memref<2000xi32, #tpu.memory_space<vmem>>, vector<16xi32>,
        %get3A_30 = arith.index_cast %mul3A_26 : i32 to index
        %get3A_31 = tpu.vector_load %arg12[%get3A_30] {strides = array<i32>} : memref<2000xf32, #tpu.memory_space<vmem>>, vector<16xf32>,
        %gather3A = tpu.vector_load_idx %arg8[%get3A_27] : memref<10240xf32, #tpu.memory_space<vmem>>[vector<16xi32>], vector<16xf32>,
        %mul3A_32 = arith.mulf %get3A_31, %gather3A : vector<16xf32>
        %gather3A_33 = tpu.vector_load_idx %arg9[%get3A_29] : memref<10240xf32, #tpu.memory_space<vmem>>[vector<16xi32>], vector<16xf32>,
        %mul3A_34 = arith.mulf %mul3A_32, %gather3A_33 : vector<16xf32>
        %swap3A = arith.index_cast %mul3A_26 : i32 to index
        %swap3A_35 = tpu.vector_load %arg13[%swap3A] {strides = array<i32>} : memref<2000xf32, #tpu.memory_space<vmem>>, vector<16xf32>,
        tpu.vector_store %arg13[%swap3A], %mul3A_34 {strides = array<i32>} : memref<2000xf32, #tpu.memory_space<vmem>>, vector<16xf32>,
        %shift_left3A = arith.constant 16 : i32
        %shift_left3A_36 = vector.broadcast %shift_left3A : i32 to vector<16xi32>
        %shift_left3A_37 = arith.shli %get3A_29, %shift_left3A_36 : vector<16xi32>
        %or3A = arith.ori %get3A_27, %shift_left3A_37 : vector<16xi32>
        %swap3A_38 = arith.index_cast %mul3A_26 : i32 to index
        %swap3A_39 = tpu.vector_load %arg14[%swap3A_38] {strides = array<i32>} : memref<2000xi32, #tpu.memory_space<vmem>>, vector<16xi32>,
        tpu.vector_store %arg14[%swap3A_38], %or3A {strides = array<i32>} : memref<2000xi32, #tpu.memory_space<vmem>>, vector<16xi32>,
        %scan3A_40 = arith.constant 0 : i32
        scf.yield %scan3A_40 : i32
      }
      %scan3A_21 = arith.constant 125 : i32
      "tpu.region"() ({
        %run_scoped3A_23 = tpu.sem_alloc : memref<!tpu.dma_semaphore, #tpu.memory_space<semaphore_mem>>
        %dma_start3A = tpu.memref_slice %arg6[%add3A_14] : memref<320000xf32, #tpu.memory_space<hbm>> -> memref<2000xf32, #tpu.memory_space<hbm>>
        %dma_start3A_24 = tpu.memref_slice %arg6[%add3A_14] : memref<320000xf32, #tpu.memory_space<hbm>> -> memref<2000xf32, #tpu.memory_space<hbm>>
        tpu.enqueue_dma source(%arg13 : memref<2000xf32, #tpu.memory_space<vmem>>) target(%dma_start3A_24 : memref<2000xf32, #tpu.memory_space<hbm>>) target_semaphore(%run_scoped3A_23 : memref<!tpu.dma_semaphore, #tpu.memory_space<semaphore_mem>>)
        %dma_wait3A = tpu.memref_slice %arg6[%add3A_14] : memref<320000xf32, #tpu.memory_space<hbm>> -> memref<2000xf32, #tpu.memory_space<hbm>>
        %dma_wait3A_25 = tpu.memref_slice %arg6[%add3A_14] : memref<320000xf32, #tpu.memory_space<hbm>> -> memref<2000xf32, #tpu.memory_space<hbm>>
        tpu.wait_dma2 semaphore(%run_scoped3A_23 : memref<!tpu.dma_semaphore, #tpu.memory_space<semaphore_mem>>) src(%arg13 : memref<2000xf32, #tpu.memory_space<vmem>>) dst(%dma_wait3A_25 : memref<2000xf32, #tpu.memory_space<hbm>>)
        tpu.yield
      }) : () -> ()
      "tpu.region"() ({
        %run_scoped3A_23 = tpu.sem_alloc : memref<!tpu.dma_semaphore, #tpu.memory_space<semaphore_mem>>
        %dma_start3A = tpu.memref_slice %arg7[%add3A_14] : memref<320000xi32, #tpu.memory_space<hbm>> -> memref<2000xi32, #tpu.memory_space<hbm>>
        %dma_start3A_24 = tpu.memref_slice %arg7[%add3A_14] : memref<320000xi32, #tpu.memory_space<hbm>> -> memref<2000xi32, #tpu.memory_space<hbm>>
        tpu.enqueue_dma source(%arg14 : memref<2000xi32, #tpu.memory_space<vmem>>) target(%dma_start3A_24 : memref<2000xi32, #tpu.memory_space<hbm>>) target_semaphore(%run_scoped3A_23 : memref<!tpu.dma_semaphore, #tpu.memory_space<semaphore_mem>>)
        %dma_wait3A = tpu.memref_slice %arg7[%add3A_14] : memref<320000xi32, #tpu.memory_space<hbm>> -> memref<2000xi32, #tpu.memory_space<hbm>>
        %dma_wait3A_25 = tpu.memref_slice %arg7[%add3A_14] : memref<320000xi32, #tpu.memory_space<hbm>> -> memref<2000xi32, #tpu.memory_space<hbm>>
        tpu.wait_dma2 semaphore(%run_scoped3A_23 : memref<!tpu.dma_semaphore, #tpu.memory_space<semaphore_mem>>) src(%arg14 : memref<2000xi32, #tpu.memory_space<vmem>>) dst(%dma_wait3A_25 : memref<2000xi32, #tpu.memory_space<hbm>>)
        tpu.yield
      }) : () -> ()
      %scan3A_22 = arith.constant 0 : i32
      scf.yield %scan3A_22 : i32
    }
    %scan3A_9 = arith.constant 5 : i32
    return
  }
}

#map = affine_map<(d0, d1) -> (0, 0)>
#map1 = affine_map<(d0, d1) -> (0)>
module attributes {stable_mosaic.version = 14 : i64} {
  func.func @_k_spmm(%arg0: i32, %arg1: i32, %arg2: memref<64x10240xi32, #tpu.memory_space<hbm>>, %arg3: memref<320000xi32, #tpu.memory_space<hbm>>, %arg4: memref<320000xf32, #tpu.memory_space<hbm>>, %arg5: memref<128x10240xf32, #tpu.memory_space<hbm>>, %arg6: memref<2x10240xi32, #tpu.memory_space<vmem>>, %arg7: memref<4x10240xf32, #tpu.memory_space<vmem>>, %arg8: memref<8000xi32, #tpu.memory_space<vmem>>, %arg9: memref<8000xi32, #tpu.memory_space<vmem>>, %arg10: memref<8000xf32, #tpu.memory_space<vmem>>, %arg11: memref<8000xf32, #tpu.memory_space<vmem>>, %arg12: memref<!tpu.dma_semaphore, #tpu.memory_space<semaphore_mem>>, %arg13: memref<!tpu.dma_semaphore, #tpu.memory_space<semaphore_mem>>, %arg14: memref<!tpu.dma_semaphore, #tpu.memory_space<semaphore_mem>>) attributes {dimension_semantics = [#tpu.dimension_semantics<core_parallel>, #tpu.dimension_semantics<subcore_parallel>], iteration_bounds = array<i64: 2, 16>, scalar_prefetch = 0 : i64, scratch_operands = 9 : i64, tpu.core_type = #tpu.core_type<sc_vector_subcore>, window_params = [{transform_indices = #map}, {transform_indices = #map1}, {transform_indices = #map1}, {transform_indices = #map}]} {
    %mul3A = arith.constant 2 : i32
    %mul3A_0 = arith.muli %arg1, %mul3A : i32
    %add3A = arith.addi %mul3A_0, %arg0 : i32
    %mul3A_1 = arith.constant 4 : i32
    %mul3A_2 = arith.muli %add3A, %mul3A_1 : i32
    %mul3A_3 = arith.constant 2 : i32
    %mul3A_4 = arith.muli %add3A, %mul3A_3 : i32
    %dma_start3A = arith.constant 0 : i32
    %dma_start3A_5 = tpu.memref_slice %arg2[%mul3A_4, %dma_start3A] : memref<64x10240xi32, #tpu.memory_space<hbm>> -> memref<2x10240xi32, #tpu.memory_space<hbm>>
    %dma_start3A_6 = arith.constant 0 : i32
    %dma_start3A_7 = tpu.memref_slice %arg2[%mul3A_4, %dma_start3A_6] : memref<64x10240xi32, #tpu.memory_space<hbm>> -> memref<2x10240xi32, #tpu.memory_space<hbm>>
    tpu.enqueue_dma source(%dma_start3A_7 : memref<2x10240xi32, #tpu.memory_space<hbm>>) target(%arg6 : memref<2x10240xi32, #tpu.memory_space<vmem>>) target_semaphore(%arg14 : memref<!tpu.dma_semaphore, #tpu.memory_space<semaphore_mem>>)
    %dma_start3A_8 = arith.constant 0 : i32
    %dma_start3A_9 = tpu.memref_slice %arg3[%dma_start3A_8] : memref<320000xi32, #tpu.memory_space<hbm>> -> memref<8000xi32, #tpu.memory_space<hbm>>
    %dma_start3A_10 = arith.constant 0 : i32
    %dma_start3A_11 = tpu.memref_slice %arg3[%dma_start3A_10] : memref<320000xi32, #tpu.memory_space<hbm>> -> memref<8000xi32, #tpu.memory_space<hbm>>
    tpu.enqueue_dma source(%dma_start3A_11 : memref<8000xi32, #tpu.memory_space<hbm>>) target(%arg8 : memref<8000xi32, #tpu.memory_space<vmem>>) target_semaphore(%arg12 : memref<!tpu.dma_semaphore, #tpu.memory_space<semaphore_mem>>)
    %dma_start3A_12 = arith.constant 0 : i32
    %dma_start3A_13 = tpu.memref_slice %arg4[%dma_start3A_12] : memref<320000xf32, #tpu.memory_space<hbm>> -> memref<8000xf32, #tpu.memory_space<hbm>>
    %dma_start3A_14 = arith.constant 0 : i32
    %dma_start3A_15 = tpu.memref_slice %arg4[%dma_start3A_14] : memref<320000xf32, #tpu.memory_space<hbm>> -> memref<8000xf32, #tpu.memory_space<hbm>>
    tpu.enqueue_dma source(%dma_start3A_15 : memref<8000xf32, #tpu.memory_space<hbm>>) target(%arg10 : memref<8000xf32, #tpu.memory_space<vmem>>) target_semaphore(%arg12 : memref<!tpu.dma_semaphore, #tpu.memory_space<semaphore_mem>>)
    %dma_start3A_16 = arith.constant 8000 : i32
    %dma_start3A_17 = tpu.memref_slice %arg3[%dma_start3A_16] : memref<320000xi32, #tpu.memory_space<hbm>> -> memref<8000xi32, #tpu.memory_space<hbm>>
    %dma_start3A_18 = arith.constant 8000 : i32
    %dma_start3A_19 = tpu.memref_slice %arg3[%dma_start3A_18] : memref<320000xi32, #tpu.memory_space<hbm>> -> memref<8000xi32, #tpu.memory_space<hbm>>
    tpu.enqueue_dma source(%dma_start3A_19 : memref<8000xi32, #tpu.memory_space<hbm>>) target(%arg9 : memref<8000xi32, #tpu.memory_space<vmem>>) target_semaphore(%arg13 : memref<!tpu.dma_semaphore, #tpu.memory_space<semaphore_mem>>)
    %dma_start3A_20 = arith.constant 8000 : i32
    %dma_start3A_21 = tpu.memref_slice %arg4[%dma_start3A_20] : memref<320000xf32, #tpu.memory_space<hbm>> -> memref<8000xf32, #tpu.memory_space<hbm>>
    %dma_start3A_22 = arith.constant 8000 : i32
    %dma_start3A_23 = tpu.memref_slice %arg4[%dma_start3A_22] : memref<320000xf32, #tpu.memory_space<hbm>> -> memref<8000xf32, #tpu.memory_space<hbm>>
    tpu.enqueue_dma source(%dma_start3A_23 : memref<8000xf32, #tpu.memory_space<hbm>>) target(%arg11 : memref<8000xf32, #tpu.memory_space<vmem>>) target_semaphore(%arg13 : memref<!tpu.dma_semaphore, #tpu.memory_space<semaphore_mem>>)
    %scan3A = arith.constant 0 : i32
    %scan3A_24 = arith.constant 0 : i32
    %scan3A_25 = arith.constant 640 : i32
    %scan3A_26 = arith.addi %scan3A_24, %scan3A_25 : i32
    %scan3A_27 = arith.constant 1 : i32
    %scan3A_28 = scf.for %scan3A_40 = %scan3A_24 to %scan3A_26 step %scan3A_27 iter_args(%scan3A_41 = %scan3A) -> (i32)  : i32 {
      %broadcast_in_dim3A = arith.constant 0.000000e+00 : f32
      %broadcast_in_dim3A_42 = vector.broadcast %broadcast_in_dim3A : f32 to vector<16xf32>
      %mul3A_43 = arith.constant 16 : i32
      %mul3A_44 = arith.muli %scan3A_40, %mul3A_43 : i32
      %swap3A = arith.constant 0 : i32
      %swap3A_45 = arith.index_cast %swap3A : i32 to index
      %swap3A_46 = arith.index_cast %mul3A_44 : i32 to index
      %swap3A_47 = tpu.vector_load %arg7[%swap3A_45, %swap3A_46] {strides = array<i32>} : memref<4x10240xf32, #tpu.memory_space<vmem>>, vector<16xf32>,
      tpu.vector_store %arg7[%swap3A_45, %swap3A_46], %broadcast_in_dim3A_42 {strides = array<i32>} : memref<4x10240xf32, #tpu.memory_space<vmem>>, vector<16xf32>,
      %mul3A_48 = arith.constant 16 : i32
      %mul3A_49 = arith.muli %scan3A_40, %mul3A_48 : i32
      %swap3A_50 = arith.constant 1 : i32
      %swap3A_51 = arith.index_cast %swap3A_50 : i32 to index
      %swap3A_52 = arith.index_cast %mul3A_49 : i32 to index
      %swap3A_53 = tpu.vector_load %arg7[%swap3A_51, %swap3A_52] {strides = array<i32>} : memref<4x10240xf32, #tpu.memory_space<vmem>>, vector<16xf32>,
      tpu.vector_store %arg7[%swap3A_51, %swap3A_52], %broadcast_in_dim3A_42 {strides = array<i32>} : memref<4x10240xf32, #tpu.memory_space<vmem>>, vector<16xf32>,
      %mul3A_54 = arith.constant 16 : i32
      %mul3A_55 = arith.muli %scan3A_40, %mul3A_54 : i32
      %swap3A_56 = arith.constant 2 : i32
      %swap3A_57 = arith.index_cast %swap3A_56 : i32 to index
      %swap3A_58 = arith.index_cast %mul3A_55 : i32 to index
      %swap3A_59 = tpu.vector_load %arg7[%swap3A_57, %swap3A_58] {strides = array<i32>} : memref<4x10240xf32, #tpu.memory_space<vmem>>, vector<16xf32>,
      tpu.vector_store %arg7[%swap3A_57, %swap3A_58], %broadcast_in_dim3A_42 {strides = array<i32>} : memref<4x10240xf32, #tpu.memory_space<vmem>>, vector<16xf32>,
      %mul3A_60 = arith.constant 16 : i32
      %mul3A_61 = arith.muli %scan3A_40, %mul3A_60 : i32
      %swap3A_62 = arith.constant 3 : i32
      %swap3A_63 = arith.index_cast %swap3A_62 : i32 to index
      %swap3A_64 = arith.index_cast %mul3A_61 : i32 to index
      %swap3A_65 = tpu.vector_load %arg7[%swap3A_63, %swap3A_64] {strides = array<i32>} : memref<4x10240xf32, #tpu.memory_space<vmem>>, vector<16xf32>,
      tpu.vector_store %arg7[%swap3A_63, %swap3A_64], %broadcast_in_dim3A_42 {strides = array<i32>} : memref<4x10240xf32, #tpu.memory_space<vmem>>, vector<16xf32>,
      %scan3A_66 = arith.constant 0 : i32
      scf.yield %scan3A_66 : i32
    }
    %scan3A_29 = arith.constant 640 : i32
    %dma_wait3A = arith.constant 0 : i32
    %dma_wait3A_30 = tpu.memref_slice %arg2[%mul3A_4, %dma_wait3A] : memref<64x10240xi32, #tpu.memory_space<hbm>> -> memref<2x10240xi32, #tpu.memory_space<hbm>>
    %dma_wait3A_31 = arith.constant 0 : i32
    %dma_wait3A_32 = tpu.memref_slice %arg2[%mul3A_4, %dma_wait3A_31] : memref<64x10240xi32, #tpu.memory_space<hbm>> -> memref<2x10240xi32, #tpu.memory_space<hbm>>
    tpu.wait_dma2 semaphore(%arg14 : memref<!tpu.dma_semaphore, #tpu.memory_space<semaphore_mem>>) src(%dma_wait3A_32 : memref<2x10240xi32, #tpu.memory_space<hbm>>) dst(%arg6 : memref<2x10240xi32, #tpu.memory_space<vmem>>)
    %scan3A_33 = arith.constant 0 : i32
    %scan3A_34 = arith.constant 0 : i32
    %scan3A_35 = arith.constant 20 : i32
    %scan3A_36 = arith.addi %scan3A_34, %scan3A_35 : i32
    %scan3A_37 = arith.constant 1 : i32
    %scan3A_38 = scf.for %scan3A_40 = %scan3A_34 to %scan3A_36 step %scan3A_37 iter_args(%scan3A_41 = %scan3A_33) -> (i32)  : i32 {
      %mul3A_42 = arith.constant 2 : i32
      %mul3A_43 = arith.muli %scan3A_40, %mul3A_42 : i32
      %add3A_44 = arith.constant 0 : i32
      %add3A_45 = arith.addi %mul3A_43, %add3A_44 : i32
      %dma_wait3A_46 = arith.constant 0 : i32
      %dma_wait3A_47 = tpu.memref_slice %arg3[%dma_wait3A_46] : memref<320000xi32, #tpu.memory_space<hbm>> -> memref<8000xi32, #tpu.memory_space<hbm>>
      %dma_wait3A_48 = arith.constant 0 : i32
      %dma_wait3A_49 = tpu.memref_slice %arg3[%dma_wait3A_48] : memref<320000xi32, #tpu.memory_space<hbm>> -> memref<8000xi32, #tpu.memory_space<hbm>>
      tpu.wait_dma2 semaphore(%arg12 : memref<!tpu.dma_semaphore, #tpu.memory_space<semaphore_mem>>) src(%dma_wait3A_49 : memref<8000xi32, #tpu.memory_space<hbm>>) dst(%arg8 : memref<8000xi32, #tpu.memory_space<vmem>>)
      %dma_wait3A_50 = arith.constant 0 : i32
      %dma_wait3A_51 = tpu.memref_slice %arg4[%dma_wait3A_50] : memref<320000xf32, #tpu.memory_space<hbm>> -> memref<8000xf32, #tpu.memory_space<hbm>>
      %dma_wait3A_52 = arith.constant 0 : i32
      %dma_wait3A_53 = tpu.memref_slice %arg4[%dma_wait3A_52] : memref<320000xf32, #tpu.memory_space<hbm>> -> memref<8000xf32, #tpu.memory_space<hbm>>
      tpu.wait_dma2 semaphore(%arg12 : memref<!tpu.dma_semaphore, #tpu.memory_space<semaphore_mem>>) src(%dma_wait3A_53 : memref<8000xf32, #tpu.memory_space<hbm>>) dst(%arg10 : memref<8000xf32, #tpu.memory_space<vmem>>)
      %parallel_loop3A = arith.constant 0 : i32
      %parallel_loop3A_54 = arith.constant 500 : i32
      %parallel_loop3A_55 = arith.constant 1 : i32
      scf.for %parallel_loop3A_83 = %parallel_loop3A to %parallel_loop3A_54 step %parallel_loop3A_55  : i32 {
        %parallel_loop3A_84 = arith.constant 16 : i32
        %parallel_loop3A_85 = arith.muli %parallel_loop3A_83, %parallel_loop3A_84 : i32
        %parallel_loop3A_86 = arith.index_cast %parallel_loop3A_85 : i32 to index
        %parallel_loop3A_87 = tpu.vector_load %arg8[%parallel_loop3A_86] {strides = array<i32>} : memref<8000xi32, #tpu.memory_space<vmem>>, vector<16xi32>,
        %parallel_loop3A_88 = arith.constant 65535 : i32
        %parallel_loop3A_89 = vector.broadcast %parallel_loop3A_88 : i32 to vector<16xi32>
        %parallel_loop3A_90 = arith.andi %parallel_loop3A_87, %parallel_loop3A_89 : vector<16xi32>
        %parallel_loop3A_91 = arith.constant 16 : i32
        %parallel_loop3A_92 = vector.broadcast %parallel_loop3A_91 : i32 to vector<16xi32>
        %parallel_loop3A_93 = arith.shrui %parallel_loop3A_87, %parallel_loop3A_92 : vector<16xi32>
        %parallel_loop3A_94 = arith.index_cast %parallel_loop3A_85 : i32 to index
        %parallel_loop3A_95 = tpu.vector_load %arg10[%parallel_loop3A_94] {strides = array<i32>} : memref<8000xf32, #tpu.memory_space<vmem>>, vector<16xf32>,
        %parallel_loop3A_96 = arith.constant 0 : i32
        %parallel_loop3A_97 = vector.broadcast %parallel_loop3A_96 : i32 to vector<16xi32>
        %parallel_loop3A_98 = tpu.vector_load_idx %arg6[%parallel_loop3A_97, %parallel_loop3A_90] : memref<2x10240xi32, #tpu.memory_space<vmem>>[vector<16xi32>, vector<16xi32>], vector<16xi32>,
        %parallel_loop3A_99 = vector.bitcast %parallel_loop3A_98 : vector<16xi32> to vector<32xbf16>
        %parallel_loop3A_100 = tpu.unpack_subelements %parallel_loop3A_99, 0 {pack_format = #tpu.pack_format<interleaved>} : vector<32xbf16> -> vector<16xf32>
        %parallel_loop3A_101 = tpu.unpack_subelements %parallel_loop3A_99, 1 {pack_format = #tpu.pack_format<interleaved>} : vector<32xbf16> -> vector<16xf32>
        %parallel_loop3A_102 = arith.constant 0 : i32
        %parallel_loop3A_103 = vector.broadcast %parallel_loop3A_102 : i32 to vector<16xi32>
        %parallel_loop3A_104 = arith.constant 1 : i32
        %parallel_loop3A_105 = vector.broadcast %parallel_loop3A_104 : i32 to vector<16xi32>
        %parallel_loop3A_106 = arith.mulf %parallel_loop3A_100, %parallel_loop3A_95 : vector<16xf32>
        tpu.vector_store_idx %arg7[%parallel_loop3A_103, %parallel_loop3A_93], %parallel_loop3A_106 {add = true} : memref<4x10240xf32, #tpu.memory_space<vmem>>[vector<16xi32>, vector<16xi32>], vector<16xf32>,
        %parallel_loop3A_107 = arith.mulf %parallel_loop3A_101, %parallel_loop3A_95 : vector<16xf32>
        tpu.vector_store_idx %arg7[%parallel_loop3A_105, %parallel_loop3A_93], %parallel_loop3A_107 {add = true} : memref<4x10240xf32, #tpu.memory_space<vmem>>[vector<16xi32>, vector<16xi32>], vector<16xf32>,
        %parallel_loop3A_108 = arith.constant 1 : i32
        %parallel_loop3A_109 = vector.broadcast %parallel_loop3A_108 : i32 to vector<16xi32>
        %parallel_loop3A_110 = tpu.vector_load_idx %arg6[%parallel_loop3A_109, %parallel_loop3A_90] : memref<2x10240xi32, #tpu.memory_space<vmem>>[vector<16xi32>, vector<16xi32>], vector<16xi32>,
        %parallel_loop3A_111 = vector.bitcast %parallel_loop3A_110 : vector<16xi32> to vector<32xbf16>
        %parallel_loop3A_112 = tpu.unpack_subelements %parallel_loop3A_111, 0 {pack_format = #tpu.pack_format<interleaved>} : vector<32xbf16> -> vector<16xf32>
        %parallel_loop3A_113 = tpu.unpack_subelements %parallel_loop3A_111, 1 {pack_format = #tpu.pack_format<interleaved>} : vector<32xbf16> -> vector<16xf32>
        %parallel_loop3A_114 = arith.constant 2 : i32
        %parallel_loop3A_115 = vector.broadcast %parallel_loop3A_114 : i32 to vector<16xi32>
        %parallel_loop3A_116 = arith.constant 3 : i32
        %parallel_loop3A_117 = vector.broadcast %parallel_loop3A_116 : i32 to vector<16xi32>
        %parallel_loop3A_118 = arith.mulf %parallel_loop3A_112, %parallel_loop3A_95 : vector<16xf32>
        tpu.vector_store_idx %arg7[%parallel_loop3A_115, %parallel_loop3A_93], %parallel_loop3A_118 {add = true} : memref<4x10240xf32, #tpu.memory_space<vmem>>[vector<16xi32>, vector<16xi32>], vector<16xf32>,
        %parallel_loop3A_119 = arith.mulf %parallel_loop3A_113, %parallel_loop3A_95 : vector<16xf32>
        tpu.vector_store_idx %arg7[%parallel_loop3A_117, %parallel_loop3A_93], %parallel_loop3A_119 {add = true} : memref<4x10240xf32, #tpu.memory_space<vmem>>[vector<16xi32>, vector<16xi32>], vector<16xf32>,
      } {sc.loop_unroll_factor = 4 : i64, sc.parallel_access}
      %add3A_56 = arith.constant 2 : i32
      %add3A_57 = arith.addi %add3A_45, %add3A_56 : i32
      %lt3A = arith.constant 40 : i32
      %lt3A_58 = arith.cmpi slt, %add3A_57, %lt3A : i32
      %convert_element_type3A = arith.extui %lt3A_58 : i1 to i32
      %cond3A = arith.constant 0 : i32
      %cond3A_59 = arith.cmpi ne, %convert_element_type3A, %cond3A : i32
      scf.if %cond3A_59 {
        %mul3A_83 = arith.constant 8000 : i32
        %mul3A_84 = arith.muli %add3A_57, %mul3A_83 : i32
        %dma_start3A_85 = tpu.memref_slice %arg3[%mul3A_84] : memref<320000xi32, #tpu.memory_space<hbm>> -> memref<8000xi32, #tpu.memory_space<hbm>>
        %dma_start3A_86 = tpu.memref_slice %arg3[%mul3A_84] : memref<320000xi32, #tpu.memory_space<hbm>> -> memref<8000xi32, #tpu.memory_space<hbm>>
        tpu.enqueue_dma source(%dma_start3A_86 : memref<8000xi32, #tpu.memory_space<hbm>>) target(%arg8 : memref<8000xi32, #tpu.memory_space<vmem>>) target_semaphore(%arg12 : memref<!tpu.dma_semaphore, #tpu.memory_space<semaphore_mem>>)
        %dma_start3A_87 = tpu.memref_slice %arg4[%mul3A_84] : memref<320000xf32, #tpu.memory_space<hbm>> -> memref<8000xf32, #tpu.memory_space<hbm>>
        %dma_start3A_88 = tpu.memref_slice %arg4[%mul3A_84] : memref<320000xf32, #tpu.memory_space<hbm>> -> memref<8000xf32, #tpu.memory_space<hbm>>
        tpu.enqueue_dma source(%dma_start3A_88 : memref<8000xf32, #tpu.memory_space<hbm>>) target(%arg10 : memref<8000xf32, #tpu.memory_space<vmem>>) target_semaphore(%arg12 : memref<!tpu.dma_semaphore, #tpu.memory_space<semaphore_mem>>)
      } else {
      }
      %mul3A_60 = arith.constant 2 : i32
      %mul3A_61 = arith.muli %scan3A_40, %mul3A_60 : i32
      %add3A_62 = arith.constant 1 : i32
      %add3A_63 = arith.addi %mul3A_61, %add3A_62 : i32
      %dma_wait3A_64 = arith.constant 0 : i32
      %dma_wait3A_65 = tpu.memref_slice %arg3[%dma_wait3A_64] : memref<320000xi32, #tpu.memory_space<hbm>> -> memref<8000xi32, #tpu.memory_space<hbm>>
      %dma_wait3A_66 = arith.constant 0 : i32
      %dma_wait3A_67 = tpu.memref_slice %arg3[%dma_wait3A_66] : memref<320000xi32, #tpu.memory_space<hbm>> -> memref<8000xi32, #tpu.memory_space<hbm>>
      tpu.wait_dma2 semaphore(%arg13 : memref<!tpu.dma_semaphore, #tpu.memory_space<semaphore_mem>>) src(%dma_wait3A_67 : memref<8000xi32, #tpu.memory_space<hbm>>) dst(%arg9 : memref<8000xi32, #tpu.memory_space<vmem>>)
      %dma_wait3A_68 = arith.constant 0 : i32
      %dma_wait3A_69 = tpu.memref_slice %arg4[%dma_wait3A_68] : memref<320000xf32, #tpu.memory_space<hbm>> -> memref<8000xf32, #tpu.memory_space<hbm>>
      %dma_wait3A_70 = arith.constant 0 : i32
      %dma_wait3A_71 = tpu.memref_slice %arg4[%dma_wait3A_70] : memref<320000xf32, #tpu.memory_space<hbm>> -> memref<8000xf32, #tpu.memory_space<hbm>>
      tpu.wait_dma2 semaphore(%arg13 : memref<!tpu.dma_semaphore, #tpu.memory_space<semaphore_mem>>) src(%dma_wait3A_71 : memref<8000xf32, #tpu.memory_space<hbm>>) dst(%arg11 : memref<8000xf32, #tpu.memory_space<vmem>>)
      %parallel_loop3A_72 = arith.constant 0 : i32
      %parallel_loop3A_73 = arith.constant 500 : i32
      %parallel_loop3A_74 = arith.constant 1 : i32
      scf.for %parallel_loop3A_83 = %parallel_loop3A_72 to %parallel_loop3A_73 step %parallel_loop3A_74  : i32 {
        %parallel_loop3A_84 = arith.constant 16 : i32
        %parallel_loop3A_85 = arith.muli %parallel_loop3A_83, %parallel_loop3A_84 : i32
        %parallel_loop3A_86 = arith.index_cast %parallel_loop3A_85 : i32 to index
        %parallel_loop3A_87 = tpu.vector_load %arg9[%parallel_loop3A_86] {strides = array<i32>} : memref<8000xi32, #tpu.memory_space<vmem>>, vector<16xi32>,
        %parallel_loop3A_88 = arith.constant 65535 : i32
        %parallel_loop3A_89 = vector.broadcast %parallel_loop3A_88 : i32 to vector<16xi32>
        %parallel_loop3A_90 = arith.andi %parallel_loop3A_87, %parallel_loop3A_89 : vector<16xi32>
        %parallel_loop3A_91 = arith.constant 16 : i32
        %parallel_loop3A_92 = vector.broadcast %parallel_loop3A_91 : i32 to vector<16xi32>
        %parallel_loop3A_93 = arith.shrui %parallel_loop3A_87, %parallel_loop3A_92 : vector<16xi32>
        %parallel_loop3A_94 = arith.index_cast %parallel_loop3A_85 : i32 to index
        %parallel_loop3A_95 = tpu.vector_load %arg11[%parallel_loop3A_94] {strides = array<i32>} : memref<8000xf32, #tpu.memory_space<vmem>>, vector<16xf32>,
        %parallel_loop3A_96 = arith.constant 0 : i32
        %parallel_loop3A_97 = vector.broadcast %parallel_loop3A_96 : i32 to vector<16xi32>
        %parallel_loop3A_98 = tpu.vector_load_idx %arg6[%parallel_loop3A_97, %parallel_loop3A_90] : memref<2x10240xi32, #tpu.memory_space<vmem>>[vector<16xi32>, vector<16xi32>], vector<16xi32>,
        %parallel_loop3A_99 = vector.bitcast %parallel_loop3A_98 : vector<16xi32> to vector<32xbf16>
        %parallel_loop3A_100 = tpu.unpack_subelements %parallel_loop3A_99, 0 {pack_format = #tpu.pack_format<interleaved>} : vector<32xbf16> -> vector<16xf32>
        %parallel_loop3A_101 = tpu.unpack_subelements %parallel_loop3A_99, 1 {pack_format = #tpu.pack_format<interleaved>} : vector<32xbf16> -> vector<16xf32>
        %parallel_loop3A_102 = arith.constant 0 : i32
        %parallel_loop3A_103 = vector.broadcast %parallel_loop3A_102 : i32 to vector<16xi32>
        %parallel_loop3A_104 = arith.constant 1 : i32
        %parallel_loop3A_105 = vector.broadcast %parallel_loop3A_104 : i32 to vector<16xi32>
        %parallel_loop3A_106 = arith.mulf %parallel_loop3A_100, %parallel_loop3A_95 : vector<16xf32>
        tpu.vector_store_idx %arg7[%parallel_loop3A_103, %parallel_loop3A_93], %parallel_loop3A_106 {add = true} : memref<4x10240xf32, #tpu.memory_space<vmem>>[vector<16xi32>, vector<16xi32>], vector<16xf32>,
        %parallel_loop3A_107 = arith.mulf %parallel_loop3A_101, %parallel_loop3A_95 : vector<16xf32>
        tpu.vector_store_idx %arg7[%parallel_loop3A_105, %parallel_loop3A_93], %parallel_loop3A_107 {add = true} : memref<4x10240xf32, #tpu.memory_space<vmem>>[vector<16xi32>, vector<16xi32>], vector<16xf32>,
        %parallel_loop3A_108 = arith.constant 1 : i32
        %parallel_loop3A_109 = vector.broadcast %parallel_loop3A_108 : i32 to vector<16xi32>
        %parallel_loop3A_110 = tpu.vector_load_idx %arg6[%parallel_loop3A_109, %parallel_loop3A_90] : memref<2x10240xi32, #tpu.memory_space<vmem>>[vector<16xi32>, vector<16xi32>], vector<16xi32>,
        %parallel_loop3A_111 = vector.bitcast %parallel_loop3A_110 : vector<16xi32> to vector<32xbf16>
        %parallel_loop3A_112 = tpu.unpack_subelements %parallel_loop3A_111, 0 {pack_format = #tpu.pack_format<interleaved>} : vector<32xbf16> -> vector<16xf32>
        %parallel_loop3A_113 = tpu.unpack_subelements %parallel_loop3A_111, 1 {pack_format = #tpu.pack_format<interleaved>} : vector<32xbf16> -> vector<16xf32>
        %parallel_loop3A_114 = arith.constant 2 : i32
        %parallel_loop3A_115 = vector.broadcast %parallel_loop3A_114 : i32 to vector<16xi32>
        %parallel_loop3A_116 = arith.constant 3 : i32
        %parallel_loop3A_117 = vector.broadcast %parallel_loop3A_116 : i32 to vector<16xi32>
        %parallel_loop3A_118 = arith.mulf %parallel_loop3A_112, %parallel_loop3A_95 : vector<16xf32>
        tpu.vector_store_idx %arg7[%parallel_loop3A_115, %parallel_loop3A_93], %parallel_loop3A_118 {add = true} : memref<4x10240xf32, #tpu.memory_space<vmem>>[vector<16xi32>, vector<16xi32>], vector<16xf32>,
        %parallel_loop3A_119 = arith.mulf %parallel_loop3A_113, %parallel_loop3A_95 : vector<16xf32>
        tpu.vector_store_idx %arg7[%parallel_loop3A_117, %parallel_loop3A_93], %parallel_loop3A_119 {add = true} : memref<4x10240xf32, #tpu.memory_space<vmem>>[vector<16xi32>, vector<16xi32>], vector<16xf32>,
      } {sc.loop_unroll_factor = 4 : i64, sc.parallel_access}
      %add3A_75 = arith.constant 2 : i32
      %add3A_76 = arith.addi %add3A_63, %add3A_75 : i32
      %lt3A_77 = arith.constant 40 : i32
      %lt3A_78 = arith.cmpi slt, %add3A_76, %lt3A_77 : i32
      %convert_element_type3A_79 = arith.extui %lt3A_78 : i1 to i32
      %cond3A_80 = arith.constant 0 : i32
      %cond3A_81 = arith.cmpi ne, %convert_element_type3A_79, %cond3A_80 : i32
      scf.if %cond3A_81 {
        %mul3A_83 = arith.constant 8000 : i32
        %mul3A_84 = arith.muli %add3A_76, %mul3A_83 : i32
        %dma_start3A_85 = tpu.memref_slice %arg3[%mul3A_84] : memref<320000xi32, #tpu.memory_space<hbm>> -> memref<8000xi32, #tpu.memory_space<hbm>>
        %dma_start3A_86 = tpu.memref_slice %arg3[%mul3A_84] : memref<320000xi32, #tpu.memory_space<hbm>> -> memref<8000xi32, #tpu.memory_space<hbm>>
        tpu.enqueue_dma source(%dma_start3A_86 : memref<8000xi32, #tpu.memory_space<hbm>>) target(%arg9 : memref<8000xi32, #tpu.memory_space<vmem>>) target_semaphore(%arg13 : memref<!tpu.dma_semaphore, #tpu.memory_space<semaphore_mem>>)
        %dma_start3A_87 = tpu.memref_slice %arg4[%mul3A_84] : memref<320000xf32, #tpu.memory_space<hbm>> -> memref<8000xf32, #tpu.memory_space<hbm>>
        %dma_start3A_88 = tpu.memref_slice %arg4[%mul3A_84] : memref<320000xf32, #tpu.memory_space<hbm>> -> memref<8000xf32, #tpu.memory_space<hbm>>
        tpu.enqueue_dma source(%dma_start3A_88 : memref<8000xf32, #tpu.memory_space<hbm>>) target(%arg11 : memref<8000xf32, #tpu.memory_space<vmem>>) target_semaphore(%arg13 : memref<!tpu.dma_semaphore, #tpu.memory_space<semaphore_mem>>)
      } else {
      }
      %scan3A_82 = arith.constant 0 : i32
      scf.yield %scan3A_82 : i32
    }
    %scan3A_39 = arith.constant 20 : i32
    "tpu.region"() ({
      %run_scoped3A = tpu.sem_alloc : memref<!tpu.dma_semaphore, #tpu.memory_space<semaphore_mem>>
      %dma_start3A_40 = arith.constant 0 : i32
      %dma_start3A_41 = tpu.memref_slice %arg5[%mul3A_2, %dma_start3A_40] : memref<128x10240xf32, #tpu.memory_space<hbm>> -> memref<4x10240xf32, #tpu.memory_space<hbm>>
      %dma_start3A_42 = arith.constant 0 : i32
      %dma_start3A_43 = tpu.memref_slice %arg5[%mul3A_2, %dma_start3A_42] : memref<128x10240xf32, #tpu.memory_space<hbm>> -> memref<4x10240xf32, #tpu.memory_space<hbm>>
      tpu.enqueue_dma source(%arg7 : memref<4x10240xf32, #tpu.memory_space<vmem>>) target(%dma_start3A_43 : memref<4x10240xf32, #tpu.memory_space<hbm>>) target_semaphore(%run_scoped3A : memref<!tpu.dma_semaphore, #tpu.memory_space<semaphore_mem>>)
      %dma_wait3A_44 = arith.constant 0 : i32
      %dma_wait3A_45 = tpu.memref_slice %arg5[%mul3A_2, %dma_wait3A_44] : memref<128x10240xf32, #tpu.memory_space<hbm>> -> memref<4x10240xf32, #tpu.memory_space<hbm>>
      %dma_wait3A_46 = arith.constant 0 : i32
      %dma_wait3A_47 = tpu.memref_slice %arg5[%mul3A_2, %dma_wait3A_46] : memref<128x10240xf32, #tpu.memory_space<hbm>> -> memref<4x10240xf32, #tpu.memory_space<hbm>>
      tpu.wait_dma2 semaphore(%run_scoped3A : memref<!tpu.dma_semaphore, #tpu.memory_space<semaphore_mem>>) src(%arg7 : memref<4x10240xf32, #tpu.memory_space<vmem>>) dst(%dma_wait3A_47 : memref<4x10240xf32, #tpu.memory_space<hbm>>)
      tpu.yield
    }) : () -> ()
    return
  }
}

module attributes {stable_mosaic.version = 14 : i64} {
  func.func @_mm_body(%arg0: memref<128x10240xf32, #tpu.memory_space<vmem>>, %arg1: memref<128x128xf32, #tpu.memory_space<vmem>>, %arg2: memref<128x1xf32, #tpu.memory_space<vmem>>, %arg3: memref<64x10240xi32, #tpu.memory_space<vmem>>) attributes {dimension_semantics = [], scalar_prefetch = 0 : i64, scratch_operands = 0 : i64, tpu.core_type = #tpu.core_type<tc>} {
    %get3A = arith.constant 0 : index
    %get3A_0 = arith.constant 0 : index
    %get3A_1 = vector.load %arg1[%get3A, %get3A_0] : memref<128x128xf32, #tpu.memory_space<vmem>>, vector<128x128xf32>
    %get3A_2 = arith.constant 0 : index
    %get3A_3 = arith.constant 0 : index
    %get3A_4 = vector.load %arg0[%get3A_2, %get3A_3] : memref<128x10240xf32, #tpu.memory_space<vmem>>, vector<128x10240xf32>
    %dot_general3A = arith.constant dense<0.000000e+00> : vector<128x10240xf32>
    %dot_general3A_5 = tpu.matmul %get3A_1, %get3A_4, %dot_general3A {dimension_numbers = #tpu.dot_dimension_numbers<[0], [0], [1], [1], [0, 1, 1, 1], [], []>, transpose_lhs_hint = false} : vector<128x128xf32>, vector<128x10240xf32>, vector<128x10240xf32> -> vector<128x10240xf32>
    %get3A_6 = arith.constant 0 : index
    %get3A_7 = arith.constant 0 : index
    %get3A_8 = vector.load %arg2[%get3A_6, %get3A_7] : memref<128x1xf32, #tpu.memory_space<vmem>>, vector<128x1xf32>
    %add3A = vector.broadcast %get3A_8 : vector<128x1xf32> to vector<128x10240xf32>
    %add3A_9 = arith.addf %dot_general3A_5, %add3A : vector<128x10240xf32>
    %gt3A = arith.constant 0.000000e+00 : f32
    %gt3A_10 = vector.broadcast %gt3A : f32 to vector<128x10240xf32>
    %gt3A_11 = arith.cmpf ogt, %add3A_9, %gt3A_10 : vector<128x10240xf32>
    %min3A = arith.constant 0.000000e+00 : f32
    %min3A_12 = vector.broadcast %min3A : f32 to vector<128x10240xf32>
    %min3A_13 = arith.minimumf %add3A_9, %min3A_12 : vector<128x10240xf32>
    %exp3A = math.exp %min3A_13 : vector<128x10240xf32>
    %sub3A = arith.constant 1.000000e+00 : f32
    %sub3A_14 = vector.broadcast %sub3A : f32 to vector<128x10240xf32>
    %sub3A_15 = arith.subf %exp3A, %sub3A_14 : vector<128x10240xf32>
    %select_n3A = arith.select %gt3A_11, %add3A_9, %sub3A_15 : vector<128x10240xi1>, vector<128x10240xf32>
    %reshape3A = vector.shape_cast %select_n3A : vector<128x10240xf32> to vector<64x2x10240xf32>
    %slice3A = vector.extract_strided_slice %reshape3A {offsets = [0, 0, 0], sizes = [64, 1, 10240], strides = [1, 1, 1]} : vector<64x2x10240xf32> to vector<64x1x10240xf32>
    %squeeze3A = vector.shape_cast %slice3A : vector<64x1x10240xf32> to vector<64x10240xf32>
    %convert_element_type3A = arith.truncf %squeeze3A : vector<64x10240xf32> to vector<64x10240xbf16>
    %bitcast_convert_type3A = tpu.bitcast %convert_element_type3A : vector<64x10240xbf16> -> vector<64x10240xi16>
    %convert_element_type3A_16 = arith.extui %bitcast_convert_type3A : vector<64x10240xi16> to vector<64x10240xi32>
    %slice3A_17 = vector.extract_strided_slice %reshape3A {offsets = [0, 1, 0], sizes = [64, 1, 10240], strides = [1, 1, 1]} : vector<64x2x10240xf32> to vector<64x1x10240xf32>
    %squeeze3A_18 = vector.shape_cast %slice3A_17 : vector<64x1x10240xf32> to vector<64x10240xf32>
    %convert_element_type3A_19 = arith.truncf %squeeze3A_18 : vector<64x10240xf32> to vector<64x10240xbf16>
    %bitcast_convert_type3A_20 = tpu.bitcast %convert_element_type3A_19 : vector<64x10240xbf16> -> vector<64x10240xi16>
    %convert_element_type3A_21 = arith.extui %bitcast_convert_type3A_20 : vector<64x10240xi16> to vector<64x10240xi32>
    %shift_left3A = arith.constant 16 : i32
    %shift_left3A_22 = vector.broadcast %shift_left3A : i32 to vector<64x10240xi32>
    %shift_left3A_23 = arith.shli %convert_element_type3A_21, %shift_left3A_22 : vector<64x10240xi32>
    %or3A = arith.ori %convert_element_type3A_16, %shift_left3A_23 : vector<64x10240xi32>
    %swap3A = arith.constant 0 : index
    %swap3A_24 = arith.constant 0 : index
    %swap3A_25 = vector.load %arg3[%swap3A, %swap3A_24] : memref<64x10240xi32, #tpu.memory_space<vmem>>, vector<64x10240xi32>
    tpu.vector_store %arg3[%swap3A, %swap3A_24], %or3A {strides = array<i32>} : memref<64x10240xi32, #tpu.memory_space<vmem>>, vector<64x10240xi32>,
    return
  }
}

module attributes {stable_mosaic.version = 14 : i64} {
  func.func @_norm_body(%arg0: memref<32x10240xf32, #tpu.memory_space<vmem>>, %arg1: memref<32x10240xf32, #tpu.memory_space<vmem>>, %arg2: memref<10000x128xf32, #tpu.memory_space<vmem>>, %arg3: memref<2x10240xf32, #tpu.memory_space<vmem>>, %arg4: memref<64x10240xi32, #tpu.memory_space<vmem>>) attributes {dimension_semantics = [], scalar_prefetch = 0 : i64, scratch_operands = 0 : i64, tpu.core_type = #tpu.core_type<tc>} {
    %get3A = arith.constant 0 : index
    %get3A_0 = arith.constant 0 : index
    %get3A_1 = vector.load %arg0[%get3A, %get3A_0] : memref<32x10240xf32, #tpu.memory_space<vmem>>, vector<32x10240xf32>
    %reduce_sum3A = arith.constant dense<0.000000e+00> : vector<10240xf32>
    %reduce_sum3A_2 = vector.multi_reduction <add>, %get3A_1, %reduce_sum3A [0] : vector<32x10240xf32> to vector<10240xf32>
    %broadcast_in_dim3A = vector.shape_cast %reduce_sum3A_2 : vector<10240xf32> to vector<1x10240xf32>
    %get3A_3 = arith.constant 0 : index
    %get3A_4 = arith.constant 0 : index
    %get3A_5 = vector.load %arg1[%get3A_3, %get3A_4] : memref<32x10240xf32, #tpu.memory_space<vmem>>, vector<32x10240xf32>
    %reduce_sum3A_6 = arith.constant dense<0.000000e+00> : vector<10240xf32>
    %reduce_sum3A_7 = vector.multi_reduction <add>, %get3A_5, %reduce_sum3A_6 [0] : vector<32x10240xf32> to vector<10240xf32>
    %broadcast_in_dim3A_8 = vector.shape_cast %reduce_sum3A_7 : vector<10240xf32> to vector<1x10240xf32>
    %gt3A = arith.constant 0.000000e+00 : f32
    %gt3A_9 = vector.broadcast %gt3A : f32 to vector<1x10240xf32>
    %gt3A_10 = arith.cmpf ogt, %broadcast_in_dim3A, %gt3A_9 : vector<1x10240xf32>
    %max3A = arith.constant 9.99999996E-13 : f32
    %max3A_11 = vector.broadcast %max3A : f32 to vector<1x10240xf32>
    %max3A_12 = arith.maximumf %broadcast_in_dim3A, %max3A_11 : vector<1x10240xf32>
    %rsqrt3A = math.rsqrt %max3A_12 : vector<1x10240xf32>
    %jit3A = arith.constant 0.000000e+00 : f32
    %broadcast_in_dim3A_13 = vector.broadcast %jit3A : f32 to vector<1x10240xf32>
    %select_n3A = arith.select %gt3A_10, %rsqrt3A, %broadcast_in_dim3A_13 : vector<1x10240xi1>, vector<1x10240xf32>
    %gt3A_14 = arith.constant 0.000000e+00 : f32
    %gt3A_15 = vector.broadcast %gt3A_14 : f32 to vector<1x10240xf32>
    %gt3A_16 = arith.cmpf ogt, %broadcast_in_dim3A_8, %gt3A_15 : vector<1x10240xf32>
    %max3A_17 = arith.constant 9.99999996E-13 : f32
    %max3A_18 = vector.broadcast %max3A_17 : f32 to vector<1x10240xf32>
    %max3A_19 = arith.maximumf %broadcast_in_dim3A_8, %max3A_18 : vector<1x10240xf32>
    %rsqrt3A_20 = math.rsqrt %max3A_19 : vector<1x10240xf32>
    %jit3A_21 = arith.constant 0.000000e+00 : f32
    %broadcast_in_dim3A_22 = vector.broadcast %jit3A_21 : f32 to vector<1x10240xf32>
    %select_n3A_23 = arith.select %gt3A_16, %rsqrt3A_20, %broadcast_in_dim3A_22 : vector<1x10240xi1>, vector<1x10240xf32>
    %concatenate3A = tpu.concatenate %select_n3A, %select_n3A_23 in 0 : vector<1x10240xf32>, vector<1x10240xf32> -> vector<2x10240xf32>
    %swap3A = arith.constant 0 : index
    %swap3A_24 = arith.constant 0 : index
    %swap3A_25 = vector.load %arg3[%swap3A, %swap3A_24] : memref<2x10240xf32, #tpu.memory_space<vmem>>, vector<2x10240xf32>
    tpu.vector_store %arg3[%swap3A, %swap3A_24], %concatenate3A {strides = array<i32>} : memref<2x10240xf32, #tpu.memory_space<vmem>>, vector<2x10240xf32>,
    %get3A_26 = arith.constant 0 : index
    %get3A_27 = arith.constant 0 : index
    %get3A_28 = vector.load %arg2[%get3A_26, %get3A_27] : memref<10000x128xf32, #tpu.memory_space<vmem>>, vector<10000x128xf32>
    %transpose3A = tpu.transpose %get3A_28, [1, 0] : vector<10000x128xf32> -> vector<128x10000xf32>
    %jit3A_29 = arith.constant 0 : i32
    %convert_element_type3A = arith.sitofp %jit3A_29 : i32 to f32
    %pad3A = vector.broadcast %convert_element_type3A : f32 to vector<128x240xf32>
    %pad3A_30 = tpu.concatenate %transpose3A, %pad3A in 1 : vector<128x10000xf32>, vector<128x240xf32> -> vector<128x10240xf32>
    %reshape3A = vector.shape_cast %pad3A_30 : vector<128x10240xf32> to vector<64x2x10240xf32>
    %slice3A = vector.extract_strided_slice %reshape3A {offsets = [0, 0, 0], sizes = [64, 1, 10240], strides = [1, 1, 1]} : vector<64x2x10240xf32> to vector<64x1x10240xf32>
    %squeeze3A = vector.shape_cast %slice3A : vector<64x1x10240xf32> to vector<64x10240xf32>
    %convert_element_type3A_31 = arith.truncf %squeeze3A : vector<64x10240xf32> to vector<64x10240xbf16>
    %bitcast_convert_type3A = tpu.bitcast %convert_element_type3A_31 : vector<64x10240xbf16> -> vector<64x10240xi16>
    %convert_element_type3A_32 = arith.extui %bitcast_convert_type3A : vector<64x10240xi16> to vector<64x10240xi32>
    %slice3A_33 = vector.extract_strided_slice %reshape3A {offsets = [0, 1, 0], sizes = [64, 1, 10240], strides = [1, 1, 1]} : vector<64x2x10240xf32> to vector<64x1x10240xf32>
    %squeeze3A_34 = vector.shape_cast %slice3A_33 : vector<64x1x10240xf32> to vector<64x10240xf32>
    %convert_element_type3A_35 = arith.truncf %squeeze3A_34 : vector<64x10240xf32> to vector<64x10240xbf16>
    %bitcast_convert_type3A_36 = tpu.bitcast %convert_element_type3A_35 : vector<64x10240xbf16> -> vector<64x10240xi16>
    %convert_element_type3A_37 = arith.extui %bitcast_convert_type3A_36 : vector<64x10240xi16> to vector<64x10240xi32>
    %shift_left3A = arith.constant 16 : i32
    %shift_left3A_38 = vector.broadcast %shift_left3A : i32 to vector<64x10240xi32>
    %shift_left3A_39 = arith.shli %convert_element_type3A_37, %shift_left3A_38 : vector<64x10240xi32>
    %or3A = arith.ori %convert_element_type3A_32, %shift_left3A_39 : vector<64x10240xi32>
    %swap3A_40 = arith.constant 0 : index
    %swap3A_41 = arith.constant 0 : index
    %swap3A_42 = vector.load %arg4[%swap3A_40, %swap3A_41] : memref<64x10240xi32, #tpu.memory_space<vmem>>, vector<64x10240xi32>
    tpu.vector_store %arg4[%swap3A_40, %swap3A_41], %or3A {strides = array<i32>} : memref<64x10240xi32, #tpu.memory_space<vmem>>, vector<64x10240xi32>,
    return
  }
}

module attributes {stable_mosaic.version = 14 : i64} {
  func.func @_mm_t_body(%arg0: memref<128x10240xf32, #tpu.memory_space<vmem>>, %arg1: memref<128x128xf32, #tpu.memory_space<vmem>>, %arg2: memref<128x1xf32, #tpu.memory_space<vmem>>, %arg3: memref<10000x128xf32, #tpu.memory_space<vmem>>) attributes {dimension_semantics = [], scalar_prefetch = 0 : i64, scratch_operands = 0 : i64, tpu.core_type = #tpu.core_type<tc>} {
    %get3A = arith.constant 0 : index
    %get3A_0 = arith.constant 0 : index
    %get3A_1 = vector.load %arg1[%get3A, %get3A_0] : memref<128x128xf32, #tpu.memory_space<vmem>>, vector<128x128xf32>
    %get3A_2 = arith.constant 0 : index
    %get3A_3 = arith.constant 0 : index
    %get3A_4 = vector.load %arg0[%get3A_2, %get3A_3] : memref<128x10240xf32, #tpu.memory_space<vmem>>, vector<128x10240xf32>
    %dot_general3A = arith.constant dense<0.000000e+00> : vector<128x10240xf32>
    %dot_general3A_5 = tpu.matmul %get3A_1, %get3A_4, %dot_general3A {dimension_numbers = #tpu.dot_dimension_numbers<[0], [0], [1], [1], [0, 1, 1, 1], [], []>, transpose_lhs_hint = false} : vector<128x128xf32>, vector<128x10240xf32>, vector<128x10240xf32> -> vector<128x10240xf32>
    %get3A_6 = arith.constant 0 : index
    %get3A_7 = arith.constant 0 : index
    %get3A_8 = vector.load %arg2[%get3A_6, %get3A_7] : memref<128x1xf32, #tpu.memory_space<vmem>>, vector<128x1xf32>
    %add3A = vector.broadcast %get3A_8 : vector<128x1xf32> to vector<128x10240xf32>
    %add3A_9 = arith.addf %dot_general3A_5, %add3A : vector<128x10240xf32>
    %gt3A = arith.constant 0.000000e+00 : f32
    %gt3A_10 = vector.broadcast %gt3A : f32 to vector<128x10240xf32>
    %gt3A_11 = arith.cmpf ogt, %add3A_9, %gt3A_10 : vector<128x10240xf32>
    %min3A = arith.constant 0.000000e+00 : f32
    %min3A_12 = vector.broadcast %min3A : f32 to vector<128x10240xf32>
    %min3A_13 = arith.minimumf %add3A_9, %min3A_12 : vector<128x10240xf32>
    %exp3A = math.exp %min3A_13 : vector<128x10240xf32>
    %sub3A = arith.constant 1.000000e+00 : f32
    %sub3A_14 = vector.broadcast %sub3A : f32 to vector<128x10240xf32>
    %sub3A_15 = arith.subf %exp3A, %sub3A_14 : vector<128x10240xf32>
    %select_n3A = arith.select %gt3A_11, %add3A_9, %sub3A_15 : vector<128x10240xi1>, vector<128x10240xf32>
    %transpose3A = tpu.transpose %select_n3A, [1, 0] : vector<128x10240xf32> -> vector<10240x128xf32>
    %slice3A = vector.extract_strided_slice %transpose3A {offsets = [0, 0], sizes = [10000, 128], strides = [1, 1]} : vector<10240x128xf32> to vector<10000x128xf32>
    %swap3A = arith.constant 0 : index
    %swap3A_16 = arith.constant 0 : index
    %swap3A_17 = vector.load %arg3[%swap3A, %swap3A_16] : memref<10000x128xf32, #tpu.memory_space<vmem>>, vector<10000x128xf32>
    tpu.vector_store %arg3[%swap3A, %swap3A_16], %slice3A {strides = array<i32>} : memref<10000x128xf32, #tpu.memory_space<vmem>>, vector<10000x128xf32>,
    return
  }
}

</mosaic_0001>

<sc_bundles>
// kernel: kernel.11.cloned.1.call-start
scs
__scs_entry_jumppad:
0x0: {  	(pc) =	sbr.rel $0x88, $3  }
0x1: {  	(tag) =	ssettag $0x0;
	lr =	simm.s32 $0x1  }
0x2: {  	[smem:$0x3F98] =	sst lr;
	_ =	strace $0xD0000000  }
0x3: {  	_ = 	snop  }
0x4: {  	_ = 	snop  }
0x5: {  	_ = 	snop  }
0x6: {  	_ = 	snop  }
0x7: {  	_ = 	snop  }
__scs_overlays_trampoline_lowered:
0x8: {  	[smem:$0x3FA7] =	sst s0  }
0x9: {  	[smem:$0x3FA8] =	sst s1  }
0xa: {  	[smem:$0x3FA9] =	sst s2  }
0xb: {  	[smem:$0x3FAA] =	sst s3  }
0xc: {  	[smem:$0x3FAB] =	sst s4  }
0xd: {  	[smem:$0x3FAC] =	sst s5  }
0xe: {  	[smem:$0x3FAD] =	sst s6  }
0xf: {  	[smem:$0x3FAE] =	sst s7  }
0x10: {  	[smem:$0x3FAF] =	sst s8  }
0x11: {  	[smem:$0x3FB0] =	sst s9;
	s0 =	simm.s32 @!p0 $0x0  }
0x12: {  	s1 =	sld [smem:$0x3F96];
	s0 =	simm.s32 @p0 $0x1  }
0x13: {  	[smem:$0x3FB1] =	sst s0;
	s0 =	simm.s32 @!p1 $0x0  }
0x14: {  	s2 =	sld [smem:$0x3F95];
	s0 =	simm.s32 @p1 $0x1  }
0x15: {  	[smem:$0x3FB2] =	sst s0;
	s0 =	simm.s32 @!p2 $0x0  }
0x16: {  	s3 =	sld [smem:$0x3FDB];
	s0 =	simm.s32 @p2 $0x1  }
0x17: {  	s4 =	simm.s32 $0x1BF5;
	[smem:$0x3FB4] =	sst s0  }
0x18: {  	s0 =	sld [smem:$0x3F97];
	_ =	swait.ge [sflag:s4], $0x0  }
0x19: {  	s7 =	sld [smem:$0x3F98]  }
0x1a: {  	s8 =	sadd.s32 $0xFFFFE003, lr  }
0x1b: {  	s9 =	sadd.s32 $0xFFFFFEF7, lr;
	s5 =	simm.s32 $0xFFFFFFFF;
	p2 =	slt.u32 s8, $0xFFFFF086  }
0x1c: {  	p1 =	slt.u32 s9, $0xF7A;
	s5 =	simm.s32 @!p2 $0x0  }
0x1d: {  	s5 =	simm.s32 @p1 $0x1;
	p0 =	seq.s32 s7, s2  }
0x1e: {  	s7 =	smul.u32 @!p0 $0xF7A, s2;
	p2 =	seq.s32 @!p0 s5, $0x0  }
0x1f: {  	s9 =	smul.u32 $0xF7A, s1;
	s8 =	simm.s32 @!p0 $0x1BF5;
	p2 =	por !p2, p0  }
0x20: {  	[sflag:s8] =	ssyncset.s32 @!p0 $0xFFFFF086;
	s6 =	sadd.s32 @!p0 s3, s7;
	s7 =	simm.s32 @!p0 $0x108  }
0x21: {  	s3 =	sadd.s32 s3, s9;
	s6 =	sadd.s32 @!p0 $0x88, s6;
	s7 =	simm.s32 @p2 $0x1082  }
0x22: {  	[simem:s7], [sflag:s8] =	dma.local @!p0 [hbm:s6], $0xF7A  }
0x23: {  	s9 =	sor.u32 $0xD0000000, s2;
	s6 =	simm.s32 $0x108;
	_ =	swait.ge @!p0 [sflag:s8], $0x0  }
0x24: {  	s3 =	sadd.s32 $0x88, s3;
	s6 =	simm.s32 @!p1 $0x1082;
	[sflag:s4] =	ssyncset.s32 $0xFFFFF086  }
0x25: {  	[simem:s6], [sflag:s4] =	dma.local [hbm:s3], $0xF7A  }
0x26: {  	[smem:$0x3F98] =	sst s1;
	(tag) =	ssettag s2;
	_ =	strace s9  }
0x27: {  	s1 =	sld [smem:$0x3FA8]  }
0x28: {  	s2 =	sld [smem:$0x3FA9]  }
0x29: {  	s4 =	sld [smem:$0x3FAB]  }
0x2a: {  	p0 =	seq.s32 s5, $0x0;
	s5 =	sld [smem:$0x3FAC]  }
0x2b: {  	s6 =	sld [smem:$0x3FAD]  }
0x2c: {  	s7 =	sld [smem:$0x3FAE]  }
0x2d: {  	s3 =	simm.s32 $0x108;
	s8 =	sld [smem:$0x3FAF]  }
0x2e: {  	s3 =	simm.s32 @!p0 $0x1082;
	s9 =	sld [smem:$0x3FB0]  }
0x2f: {  	lr =	sadd.s32 s0, s3;
	s0 =	sld [smem:$0x3FA7]  }
0x30: {  	s3 =	sld [smem:$0x3FAA]  }
0x31: {  	[smem:$0x3FB3] =	sst s10  }
0x32: {  	s10 =	sld [smem:$0x3FB1];
	_ =	sdelay $0x3  }
0x33: {  	p0 =	seq.s32 s10, $0x1;
	s10 =	sld [smem:$0x3FB3];
	_ =	sdelay $0x3  }
0x34: {  	[smem:$0x3FB3] =	sst s10  }
0x35: {  	s10 =	sld [smem:$0x3FB2];
	_ =	sdelay $0x3  }
0x36: {  	p1 =	seq.s32 s10, $0x1;
	s10 =	sld [smem:$0x3FB3];
	_ =	sdelay $0x3  }
0x37: {  	[smem:$0x3FB3] =	sst s10  }
0x38: {  	s10 =	sld [smem:$0x3FB4]  }
0x39: {  	_ = 	snop;
	(pc) =	sbr.ind lr, $3  }
0x3a: {  	_ = 	snop  }
0x3b: {  	_ = 	snop  }
0x3c: {  	p2 =	seq.s32 s10, $0x1;
	s10 =	sld [smem:$0x3FB3]  }
0x3d: {  	_ =	shalt  }
0x3e: {  	_ =	shalt  }
0x3f: {  	_ =	shalt  }
0x40: {  	_ =	shalt  }
0x41: {  	_ =	shalt  }
0x42: {  	_ =	shalt  }
0x43: {  	_ =	shalt  }
0x44: {  	_ =	shalt  }
0x45: {  	_ =	shalt  }
0x46: {  	_ =	shalt  }
0x47: {  	_ =	shalt  }
0x48: {  	_ =	shalt  }
0x49: {  	_ =	shalt  }
0x4a: {  	_ =	shalt  }
0x4b: {  	_ =	shalt  }
0x4c: {  	_ =	shalt  }
0x4d: {  	_ =	shalt  }
0x4e: {  	_ =	shalt  }
0x4f: {  	_ =	shalt  }
0x50: {  	_ =	shalt  }
0x51: {  	_ =	shalt  }
0x52: {  	_ =	shalt  }
0x53: {  	_ =	shalt  }
0x54: {  	_ =	shalt  }
0x55: {  	_ =	shalt  }
0x56: {  	_ =	shalt  }
0x57: {  	_ =	shalt  }
0x58: {  	_ =	shalt  }
0x59: {  	_ =	shalt  }
0x5a: {  	_ =	shalt  }
0x5b: {  	_ =	shalt  }
0x5c: {  	_ =	shalt  }
0x5d: {  	_ =	shalt  }
0x5e: {  	_ =	shalt  }
0x5f: {  	_ =	shalt  }
0x60: {  	_ =	shalt  }
0x61: {  	_ =	shalt  }
0x62: {  	_ =	shalt  }
0x63: {  	_ =	shalt  }
0x64: {  	_ =	shalt  }
0x65: {  	_ =	shalt  }
0x66: {  	_ =	shalt  }
0x67: {  	_ =	shalt  }
0x68: {  	_ =	shalt  }
0x69: {  	_ =	shalt  }
0x6a: {  	_ =	shalt  }
0x6b: {  	_ =	shalt  }
0x6c: {  	_ =	shalt  }
0x6d: {  	_ =	shalt  }
0x6e: {  	_ =	shalt  }
0x6f: {  	_ =	shalt  }
0x70: {  	_ =	shalt  }
0x71: {  	_ =	shalt  }
0x72: {  	_ =	shalt  }
0x73: {  	_ =	shalt  }
0x74: {  	_ =	shalt  }
0x75: {  	_ =	shalt  }
0x76: {  	_ =	shalt  }
0x77: {  	_ =	shalt  }
0x78: {  	_ =	shalt  }
0x79: {  	_ =	shalt  }
0x7a: {  	_ =	shalt  }
0x7b: {  	_ =	shalt  }
0x7c: {  	_ =	shalt  }
0x7d: {  	_ =	shalt  }
0x7e: {  	_ =	shalt  }
0x7f: {  	_ =	shalt  }
0x80: {  	_ =	shalt  }
0x81: {  	_ =	shalt  }
0x82: {  	_ =	shalt  }
0x83: {  	_ =	shalt  }
0x84: {  	_ =	shalt  }
0x85: {  	_ =	shalt  }
0x86: {  	_ =	shalt  }
0x87: {  	_ =	shalt  }
.Lfunc_end0:
.L_simem_size_0:
called_computation_lowered:
.L_overlay_start_0:
0x88: {  	s2 =	sld [smem:$0x3FD9]  }
0x89: {  	s3 =	sld [smem:$0x3FFE];
	_ =	sdelay $0x1  }
0x8a: {  	s1 =	srdreg.scid  }
0x8b: {  	s0 =	sand.u32 $0x1, s1  }
0x8c: {  	s17 =	sshll.u32 s0, $0xA;
	s2 =	sadd.s32 s3, s2  }
0x8d: {  	s2 =	sadd.s32 s2, s17  }
0x8e: {  	[smem:$0x3FBF] =	sst s2  }
0x8f: {  	_ = 	snop  }
0x90: {  	s2 =	sld [smem:$0x3FD0];
	(tm) =	ssettm $0x1  }
0x91: {  	s18 =	sld [smem:$0x3FFB];
	_ =	sdelay $0x3  }
0x92: {  	_ =	strace s18  }
0x93: {  	s3 =	sld [smem:$0x3FFC];
	_ =	sdelay $0x3  }
0x94: {  	_ =	strace s3  }
0x95: {  	s3 =	sld [smem:$0x3FFD];
	_ =	sdelay $0x3  }
0x96: {  	_ =	strace s3  }
0x97: {  	_ =	strace $0x8FFFFFFF  }
0x98: {  	s19 =	sld [smem:$0x3FDB];
	_ =	sdelay $0x1  }
0x99: {  	s4 =	simm.s32 $_scs_section_size  }
0x9a: {  	s5 =	simm.s32 $_size__tile_overlayer_lowered;
	s6 =	simm.s32 $_tile_overlayer_lowered  }
0x9b: {  	s22 =	simm.s32 $0x1BFF;
	s21 =	sshll.u32 s6, $0x1;
	s3 =	sadd.s32 s4, s19  }
0x9c: {  	s7 =	simm.s32 $0x0;
	s20 =	sshll.u32 s5, $0x1;
	s5 =	sadd.s32 s21, s3  }
0x9d: {  	[timem:s7], [sflag:s22] =	dma.local [hbm:s5], s20  }
0x9e: {  	_ =	swait.ge [sflag:s22], s20  }
0x9f: {  	s4 =	ssub.s32 $0x0, s20;
	[sflag:s22] =	ssyncset.done $0x0  }
0xa0: {  	[sflag:s22] =	ssyncadd.s32 s4;
	_ =	sdelay $0x1  }
0xa1: {  	s23 =	simm.s32 $0x1B8B  }
0xa2: {  	_ =	swait.ge [sflag:s23], $0x1  }
0xa3: {  	[sflag:s23] =	ssyncset.done $0x0  }
0xa4: {  	s25 =	simm.s32 $0x1B8E;
	s24 =	sld [smem:$0x3FFE];
	[sflag:s23] =	ssyncadd.s32 $0xFFFFFFFF  }
0xa5: {  	s26 =	simm.s32 $execute0_lowered;
	[smem:$0x3FD2] =	sst s25  }
0xa6: {  	s5 =	sshll.u32 s26, $0x1;
	_ =	strace $0x80000046;
	[dreg:$0x1] =	wrdreg $0xFFFFFFFF  }
0xa7: {  	s28 =	simm.s32 $_size_execute0_lowered;
	s3 =	sadd.s32 s3, s5;
	[dreg:$0x0] =	wrdreg $0x0  }
0xa8: {  	s5 =	sshll.u32 s28, $0x1;
	[dreg:$0x2] =	wrdreg s3  }
0xa9: {  	[dreg:$0x3] =	wrdreg s5  }
0xaa: {  	[dreg:$0x4] =	wrdreg $0xC0  }
0xab: {  	_ =	task [dreg:s7], $0x5FFFF  }
0xac: {  	[dreg:$0x1] =	wrdreg $0xFFFFFFFF  }
0xad: {  	[dreg:$0x0] =	wrdreg $0x60  }
0xae: {  	[dreg:$0x2] =	wrdreg s24  }
0xaf: {  	[dreg:$0x3] =	wrdreg s2  }
0xb0: {  	[dreg:$0x4] =	wrdreg $0x9  }
0xb1: {  	_ =	task.clear_ibuf [dreg:s7], $0x5FFFF;
	_ =	strace $0x90000046  }
0xb2: {  	s29 =	simm.s32 $0x9;
	_ =	strace $0x80000048  }
0xb3: {  	_ =	swait.ge [sflag:s29], $0x1  }
0xb4: {  	[sflag:s29] =	ssyncadd.s32 $0xFFFFFFFF  }
0xb5: {  	_ =	strace $0x90000048  }
0xb6: {  	_ =	sfence  }
0xb7: {  	s30 =	sld [smem:$0x0];
	_ =	sdelay $0x2  }
0xb8: {  	s31 =	sshll.u32 s1, $0xD;
	s1 =	sshrl.u32 s1, $0x2  }
0xb9: {  	s3 =	sand.u32 $0x4000, s31;
	s1 =	sadd.s32 s1, s30  }
0xba: {  	s0 =	sor.u32 s3, s0;
	s1 =	sshll.u32 s1, $0x11  }
0xbb: {  	s0 =	sor.u32 s1, s0  }
0xbc: {  	s0 =	sadd.s32 $0x8F2B, s0  }
0xbd: {  	[sflag:s0] =	ssyncadd.remote.s32 $0x1  }
0xbe: {  	_ =	sfence.sel $0xFFFF  }
0xbf: {  	[dreg:$0x0] =	wrdreg $0xFFFFFFFF;
	(pc) =	sbr.abs _section_cstart, $3  }
0xc0: {  	[dreg:$0x1] =	wrdreg $0xFFFFFFFF  }
0xc1: {  	_ =	task.clear_ibuf [dreg:s7], $0x2FFFF;
	_ =	strace $0x9FFFFFFF  }
0xc2: {  	(tm) =	ssettm $0x7FFFFFFF  }
0xc3: {  	_ =	shalt  }
tec
execute0_lowered:
.L_overlay_start_1:
0x0: {  	(tag) =	ssettag $0x1  }
0x1: {  	s6 =	rddreg [dreg:$0x0]  }
0x2: {  	s7 =	rddreg [dreg:$0x1];
	s2 =	srdreg.scid  }
0x3: {  	s1 =	stileid.u32;
	s0 =	rddreg [dreg:$0x2];
	s13 =	simm.s32 $0x6000  }
0x4: {  	s14 =	simm.s32 $0x2800;
	s15 =	simm.s32 $0x80;
	s16 =	simm.s32 $0x400  }
0x5: {  	s17 =	simm.s32 $0x0;
	s4 =	sand.u32 $0x1, s2;
	s3 =	sshll.u32 s1, $0x1  }
0x6: {  	s2 =	simm.s32 $0x0;
	s29 =	sshrl.u32 s1, $0x2;
	s8 =	sor.u32 s4, s3  }
0x7: {  	[smem:$0x7FF] =	sst s2;
	s5 =	smul.u32 $0x14000, s29;
	s3 =	sadd.s32 $0xD600, s6  }
0x8: {  	s31 =	ssub.s32 $0x2, s4;
	s4 =	sadd.s32 $0x3800, s6;
	s30 =	sshll.u32 s8, $0x7  }
0x9: {  	_ =	strace $0x80000047;
	s11 =	sshrl.u32 s31, $0x1;
	s9 =	sand.u32 $0x380, s30  }
0xa: {  	s5 =	sor.u32 s5, s9;
	s9 =	ssub.s32 s31, s11;
	s11 =	simm.s32 $0x1  }
0xb: {  	s10 =	sshrl.u32 s5, $0x3;
	s5 =	sadd.s32 $0x17400, s6;
	s9 =	smax.u32 s9, $0x1  }
0xc: {  	s12 =	sadd.s32 s10, s6;
	s6 =	smul.u32 $0x2710, s8;
	s7 =	sadd.s32 s7, s10  }
0xd: {  	v0 =	vimm.f32 $0.0e+00;
	s10 =	simm.s32 $0x5000;
	s8 =	sadd.s32 $0x21200, s12;
	s12 =	simm.s32 $0x5800  }
.LBB2_1:
0xe: {  	s18 =	simm.s32 $0x40;
	s19 =	simm.s32 $0x0  }
.LBB2_2:
0xf: {  	p0 =	sne.s32 s18, $0x9FC0;
	[tilespmem:s19+$0x0] =	vst v0;
	s20 =	smov.u32 s18;
	s18 =	sadd.s32 $0x40, s18  }
.Ltmp0:
0x10: {  	[tilespmem:s19+$0x2800] =	vst v0;
	(pc) =	sbr.rel @p0 .LBB2_2-.Ltmp0, $2  }
0x11: {  	_ =	sdelay $0x2  }
0x12: {  	s19 =	sshra.s32 s20, $0x2  }
0x13: {  	[tilespmem:s19+$0x0] =	vst v0  }
0x14: {  	s18 =	simm.s32 $0x0;
	[tilespmem:s19+$0x2800] =	vst v0;
	s19 =	simm.s32 $0x0  }
.LBB2_4:
0x15: {  	s20 =	smul.u32 $0x7D0, s19;
	_ =	sdelay $0x1  }
0x16: {  	s20 =	sadd.s32 s6, s20  }
0x17: {  	s20 =	sshrl.u32 s20, $0x3  }
0x18: {  	s21 =	sadd.s32 s3, s20  }
0x19: {  	[tilespmem:s10], [sflag:$0x1] =	stream.linear.gather [hbm4b:s21+s18], $0x7D0, $0x38;
	[tilespmem:$0x6800] =	vst v63  }
0x1a: {  	_ =	swait.ge [sflag:s11], $0x7D0  }
0x1b: {  	[sflag:s11] =	ssyncset.done $0x0  }
0x1c: {  	s31 =	sadd.s32 s4, s20;
	[sflag:s11] =	ssyncadd.s32 $0xFFFFF830  }
0x1d: {  	[tilespmem:s12], [sflag:$0x1] =	stream.linear.gather [hbm4b:s31+s18], $0x7D0, $0x38;
	[tilespmem:$0x6800] =	vst v63  }
0x1e: {  	_ =	swait.ge [sflag:s11], $0x7D0  }
0x1f: {  	[sflag:s11] =	ssyncset.done $0x0  }
0x20: {  	s20 =	sadd.s32 s5, s20;
	[sflag:s11] =	ssyncadd.s32 $0xFFFFF830  }
0x21: {  	[tilespmem:s13], [sflag:$0x1] =	stream.linear.gather [hbm4b:s20+s18], $0x7D0, $0x38;
	[tilespmem:$0x6800] =	vst v63  }
0x22: {  	_ =	swait.ge [sflag:s11], $0x7D0  }
0x23: {  	[sflag:s11] =	ssyncset.done $0x0  }
0x24: {  	s21 =	simm.s32 $0x0;
	[sflag:s11] =	ssyncadd.s32 $0xFFFFF830  }
0x25: {  	s20 =	simm.s32 $0x40;
	v1 =	vld [tilespmem:s21+$0x5000]  }
.LBB2_5:
0x26: {  	p0 =	sne.s32 s20, $0x1F00;
	v2 =	vld [tilespmem:s21+$0x5800];
	_ =	sdelay $0x1  }
0x27: {  	v3 =	vld [tilespmem:s21+$0x6000];
	_ =	sdelay $0x2  }
.Ltmp1:
0x28: {  	(pc) =	sbr.rel @p0 .LBB2_5-.Ltmp1, $4  }
0x29: {  	_ = 	snop  }
0x2a: {  	[tilespmem:v1+s2+$0x0] =	vst.idx.add.f32.msk $0xffff, v3  }
0x2b: {  	s21 =	sshra.s32 s20, $0x2;
	[tilespmem:v2+s14+$0x0] =	vst.idx.add.f32.msk $0xffff, v3  }
0x2c: {  	s20 =	sadd.s32 $0x40, s20;
	v1 =	vld [tilespmem:s21+$0x5000]  }
0x2d: {  	_ = 	snop  }
0x2e: {  	v2 =	vld [tilespmem:s21+$0x5800];
	_ =	sdelay $0x1  }
0x2f: {  	v3 =	vld [tilespmem:s21+$0x6000];
	s19 =	sadd.s32 $0x1, s19  }
0x30: {  	p0 =	sne.s32 s19, $0x5  }
.Ltmp2:
0x31: {  	_ = 	snop;
	(pc) =	sbr.rel @p0 .LBB2_4-.Ltmp2, $3  }
0x32: {  	_ =	sdelay $0x1  }
0x33: {  	[tilespmem:v1+s2+$0x0] =	vst.idx.add.f32.msk $0xffff, v3  }
0x34: {  	[tilespmem:v2+s14+$0x0] =	vst.idx.add.f32.msk $0xffff, v3  }
0x35: {  	[hbm4b:s7+s15] =	stream.strided.scatter [tilespmem:s2], [sflag:$0x1], $0x2800, s16, s15, $0x38;
	[tilespmem:$0x6800] =	vst v63  }
0x36: {  	s17 =	sadd.s32 $0x1, s17;
	_ =	swait.ge [sflag:s11], $0x2800  }
0x37: {  	p0 =	sne.s32 s17, s9;
	[sflag:s11] =	ssyncset.done $0x0  }
.Ltmp3:
0x38: {  	[sflag:s11] =	ssyncadd.s32 $0xFFFFD800;
	(pc) =	sbr.rel @p0 .LBB2_1-.Ltmp3, $4  }
0x39: {  	[hbm4b:s8+s15] =	stream.strided.scatter [tilespmem:s14], [sflag:$0x1], $0x2800, s16, s15, $0x38;
	[tilespmem:$0x6800] =	vst v63  }
0x3a: {  	_ =	swait.ge [sflag:s11], $0x2800  }
0x3b: {  	[sflag:s11] =	ssyncset.done $0x0  }
0x3c: {  	[sflag:s11] =	ssyncadd.s32 $0xFFFFD800  }
0x3d: {  	_ =	sfence.sel $0x180000  }
0x3e: {  	[bflag:$0x0] =	sbarrier.arrive $0xFFFF  }
0x3f: {  	p0 =	sne.s32 s1, $0x0;
	_ =	strace $0x90000047  }
0x40: {  	s0 =	sadd.s32 @!p0 $0x100000, s0;
	[bflag:$0x2] =	sbarrier.arrive $0xFFFF  }
0x41: {  	[sflag:s0] =	ssyncadd.tile.s32 @!p0 $0x1;
	_ =	shalt  }
.Lfunc_end2:
_tile_overlayer_lowered:
.L_overlay_start_2:
0x42: {  	(tag) =	ssettag $0x2  }
0x43: {  	s0 =	rddreg [dreg:$0x0];
	s2 =	stileid.u32  }
0x44: {  	s1 =	rddreg [dreg:$0x1];
	p0 =	sne.s32 s2, $0x0  }
0x45: {  	s3 =	rddreg [dreg:$0x2];
	[bflag:$0x3] =	sbarrier.arrive $0xFFFF;
	s2 =	simm.s32 @!p0 $0x1C01  }
0x46: {  	[timem:s3], [sflag:s2] =	dma.local @!p0 [hbm:s0], s1  }
0x47: {  	s0 =	simm.s32 @!p0 $0x1  }
0x48: {  	_ =	swait.ge @!p0 [sflag:s0], s1  }
0x49: {  	s1 =	ssub.s32 @!p0 $0x0, s1;
	[sflag:s0] =	ssyncset.done @!p0 $0x0  }
0x4a: {  	[sflag:s0] =	ssyncadd.s32 @!p0 s1  }
0x4b: {  	[bflag:$0x3] =	sbarrier.arrive $0xFFFF  }
0x4c: {  	_ =	shalt  }

// kernel: kernel.14.cloned.1.call-start
scs
__scs_entry_jumppad:
0x0: {  	(pc) =	sbr.rel $0x88, $3  }
0x1: {  	(tag) =	ssettag $0x0;
	lr =	simm.s32 $0x1  }
0x2: {  	[smem:$0x3F98] =	sst lr;
	_ =	strace $0xD0000000  }
0x3: {  	_ = 	snop  }
0x4: {  	_ = 	snop  }
0x5: {  	_ = 	snop  }
0x6: {  	_ = 	snop  }
0x7: {  	_ = 	snop  }
__scs_overlays_trampoline_lowered:
0x8: {  	[smem:$0x3FA7] =	sst s0  }
0x9: {  	[smem:$0x3FA8] =	sst s1  }
0xa: {  	[smem:$0x3FA9] =	sst s2  }
0xb: {  	[smem:$0x3FAA] =	sst s3  }
0xc: {  	[smem:$0x3FAB] =	sst s4  }
0xd: {  	[smem:$0x3FAC] =	sst s5  }
0xe: {  	[smem:$0x3FAD] =	sst s6  }
0xf: {  	[smem:$0x3FAE] =	sst s7  }
0x10: {  	[smem:$0x3FAF] =	sst s8  }
0x11: {  	[smem:$0x3FB0] =	sst s9;
	s0 =	simm.s32 @!p0 $0x0  }
0x12: {  	s1 =	sld [smem:$0x3F96];
	s0 =	simm.s32 @p0 $0x1  }
0x13: {  	[smem:$0x3FB1] =	sst s0;
	s0 =	simm.s32 @!p1 $0x0  }
0x14: {  	s2 =	sld [smem:$0x3F95];
	s0 =	simm.s32 @p1 $0x1  }
0x15: {  	[smem:$0x3FB2] =	sst s0;
	s0 =	simm.s32 @!p2 $0x0  }
0x16: {  	s3 =	sld [smem:$0x3FDB];
	s0 =	simm.s32 @p2 $0x1  }
0x17: {  	s4 =	simm.s32 $0x1BF5;
	[smem:$0x3FB4] =	sst s0  }
0x18: {  	s0 =	sld [smem:$0x3F97];
	_ =	swait.ge [sflag:s4], $0x0  }
0x19: {  	s7 =	sld [smem:$0x3F98]  }
0x1a: {  	s8 =	sadd.s32 $0xFFFFE003, lr  }
0x1b: {  	s9 =	sadd.s32 $0xFFFFFEF7, lr;
	s5 =	simm.s32 $0xFFFFFFFF;
	p2 =	slt.u32 s8, $0xFFFFF086  }
0x1c: {  	p1 =	slt.u32 s9, $0xF7A;
	s5 =	simm.s32 @!p2 $0x0  }
0x1d: {  	s5 =	simm.s32 @p1 $0x1;
	p0 =	seq.s32 s7, s2  }
0x1e: {  	s7 =	smul.u32 @!p0 $0xF7A, s2;
	p2 =	seq.s32 @!p0 s5, $0x0  }
0x1f: {  	s9 =	smul.u32 $0xF7A, s1;
	s8 =	simm.s32 @!p0 $0x1BF5;
	p2 =	por !p2, p0  }
0x20: {  	[sflag:s8] =	ssyncset.s32 @!p0 $0xFFFFF086;
	s6 =	sadd.s32 @!p0 s3, s7;
	s7 =	simm.s32 @!p0 $0x108  }
0x21: {  	s3 =	sadd.s32 s3, s9;
	s6 =	sadd.s32 @!p0 $0x88, s6;
	s7 =	simm.s32 @p2 $0x1082  }
0x22: {  	[simem:s7], [sflag:s8] =	dma.local @!p0 [hbm:s6], $0xF7A  }
0x23: {  	s9 =	sor.u32 $0xD0000000, s2;
	s6 =	simm.s32 $0x108;
	_ =	swait.ge @!p0 [sflag:s8], $0x0  }
0x24: {  	s3 =	sadd.s32 $0x88, s3;
	s6 =	simm.s32 @!p1 $0x1082;
	[sflag:s4] =	ssyncset.s32 $0xFFFFF086  }
0x25: {  	[simem:s6], [sflag:s4] =	dma.local [hbm:s3], $0xF7A  }
0x26: {  	[smem:$0x3F98] =	sst s1;
	(tag) =	ssettag s2;
	_ =	strace s9  }
0x27: {  	s1 =	sld [smem:$0x3FA8]  }
0x28: {  	s2 =	sld [smem:$0x3FA9]  }
0x29: {  	s4 =	sld [smem:$0x3FAB]  }
0x2a: {  	p0 =	seq.s32 s5, $0x0;
	s5 =	sld [smem:$0x3FAC]  }
0x2b: {  	s6 =	sld [smem:$0x3FAD]  }
0x2c: {  	s7 =	sld [smem:$0x3FAE]  }
0x2d: {  	s3 =	simm.s32 $0x108;
	s8 =	sld [smem:$0x3FAF]  }
0x2e: {  	s3 =	simm.s32 @!p0 $0x1082;
	s9 =	sld [smem:$0x3FB0]  }
0x2f: {  	lr =	sadd.s32 s0, s3;
	s0 =	sld [smem:$0x3FA7]  }
0x30: {  	s3 =	sld [smem:$0x3FAA]  }
0x31: {  	[smem:$0x3FB3] =	sst s10  }
0x32: {  	s10 =	sld [smem:$0x3FB1];
	_ =	sdelay $0x3  }
0x33: {  	p0 =	seq.s32 s10, $0x1;
	s10 =	sld [smem:$0x3FB3];
	_ =	sdelay $0x3  }
0x34: {  	[smem:$0x3FB3] =	sst s10  }
0x35: {  	s10 =	sld [smem:$0x3FB2];
	_ =	sdelay $0x3  }
0x36: {  	p1 =	seq.s32 s10, $0x1;
	s10 =	sld [smem:$0x3FB3];
	_ =	sdelay $0x3  }
0x37: {  	[smem:$0x3FB3] =	sst s10  }
0x38: {  	s10 =	sld [smem:$0x3FB4]  }
0x39: {  	_ = 	snop;
	(pc) =	sbr.ind lr, $3  }
0x3a: {  	_ = 	snop  }
0x3b: {  	_ = 	snop  }
0x3c: {  	p2 =	seq.s32 s10, $0x1;
	s10 =	sld [smem:$0x3FB3]  }
0x3d: {  	_ =	shalt  }
0x3e: {  	_ =	shalt  }
0x3f: {  	_ =	shalt  }
0x40: {  	_ =	shalt  }
0x41: {  	_ =	shalt  }
0x42: {  	_ =	shalt  }
0x43: {  	_ =	shalt  }
0x44: {  	_ =	shalt  }
0x45: {  	_ =	shalt  }
0x46: {  	_ =	shalt  }
0x47: {  	_ =	shalt  }
0x48: {  	_ =	shalt  }
0x49: {  	_ =	shalt  }
0x4a: {  	_ =	shalt  }
0x4b: {  	_ =	shalt  }
0x4c: {  	_ =	shalt  }
0x4d: {  	_ =	shalt  }
0x4e: {  	_ =	shalt  }
0x4f: {  	_ =	shalt  }
0x50: {  	_ =	shalt  }
0x51: {  	_ =	shalt  }
0x52: {  	_ =	shalt  }
0x53: {  	_ =	shalt  }
0x54: {  	_ =	shalt  }
0x55: {  	_ =	shalt  }
0x56: {  	_ =	shalt  }
0x57: {  	_ =	shalt  }
0x58: {  	_ =	shalt  }
0x59: {  	_ =	shalt  }
0x5a: {  	_ =	shalt  }
0x5b: {  	_ =	shalt  }
0x5c: {  	_ =	shalt  }
0x5d: {  	_ =	shalt  }
0x5e: {  	_ =	shalt  }
0x5f: {  	_ =	shalt  }
0x60: {  	_ =	shalt  }
0x61: {  	_ =	shalt  }
0x62: {  	_ =	shalt  }
0x63: {  	_ =	shalt  }
0x64: {  	_ =	shalt  }
0x65: {  	_ =	shalt  }
0x66: {  	_ =	shalt  }
0x67: {  	_ =	shalt  }
0x68: {  	_ =	shalt  }
0x69: {  	_ =	shalt  }
0x6a: {  	_ =	shalt  }
0x6b: {  	_ =	shalt  }
0x6c: {  	_ =	shalt  }
0x6d: {  	_ =	shalt  }
0x6e: {  	_ =	shalt  }
0x6f: {  	_ =	shalt  }
0x70: {  	_ =	shalt  }
0x71: {  	_ =	shalt  }
0x72: {  	_ =	shalt  }
0x73: {  	_ =	shalt  }
0x74: {  	_ =	shalt  }
0x75: {  	_ =	shalt  }
0x76: {  	_ =	shalt  }
0x77: {  	_ =	shalt  }
0x78: {  	_ =	shalt  }
0x79: {  	_ =	shalt  }
0x7a: {  	_ =	shalt  }
0x7b: {  	_ =	shalt  }
0x7c: {  	_ =	shalt  }
0x7d: {  	_ =	shalt  }
0x7e: {  	_ =	shalt  }
0x7f: {  	_ =	shalt  }
0x80: {  	_ =	shalt  }
0x81: {  	_ =	shalt  }
0x82: {  	_ =	shalt  }
0x83: {  	_ =	shalt  }
0x84: {  	_ =	shalt  }
0x85: {  	_ =	shalt  }
0x86: {  	_ =	shalt  }
0x87: {  	_ =	shalt  }
.Lfunc_end0:
.L_simem_size_0:
called_computation.1_lowered:
.L_overlay_start_0:
0x88: {  	s2 =	sld [smem:$0x3FD9]  }
0x89: {  	s3 =	sld [smem:$0x3FFE];
	_ =	sdelay $0x1  }
0x8a: {  	s1 =	srdreg.scid  }
0x8b: {  	s0 =	sand.u32 $0x1, s1  }
0x8c: {  	s16 =	sshll.u32 s0, $0xA;
	s2 =	sadd.s32 s3, s2  }
0x8d: {  	s2 =	sadd.s32 s2, s16  }
0x8e: {  	[smem:$0x3FBF] =	sst s2  }
0x8f: {  	_ = 	snop  }
0x90: {  	(tm) =	ssettm $0x1  }
0x91: {  	s17 =	sld [smem:$0x3FFB];
	_ =	sdelay $0x3  }
0x92: {  	_ =	strace s17  }
0x93: {  	s2 =	sld [smem:$0x3FFC];
	_ =	sdelay $0x3  }
0x94: {  	_ =	strace s2  }
0x95: {  	s2 =	sld [smem:$0x3FFD];
	_ =	sdelay $0x3  }
0x96: {  	_ =	strace s2  }
0x97: {  	_ =	strace $0x8FFFFFFF  }
0x98: {  	s18 =	sld [smem:$0x3FDB];
	_ =	sdelay $0x1  }
0x99: {  	s19 =	simm.s32 $_scs_section_size  }
0x9a: {  	s4 =	simm.s32 $_size__tile_overlayer_lowered;
	s5 =	simm.s32 $_tile_overlayer_lowered  }
0x9b: {  	s22 =	simm.s32 $0x1BFF;
	s21 =	sshll.u32 s5, $0x1;
	s2 =	sadd.s32 s19, s18  }
0x9c: {  	s6 =	simm.s32 $0x0;
	s20 =	sshll.u32 s4, $0x1;
	s4 =	sadd.s32 s21, s2  }
0x9d: {  	[timem:s6], [sflag:s22] =	dma.local [hbm:s4], s20  }
0x9e: {  	_ =	swait.ge [sflag:s22], s20  }
0x9f: {  	s3 =	ssub.s32 $0x0, s20;
	[sflag:s22] =	ssyncset.done $0x0  }
0xa0: {  	[sflag:s22] =	ssyncadd.s32 s3;
	_ =	sdelay $0x1  }
0xa1: {  	s23 =	simm.s32 $0x1B8B  }
0xa2: {  	_ =	swait.ge [sflag:s23], $0x1  }
0xa3: {  	[sflag:s23] =	ssyncset.done $0x0  }
0xa4: {  	s25 =	simm.s32 $0x1B8E;
	s24 =	sld [smem:$0x3FFE];
	[sflag:s23] =	ssyncadd.s32 $0xFFFFFFFF  }
0xa5: {  	s26 =	simm.s32 $execute0_lowered;
	[smem:$0x3FD2] =	sst s25  }
0xa6: {  	s4 =	sshll.u32 s26, $0x1;
	_ =	strace $0x80000049;
	[dreg:$0x1] =	wrdreg $0xFFFFFFFF  }
0xa7: {  	s28 =	simm.s32 $_size_execute0_lowered;
	s2 =	sadd.s32 s2, s4;
	[dreg:$0x0] =	wrdreg $0x0  }
0xa8: {  	s4 =	sshll.u32 s28, $0x1;
	[dreg:$0x2] =	wrdreg s2  }
0xa9: {  	[dreg:$0x3] =	wrdreg s4  }
0xaa: {  	[dreg:$0x4] =	wrdreg $0xC0  }
0xab: {  	_ =	task [dreg:s6], $0x5FFFF  }
0xac: {  	[dreg:$0x1] =	wrdreg $0xFFFFFFFF  }
0xad: {  	[dreg:$0x0] =	wrdreg $0x60  }
0xae: {  	[dreg:$0x2] =	wrdreg s24  }
0xaf: {  	[dreg:$0x3] =	wrdreg $0x9  }
0xb0: {  	_ =	task.clear_ibuf [dreg:s6], $0x4FFFF;
	_ =	strace $0x90000049  }
0xb1: {  	s29 =	simm.s32 $0x9;
	_ =	strace $0x8000004B  }
0xb2: {  	_ =	swait.ge [sflag:s29], $0x1  }
0xb3: {  	[sflag:s29] =	ssyncadd.s32 $0xFFFFFFFF  }
0xb4: {  	_ =	strace $0x9000004B  }
0xb5: {  	_ =	sfence  }
0xb6: {  	s30 =	sld [smem:$0x0];
	_ =	sdelay $0x2  }
0xb7: {  	s31 =	sshll.u32 s1, $0xD;
	s1 =	sshrl.u32 s1, $0x2  }
0xb8: {  	s3 =	sand.u32 $0x4000, s31;
	s1 =	sadd.s32 s1, s30  }
0xb9: {  	s0 =	sor.u32 s3, s0;
	s1 =	sshll.u32 s1, $0x11  }
0xba: {  	s0 =	sor.u32 s1, s0  }
0xbb: {  	s0 =	sadd.s32 $0x8F2B, s0  }
0xbc: {  	[sflag:s0] =	ssyncadd.remote.s32 $0x1  }
0xbd: {  	_ =	sfence.sel $0xFFFF  }
0xbe: {  	[dreg:$0x0] =	wrdreg $0xFFFFFFFF;
	(pc) =	sbr.abs _section_cstart, $3  }
0xbf: {  	[dreg:$0x1] =	wrdreg $0xFFFFFFFF  }
0xc0: {  	_ =	task.clear_ibuf [dreg:s6], $0x2FFFF;
	_ =	strace $0x9FFFFFFF  }
0xc1: {  	(tm) =	ssettm $0x7FFFFFFF  }
tec
execute0_lowered:
.L_overlay_start_1:
0x0: {  	(tag) =	ssettag $0x1  }
0x1: {  	s9 =	rddreg [dreg:$0x0]  }
0x2: {  	s0 =	rddreg [dreg:$0x1]  }
0x3: {  	s1 =	simm.s32 $0x0;
	s4 =	srdreg.scid;
	s14 =	simm.s32 $0x1  }
0x4: {  	s15 =	simm.s32 $0x2800;
	s16 =	simm.s32 $0x5000;
	s17 =	simm.s32 $0x5800  }
0x5: {  	s18 =	simm.s32 $0x6000;
	s19 =	simm.s32 $0x6800;
	s20 =	simm.s32 $0x7000  }
0x6: {  	s21 =	simm.s32 $0x0;
	[smem:$0x7FF] =	sst s1;
	s2 =	sadd.s32 $0xD600, s9  }
0x7: {  	s3 =	sadd.s32 $0x3800, s9;
	s5 =	sadd.s32 $0x17400, s9;
	s6 =	sadd.s32 $0x21200, s9  }
0x8: {  	s10 =	sand.u32 $0x1, s4;
	s7 =	sadd.s32 $0x21C00, s9;
	s4 =	stileid.u32  }
0x9: {  	s8 =	sadd.s32 $0x2BA00, s9;
	s9 =	sadd.s32 $0x21210, s9;
	s11 =	ssub.s32 $0x2, s10  }
0xa: {  	_ =	strace $0x8000004A;
	s13 =	sshll.u32 s4, $0x1;
	s12 =	sshrl.u32 s11, $0x1  }
0xb: {  	s10 =	sor.u32 s10, s13;
	s13 =	simm.s32 $0x100;
	s11 =	ssub.s32 s11, s12  }
0xc: {  	s10 =	smul.u32 $0x2710, s10;
	s12 =	simm.s32 $0x80;
	s11 =	smax.u32 s11, $0x1  }
.LBB2_1:
0xd: {  	[tilespmem:s1], [sflag:$0x1] =	stream.strided.gather [hbm4b:s6+s12], $0x2800, s13, s12, $0x38;
	[tilespmem:$0x7800] =	vst v63  }
0xe: {  	_ =	swait.ge [sflag:s14], $0x2800  }
0xf: {  	[sflag:s14] =	ssyncset.done $0x0  }
0x10: {  	[sflag:s14] =	ssyncadd.s32 $0xFFFFD800  }
0x11: {  	[tilespmem:s15], [sflag:$0x1] =	stream.strided.gather [hbm4b:s9+s12], $0x2800, s13, s12, $0x38;
	[tilespmem:$0x7800] =	vst v63  }
0x12: {  	_ =	swait.ge [sflag:s14], $0x2800  }
0x13: {  	[sflag:s14] =	ssyncset.done $0x0  }
0x14: {  	s22 =	simm.s32 $0x0;
	[sflag:s14] =	ssyncadd.s32 $0xFFFFD800  }
.LBB2_2:
0x15: {  	s23 =	smul.u32 $0x7D0, s22;
	_ =	sdelay $0x1  }
0x16: {  	s23 =	sadd.s32 s10, s23  }
0x17: {  	s23 =	sshrl.u32 s23, $0x3  }
0x18: {  	s25 =	simm.s32 $0x0;
	s24 =	sadd.s32 s2, s23  }
0x19: {  	[tilespmem:s16], [sflag:$0x1] =	stream.linear.gather [hbm4b:s24+s25], $0x7D0, $0x38;
	[tilespmem:$0x7800] =	vst v63  }
0x1a: {  	_ =	swait.ge [sflag:s14], $0x7D0  }
0x1b: {  	[sflag:s14] =	ssyncset.done $0x0  }
0x1c: {  	s30 =	sadd.s32 s3, s23;
	[sflag:s14] =	ssyncadd.s32 $0xFFFFF830  }
0x1d: {  	[tilespmem:s17], [sflag:$0x1] =	stream.linear.gather [hbm4b:s30+s25], $0x7D0, $0x38;
	[tilespmem:$0x7800] =	vst v63  }
0x1e: {  	_ =	swait.ge [sflag:s14], $0x7D0  }
0x1f: {  	[sflag:s14] =	ssyncset.done $0x0  }
0x20: {  	s31 =	sadd.s32 s5, s23;
	[sflag:s14] =	ssyncadd.s32 $0xFFFFF830  }
0x21: {  	[tilespmem:s18], [sflag:$0x1] =	stream.linear.gather [hbm4b:s31+s25], $0x7D0, $0x38;
	[tilespmem:$0x7800] =	vst v63  }
0x22: {  	_ =	swait.ge [sflag:s14], $0x7D0  }
0x23: {  	[sflag:s14] =	ssyncset.done $0x0  }
0x24: {  	s24 =	simm.s32 $0x0;
	[sflag:s14] =	ssyncadd.s32 $0xFFFFF830  }
0x25: {  	v2 =	vld [tilespmem:s24+$0x5000]  }
0x26: {  	v3 =	vld [tilespmem:s24+$0x5800];
	_ =	sdelay $0x5  }
0x27: {  	v1 =	vld [tilespmem:s24+$0x6000];
	v4 =	vshll.u32 v3, $0x10  }
0x28: {  	v4 =	vor.u32 v2, v4;
	v0 =	vld.idx.msk [tilespmem:v2+s1+$0x0], $0xffff  }
0x29: {  	s26 =	simm.s32 $0x80;
	s25 =	simm.s32 $0x10;
	v2 =	vld.idx.msk [tilespmem:v3+s15+$0x0], $0xffff;
	[tilespmem:s24+$0x7000] =	vst v4  }
.LBB2_3:
0x2a: {  	p0 =	sne.s32 s26, $0x1F00;
	v3 =	vld [tilespmem:s25+$0x5000];
	_ =	sdelay $0x1  }
0x2b: {  	v4 =	vld [tilespmem:s25+$0x5800]  }
0x2c: {  	v0 =	vmul.f32 v0, v1;
	_ =	sdelay $0x1  }
0x2d: {  	v0 =	vmul.f32 v2, v0  }
.Ltmp0:
0x2e: {  	(pc) =	sbr.rel @p0 .LBB2_3-.Ltmp0, $4  }
0x2f: {  	[tilespmem:s24+$0x6800] =	vst v0;
	s24 =	smov.u32 s25  }
0x30: {  	v2 =	vshll.u32 v4, $0x10;
	v0 =	vld.idx.msk [tilespmem:v3+s1+$0x0], $0xffff  }
0x31: {  	v3 =	vor.u32 v3, v2;
	v1 =	vld [tilespmem:s24+$0x6000]  }
0x32: {  	s25 =	sshra.s32 s26, $0x2;
	s26 =	sadd.s32 $0x40, s26;
	v2 =	vld.idx.msk [tilespmem:v4+s15+$0x0], $0xffff;
	[tilespmem:s24+$0x7000] =	vst v3  }
0x33: {  	v3 =	vld [tilespmem:s25+$0x5000];
	_ =	sdelay $0x2  }
0x34: {  	v4 =	vld [tilespmem:s25+$0x5800];
	v0 =	vmul.f32 v0, v1;
	_ =	sdelay $0x1  }
0x35: {  	v0 =	vmul.f32 v2, v0;
	_ =	sdelay $0x1  }
0x36: {  	[tilespmem:s24+$0x6800] =	vst v0  }
0x37: {  	v0 =	vld.idx.msk [tilespmem:v3+s1+$0x0], $0xffff  }
0x38: {  	v61 =	vld [tilespmem:s25+$0x6000];
	_ =	sdelay $0x1  }
0x39: {  	v62 =	vld.idx.msk [tilespmem:v4+s15+$0x0], $0xffff;
	_ =	sdelay $0x2  }
0x3a: {  	v0 =	vmul.f32 v0, v61  }
0x3b: {  	v63 =	vshll.u32 v4, $0x10  }
0x3c: {  	v1 =	vor.u32 v3, v63;
	v0 =	vmul.f32 v62, v0  }
0x3d: {  	[tilespmem:s25+$0x7000] =	vst v1  }
0x3e: {  	s30 =	sadd.s32 s7, s23;
	[tilespmem:s25+$0x6800] =	vst v0  }
0x3f: {  	[hbm4b:s30+s1] =	stream.linear.scatter [tilespmem:s19], [sflag:$0x1], $0x7D0, $0x38;
	[tilespmem:$0x7800] =	vst v63  }
0x40: {  	s22 =	sadd.s32 $0x1, s22;
	_ =	swait.ge [sflag:s14], $0x7D0  }
0x41: {  	p0 =	sne.s32 s22, $0x5;
	[sflag:s14] =	ssyncset.done $0x0  }
.Ltmp1:
0x42: {  	s31 =	sadd.s32 s8, s23;
	[sflag:s14] =	ssyncadd.s32 $0xFFFFF830;
	(pc) =	sbr.rel @p0 .LBB2_2-.Ltmp1, $4  }
0x43: {  	[hbm4b:s31+s1] =	stream.linear.scatter [tilespmem:s20], [sflag:$0x1], $0x7D0, $0x38;
	[tilespmem:$0x7800] =	vst v63  }
0x44: {  	_ =	swait.ge [sflag:s14], $0x7D0  }
0x45: {  	[sflag:s14] =	ssyncset.done $0x0  }
0x46: {  	[sflag:s14] =	ssyncadd.s32 $0xFFFFF830  }
0x47: {  	s21 =	sadd.s32 $0x1, s21  }
0x48: {  	p0 =	sne.s32 s21, s11  }
.Ltmp2:
0x49: {  	_ = 	snop;
	(pc) =	sbr.rel @p0 .LBB2_1-.Ltmp2, $1  }
0x4a: {  	_ =	sdelay $0x3  }
0x4b: {  	_ =	sfence.sel $0x180000  }
0x4c: {  	[bflag:$0x0] =	sbarrier.arrive $0xFFFF  }
0x4d: {  	p0 =	sne.s32 s4, $0x0;
	_ =	strace $0x9000004A  }
0x4e: {  	s0 =	sadd.s32 @!p0 $0x100000, s0;
	[bflag:$0x2] =	sbarrier.arrive $0xFFFF  }
0x4f: {  	[sflag:s0] =	ssyncadd.tile.s32 @!p0 $0x1;
	_ =	shalt  }
.Lfunc_end2:
_tile_overlayer_lowered:
.L_overlay_start_2:
0x50: {  	(tag) =	ssettag $0x2  }
0x51: {  	s0 =	rddreg [dreg:$0x0];
	s2 =	stileid.u32  }
0x52: {  	s1 =	rddreg [dreg:$0x1];
	p0 =	sne.s32 s2, $0x0  }
0x53: {  	s3 =	rddreg [dreg:$0x2];
	[bflag:$0x3] =	sbarrier.arrive $0xFFFF;
	s2 =	simm.s32 @!p0 $0x1C01  }
0x54: {  	[timem:s3], [sflag:s2] =	dma.local @!p0 [hbm:s0], s1  }
0x55: {  	s0 =	simm.s32 @!p0 $0x1  }
0x56: {  	_ =	swait.ge @!p0 [sflag:s0], s1  }
0x57: {  	s1 =	ssub.s32 @!p0 $0x0, s1;
	[sflag:s0] =	ssyncset.done @!p0 $0x0  }
0x58: {  	[sflag:s0] =	ssyncadd.s32 @!p0 s1  }
0x59: {  	[bflag:$0x3] =	sbarrier.arrive $0xFFFF  }
0x5a: {  	_ =	shalt  }

// kernel: kernel.17.cloned.1.call-start
scs
__scs_entry_jumppad:
0x0: {  	(pc) =	sbr.rel $0x88, $3  }
0x1: {  	(tag) =	ssettag $0x0;
	lr =	simm.s32 $0x1  }
0x2: {  	[smem:$0x3F98] =	sst lr;
	_ =	strace $0xD0000000  }
0x3: {  	_ = 	snop  }
0x4: {  	_ = 	snop  }
0x5: {  	_ = 	snop  }
0x6: {  	_ = 	snop  }
0x7: {  	_ = 	snop  }
__scs_overlays_trampoline_lowered:
0x8: {  	[smem:$0x3FA7] =	sst s0  }
0x9: {  	[smem:$0x3FA8] =	sst s1  }
0xa: {  	[smem:$0x3FA9] =	sst s2  }
0xb: {  	[smem:$0x3FAA] =	sst s3  }
0xc: {  	[smem:$0x3FAB] =	sst s4  }
0xd: {  	[smem:$0x3FAC] =	sst s5  }
0xe: {  	[smem:$0x3FAD] =	sst s6  }
0xf: {  	[smem:$0x3FAE] =	sst s7  }
0x10: {  	[smem:$0x3FAF] =	sst s8  }
0x11: {  	[smem:$0x3FB0] =	sst s9;
	s0 =	simm.s32 @!p0 $0x0  }
0x12: {  	s1 =	sld [smem:$0x3F96];
	s0 =	simm.s32 @p0 $0x1  }
0x13: {  	[smem:$0x3FB1] =	sst s0;
	s0 =	simm.s32 @!p1 $0x0  }
0x14: {  	s2 =	sld [smem:$0x3F95];
	s0 =	simm.s32 @p1 $0x1  }
0x15: {  	[smem:$0x3FB2] =	sst s0;
	s0 =	simm.s32 @!p2 $0x0  }
0x16: {  	s3 =	sld [smem:$0x3FDB];
	s0 =	simm.s32 @p2 $0x1  }
0x17: {  	s4 =	simm.s32 $0x1BF5;
	[smem:$0x3FB4] =	sst s0  }
0x18: {  	s0 =	sld [smem:$0x3F97];
	_ =	swait.ge [sflag:s4], $0x0  }
0x19: {  	s7 =	sld [smem:$0x3F98]  }
0x1a: {  	s8 =	sadd.s32 $0xFFFFE003, lr  }
0x1b: {  	s9 =	sadd.s32 $0xFFFFFEF7, lr;
	s5 =	simm.s32 $0xFFFFFFFF;
	p2 =	slt.u32 s8, $0xFFFFF086  }
0x1c: {  	p1 =	slt.u32 s9, $0xF7A;
	s5 =	simm.s32 @!p2 $0x0  }
0x1d: {  	s5 =	simm.s32 @p1 $0x1;
	p0 =	seq.s32 s7, s2  }
0x1e: {  	s7 =	smul.u32 @!p0 $0xF7A, s2;
	p2 =	seq.s32 @!p0 s5, $0x0  }
0x1f: {  	s9 =	smul.u32 $0xF7A, s1;
	s8 =	simm.s32 @!p0 $0x1BF5;
	p2 =	por !p2, p0  }
0x20: {  	[sflag:s8] =	ssyncset.s32 @!p0 $0xFFFFF086;
	s6 =	sadd.s32 @!p0 s3, s7;
	s7 =	simm.s32 @!p0 $0x108  }
0x21: {  	s3 =	sadd.s32 s3, s9;
	s6 =	sadd.s32 @!p0 $0x88, s6;
	s7 =	simm.s32 @p2 $0x1082  }
0x22: {  	[simem:s7], [sflag:s8] =	dma.local @!p0 [hbm:s6], $0xF7A  }
0x23: {  	s9 =	sor.u32 $0xD0000000, s2;
	s6 =	simm.s32 $0x108;
	_ =	swait.ge @!p0 [sflag:s8], $0x0  }
0x24: {  	s3 =	sadd.s32 $0x88, s3;
	s6 =	simm.s32 @!p1 $0x1082;
	[sflag:s4] =	ssyncset.s32 $0xFFFFF086  }
0x25: {  	[simem:s6], [sflag:s4] =	dma.local [hbm:s3], $0xF7A  }
0x26: {  	[smem:$0x3F98] =	sst s1;
	(tag) =	ssettag s2;
	_ =	strace s9  }
0x27: {  	s1 =	sld [smem:$0x3FA8]  }
0x28: {  	s2 =	sld [smem:$0x3FA9]  }
0x29: {  	s4 =	sld [smem:$0x3FAB]  }
0x2a: {  	p0 =	seq.s32 s5, $0x0;
	s5 =	sld [smem:$0x3FAC]  }
0x2b: {  	s6 =	sld [smem:$0x3FAD]  }
0x2c: {  	s7 =	sld [smem:$0x3FAE]  }
0x2d: {  	s3 =	simm.s32 $0x108;
	s8 =	sld [smem:$0x3FAF]  }
0x2e: {  	s3 =	simm.s32 @!p0 $0x1082;
	s9 =	sld [smem:$0x3FB0]  }
0x2f: {  	lr =	sadd.s32 s0, s3;
	s0 =	sld [smem:$0x3FA7]  }
0x30: {  	s3 =	sld [smem:$0x3FAA]  }
0x31: {  	[smem:$0x3FB3] =	sst s10  }
0x32: {  	s10 =	sld [smem:$0x3FB1];
	_ =	sdelay $0x3  }
0x33: {  	p0 =	seq.s32 s10, $0x1;
	s10 =	sld [smem:$0x3FB3];
	_ =	sdelay $0x3  }
0x34: {  	[smem:$0x3FB3] =	sst s10  }
0x35: {  	s10 =	sld [smem:$0x3FB2];
	_ =	sdelay $0x3  }
0x36: {  	p1 =	seq.s32 s10, $0x1;
	s10 =	sld [smem:$0x3FB3];
	_ =	sdelay $0x3  }
0x37: {  	[smem:$0x3FB3] =	sst s10  }
0x38: {  	s10 =	sld [smem:$0x3FB4]  }
0x39: {  	_ = 	snop;
	(pc) =	sbr.ind lr, $3  }
0x3a: {  	_ = 	snop  }
0x3b: {  	_ = 	snop  }
0x3c: {  	p2 =	seq.s32 s10, $0x1;
	s10 =	sld [smem:$0x3FB3]  }
0x3d: {  	_ =	shalt  }
0x3e: {  	_ =	shalt  }
0x3f: {  	_ =	shalt  }
0x40: {  	_ =	shalt  }
0x41: {  	_ =	shalt  }
0x42: {  	_ =	shalt  }
0x43: {  	_ =	shalt  }
0x44: {  	_ =	shalt  }
0x45: {  	_ =	shalt  }
0x46: {  	_ =	shalt  }
0x47: {  	_ =	shalt  }
0x48: {  	_ =	shalt  }
0x49: {  	_ =	shalt  }
0x4a: {  	_ =	shalt  }
0x4b: {  	_ =	shalt  }
0x4c: {  	_ =	shalt  }
0x4d: {  	_ =	shalt  }
0x4e: {  	_ =	shalt  }
0x4f: {  	_ =	shalt  }
0x50: {  	_ =	shalt  }
0x51: {  	_ =	shalt  }
0x52: {  	_ =	shalt  }
0x53: {  	_ =	shalt  }
0x54: {  	_ =	shalt  }
0x55: {  	_ =	shalt  }
0x56: {  	_ =	shalt  }
0x57: {  	_ =	shalt  }
0x58: {  	_ =	shalt  }
0x59: {  	_ =	shalt  }
0x5a: {  	_ =	shalt  }
0x5b: {  	_ =	shalt  }
0x5c: {  	_ =	shalt  }
0x5d: {  	_ =	shalt  }
0x5e: {  	_ =	shalt  }
0x5f: {  	_ =	shalt  }
0x60: {  	_ =	shalt  }
0x61: {  	_ =	shalt  }
0x62: {  	_ =	shalt  }
0x63: {  	_ =	shalt  }
0x64: {  	_ =	shalt  }
0x65: {  	_ =	shalt  }
0x66: {  	_ =	shalt  }
0x67: {  	_ =	shalt  }
0x68: {  	_ =	shalt  }
0x69: {  	_ =	shalt  }
0x6a: {  	_ =	shalt  }
0x6b: {  	_ =	shalt  }
0x6c: {  	_ =	shalt  }
0x6d: {  	_ =	shalt  }
0x6e: {  	_ =	shalt  }
0x6f: {  	_ =	shalt  }
0x70: {  	_ =	shalt  }
0x71: {  	_ =	shalt  }
0x72: {  	_ =	shalt  }
0x73: {  	_ =	shalt  }
0x74: {  	_ =	shalt  }
0x75: {  	_ =	shalt  }
0x76: {  	_ =	shalt  }
0x77: {  	_ =	shalt  }
0x78: {  	_ =	shalt  }
0x79: {  	_ =	shalt  }
0x7a: {  	_ =	shalt  }
0x7b: {  	_ =	shalt  }
0x7c: {  	_ =	shalt  }
0x7d: {  	_ =	shalt  }
0x7e: {  	_ =	shalt  }
0x7f: {  	_ =	shalt  }
0x80: {  	_ =	shalt  }
0x81: {  	_ =	shalt  }
0x82: {  	_ =	shalt  }
0x83: {  	_ =	shalt  }
0x84: {  	_ =	shalt  }
0x85: {  	_ =	shalt  }
0x86: {  	_ =	shalt  }
0x87: {  	_ =	shalt  }
.Lfunc_end0:
.L_simem_size_0:
called_computation.2_lowered:
.L_overlay_start_0:
0x88: {  	s2 =	sld [smem:$0x3FD9]  }
0x89: {  	s3 =	sld [smem:$0x3FFE];
	_ =	sdelay $0x1  }
0x8a: {  	s1 =	srdreg.scid  }
0x8b: {  	s0 =	sand.u32 $0x1, s1  }
0x8c: {  	s17 =	sshll.u32 s0, $0xA;
	s2 =	sadd.s32 s3, s2  }
0x8d: {  	s2 =	sadd.s32 s2, s17  }
0x8e: {  	[smem:$0x3FBF] =	sst s2  }
0x8f: {  	_ = 	snop  }
0x90: {  	s2 =	sld [smem:$0x3FD0];
	(tm) =	ssettm $0x1  }
0x91: {  	s18 =	sld [smem:$0x3FFB];
	_ =	sdelay $0x3  }
0x92: {  	_ =	strace s18  }
0x93: {  	s3 =	sld [smem:$0x3FFC];
	_ =	sdelay $0x3  }
0x94: {  	_ =	strace s3  }
0x95: {  	s3 =	sld [smem:$0x3FFD];
	_ =	sdelay $0x3  }
0x96: {  	_ =	strace s3  }
0x97: {  	_ =	strace $0x8FFFFFFF  }
0x98: {  	s19 =	sld [smem:$0x3FDB];
	_ =	sdelay $0x1  }
0x99: {  	s4 =	simm.s32 $_scs_section_size  }
0x9a: {  	s5 =	simm.s32 $_size__tile_overlayer_lowered;
	s6 =	simm.s32 $_tile_overlayer_lowered  }
0x9b: {  	s22 =	simm.s32 $0x1BFF;
	s21 =	sshll.u32 s6, $0x1;
	s3 =	sadd.s32 s4, s19  }
0x9c: {  	s7 =	simm.s32 $0x0;
	s20 =	sshll.u32 s5, $0x1;
	s5 =	sadd.s32 s21, s3  }
0x9d: {  	[timem:s7], [sflag:s22] =	dma.local [hbm:s5], s20  }
0x9e: {  	_ =	swait.ge [sflag:s22], s20  }
0x9f: {  	s4 =	ssub.s32 $0x0, s20;
	[sflag:s22] =	ssyncset.done $0x0  }
0xa0: {  	[sflag:s22] =	ssyncadd.s32 s4;
	_ =	sdelay $0x1  }
0xa1: {  	s23 =	simm.s32 $0x1B8B  }
0xa2: {  	_ =	swait.ge [sflag:s23], $0x1  }
0xa3: {  	[sflag:s23] =	ssyncset.done $0x0  }
0xa4: {  	s25 =	simm.s32 $0x1B8E;
	s24 =	sld [smem:$0x3FFE];
	[sflag:s23] =	ssyncadd.s32 $0xFFFFFFFF  }
0xa5: {  	s26 =	simm.s32 $execute0_lowered;
	[smem:$0x3FD2] =	sst s25  }
0xa6: {  	s5 =	sshll.u32 s26, $0x1;
	_ =	strace $0x8000004C;
	[dreg:$0x1] =	wrdreg $0xFFFFFFFF  }
0xa7: {  	s28 =	simm.s32 $_size_execute0_lowered;
	s3 =	sadd.s32 s3, s5;
	[dreg:$0x0] =	wrdreg $0x0  }
0xa8: {  	s5 =	sshll.u32 s28, $0x1;
	[dreg:$0x2] =	wrdreg s3  }
0xa9: {  	[dreg:$0x3] =	wrdreg s5  }
0xaa: {  	[dreg:$0x4] =	wrdreg $0xC0  }
0xab: {  	_ =	task [dreg:s7], $0x5FFFF  }
0xac: {  	[dreg:$0x1] =	wrdreg $0xFFFFFFFF  }
0xad: {  	[dreg:$0x0] =	wrdreg $0x60  }
0xae: {  	[dreg:$0x2] =	wrdreg s2  }
0xaf: {  	[dreg:$0x3] =	wrdreg s24  }
0xb0: {  	[dreg:$0x4] =	wrdreg $0x9  }
0xb1: {  	_ =	task.clear_ibuf [dreg:s7], $0x5FFFF;
	_ =	strace $0x9000004C  }
0xb2: {  	s29 =	simm.s32 $0x9;
	_ =	strace $0x8000004E  }
0xb3: {  	_ =	swait.ge [sflag:s29], $0x1  }
0xb4: {  	[sflag:s29] =	ssyncadd.s32 $0xFFFFFFFF  }
0xb5: {  	_ =	strace $0x9000004E  }
0xb6: {  	_ =	sfence  }
0xb7: {  	s30 =	sld [smem:$0x0];
	_ =	sdelay $0x2  }
0xb8: {  	s31 =	sshll.u32 s1, $0xD;
	s1 =	sshrl.u32 s1, $0x2  }
0xb9: {  	s3 =	sand.u32 $0x4000, s31;
	s1 =	sadd.s32 s1, s30  }
0xba: {  	s0 =	sor.u32 s3, s0;
	s1 =	sshll.u32 s1, $0x11  }
0xbb: {  	s0 =	sor.u32 s1, s0  }
0xbc: {  	s0 =	sadd.s32 $0x8F2B, s0  }
0xbd: {  	[sflag:s0] =	ssyncadd.remote.s32 $0x1  }
0xbe: {  	_ =	sfence.sel $0xFFFF  }
0xbf: {  	[dreg:$0x0] =	wrdreg $0xFFFFFFFF;
	(pc) =	sbr.abs _section_cstart, $3  }
0xc0: {  	[dreg:$0x1] =	wrdreg $0xFFFFFFFF  }
0xc1: {  	_ =	task.clear_ibuf [dreg:s7], $0x2FFFF;
	_ =	strace $0x9FFFFFFF  }
0xc2: {  	(tm) =	ssettm $0x7FFFFFFF  }
0xc3: {  	_ =	shalt  }
tec
execute0_lowered:
.L_overlay_start_1:
0x0: {  	(tag) =	ssettag $0x1  }
0x1: {  	s5 =	rddreg [dreg:$0x0]  }
0x2: {  	s7 =	rddreg [dreg:$0x1]  }
0x3: {  	s0 =	rddreg [dreg:$0x2];
	s1 =	simm.s32 $0x0  }
0x4: {  	s6 =	srdreg.scid;
	s2 =	stileid.u32;
	s13 =	simm.s32 $0x12F00  }
0x5: {  	s14 =	simm.s32 $0x10F80;
	s15 =	simm.s32 $0x14E80;
	s16 =	simm.s32 $0x3  }
0x6: {  	s17 =	simm.s32 $0x1;
	s18 =	simm.s32 $0x5000;
	s19 =	simm.s32 $0x2  }
0x7: {  	s20 =	simm.s32 $0x200;
	s21 =	simm.s32 $0x4;
	s22 =	simm.s32 $0x0  }
0x8: {  	[smem:$0x7FF] =	sst s1;
	s3 =	sadd.s32 $0x2BA00, s7;
	s4 =	sadd.s32 $0x21C00, s7  }
0x9: {  	s6 =	sand.u32 $0x1, s6;
	s8 =	smul.u32 $0x14000, s2;
	s10 =	sshrl.u32 s2, $0x1  }
0xa: {  	s11 =	sshll.u32 s2, $0x9;
	_ =	strace $0x8000004D;
	s9 =	sshll.u32 s6, $0x9  }
0xb: {  	s10 =	smul.u32 $0x14000, s10;
	s12 =	sshll.u32 s6, $0x8;
	s11 =	sand.u32 $0x200, s11  }
0xc: {  	s6 =	ssub.s32 $0x2, s6;
	s8 =	sor.u32 s9, s8;
	s28 =	sor.u32 s12, s11  }
.Ltmp0:
0xd: {  	s29 =	sshrl.u32 s6, $0x1;
	s11 =	simm.s32 $0x400;
	(pc) =	sbr.rel .LBB2_1-.Ltmp0, $4  }
0xe: {  	s12 =	simm.s32 $0xF000;
	s8 =	sshrl.u32 s8, $0x3;
	s9 =	sor.u32 s10, s28  }
0xf: {  	s30 =	ssub.s32 s6, s29;
	s6 =	sadd.s32 $0x2BDE8, s7;
	s10 =	simm.s32 $0x100  }
0x10: {  	s8 =	sadd.s32 s8, s7;
	s31 =	sshrl.u32 s9, $0x3;
	s7 =	sadd.s32 $0x21FE8, s7  }
0x11: {  	v0 =	vimm.f32 $0.0e+00;
	s9 =	smax.u32 s30, $0x1;
	s5 =	sadd.s32 s5, s31;
	s8 =	sadd.s32 $0x35800, s8  }
.LBB2_10:
0x12: {  	s22 =	sadd.s32 $0x1, s22  }
0x13: {  	p0 =	sne.s32 s22, s9  }
.Ltmp1:
0x14: {  	_ = 	snop;
	(pc) =	sbr.rel @!p0 .LBB2_11-.Ltmp1, $4  }
0x15: {  	[hbm4b:s8+s20] =	stream.strided.scatter [tilespmem:s18], [sflag:$0x4], $0xA000, s11, s20, $0x38;
	[tilespmem:$0x16E00] =	vst v63  }
0x16: {  	_ =	swait.ge [sflag:s21], $0xA000  }
0x17: {  	[sflag:s21] =	ssyncset.done $0x0  }
0x18: {  	[sflag:s21] =	ssyncadd.s32 $0xFFFF6000  }
.LBB2_1:
0x19: {  	[tilespmem:s1], [sflag:$0x3] =	stream.strided.gather [hbm4b:s5+s10], $0x5000, s11, s10, $0x38;
	[tilespmem:$0x16E00] =	vst v63  }
0x1a: {  	_ = 	snop  }
0x1b: {  	[tilespmem:s12], [sflag:$0x1] =	stream.linear.gather [hbm4b:s3+s1], $0x1F40, $0x38;
	[tilespmem:$0x16E00] =	vst v63  }
0x1c: {  	_ = 	snop  }
0x1d: {  	[tilespmem:s13], [sflag:$0x1] =	stream.linear.gather [hbm4b:s4+s1], $0x1F40, $0x38;
	[tilespmem:$0x16E00] =	vst v63  }
0x1e: {  	s23 =	sand.u32 $0x70, s1;
	s24 =	sand.u32 $0xFE00, s1  }
0x1f: {  	[tilespmem:s14], [sflag:$0x2] =	stream.linear.gather [hbm4b:s6+s1], $0x1F40, $0x38;
	[tilespmem:$0x16E00] =	vst v63  }
0x20: {  	s25 =	sor.u32 s23, s24  }
0x21: {  	[tilespmem:s15], [sflag:$0x2] =	stream.linear.gather [hbm4b:s7+s1], $0x1F40, $0x38;
	[tilespmem:$0x16E00] =	vst v63  }
0x22: {  	[tilespmem:s25+$0x5180] =	vst v0  }
0x23: {  	[tilespmem:s25+$0x5000] =	vst v0  }
0x24: {  	s23 =	simm.s32 $0x10;
	s24 =	simm.s32 $0x0;
	[tilespmem:s25+$0x5080] =	vst v0  }
.LBB2_2:
0x25: {  	s26 =	sand.u32 $0x70, s23;
	[tilespmem:s25+$0x5100] =	vst v0;
	s24 =	sadd.s32 $0x40, s24;
	p0 =	sne.s32 s23, $0x27F0  }
.Ltmp2:
0x26: {  	s23 =	sadd.s32 $0x10, s23;
	s25 =	sand.u32 $0xFE00, s24;
	(pc) =	sbr.rel @p0 .LBB2_2-.Ltmp2, $4  }
0x27: {  	s25 =	sor.u32 s26, s25  }
0x28: {  	[tilespmem:s25+$0x5180] =	vst v0  }
0x29: {  	[tilespmem:s25+$0x5000] =	vst v0  }
0x2a: {  	[tilespmem:s25+$0x5080] =	vst v0  }
0x2b: {  	[tilespmem:s25+$0x5100] =	vst v0  }
0x2c: {  	_ =	swait.ge [sflag:s16], $0x5000  }
0x2d: {  	[sflag:s16] =	ssyncset.done $0x0  }
0x2e: {  	s23 =	simm.s32 $0x0;
	[sflag:s16] =	ssyncadd.s32 $0xFFFFB000  }
.LBB2_4:
0x2f: {  	_ =	swait.ge [sflag:s17], $0x1F40  }
0x30: {  	[sflag:s17] =	ssyncset.done $0x0  }
0x31: {  	[sflag:s17] =	ssyncadd.s32 $0xFFFFE0C0  }
0x32: {  	_ =	swait.ge [sflag:s17], $0x1F40  }
0x33: {  	[sflag:s17] =	ssyncset.done $0x0  }
0x34: {  	s24 =	simm.s32 $0xF020;
	[sflag:s17] =	ssyncadd.s32 $0xFFFFE0C0  }
0x35: {  	v1 =	vld [tilespmem:s24+$0x10];
	_ =	sdelay $0x1  }
0x36: {  	v2 =	vld [tilespmem:s24+$0xFFFFFFF0]  }
0x37: {  	v4 =	vld [tilespmem:s24+$0xFFFFFFE0];
	_ =	sdelay $0x1  }
0x38: {  	v3 =	vld [tilespmem:s24+$0x0];
	v5 =	vshll.u32 v1, $0x1  }
0x39: {  	v6 =	vand.u32 $0x7F, v1;
	v5 =	vand.u32 $0x1FF00, v5  }
0x3a: {  	v7 =	vand.u32 $0x7F, v2;
	v5 =	vor.u32 v6, v5  }
0x3b: {  	s30 =	simm.s32 $0x12F20;
	v8 =	vshll.u32 v2, $0x1;
	v9 =	vshll.u32 v4, $0x1;
	v10 =	vand.u32 $0x7F, v4  }
0x3c: {  	v13 =	vld [tilespmem:s30+$0x10];
	v11 =	vshrl.u32 v1, $0x10;
	v1 =	vshrl.u32 v1, $0xE;
	v9 =	vand.u32 $0x1FF00, v9  }
0x3d: {  	s31 =	simm.s32 $0xF060;
	v15 =	vld [tilespmem:s30+$0xFFFFFFE0];
	v6 =	vand.u32 $0x1FF00, v8;
	v8 =	vshll.u32 v3, $0x1;
	v9 =	vor.u32 v10, v9  }
0x3e: {  	v24 =	vld [tilespmem:s31+$0xFFFFFFF0];
	v6 =	vor.u32 v7, v6;
	v7 =	vand.u32 $0x7F, v3;
	v8 =	vand.u32 $0x1FF00, v8  }
0x3f: {  	v14 =	vshrl.u32 v3, $0x10;
	v11 =	vand.u32 $0x7F, v11;
	v7 =	vor.u32 v7, v8;
	v12 =	vld.idx.msk [tilespmem:v5+s1+$0x0], $0xffff  }
0x40: {  	v26 =	vld [tilespmem:s31+$0x0];
	v1 =	vand.u32 $0x3FE00, v1;
	v10 =	vshrl.u32 v2, $0x10;
	v2 =	vshrl.u32 v2, $0xE  }
0x41: {  	v27 =	vld [tilespmem:s31+$0xFFFFFFE0];
	v18 =	vor.u32 v11, v1;
	v1 =	vshrl.u32 v3, $0xE;
	v3 =	vand.u32 $0x7F, v10  }
0x42: {  	v19 =	vor.u32 $0x80, v18;
	v2 =	vand.u32 $0x3FE00, v2;
	v8 =	vshrl.u32 v4, $0x10;
	v17 =	vld.idx.msk [tilespmem:v9+s1+$0x0], $0xffff  }
0x43: {  	v21 =	vand.u32 $0x3FE00, v1;
	v1 =	vld [tilespmem:s30+$0x0];
	v4 =	vshrl.u32 v4, $0xE;
	v8 =	vand.u32 $0x7F, v8  }
0x44: {  	v4 =	vand.u32 $0x3FE00, v4;
	v5 =	vor.u32 $0x80, v5;
	v10 =	vld.idx.msk [tilespmem:v7+s1+$0x0], $0xffff;
	v20 =	vunpack.i.l.bf16.f32 v12  }
0x45: {  	v4 =	vor.u32 v8, v4;
	v16 =	vld.idx.msk [tilespmem:v6+s1+$0x0], $0xffff;
	v12 =	vunpack.i.u.bf16.f32 v12;
	v20 =	vmul.f32 v20, v13  }
0x46: {  	v14 =	vand.u32 $0x7F, v14;
	v11 =	vld [tilespmem:s30+$0xFFFFFFF0];
	v2 =	vor.u32 v3, v2;
	v8 =	vmul.f32 v12, v13  }
0x47: {  	v3 =	vor.u32 $0x80, v4;
	v12 =	vor.u32 v14, v21;
	[tilespmem:v18+s18+$0x0] =	vst.idx.add.f32.msk $0xffff, v20;
	v20 =	vunpack.i.l.bf16.f32 v17  }
0x48: {  	v14 =	vor.u32 $0x80, v2;
	v21 =	vor.u32 $0x80, v6;
	[tilespmem:v19+s18+$0x0] =	vst.idx.add.f32.msk $0xffff, v8;
	v19 =	vmul.f32 v20, v15  }
0x49: {  	v6 =	vunpack.i.u.bf16.f32 v10;
	v10 =	vunpack.i.l.bf16.f32 v10;
	v17 =	vunpack.i.u.bf16.f32 v17;
	v5 =	vld.idx.msk [tilespmem:v5+s1+$0x0], $0xffff  }
0x4a: {  	v10 =	vmul.f32 v10, v1;
	v8 =	vor.u32 $0x80, v12;
	v20 =	vunpack.i.u.bf16.f32 v16;
	[tilespmem:v4+s18+$0x0] =	vst.idx.add.f32.msk $0xffff, v19  }
0x4b: {  	v16 =	vunpack.i.l.bf16.f32 v16;
	v17 =	vmul.f32 v17, v15;
	v19 =	vmul.f32 v20, v11;
	v20 =	vld [tilespmem:s31+$0x10]  }
0x4c: {  	v23 =	vor.u32 $0x100, v18;
	v16 =	vmul.f32 v16, v11;
	[tilespmem:v12+s18+$0x0] =	vst.idx.add.f32.msk $0xffff, v10  }
0x4d: {  	v22 =	vor.u32 $0x80, v7;
	v9 =	vor.u32 $0x80, v9;
	v7 =	vor.u32 $0x180, v12;
	[tilespmem:v3+s18+$0x0] =	vst.idx.add.f32.msk $0xffff, v17  }
0x4e: {  	v18 =	vor.u32 $0x180, v18;
	v10 =	vand.u32 $0x7F, v24;
	v17 =	vmul.f32 v6, v1;
	[tilespmem:v2+s18+$0x0] =	vst.idx.add.f32.msk $0xffff, v16  }
0x4f: {  	v6 =	vor.u32 $0x180, v2;
	[tilespmem:v14+s18+$0x0] =	vst.idx.add.f32.msk $0xffff, v19;
	v19 =	vshll.u32 v27, $0x1;
	v3 =	vunpack.i.l.bf16.f32 v5  }
0x50: {  	[tilespmem:v8+s18+$0x0] =	vst.idx.add.f32.msk $0xffff, v17;
	v17 =	vand.u32 $0x7F, v27;
	v5 =	vunpack.i.u.bf16.f32 v5;
	v25 =	vmul.f32 v3, v13  }
0x51: {  	v13 =	vmul.f32 v5, v13;
	v5 =	vor.u32 $0x100, v2;
	v2 =	vor.u32 $0x100, v12  }
0x52: {  	v16 =	vshll.u32 v20, $0x1;
	v14 =	vand.u32 $0x7F, v20;
	v12 =	vshll.u32 v24, $0x1  }
0x53: {  	v16 =	vand.u32 $0x1FF00, v16;
	v8 =	vand.u32 $0x1FF00, v12;
	v12 =	vand.u32 $0x7F, v26;
	[tilespmem:v23+s18+$0x0] =	vst.idx.add.f32.msk $0xffff, v25  }
0x54: {  	v16 =	vor.u32 v14, v16;
	v14 =	vshll.u32 v26, $0x1;
	v23 =	vld.idx.msk [tilespmem:v9+s1+$0x0], $0xffff;
	v9 =	vshrl.u32 v27, $0xE  }
0x55: {  	v14 =	vand.u32 $0x1FF00, v14;
	[tilespmem:v18+s18+$0x0] =	vst.idx.add.f32.msk $0xffff, v13;
	v13 =	vand.u32 $0x1FF00, v19;
	v18 =	vor.u32 v10, v8  }
0x56: {  	v8 =	vshrl.u32 v27, $0x10;
	v10 =	vshrl.u32 v24, $0x10;
	v9 =	vand.u32 $0x3FE00, v9  }
0x57: {  	v21 =	vld.idx.msk [tilespmem:v21+s1+$0x0], $0xffff;
	v19 =	vor.u32 v12, v14;
	v17 =	vor.u32 v17, v13;
	v12 =	vshrl.u32 v24, $0xE  }
0x58: {  	v34 =	vld.idx.msk [tilespmem:v22+s1+$0x0], $0xffff;
	v13 =	vshrl.u32 v26, $0x10;
	v8 =	vand.u32 $0x7F, v8;
	v14 =	vshrl.u32 v26, $0xE  }
0x59: {  	s24 =	simm.s32 $0x12F60;
	v25 =	vand.u32 $0x7F, v10;
	v26 =	vshrl.u32 v20, $0x10;
	v20 =	vshrl.u32 v20, $0xE;
	v24 =	vld.idx.msk [tilespmem:v16+s1+$0x0], $0xffff  }
0x5a: {  	v10 =	vld [tilespmem:s24+$0x10];
	v12 =	vand.u32 $0x3FE00, v12;
	v26 =	vand.u32 $0x7F, v26;
	v20 =	vand.u32 $0x3FE00, v20  }
0x5b: {  	v13 =	vand.u32 $0x7F, v13;
	v29 =	vand.u32 $0x3FE00, v14;
	v14 =	vor.u32 v8, v9;
	v27 =	vld.idx.msk [tilespmem:v18+s1+$0x0], $0xffff  }
0x5c: {  	v20 =	vor.u32 v26, v20;
	v8 =	vor.u32 v13, v29;
	v29 =	vor.u32 $0x80, v16;
	v16 =	vld [tilespmem:s24+$0xFFFFFFF0]  }
0x5d: {  	v9 =	vor.u32 v25, v12;
	v12 =	vld [tilespmem:s24+$0xFFFFFFE0];
	v26 =	vor.u32 $0x80, v20  }
0x5e: {  	v3 =	vor.u32 $0x100, v4;
	v4 =	vor.u32 $0x180, v4;
	v28 =	vld.idx.msk [tilespmem:v17+s1+$0x0], $0xffff;
	v13 =	vunpack.i.l.bf16.f32 v24  }
0x5f: {  	v32 =	vor.u32 $0x80, v9;
	v25 =	vld.idx.msk [tilespmem:v19+s1+$0x0], $0xffff;
	v24 =	vunpack.i.u.bf16.f32 v24;
	v31 =	vmul.f32 v13, v10  }
0x60: {  	v13 =	vld [tilespmem:s24+$0x0];
	v24 =	vmul.f32 v24, v10;
	v22 =	vunpack.i.u.bf16.f32 v27;
	v27 =	vunpack.i.l.bf16.f32 v27  }
0x61: {  	v30 =	vor.u32 $0x80, v14;
	v33 =	vor.u32 $0x80, v8;
	v27 =	vmul.f32 v27, v16;
	[tilespmem:v20+s18+$0x0] =	vst.idx.add.f32.msk $0xffff, v31  }
0x62: {  	v35 =	vunpack.i.u.bf16.f32 v23;
	v23 =	vunpack.i.l.bf16.f32 v23;
	v18 =	vor.u32 $0x80, v18;
	[tilespmem:v26+s18+$0x0] =	vst.idx.add.f32.msk $0xffff, v24  }
0x63: {  	v22 =	vmul.f32 v22, v16;
	v31 =	vunpack.i.u.bf16.f32 v28;
	v28 =	vunpack.i.l.bf16.f32 v28;
	[tilespmem:v9+s18+$0x0] =	vst.idx.add.f32.msk $0xffff, v27  }
0x64: {  	v17 =	vor.u32 $0x80, v17;
	v19 =	vor.u32 $0x80, v19;
	v24 =	vmul.f32 v28, v12;
	v28 =	vld.idx.msk [tilespmem:v29+s1+$0x0], $0xffff  }
0x65: {  	v26 =	vunpack.i.u.bf16.f32 v25;
	v25 =	vunpack.i.l.bf16.f32 v25;
	v29 =	vmul.f32 v31, v12;
	[tilespmem:v32+s18+$0x0] =	vst.idx.add.f32.msk $0xffff, v22  }
0x66: {  	v27 =	vunpack.i.l.bf16.f32 v34;
	v22 =	vmul.f32 v23, v15;
	v23 =	vmul.f32 v35, v15;
	[tilespmem:v14+s18+$0x0] =	vst.idx.add.f32.msk $0xffff, v24  }
0x67: {  	v31 =	vmul.f32 v25, v13;
	v25 =	vor.u32 $0x100, v20;
	[tilespmem:v30+s18+$0x0] =	vst.idx.add.f32.msk $0xffff, v29;
	v29 =	vmul.f32 v26, v13  }
0x68: {  	v30 =	vunpack.i.u.bf16.f32 v21;
	v21 =	vunpack.i.l.bf16.f32 v21;
	v26 =	vor.u32 $0x180, v20  }
0x69: {  	v24 =	vunpack.i.u.bf16.f32 v34;
	[tilespmem:v8+s18+$0x0] =	vst.idx.add.f32.msk $0xffff, v31;
	v20 =	vmul.f32 v21, v11;
	v31 =	vunpack.i.l.bf16.f32 v28  }
0x6a: {  	s25 =	simm.s32 $0x4;
	s26 =	simm.s32 $0xF0A0;
	v21 =	vmul.f32 v30, v11;
	[tilespmem:v33+s18+$0x0] =	vst.idx.add.f32.msk $0xffff, v29;
	v15 =	vunpack.i.u.bf16.f32 v28;
	v28 =	vmul.f32 v31, v10  }
.LBB2_5:
0x6b: {  	v29 =	vld [tilespmem:s26+$0x10];
	v30 =	vor.u32 $0x100, v14;
	v10 =	vmul.f32 v15, v10;
	v27 =	vmul.f32 v27, v1;
	v15 =	vmovc v12;
	v11 =	vmovc v16  }
0x6c: {  	v12 =	vor.u32 $0x180, v14;
	v14 =	vor.u32 $0x100, v9;
	v24 =	vmul.f32 v24, v1;
	v1 =	vmovc v13;
	[tilespmem:v25+s18+$0x0] =	vst.idx.add.f32.msk $0xffff, v28  }
0x6d: {  	v9 =	vor.u32 $0x180, v9;
	v13 =	vor.u32 $0x100, v8;
	v25 =	vor.u32 $0x180, v8;
	[tilespmem:v26+s18+$0x0] =	vst.idx.add.f32.msk $0xffff, v10  }
0x6e: {  	s25 =	sadd.s32 $0x4, s25;
	v8 =	vld [tilespmem:s26+$0xFFFFFFF0]  }
0x6f: {  	p0 =	slt.u32 s25, $0x1F0;
	v10 =	vld [tilespmem:s26+$0x0]  }
0x70: {  	v16 =	vld [tilespmem:s26+$0xFFFFFFE0]  }
0x71: {  	v26 =	vshll.u32 v29, $0x1;
	v28 =	vld.idx.msk [tilespmem:v17+s1+$0x0], $0xffff  }
0x72: {  	v17 =	vand.u32 $0x7F, v29;
	v26 =	vand.u32 $0x1FF00, v26;
	v31 =	vld.idx.msk [tilespmem:v18+s1+$0x0], $0xffff  }
0x73: {  	v17 =	vor.u32 v17, v26;
	v18 =	vand.u32 $0x7F, v8;
	v32 =	vshll.u32 v8, $0x1;
	v33 =	vld.idx.msk [tilespmem:v19+s1+$0x0], $0xffff  }
0x74: {  	v19 =	vand.u32 $0x1FF00, v32;
	v26 =	vand.u32 $0x7F, v10;
	v32 =	vshll.u32 v10, $0x1;
	[tilespmem:v3+s18+$0x0] =	vst.idx.add.f32.msk $0xffff, v22;
	v3 =	vmovc v30  }
0x75: {  	v22 =	vand.u32 $0x7F, v16;
	v30 =	vshll.u32 v16, $0x1;
	v32 =	vand.u32 $0x1FF00, v32;
	[tilespmem:v4+s18+$0x0] =	vst.idx.add.f32.msk $0xffff, v23;
	v4 =	vmovc v12  }
0x76: {  	v18 =	vor.u32 v18, v19;
	v12 =	vand.u32 $0x1FF00, v30;
	v19 =	vor.u32 v26, v32;
	[tilespmem:v5+s18+$0x0] =	vst.idx.add.f32.msk $0xffff, v20  }
0x77: {  	v20 =	vshrl.u32 v16, $0x10;
	v5 =	vmovc v14;
	v22 =	vor.u32 v22, v12;
	v12 =	vshrl.u32 v16, $0xE;
	[tilespmem:v6+s18+$0x0] =	vst.idx.add.f32.msk $0xffff, v21  }
0x78: {  	v14 =	vshrl.u32 v8, $0x10;
	v8 =	vshrl.u32 v8, $0xE;
	v16 =	vshrl.u32 v10, $0x10;
	v6 =	vmovc v9;
	v21 =	vld.idx.msk [tilespmem:v17+s1+$0x0], $0xffff  }
0x79: {  	s24 =	sadd.s32 $0x40, s24;
	v9 =	vand.u32 $0x7F, v20;
	v20 =	vshrl.u32 v10, $0xE;
	v12 =	vand.u32 $0x3FE00, v12;
	[tilespmem:v2+s18+$0x0] =	vst.idx.add.f32.msk $0xffff, v27;
	v2 =	vmovc v13  }
0x7a: {  	v23 =	vshrl.u32 v29, $0xE;
	v13 =	vand.u32 $0x7F, v14;
	v14 =	vshrl.u32 v29, $0x10;
	v10 =	vld [tilespmem:s24+$0x10]  }
0x7b: {  	v23 =	vand.u32 $0x3FE00, v23;
	v8 =	vand.u32 $0x3FE00, v8;
	v14 =	vand.u32 $0x7F, v14;
	v26 =	vld.idx.msk [tilespmem:v18+s1+$0x0], $0xffff  }
0x7c: {  	v16 =	vand.u32 $0x7F, v16;
	v20 =	vand.u32 $0x3FE00, v20;
	v23 =	vor.u32 v14, v23;
	v27 =	vld.idx.msk [tilespmem:v22+s1+$0x0], $0xffff  }
0x7d: {  	v14 =	vor.u32 v9, v12;
	v9 =	vor.u32 v13, v8;
	v30 =	vor.u32 $0x80, v23;
	v29 =	vld.idx.msk [tilespmem:v19+s1+$0x0], $0xffff  }
0x7e: {  	v8 =	vor.u32 v16, v20;
	v20 =	vor.u32 $0x80, v17;
	v13 =	vunpack.i.l.bf16.f32 v21;
	v12 =	vld [tilespmem:s24+$0xFFFFFFE0]  }
0x7f: {  	v32 =	vor.u32 $0x80, v14;
	v17 =	vunpack.i.u.bf16.f32 v21;
	v16 =	vld [tilespmem:s24+$0xFFFFFFF0];
	v21 =	vmul.f32 v13, v10  }
0x80: {  	v34 =	vor.u32 $0x80, v9;
	v35 =	vor.u32 $0x80, v8;
	v36 =	vmul.f32 v17, v10;
	v13 =	vld [tilespmem:s24+$0x0]  }
0x81: {  	v17 =	vor.u32 $0x80, v22;
	v22 =	vunpack.i.u.bf16.f32 v26;
	v26 =	vunpack.i.l.bf16.f32 v26;
	[tilespmem:v23+s18+$0x0] =	vst.idx.add.f32.msk $0xffff, v21  }
0x82: {  	v18 =	vor.u32 $0x80, v18;
	v21 =	vunpack.i.u.bf16.f32 v27;
	v27 =	vunpack.i.l.bf16.f32 v27;
	[tilespmem:v30+s18+$0x0] =	vst.idx.add.f32.msk $0xffff, v36  }
0x83: {  	v30 =	vunpack.i.u.bf16.f32 v29;
	v29 =	vunpack.i.l.bf16.f32 v29;
	v27 =	vmul.f32 v27, v12;
	v36 =	vld.idx.msk [tilespmem:v20+s1+$0x0], $0xffff  }
0x84: {  	v19 =	vor.u32 $0x80, v19;
	v20 =	vmul.f32 v21, v12;
	v21 =	vmul.f32 v26, v16;
	[tilespmem:v7+s18+$0x0] =	vst.idx.add.f32.msk $0xffff, v24  }
0x85: {  	v37 =	vunpack.i.u.bf16.f32 v28;
	v22 =	vmul.f32 v22, v16;
	[tilespmem:v14+s18+$0x0] =	vst.idx.add.f32.msk $0xffff, v27;
	v29 =	vmul.f32 v29, v13  }
.Ltmp3:
0x86: {  	v7 =	vmovc v25;
	v30 =	vmul.f32 v30, v13;
	[tilespmem:v32+s18+$0x0] =	vst.idx.add.f32.msk $0xffff, v20;
	v20 =	vunpack.i.l.bf16.f32 v28;
	v32 =	vunpack.i.u.bf16.f32 v31;
	(pc) =	sbr.rel @p0 .LBB2_5-.Ltmp3, $4  }
0x87: {  	v25 =	vor.u32 $0x100, v23;
	v24 =	vunpack.i.u.bf16.f32 v33;
	[tilespmem:v9+s18+$0x0] =	vst.idx.add.f32.msk $0xffff, v21;
	v21 =	vunpack.i.l.bf16.f32 v31  }
0x88: {  	v26 =	vor.u32 $0x180, v23;
	v27 =	vunpack.i.l.bf16.f32 v33;
	[tilespmem:v34+s18+$0x0] =	vst.idx.add.f32.msk $0xffff, v22;
	v22 =	vmul.f32 v20, v15  }
0x89: {  	v23 =	vmul.f32 v37, v15;
	v28 =	vunpack.i.l.bf16.f32 v36;
	v20 =	vmul.f32 v21, v11;
	[tilespmem:v8+s18+$0x0] =	vst.idx.add.f32.msk $0xffff, v29  }
0x8a: {  	s26 =	sadd.s32 $0x40, s26;
	v15 =	vunpack.i.u.bf16.f32 v36;
	v21 =	vmul.f32 v32, v11;
	v28 =	vmul.f32 v28, v10;
	[tilespmem:v35+s18+$0x0] =	vst.idx.add.f32.msk $0xffff, v30  }
0x8b: {  	_ =	sdelay $0x3  }
0x8c: {  	v11 =	vld.idx.msk [tilespmem:v18+s1+$0x0], $0xffff  }
0x8d: {  	v10 =	vmul.f32 v15, v10;
	v15 =	vld.idx.msk [tilespmem:v19+s1+$0x0], $0xffff  }
0x8e: {  	[tilespmem:v3+s18+$0x0] =	vst.idx.add.f32.msk $0xffff, v22  }
0x8f: {  	[tilespmem:v25+s18+$0x0] =	vst.idx.add.f32.msk $0xffff, v28  }
0x90: {  	[tilespmem:v26+s18+$0x0] =	vst.idx.add.f32.msk $0xffff, v10  }
0x91: {  	v10 =	vld.idx.msk [tilespmem:v17+s1+$0x0], $0xffff  }
0x92: {  	[tilespmem:v4+s18+$0x0] =	vst.idx.add.f32.msk $0xffff, v23;
	v4 =	vmul.f32 v27, v1  }
0x93: {  	[tilespmem:v5+s18+$0x0] =	vst.idx.add.f32.msk $0xffff, v20;
	v5 =	vor.u32 $0x100, v9;
	v1 =	vmul.f32 v24, v1  }
0x94: {  	v3 =	vor.u32 $0x100, v14;
	[tilespmem:v2+s18+$0x0] =	vst.idx.add.f32.msk $0xffff, v4  }
0x95: {  	v14 =	vor.u32 $0x180, v14;
	[tilespmem:v7+s18+$0x0] =	vst.idx.add.f32.msk $0xffff, v1;
	v1 =	vunpack.i.l.bf16.f32 v11  }
0x96: {  	v9 =	vor.u32 $0x180, v9;
	[tilespmem:v6+s18+$0x0] =	vst.idx.add.f32.msk $0xffff, v21;
	v1 =	vmul.f32 v1, v16;
	v6 =	vunpack.i.l.bf16.f32 v10  }
0x97: {  	v2 =	vunpack.i.u.bf16.f32 v10;
	v4 =	vmul.f32 v6, v12;
	v6 =	vor.u32 $0x100, v8  }
0x98: {  	p0 =	seq.s32 s23, $0x13;
	v7 =	vor.u32 $0x180, v8;
	v2 =	vmul.f32 v2, v12;
	v8 =	vunpack.i.u.bf16.f32 v11;
	[tilespmem:v5+s18+$0x0] =	vst.idx.add.f32.msk $0xffff, v1  }
0x99: {  	s24 =	smul.u32 @!p0 $0x3E80, s23;
	[tilespmem:v3+s18+$0x0] =	vst.idx.add.f32.msk $0xffff, v4;
	v3 =	vunpack.i.l.bf16.f32 v15;
	v4 =	vmul.f32 v8, v16  }
0x9a: {  	[tilespmem:v14+s18+$0x0] =	vst.idx.add.f32.msk $0xffff, v2;
	v2 =	vunpack.i.u.bf16.f32 v15;
	v3 =	vmul.f32 v3, v13  }
0x9b: {  	s24 =	sshrl.u32 @!p0 s24, $0x3;
	v1 =	vmul.f32 v2, v13;
	[tilespmem:v9+s18+$0x0] =	vst.idx.add.f32.msk $0xffff, v4  }
0x9c: {  	s24 =	sadd.s32 @!p0 $0x7D0, s24;
	[tilespmem:v6+s18+$0x0] =	vst.idx.add.f32.msk $0xffff, v3  }
0x9d: {  	s26 =	simm.s32 @!p0 $0x0;
	s28 =	simm.s32 @!p0 $0xF000;
	s25 =	sadd.s32 @!p0 s3, s24;
	[tilespmem:v7+s18+$0x0] =	vst.idx.add.f32.msk $0xffff, v1  }
0x9e: {  	[tilespmem:s28], [sflag:$0x1] =	stream.linear.gather @!p0 [hbm4b:s25+s26], $0x1F40, $0x38;
	[tilespmem:$0x16E00] =	vst v63  }
0x9f: {  	s24 =	sadd.s32 @!p0 s4, s24;
	s25 =	simm.s32 @!p0 $0x12F00  }
0xa0: {  	[tilespmem:s25], [sflag:$0x1] =	stream.linear.gather @!p0 [hbm4b:s24+s26], $0x1F40, $0x38;
	[tilespmem:$0x16E00] =	vst v63  }
0xa1: {  	_ =	swait.ge [sflag:s19], $0x1F40  }
0xa2: {  	[sflag:s19] =	ssyncset.done $0x0  }
0xa3: {  	[sflag:s19] =	ssyncadd.s32 $0xFFFFE0C0  }
0xa4: {  	_ =	swait.ge [sflag:s19], $0x1F40  }
0xa5: {  	[sflag:s19] =	ssyncset.done $0x0  }
0xa6: {  	s29 =	simm.s32 $0x10FA0;
	[sflag:s19] =	ssyncadd.s32 $0xFFFFE0C0  }
0xa7: {  	v1 =	vld [tilespmem:s29+$0x10];
	_ =	sdelay $0x1  }
0xa8: {  	v2 =	vld [tilespmem:s29+$0xFFFFFFF0]  }
0xa9: {  	v4 =	vld [tilespmem:s29+$0xFFFFFFE0];
	_ =	sdelay $0x1  }
0xaa: {  	v3 =	vld [tilespmem:s29+$0x0];
	v5 =	vshll.u32 v1, $0x1  }
0xab: {  	v6 =	vand.u32 $0x7F, v1;
	v5 =	vand.u32 $0x1FF00, v5  }
0xac: {  	v7 =	vand.u32 $0x7F, v2;
	v5 =	vor.u32 v6, v5  }
0xad: {  	s30 =	simm.s32 $0x14EA0;
	v8 =	vshll.u32 v2, $0x1;
	v9 =	vshll.u32 v4, $0x1;
	v10 =	vand.u32 $0x7F, v4  }
0xae: {  	v13 =	vld [tilespmem:s30+$0x10];
	v11 =	vshrl.u32 v1, $0x10;
	v1 =	vshrl.u32 v1, $0xE;
	v9 =	vand.u32 $0x1FF00, v9  }
0xaf: {  	s31 =	simm.s32 $0x10FE0;
	v15 =	vld [tilespmem:s30+$0xFFFFFFE0];
	v6 =	vand.u32 $0x1FF00, v8;
	v8 =	vshll.u32 v3, $0x1;
	v9 =	vor.u32 v10, v9  }
0xb0: {  	v24 =	vld [tilespmem:s31+$0xFFFFFFF0];
	v6 =	vor.u32 v7, v6;
	v7 =	vand.u32 $0x7F, v3;
	v8 =	vand.u32 $0x1FF00, v8  }
0xb1: {  	v14 =	vshrl.u32 v3, $0x10;
	v11 =	vand.u32 $0x7F, v11;
	v7 =	vor.u32 v7, v8;
	v12 =	vld.idx.msk [tilespmem:v5+s1+$0x0], $0xffff  }
0xb2: {  	v26 =	vld [tilespmem:s31+$0x0];
	v1 =	vand.u32 $0x3FE00, v1;
	v10 =	vshrl.u32 v2, $0x10;
	v2 =	vshrl.u32 v2, $0xE  }
0xb3: {  	v27 =	vld [tilespmem:s31+$0xFFFFFFE0];
	v18 =	vor.u32 v11, v1;
	v1 =	vshrl.u32 v3, $0xE;
	v3 =	vand.u32 $0x7F, v10  }
0xb4: {  	v19 =	vor.u32 $0x80, v18;
	v2 =	vand.u32 $0x3FE00, v2;
	v8 =	vshrl.u32 v4, $0x10;
	v17 =	vld.idx.msk [tilespmem:v9+s1+$0x0], $0xffff  }
0xb5: {  	v21 =	vand.u32 $0x3FE00, v1;
	v1 =	vld [tilespmem:s30+$0x0];
	v4 =	vshrl.u32 v4, $0xE;
	v8 =	vand.u32 $0x7F, v8  }
0xb6: {  	v4 =	vand.u32 $0x3FE00, v4;
	v5 =	vor.u32 $0x80, v5;
	v10 =	vld.idx.msk [tilespmem:v7+s1+$0x0], $0xffff;
	v20 =	vunpack.i.l.bf16.f32 v12  }
0xb7: {  	v4 =	vor.u32 v8, v4;
	v16 =	vld.idx.msk [tilespmem:v6+s1+$0x0], $0xffff;
	v12 =	vunpack.i.u.bf16.f32 v12;
	v20 =	vmul.f32 v20, v13  }
0xb8: {  	v14 =	vand.u32 $0x7F, v14;
	v11 =	vld [tilespmem:s30+$0xFFFFFFF0];
	v2 =	vor.u32 v3, v2;
	v8 =	vmul.f32 v12, v13  }
0xb9: {  	v3 =	vor.u32 $0x80, v4;
	v12 =	vor.u32 v14, v21;
	[tilespmem:v18+s18+$0x0] =	vst.idx.add.f32.msk $0xffff, v20;
	v20 =	vunpack.i.l.bf16.f32 v17  }
0xba: {  	v14 =	vor.u32 $0x80, v2;
	v21 =	vor.u32 $0x80, v6;
	[tilespmem:v19+s18+$0x0] =	vst.idx.add.f32.msk $0xffff, v8;
	v19 =	vmul.f32 v20, v15  }
0xbb: {  	v6 =	vunpack.i.u.bf16.f32 v10;
	v10 =	vunpack.i.l.bf16.f32 v10;
	v17 =	vunpack.i.u.bf16.f32 v17;
	v5 =	vld.idx.msk [tilespmem:v5+s1+$0x0], $0xffff  }
0xbc: {  	v10 =	vmul.f32 v10, v1;
	v8 =	vor.u32 $0x80, v12;
	v20 =	vunpack.i.u.bf16.f32 v16;
	[tilespmem:v4+s18+$0x0] =	vst.idx.add.f32.msk $0xffff, v19  }
0xbd: {  	v16 =	vunpack.i.l.bf16.f32 v16;
	v17 =	vmul.f32 v17, v15;
	v19 =	vmul.f32 v20, v11;
	v20 =	vld [tilespmem:s31+$0x10]  }
0xbe: {  	v16 =	vmul.f32 v16, v11;
	[tilespmem:v12+s18+$0x0] =	vst.idx.add.f32.msk $0xffff, v10  }
0xbf: {  	v23 =	vor.u32 $0x100, v18;
	v22 =	vor.u32 $0x80, v7;
	v9 =	vor.u32 $0x80, v9;
	[tilespmem:v3+s18+$0x0] =	vst.idx.add.f32.msk $0xffff, v17  }
0xc0: {  	v7 =	vor.u32 $0x180, v12;
	v18 =	vor.u32 $0x180, v18;
	v17 =	vmul.f32 v6, v1;
	[tilespmem:v2+s18+$0x0] =	vst.idx.add.f32.msk $0xffff, v16  }
0xc1: {  	v10 =	vand.u32 $0x7F, v24;
	v6 =	vor.u32 $0x180, v2;
	[tilespmem:v14+s18+$0x0] =	vst.idx.add.f32.msk $0xffff, v19;
	v19 =	vshll.u32 v27, $0x1  }
0xc2: {  	[tilespmem:v8+s18+$0x0] =	vst.idx.add.f32.msk $0xffff, v17;
	v17 =	vand.u32 $0x7F, v27;
	v3 =	vunpack.i.l.bf16.f32 v5;
	v5 =	vunpack.i.u.bf16.f32 v5  }
0xc3: {  	v25 =	vmul.f32 v3, v13;
	v13 =	vmul.f32 v5, v13;
	v5 =	vor.u32 $0x100, v2  }
0xc4: {  	v2 =	vor.u32 $0x100, v12;
	v16 =	vshll.u32 v20, $0x1;
	v12 =	vshll.u32 v24, $0x1  }
0xc5: {  	v14 =	vand.u32 $0x7F, v20;
	v16 =	vand.u32 $0x1FF00, v16;
	v8 =	vand.u32 $0x1FF00, v12;
	[tilespmem:v23+s18+$0x0] =	vst.idx.add.f32.msk $0xffff, v25  }
0xc6: {  	v12 =	vand.u32 $0x7F, v26;
	v14 =	vor.u32 v14, v16;
	v16 =	vshll.u32 v26, $0x1;
	v23 =	vld.idx.msk [tilespmem:v9+s1+$0x0], $0xffff  }
0xc7: {  	v9 =	vshrl.u32 v27, $0xE;
	v16 =	vand.u32 $0x1FF00, v16;
	[tilespmem:v18+s18+$0x0] =	vst.idx.add.f32.msk $0xffff, v13;
	v13 =	vand.u32 $0x1FF00, v19  }
0xc8: {  	v18 =	vor.u32 v10, v8;
	v8 =	vshrl.u32 v27, $0x10;
	v10 =	vshrl.u32 v24, $0x10  }
0xc9: {  	v21 =	vld.idx.msk [tilespmem:v21+s1+$0x0], $0xffff;
	v9 =	vand.u32 $0x3FE00, v9;
	v19 =	vor.u32 v12, v16;
	v17 =	vor.u32 v17, v13  }
0xca: {  	v34 =	vld.idx.msk [tilespmem:v22+s1+$0x0], $0xffff;
	v12 =	vshrl.u32 v24, $0xE;
	v13 =	vshrl.u32 v26, $0x10;
	v8 =	vand.u32 $0x7F, v8  }
0xcb: {  	s24 =	simm.s32 $0x14EE0;
	v16 =	vshrl.u32 v26, $0xE;
	v25 =	vand.u32 $0x7F, v10;
	v26 =	vshrl.u32 v20, $0x10;
	v24 =	vld.idx.msk [tilespmem:v14+s1+$0x0], $0xffff  }
0xcc: {  	v10 =	vld [tilespmem:s24+$0x10];
	v20 =	vshrl.u32 v20, $0xE;
	v12 =	vand.u32 $0x3FE00, v12;
	v26 =	vand.u32 $0x7F, v26  }
0xcd: {  	v20 =	vand.u32 $0x3FE00, v20;
	v29 =	vand.u32 $0x7F, v13;
	v16 =	vand.u32 $0x3FE00, v16;
	v27 =	vld.idx.msk [tilespmem:v18+s1+$0x0], $0xffff  }
0xce: {  	v13 =	vor.u32 v8, v9;
	v20 =	vor.u32 v26, v20;
	v8 =	vor.u32 v29, v16;
	v16 =	vld [tilespmem:s24+$0xFFFFFFF0]  }
0xcf: {  	v3 =	vor.u32 $0x100, v4;
	v9 =	vor.u32 v25, v12;
	v12 =	vld [tilespmem:s24+$0xFFFFFFE0];
	v26 =	vor.u32 $0x80, v20  }
0xd0: {  	v4 =	vor.u32 $0x180, v4;
	v30 =	vor.u32 $0x80, v14;
	v28 =	vld.idx.msk [tilespmem:v17+s1+$0x0], $0xffff;
	v29 =	vunpack.i.l.bf16.f32 v24  }
0xd1: {  	v32 =	vor.u32 $0x80, v9;
	v14 =	vld [tilespmem:s24+$0x0];
	v24 =	vunpack.i.u.bf16.f32 v24;
	v29 =	vmul.f32 v29, v10  }
0xd2: {  	v25 =	vld.idx.msk [tilespmem:v19+s1+$0x0], $0xffff;
	v24 =	vmul.f32 v24, v10;
	v22 =	vunpack.i.u.bf16.f32 v27;
	v27 =	vunpack.i.l.bf16.f32 v27  }
0xd3: {  	v31 =	vor.u32 $0x80, v13;
	v33 =	vor.u32 $0x80, v8;
	v27 =	vmul.f32 v27, v16;
	[tilespmem:v20+s18+$0x0] =	vst.idx.add.f32.msk $0xffff, v29  }
0xd4: {  	v35 =	vunpack.i.u.bf16.f32 v23;
	v23 =	vunpack.i.l.bf16.f32 v23;
	v18 =	vor.u32 $0x80, v18;
	[tilespmem:v26+s18+$0x0] =	vst.idx.add.f32.msk $0xffff, v24  }
0xd5: {  	v22 =	vmul.f32 v22, v16;
	v29 =	vunpack.i.u.bf16.f32 v28;
	v28 =	vunpack.i.l.bf16.f32 v28;
	[tilespmem:v9+s18+$0x0] =	vst.idx.add.f32.msk $0xffff, v27  }
0xd6: {  	v17 =	vor.u32 $0x80, v17;
	v19 =	vor.u32 $0x80, v19;
	v24 =	vmul.f32 v28, v12;
	v28 =	vld.idx.msk [tilespmem:v30+s1+$0x0], $0xffff  }
0xd7: {  	v26 =	vunpack.i.u.bf16.f32 v25;
	v25 =	vunpack.i.l.bf16.f32 v25;
	v29 =	vmul.f32 v29, v12;
	[tilespmem:v32+s18+$0x0] =	vst.idx.add.f32.msk $0xffff, v22  }
0xd8: {  	v27 =	vunpack.i.l.bf16.f32 v34;
	v30 =	vmul.f32 v25, v14;
	v22 =	vmul.f32 v23, v15;
	[tilespmem:v13+s18+$0x0] =	vst.idx.add.f32.msk $0xffff, v24  }
0xd9: {  	v25 =	vor.u32 $0x100, v20;
	v23 =	vmul.f32 v35, v15;
	[tilespmem:v31+s18+$0x0] =	vst.idx.add.f32.msk $0xffff, v29;
	v29 =	vmul.f32 v26, v14  }
0xda: {  	v31 =	vunpack.i.u.bf16.f32 v21;
	v21 =	vunpack.i.l.bf16.f32 v21;
	v26 =	vor.u32 $0x180, v20  }
0xdb: {  	v24 =	vunpack.i.u.bf16.f32 v34;
	[tilespmem:v8+s18+$0x0] =	vst.idx.add.f32.msk $0xffff, v30;
	v20 =	vmul.f32 v21, v11;
	v30 =	vunpack.i.l.bf16.f32 v28  }
0xdc: {  	s25 =	simm.s32 $0x4;
	s26 =	simm.s32 $0x11020;
	v21 =	vmul.f32 v31, v11;
	[tilespmem:v33+s18+$0x0] =	vst.idx.add.f32.msk $0xffff, v29;
	v15 =	vunpack.i.u.bf16.f32 v28;
	v28 =	vmul.f32 v30, v10  }
.LBB2_7:
0xdd: {  	v29 =	vld [tilespmem:s26+$0x10];
	v30 =	vor.u32 $0x100, v13;
	v10 =	vmul.f32 v15, v10;
	v27 =	vmul.f32 v27, v1;
	v15 =	vmovc v12;
	v11 =	vmovc v16  }
0xde: {  	v12 =	vor.u32 $0x180, v13;
	v13 =	vor.u32 $0x100, v9;
	v24 =	vmul.f32 v24, v1;
	v1 =	vmovc v14;
	[tilespmem:v25+s18+$0x0] =	vst.idx.add.f32.msk $0xffff, v28  }
0xdf: {  	v9 =	vor.u32 $0x180, v9;
	v14 =	vor.u32 $0x100, v8;
	v25 =	vor.u32 $0x180, v8;
	[tilespmem:v26+s18+$0x0] =	vst.idx.add.f32.msk $0xffff, v10  }
0xe0: {  	s25 =	sadd.s32 $0x4, s25;
	v8 =	vld [tilespmem:s26+$0xFFFFFFF0]  }
0xe1: {  	p1 =	slt.u32 s25, $0x1F0;
	v10 =	vld [tilespmem:s26+$0x0]  }
0xe2: {  	v16 =	vld [tilespmem:s26+$0xFFFFFFE0]  }
0xe3: {  	v26 =	vshll.u32 v29, $0x1;
	v28 =	vld.idx.msk [tilespmem:v17+s1+$0x0], $0xffff  }
0xe4: {  	v17 =	vand.u32 $0x7F, v29;
	v26 =	vand.u32 $0x1FF00, v26;
	v31 =	vld.idx.msk [tilespmem:v18+s1+$0x0], $0xffff  }
0xe5: {  	v17 =	vor.u32 v17, v26;
	v18 =	vand.u32 $0x7F, v8;
	v32 =	vshll.u32 v8, $0x1;
	v33 =	vld.idx.msk [tilespmem:v19+s1+$0x0], $0xffff  }
0xe6: {  	v19 =	vand.u32 $0x1FF00, v32;
	v26 =	vand.u32 $0x7F, v10;
	v32 =	vshll.u32 v10, $0x1;
	[tilespmem:v3+s18+$0x0] =	vst.idx.add.f32.msk $0xffff, v22;
	v3 =	vmovc v30  }
0xe7: {  	v22 =	vand.u32 $0x7F, v16;
	v30 =	vshll.u32 v16, $0x1;
	v32 =	vand.u32 $0x1FF00, v32;
	[tilespmem:v4+s18+$0x0] =	vst.idx.add.f32.msk $0xffff, v23;
	v4 =	vmovc v12  }
0xe8: {  	v18 =	vor.u32 v18, v19;
	v12 =	vand.u32 $0x1FF00, v30;
	v19 =	vor.u32 v26, v32;
	[tilespmem:v5+s18+$0x0] =	vst.idx.add.f32.msk $0xffff, v20  }
0xe9: {  	v20 =	vshrl.u32 v16, $0x10;
	v5 =	vmovc v13;
	v22 =	vor.u32 v22, v12;
	v12 =	vshrl.u32 v16, $0xE;
	[tilespmem:v6+s18+$0x0] =	vst.idx.add.f32.msk $0xffff, v21  }
0xea: {  	v13 =	vshrl.u32 v8, $0x10;
	v8 =	vshrl.u32 v8, $0xE;
	v16 =	vshrl.u32 v10, $0x10;
	v6 =	vmovc v9;
	v21 =	vld.idx.msk [tilespmem:v17+s1+$0x0], $0xffff  }
0xeb: {  	s24 =	sadd.s32 $0x40, s24;
	v9 =	vand.u32 $0x7F, v20;
	v20 =	vshrl.u32 v10, $0xE;
	v12 =	vand.u32 $0x3FE00, v12;
	[tilespmem:v2+s18+$0x0] =	vst.idx.add.f32.msk $0xffff, v27;
	v2 =	vmovc v14  }
0xec: {  	v23 =	vshrl.u32 v29, $0xE;
	v14 =	vand.u32 $0x7F, v13;
	v13 =	vshrl.u32 v29, $0x10;
	v10 =	vld [tilespmem:s24+$0x10]  }
0xed: {  	v23 =	vand.u32 $0x3FE00, v23;
	v8 =	vand.u32 $0x3FE00, v8;
	v13 =	vand.u32 $0x7F, v13;
	v26 =	vld.idx.msk [tilespmem:v18+s1+$0x0], $0xffff  }
0xee: {  	v16 =	vand.u32 $0x7F, v16;
	v20 =	vand.u32 $0x3FE00, v20;
	v23 =	vor.u32 v13, v23;
	v27 =	vld.idx.msk [tilespmem:v22+s1+$0x0], $0xffff  }
0xef: {  	v13 =	vor.u32 v9, v12;
	v9 =	vor.u32 v14, v8;
	v30 =	vor.u32 $0x80, v23;
	v29 =	vld.idx.msk [tilespmem:v19+s1+$0x0], $0xffff  }
0xf0: {  	v8 =	vor.u32 v16, v20;
	v20 =	vor.u32 $0x80, v17;
	v14 =	vunpack.i.l.bf16.f32 v21;
	v12 =	vld [tilespmem:s24+$0xFFFFFFE0]  }
0xf1: {  	v32 =	vor.u32 $0x80, v13;
	v17 =	vunpack.i.u.bf16.f32 v21;
	v16 =	vld [tilespmem:s24+$0xFFFFFFF0];
	v21 =	vmul.f32 v14, v10  }
0xf2: {  	v34 =	vor.u32 $0x80, v9;
	v35 =	vor.u32 $0x80, v8;
	v36 =	vmul.f32 v17, v10;
	v14 =	vld [tilespmem:s24+$0x0]  }
0xf3: {  	v17 =	vor.u32 $0x80, v22;
	v22 =	vunpack.i.u.bf16.f32 v26;
	v26 =	vunpack.i.l.bf16.f32 v26;
	[tilespmem:v23+s18+$0x0] =	vst.idx.add.f32.msk $0xffff, v21  }
0xf4: {  	v18 =	vor.u32 $0x80, v18;
	v21 =	vunpack.i.u.bf16.f32 v27;
	v27 =	vunpack.i.l.bf16.f32 v27;
	[tilespmem:v30+s18+$0x0] =	vst.idx.add.f32.msk $0xffff, v36  }
0xf5: {  	v30 =	vunpack.i.u.bf16.f32 v29;
	v29 =	vunpack.i.l.bf16.f32 v29;
	v27 =	vmul.f32 v27, v12;
	v36 =	vld.idx.msk [tilespmem:v20+s1+$0x0], $0xffff  }
0xf6: {  	v19 =	vor.u32 $0x80, v19;
	v20 =	vmul.f32 v21, v12;
	v21 =	vmul.f32 v26, v16;
	[tilespmem:v7+s18+$0x0] =	vst.idx.add.f32.msk $0xffff, v24  }
0xf7: {  	v37 =	vunpack.i.u.bf16.f32 v28;
	v22 =	vmul.f32 v22, v16;
	[tilespmem:v13+s18+$0x0] =	vst.idx.add.f32.msk $0xffff, v27;
	v29 =	vmul.f32 v29, v14  }
.Ltmp4:
0xf8: {  	v7 =	vmovc v25;
	v30 =	vmul.f32 v30, v14;
	[tilespmem:v32+s18+$0x0] =	vst.idx.add.f32.msk $0xffff, v20;
	v20 =	vunpack.i.l.bf16.f32 v28;
	v32 =	vunpack.i.u.bf16.f32 v31;
	(pc) =	sbr.rel @p1 .LBB2_7-.Ltmp4, $4  }
0xf9: {  	v25 =	vor.u32 $0x100, v23;
	v24 =	vunpack.i.u.bf16.f32 v33;
	[tilespmem:v9+s18+$0x0] =	vst.idx.add.f32.msk $0xffff, v21;
	v21 =	vunpack.i.l.bf16.f32 v31  }
0xfa: {  	v26 =	vor.u32 $0x180, v23;
	v27 =	vunpack.i.l.bf16.f32 v33;
	[tilespmem:v34+s18+$0x0] =	vst.idx.add.f32.msk $0xffff, v22;
	v22 =	vmul.f32 v20, v15  }
0xfb: {  	v23 =	vmul.f32 v37, v15;
	v28 =	vunpack.i.l.bf16.f32 v36;
	v20 =	vmul.f32 v21, v11;
	[tilespmem:v8+s18+$0x0] =	vst.idx.add.f32.msk $0xffff, v29  }
0xfc: {  	s26 =	sadd.s32 $0x40, s26;
	v15 =	vunpack.i.u.bf16.f32 v36;
	v21 =	vmul.f32 v32, v11;
	v28 =	vmul.f32 v28, v10;
	[tilespmem:v35+s18+$0x0] =	vst.idx.add.f32.msk $0xffff, v30  }
0xfd: {  	_ =	sdelay $0x3  }
0xfe: {  	v52 =	vld.idx.msk [tilespmem:v17+s1+$0x0], $0xffff  }
0xff: {  	v11 =	vld.idx.msk [tilespmem:v18+s1+$0x0], $0xffff  }
0x100: {  	v53 =	vld.idx.msk [tilespmem:v19+s1+$0x0], $0xffff  }
0x101: {  	[tilespmem:v3+s18+$0x0] =	vst.idx.add.f32.msk $0xffff, v22  }
0x102: {  	[tilespmem:v5+s18+$0x0] =	vst.idx.add.f32.msk $0xffff, v20  }
0x103: {  	[tilespmem:v25+s18+$0x0] =	vst.idx.add.f32.msk $0xffff, v28  }
0x104: {  	v3 =	vor.u32 $0x100, v13;
	v54 =	vmul.f32 v27, v1;
	[tilespmem:v4+s18+$0x0] =	vst.idx.add.f32.msk $0xffff, v23  }
0x105: {  	v56 =	vor.u32 $0x100, v9;
	v1 =	vmul.f32 v24, v1;
	[tilespmem:v6+s18+$0x0] =	vst.idx.add.f32.msk $0xffff, v21  }
0x106: {  	v10 =	vmul.f32 v15, v10;
	v55 =	vor.u32 $0x180, v13;
	[tilespmem:v2+s18+$0x0] =	vst.idx.add.f32.msk $0xffff, v54;
	v57 =	vunpack.i.l.bf16.f32 v52  }
0x107: {  	v58 =	vor.u32 $0x180, v9;
	[tilespmem:v7+s18+$0x0] =	vst.idx.add.f32.msk $0xffff, v1;
	v1 =	vunpack.i.l.bf16.f32 v11;
	v59 =	vmul.f32 v57, v12  }
0x108: {  	v60 =	vor.u32 $0x100, v8;
	[tilespmem:v26+s18+$0x0] =	vst.idx.add.f32.msk $0xffff, v10;
	v2 =	vunpack.i.u.bf16.f32 v52;
	v1 =	vmul.f32 v1, v16  }
0x109: {  	v61 =	vor.u32 $0x180, v8;
	v62 =	vunpack.i.u.bf16.f32 v11;
	v2 =	vmul.f32 v2, v12;
	[tilespmem:v3+s18+$0x0] =	vst.idx.add.f32.msk $0xffff, v59  }
.Ltmp5:
0x10a: {  	v63 =	vmul.f32 v62, v16;
	v3 =	vunpack.i.l.bf16.f32 v53;
	[tilespmem:v56+s18+$0x0] =	vst.idx.add.f32.msk $0xffff, v1;
	(pc) =	sbr.rel @p0 .LBB2_10-.Ltmp5, $4  }
0x10b: {  	[tilespmem:v55+s18+$0x0] =	vst.idx.add.f32.msk $0xffff, v2;
	v2 =	vunpack.i.u.bf16.f32 v53;
	v3 =	vmul.f32 v3, v14  }
0x10c: {  	[tilespmem:v58+s18+$0x0] =	vst.idx.add.f32.msk $0xffff, v63;
	v1 =	vmul.f32 v2, v14  }
0x10d: {  	[tilespmem:v60+s18+$0x0] =	vst.idx.add.f32.msk $0xffff, v3  }
0x10e: {  	[tilespmem:v61+s18+$0x0] =	vst.idx.add.f32.msk $0xffff, v1  }
0x10f: {  	s24 =	smul.u32 $0x3E80, s23;
	_ =	sdelay $0x1  }
0x110: {  	s24 =	sshrl.u32 s24, $0x3  }
.Ltmp6:
0x111: {  	s24 =	sadd.s32 $0xBB8, s24;
	(pc) =	sbr.rel .LBB2_4-.Ltmp6, $4  }
0x112: {  	s25 =	sadd.s32 s3, s24  }
0x113: {  	[tilespmem:s14], [sflag:$0x2] =	stream.linear.gather [hbm4b:s25+s1], $0x1F40, $0x38;
	[tilespmem:$0x16E00] =	vst v63  }
0x114: {  	s23 =	sadd.s32 $0x1, s23;
	s24 =	sadd.s32 s4, s24  }
0x115: {  	[tilespmem:s15], [sflag:$0x2] =	stream.linear.gather [hbm4b:s24+s1], $0x1F40, $0x38;
	[tilespmem:$0x16E00] =	vst v63  }
.LBB2_11:
0x116: {  	_ =	sfence.sel $0x180000  }
0x117: {  	[bflag:$0x0] =	sbarrier.arrive $0xFFFF  }
0x118: {  	p0 =	sne.s32 s2, $0x0;
	_ =	strace $0x9000004D  }
0x119: {  	s0 =	sadd.s32 @!p0 $0x100000, s0;
	[bflag:$0x2] =	sbarrier.arrive $0xFFFF  }
0x11a: {  	[sflag:s0] =	ssyncadd.tile.s32 @!p0 $0x1;
	_ =	shalt  }
.Lfunc_end2:
_tile_overlayer_lowered:
.L_overlay_start_2:
0x11b: {  	(tag) =	ssettag $0x2  }
0x11c: {  	s0 =	rddreg [dreg:$0x0];
	s2 =	stileid.u32  }
0x11d: {  	s1 =	rddreg [dreg:$0x1];
	p0 =	sne.s32 s2, $0x0  }
0x11e: {  	s3 =	rddreg [dreg:$0x2];
	[bflag:$0x3] =	sbarrier.arrive $0xFFFF;
	s2 =	simm.s32 @!p0 $0x1C04  }
0x11f: {  	[timem:s3], [sflag:s2] =	dma.local @!p0 [hbm:s0], s1  }
0x120: {  	s0 =	simm.s32 @!p0 $0x4  }
0x121: {  	_ =	swait.ge @!p0 [sflag:s0], s1  }
0x122: {  	s1 =	ssub.s32 @!p0 $0x0, s1;
	[sflag:s0] =	ssyncset.done @!p0 $0x0  }
0x123: {  	[sflag:s0] =	ssyncadd.s32 @!p0 s1  }
0x124: {  	[bflag:$0x3] =	sbarrier.arrive $0xFFFF  }
0x125: {  	_ =	shalt  }

// kernel: kernel.20.cloned.1.call-start
scs
__scs_entry_jumppad:
0x0: {  	(pc) =	sbr.rel $0x88, $3  }
0x1: {  	(tag) =	ssettag $0x0;
	lr =	simm.s32 $0x1  }
0x2: {  	[smem:$0x3F98] =	sst lr;
	_ =	strace $0xD0000000  }
0x3: {  	_ = 	snop  }
0x4: {  	_ = 	snop  }
0x5: {  	_ = 	snop  }
0x6: {  	_ = 	snop  }
0x7: {  	_ = 	snop  }
__scs_overlays_trampoline_lowered:
0x8: {  	[smem:$0x3FA7] =	sst s0  }
0x9: {  	[smem:$0x3FA8] =	sst s1  }
0xa: {  	[smem:$0x3FA9] =	sst s2  }
0xb: {  	[smem:$0x3FAA] =	sst s3  }
0xc: {  	[smem:$0x3FAB] =	sst s4  }
0xd: {  	[smem:$0x3FAC] =	sst s5  }
0xe: {  	[smem:$0x3FAD] =	sst s6  }
0xf: {  	[smem:$0x3FAE] =	sst s7  }
0x10: {  	[smem:$0x3FAF] =	sst s8  }
0x11: {  	[smem:$0x3FB0] =	sst s9;
	s0 =	simm.s32 @!p0 $0x0  }
0x12: {  	s1 =	sld [smem:$0x3F96];
	s0 =	simm.s32 @p0 $0x1  }
0x13: {  	[smem:$0x3FB1] =	sst s0;
	s0 =	simm.s32 @!p1 $0x0  }
0x14: {  	s2 =	sld [smem:$0x3F95];
	s0 =	simm.s32 @p1 $0x1  }
0x15: {  	[smem:$0x3FB2] =	sst s0;
	s0 =	simm.s32 @!p2 $0x0  }
0x16: {  	s3 =	sld [smem:$0x3FDB];
	s0 =	simm.s32 @p2 $0x1  }
0x17: {  	s4 =	simm.s32 $0x1BF5;
	[smem:$0x3FB4] =	sst s0  }
0x18: {  	s0 =	sld [smem:$0x3F97];
	_ =	swait.ge [sflag:s4], $0x0  }
0x19: {  	s7 =	sld [smem:$0x3F98]  }
0x1a: {  	s8 =	sadd.s32 $0xFFFFE003, lr  }
0x1b: {  	s9 =	sadd.s32 $0xFFFFFEF7, lr;
	s5 =	simm.s32 $0xFFFFFFFF;
	p2 =	slt.u32 s8, $0xFFFFF086  }
0x1c: {  	p1 =	slt.u32 s9, $0xF7A;
	s5 =	simm.s32 @!p2 $0x0  }
0x1d: {  	s5 =	simm.s32 @p1 $0x1;
	p0 =	seq.s32 s7, s2  }
0x1e: {  	s7 =	smul.u32 @!p0 $0xF7A, s2;
	p2 =	seq.s32 @!p0 s5, $0x0  }
0x1f: {  	s9 =	smul.u32 $0xF7A, s1;
	s8 =	simm.s32 @!p0 $0x1BF5;
	p2 =	por !p2, p0  }
0x20: {  	[sflag:s8] =	ssyncset.s32 @!p0 $0xFFFFF086;
	s6 =	sadd.s32 @!p0 s3, s7;
	s7 =	simm.s32 @!p0 $0x108  }
0x21: {  	s3 =	sadd.s32 s3, s9;
	s6 =	sadd.s32 @!p0 $0x88, s6;
	s7 =	simm.s32 @p2 $0x1082  }
0x22: {  	[simem:s7], [sflag:s8] =	dma.local @!p0 [hbm:s6], $0xF7A  }
0x23: {  	s9 =	sor.u32 $0xD0000000, s2;
	s6 =	simm.s32 $0x108;
	_ =	swait.ge @!p0 [sflag:s8], $0x0  }
0x24: {  	s3 =	sadd.s32 $0x88, s3;
	s6 =	simm.s32 @!p1 $0x1082;
	[sflag:s4] =	ssyncset.s32 $0xFFFFF086  }
0x25: {  	[simem:s6], [sflag:s4] =	dma.local [hbm:s3], $0xF7A  }
0x26: {  	[smem:$0x3F98] =	sst s1;
	(tag) =	ssettag s2;
	_ =	strace s9  }
0x27: {  	s1 =	sld [smem:$0x3FA8]  }
0x28: {  	s2 =	sld [smem:$0x3FA9]  }
0x29: {  	s4 =	sld [smem:$0x3FAB]  }
0x2a: {  	p0 =	seq.s32 s5, $0x0;
	s5 =	sld [smem:$0x3FAC]  }
0x2b: {  	s6 =	sld [smem:$0x3FAD]  }
0x2c: {  	s7 =	sld [smem:$0x3FAE]  }
0x2d: {  	s3 =	simm.s32 $0x108;
	s8 =	sld [smem:$0x3FAF]  }
0x2e: {  	s3 =	simm.s32 @!p0 $0x1082;
	s9 =	sld [smem:$0x3FB0]  }
0x2f: {  	lr =	sadd.s32 s0, s3;
	s0 =	sld [smem:$0x3FA7]  }
0x30: {  	s3 =	sld [smem:$0x3FAA]  }
0x31: {  	[smem:$0x3FB3] =	sst s10  }
0x32: {  	s10 =	sld [smem:$0x3FB1];
	_ =	sdelay $0x3  }
0x33: {  	p0 =	seq.s32 s10, $0x1;
	s10 =	sld [smem:$0x3FB3];
	_ =	sdelay $0x3  }
0x34: {  	[smem:$0x3FB3] =	sst s10  }
0x35: {  	s10 =	sld [smem:$0x3FB2];
	_ =	sdelay $0x3  }
0x36: {  	p1 =	seq.s32 s10, $0x1;
	s10 =	sld [smem:$0x3FB3];
	_ =	sdelay $0x3  }
0x37: {  	[smem:$0x3FB3] =	sst s10  }
0x38: {  	s10 =	sld [smem:$0x3FB4]  }
0x39: {  	_ = 	snop;
	(pc) =	sbr.ind lr, $3  }
0x3a: {  	_ = 	snop  }
0x3b: {  	_ = 	snop  }
0x3c: {  	p2 =	seq.s32 s10, $0x1;
	s10 =	sld [smem:$0x3FB3]  }
0x3d: {  	_ =	shalt  }
0x3e: {  	_ =	shalt  }
0x3f: {  	_ =	shalt  }
0x40: {  	_ =	shalt  }
0x41: {  	_ =	shalt  }
0x42: {  	_ =	shalt  }
0x43: {  	_ =	shalt  }
0x44: {  	_ =	shalt  }
0x45: {  	_ =	shalt  }
0x46: {  	_ =	shalt  }
0x47: {  	_ =	shalt  }
0x48: {  	_ =	shalt  }
0x49: {  	_ =	shalt  }
0x4a: {  	_ =	shalt  }
0x4b: {  	_ =	shalt  }
0x4c: {  	_ =	shalt  }
0x4d: {  	_ =	shalt  }
0x4e: {  	_ =	shalt  }
0x4f: {  	_ =	shalt  }
0x50: {  	_ =	shalt  }
0x51: {  	_ =	shalt  }
0x52: {  	_ =	shalt  }
0x53: {  	_ =	shalt  }
0x54: {  	_ =	shalt  }
0x55: {  	_ =	shalt  }
0x56: {  	_ =	shalt  }
0x57: {  	_ =	shalt  }
0x58: {  	_ =	shalt  }
0x59: {  	_ =	shalt  }
0x5a: {  	_ =	shalt  }
0x5b: {  	_ =	shalt  }
0x5c: {  	_ =	shalt  }
0x5d: {  	_ =	shalt  }
0x5e: {  	_ =	shalt  }
0x5f: {  	_ =	shalt  }
0x60: {  	_ =	shalt  }
0x61: {  	_ =	shalt  }
0x62: {  	_ =	shalt  }
0x63: {  	_ =	shalt  }
0x64: {  	_ =	shalt  }
0x65: {  	_ =	shalt  }
0x66: {  	_ =	shalt  }
0x67: {  	_ =	shalt  }
0x68: {  	_ =	shalt  }
0x69: {  	_ =	shalt  }
0x6a: {  	_ =	shalt  }
0x6b: {  	_ =	shalt  }
0x6c: {  	_ =	shalt  }
0x6d: {  	_ =	shalt  }
0x6e: {  	_ =	shalt  }
0x6f: {  	_ =	shalt  }
0x70: {  	_ =	shalt  }
0x71: {  	_ =	shalt  }
0x72: {  	_ =	shalt  }
0x73: {  	_ =	shalt  }
0x74: {  	_ =	shalt  }
0x75: {  	_ =	shalt  }
0x76: {  	_ =	shalt  }
0x77: {  	_ =	shalt  }
0x78: {  	_ =	shalt  }
0x79: {  	_ =	shalt  }
0x7a: {  	_ =	shalt  }
0x7b: {  	_ =	shalt  }
0x7c: {  	_ =	shalt  }
0x7d: {  	_ =	shalt  }
0x7e: {  	_ =	shalt  }
0x7f: {  	_ =	shalt  }
0x80: {  	_ =	shalt  }
0x81: {  	_ =	shalt  }
0x82: {  	_ =	shalt  }
0x83: {  	_ =	shalt  }
0x84: {  	_ =	shalt  }
0x85: {  	_ =	shalt  }
0x86: {  	_ =	shalt  }
0x87: {  	_ =	shalt  }
.Lfunc_end0:
.L_simem_size_0:
called_computation.3_lowered:
.L_overlay_start_0:
0x88: {  	s2 =	sld [smem:$0x3FD9]  }
0x89: {  	s3 =	sld [smem:$0x3FFE];
	_ =	sdelay $0x1  }
0x8a: {  	s1 =	srdreg.scid  }
0x8b: {  	s0 =	sand.u32 $0x1, s1  }
0x8c: {  	s17 =	sshll.u32 s0, $0xA;
	s2 =	sadd.s32 s3, s2  }
0x8d: {  	s2 =	sadd.s32 s2, s17  }
0x8e: {  	[smem:$0x3FBF] =	sst s2  }
0x8f: {  	_ = 	snop  }
0x90: {  	s2 =	sld [smem:$0x3FD0];
	(tm) =	ssettm $0x1  }
0x91: {  	s18 =	sld [smem:$0x3FFB];
	_ =	sdelay $0x3  }
0x92: {  	_ =	strace s18  }
0x93: {  	s3 =	sld [smem:$0x3FFC];
	_ =	sdelay $0x3  }
0x94: {  	_ =	strace s3  }
0x95: {  	s3 =	sld [smem:$0x3FFD];
	_ =	sdelay $0x3  }
0x96: {  	_ =	strace s3  }
0x97: {  	_ =	strace $0x8FFFFFFF  }
0x98: {  	s19 =	sld [smem:$0x3FDB];
	_ =	sdelay $0x1  }
0x99: {  	s4 =	simm.s32 $_scs_section_size  }
0x9a: {  	s5 =	simm.s32 $_size__tile_overlayer_lowered;
	s6 =	simm.s32 $_tile_overlayer_lowered  }
0x9b: {  	s22 =	simm.s32 $0x1BFF;
	s21 =	sshll.u32 s6, $0x1;
	s3 =	sadd.s32 s4, s19  }
0x9c: {  	s7 =	simm.s32 $0x0;
	s20 =	sshll.u32 s5, $0x1;
	s5 =	sadd.s32 s21, s3  }
0x9d: {  	[timem:s7], [sflag:s22] =	dma.local [hbm:s5], s20  }
0x9e: {  	_ =	swait.ge [sflag:s22], s20  }
0x9f: {  	s4 =	ssub.s32 $0x0, s20;
	[sflag:s22] =	ssyncset.done $0x0  }
0xa0: {  	[sflag:s22] =	ssyncadd.s32 s4;
	_ =	sdelay $0x1  }
0xa1: {  	s23 =	simm.s32 $0x1B8B  }
0xa2: {  	_ =	swait.ge [sflag:s23], $0x1  }
0xa3: {  	[sflag:s23] =	ssyncset.done $0x0  }
0xa4: {  	s25 =	simm.s32 $0x1B8E;
	s24 =	sld [smem:$0x3FFE];
	[sflag:s23] =	ssyncadd.s32 $0xFFFFFFFF  }
0xa5: {  	s26 =	simm.s32 $execute0_lowered;
	[smem:$0x3FD2] =	sst s25  }
0xa6: {  	s5 =	sshll.u32 s26, $0x1;
	_ =	strace $0x8000004F;
	[dreg:$0x1] =	wrdreg $0xFFFFFFFF  }
0xa7: {  	s28 =	simm.s32 $_size_execute0_lowered;
	s3 =	sadd.s32 s3, s5;
	[dreg:$0x0] =	wrdreg $0x0  }
0xa8: {  	s5 =	sshll.u32 s28, $0x1;
	[dreg:$0x2] =	wrdreg s3  }
0xa9: {  	[dreg:$0x3] =	wrdreg s5  }
0xaa: {  	[dreg:$0x4] =	wrdreg $0xC0  }
0xab: {  	_ =	task [dreg:s7], $0x5FFFF  }
0xac: {  	[dreg:$0x1] =	wrdreg $0xFFFFFFFF  }
0xad: {  	[dreg:$0x0] =	wrdreg $0x60  }
0xae: {  	[dreg:$0x2] =	wrdreg s2  }
0xaf: {  	[dreg:$0x3] =	wrdreg s24  }
0xb0: {  	[dreg:$0x4] =	wrdreg $0x9  }
0xb1: {  	_ =	task.clear_ibuf [dreg:s7], $0x5FFFF;
	_ =	strace $0x9000004F  }
0xb2: {  	s29 =	simm.s32 $0x9;
	_ =	strace $0x80000051  }
0xb3: {  	_ =	swait.ge [sflag:s29], $0x1  }
0xb4: {  	[sflag:s29] =	ssyncadd.s32 $0xFFFFFFFF  }
0xb5: {  	_ =	strace $0x90000051  }
0xb6: {  	_ =	sfence  }
0xb7: {  	s30 =	sld [smem:$0x0];
	_ =	sdelay $0x2  }
0xb8: {  	s31 =	sshll.u32 s1, $0xD;
	s1 =	sshrl.u32 s1, $0x2  }
0xb9: {  	s3 =	sand.u32 $0x4000, s31;
	s1 =	sadd.s32 s1, s30  }
0xba: {  	s0 =	sor.u32 s3, s0;
	s1 =	sshll.u32 s1, $0x11  }
0xbb: {  	s0 =	sor.u32 s1, s0  }
0xbc: {  	s0 =	sadd.s32 $0x8F2B, s0  }
0xbd: {  	[sflag:s0] =	ssyncadd.remote.s32 $0x1  }
0xbe: {  	_ =	sfence.sel $0xFFFF  }
0xbf: {  	[dreg:$0x0] =	wrdreg $0xFFFFFFFF;
	(pc) =	sbr.abs _section_cstart, $3  }
0xc0: {  	[dreg:$0x1] =	wrdreg $0xFFFFFFFF  }
0xc1: {  	_ =	task.clear_ibuf [dreg:s7], $0x2FFFF;
	_ =	strace $0x9FFFFFFF  }
0xc2: {  	(tm) =	ssettm $0x7FFFFFFF  }
0xc3: {  	_ =	shalt  }
tec
execute0_lowered:
.L_overlay_start_1:
0x0: {  	(tag) =	ssettag $0x1  }
0x1: {  	s5 =	rddreg [dreg:$0x0]  }
0x2: {  	s7 =	rddreg [dreg:$0x1]  }
0x3: {  	s0 =	rddreg [dreg:$0x2];
	s1 =	simm.s32 $0x0  }
0x4: {  	s6 =	srdreg.scid;
	s2 =	stileid.u32;
	s13 =	simm.s32 $0x12F00  }
0x5: {  	s14 =	simm.s32 $0x10F80;
	s15 =	simm.s32 $0x14E80;
	s16 =	simm.s32 $0x3  }
0x6: {  	s17 =	simm.s32 $0x1;
	s18 =	simm.s32 $0x5000;
	s19 =	simm.s32 $0x2  }
0x7: {  	s20 =	simm.s32 $0x200;
	s21 =	simm.s32 $0x4;
	s22 =	simm.s32 $0x0  }
0x8: {  	[smem:$0x7FF] =	sst s1;
	s3 =	sadd.s32 $0x2BA00, s7;
	s4 =	sadd.s32 $0x21C00, s7  }
0x9: {  	s6 =	sand.u32 $0x1, s6;
	s8 =	smul.u32 $0x14000, s2;
	s10 =	sshrl.u32 s2, $0x1  }
0xa: {  	s11 =	sshll.u32 s2, $0x9;
	_ =	strace $0x80000050;
	s9 =	sshll.u32 s6, $0x9  }
0xb: {  	s10 =	smul.u32 $0x14000, s10;
	s12 =	sshll.u32 s6, $0x8;
	s11 =	sand.u32 $0x200, s11  }
0xc: {  	s6 =	ssub.s32 $0x2, s6;
	s8 =	sor.u32 s9, s8;
	s28 =	sor.u32 s12, s11  }
.Ltmp0:
0xd: {  	s29 =	sshrl.u32 s6, $0x1;
	s11 =	simm.s32 $0x400;
	(pc) =	sbr.rel .LBB2_1-.Ltmp0, $4  }
0xe: {  	s12 =	simm.s32 $0xF000;
	s8 =	sshrl.u32 s8, $0x3;
	s9 =	sor.u32 s10, s28  }
0xf: {  	s30 =	ssub.s32 s6, s29;
	s6 =	sadd.s32 $0x2BDE8, s7;
	s10 =	simm.s32 $0x100  }
0x10: {  	s8 =	sadd.s32 s8, s7;
	s31 =	sshrl.u32 s9, $0x3;
	s7 =	sadd.s32 $0x21FE8, s7  }
0x11: {  	v0 =	vimm.f32 $0.0e+00;
	s9 =	smax.u32 s30, $0x1;
	s5 =	sadd.s32 s5, s31;
	s8 =	sadd.s32 $0x35800, s8  }
.LBB2_10:
0x12: {  	s22 =	sadd.s32 $0x1, s22  }
0x13: {  	p0 =	sne.s32 s22, s9  }
.Ltmp1:
0x14: {  	_ = 	snop;
	(pc) =	sbr.rel @!p0 .LBB2_11-.Ltmp1, $4  }
0x15: {  	[hbm4b:s8+s20] =	stream.strided.scatter [tilespmem:s18], [sflag:$0x4], $0xA000, s11, s20, $0x38;
	[tilespmem:$0x16E00] =	vst v63  }
0x16: {  	_ =	swait.ge [sflag:s21], $0xA000  }
0x17: {  	[sflag:s21] =	ssyncset.done $0x0  }
0x18: {  	[sflag:s21] =	ssyncadd.s32 $0xFFFF6000  }
.LBB2_1:
0x19: {  	[tilespmem:s1], [sflag:$0x3] =	stream.strided.gather [hbm4b:s5+s10], $0x5000, s11, s10, $0x38;
	[tilespmem:$0x16E00] =	vst v63  }
0x1a: {  	_ = 	snop  }
0x1b: {  	[tilespmem:s12], [sflag:$0x1] =	stream.linear.gather [hbm4b:s3+s1], $0x1F40, $0x38;
	[tilespmem:$0x16E00] =	vst v63  }
0x1c: {  	_ = 	snop  }
0x1d: {  	[tilespmem:s13], [sflag:$0x1] =	stream.linear.gather [hbm4b:s4+s1], $0x1F40, $0x38;
	[tilespmem:$0x16E00] =	vst v63  }
0x1e: {  	s23 =	sand.u32 $0x70, s1;
	s24 =	sand.u32 $0xFE00, s1  }
0x1f: {  	[tilespmem:s14], [sflag:$0x2] =	stream.linear.gather [hbm4b:s6+s1], $0x1F40, $0x38;
	[tilespmem:$0x16E00] =	vst v63  }
0x20: {  	s25 =	sor.u32 s23, s24  }
0x21: {  	[tilespmem:s15], [sflag:$0x2] =	stream.linear.gather [hbm4b:s7+s1], $0x1F40, $0x38;
	[tilespmem:$0x16E00] =	vst v63  }
0x22: {  	[tilespmem:s25+$0x5180] =	vst v0  }
0x23: {  	[tilespmem:s25+$0x5000] =	vst v0  }
0x24: {  	s23 =	simm.s32 $0x10;
	s24 =	simm.s32 $0x0;
	[tilespmem:s25+$0x5080] =	vst v0  }
.LBB2_2:
0x25: {  	s26 =	sand.u32 $0x70, s23;
	[tilespmem:s25+$0x5100] =	vst v0;
	s24 =	sadd.s32 $0x40, s24;
	p0 =	sne.s32 s23, $0x27F0  }
.Ltmp2:
0x26: {  	s23 =	sadd.s32 $0x10, s23;
	s25 =	sand.u32 $0xFE00, s24;
	(pc) =	sbr.rel @p0 .LBB2_2-.Ltmp2, $4  }
0x27: {  	s25 =	sor.u32 s26, s25  }
0x28: {  	[tilespmem:s25+$0x5180] =	vst v0  }
0x29: {  	[tilespmem:s25+$0x5000] =	vst v0  }
0x2a: {  	[tilespmem:s25+$0x5080] =	vst v0  }
0x2b: {  	[tilespmem:s25+$0x5100] =	vst v0  }
0x2c: {  	_ =	swait.ge [sflag:s16], $0x5000  }
0x2d: {  	[sflag:s16] =	ssyncset.done $0x0  }
0x2e: {  	s23 =	simm.s32 $0x0;
	[sflag:s16] =	ssyncadd.s32 $0xFFFFB000  }
.LBB2_4:
0x2f: {  	_ =	swait.ge [sflag:s17], $0x1F40  }
0x30: {  	[sflag:s17] =	ssyncset.done $0x0  }
0x31: {  	[sflag:s17] =	ssyncadd.s32 $0xFFFFE0C0  }
0x32: {  	_ =	swait.ge [sflag:s17], $0x1F40  }
0x33: {  	[sflag:s17] =	ssyncset.done $0x0  }
0x34: {  	s24 =	simm.s32 $0xF020;
	[sflag:s17] =	ssyncadd.s32 $0xFFFFE0C0  }
0x35: {  	v1 =	vld [tilespmem:s24+$0x10];
	_ =	sdelay $0x1  }
0x36: {  	v2 =	vld [tilespmem:s24+$0xFFFFFFF0]  }
0x37: {  	v4 =	vld [tilespmem:s24+$0xFFFFFFE0];
	_ =	sdelay $0x1  }
0x38: {  	v3 =	vld [tilespmem:s24+$0x0];
	v5 =	vshll.u32 v1, $0x1  }
0x39: {  	v6 =	vand.u32 $0x7F, v1;
	v5 =	vand.u32 $0x1FF00, v5  }
0x3a: {  	v7 =	vand.u32 $0x7F, v2;
	v5 =	vor.u32 v6, v5  }
0x3b: {  	s30 =	simm.s32 $0x12F20;
	v8 =	vshll.u32 v2, $0x1;
	v9 =	vshll.u32 v4, $0x1;
	v10 =	vand.u32 $0x7F, v4  }
0x3c: {  	v13 =	vld [tilespmem:s30+$0x10];
	v11 =	vshrl.u32 v1, $0x10;
	v1 =	vshrl.u32 v1, $0xE;
	v9 =	vand.u32 $0x1FF00, v9  }
0x3d: {  	s31 =	simm.s32 $0xF060;
	v15 =	vld [tilespmem:s30+$0xFFFFFFE0];
	v6 =	vand.u32 $0x1FF00, v8;
	v8 =	vshll.u32 v3, $0x1;
	v9 =	vor.u32 v10, v9  }
0x3e: {  	v24 =	vld [tilespmem:s31+$0xFFFFFFF0];
	v6 =	vor.u32 v7, v6;
	v7 =	vand.u32 $0x7F, v3;
	v8 =	vand.u32 $0x1FF00, v8  }
0x3f: {  	v14 =	vshrl.u32 v3, $0x10;
	v11 =	vand.u32 $0x7F, v11;
	v7 =	vor.u32 v7, v8;
	v12 =	vld.idx.msk [tilespmem:v5+s1+$0x0], $0xffff  }
0x40: {  	v26 =	vld [tilespmem:s31+$0x0];
	v1 =	vand.u32 $0x3FE00, v1;
	v10 =	vshrl.u32 v2, $0x10;
	v2 =	vshrl.u32 v2, $0xE  }
0x41: {  	v27 =	vld [tilespmem:s31+$0xFFFFFFE0];
	v18 =	vor.u32 v11, v1;
	v1 =	vshrl.u32 v3, $0xE;
	v3 =	vand.u32 $0x7F, v10  }
0x42: {  	v19 =	vor.u32 $0x80, v18;
	v2 =	vand.u32 $0x3FE00, v2;
	v8 =	vshrl.u32 v4, $0x10;
	v17 =	vld.idx.msk [tilespmem:v9+s1+$0x0], $0xffff  }
0x43: {  	v21 =	vand.u32 $0x3FE00, v1;
	v1 =	vld [tilespmem:s30+$0x0];
	v4 =	vshrl.u32 v4, $0xE;
	v8 =	vand.u32 $0x7F, v8  }
0x44: {  	v4 =	vand.u32 $0x3FE00, v4;
	v5 =	vor.u32 $0x80, v5;
	v10 =	vld.idx.msk [tilespmem:v7+s1+$0x0], $0xffff;
	v20 =	vunpack.i.l.bf16.f32 v12  }
0x45: {  	v4 =	vor.u32 v8, v4;
	v16 =	vld.idx.msk [tilespmem:v6+s1+$0x0], $0xffff;
	v12 =	vunpack.i.u.bf16.f32 v12;
	v20 =	vmul.f32 v20, v13  }
0x46: {  	v14 =	vand.u32 $0x7F, v14;
	v11 =	vld [tilespmem:s30+$0xFFFFFFF0];
	v2 =	vor.u32 v3, v2;
	v8 =	vmul.f32 v12, v13  }
0x47: {  	v3 =	vor.u32 $0x80, v4;
	v12 =	vor.u32 v14, v21;
	[tilespmem:v18+s18+$0x0] =	vst.idx.add.f32.msk $0xffff, v20;
	v20 =	vunpack.i.l.bf16.f32 v17  }
0x48: {  	v14 =	vor.u32 $0x80, v2;
	v21 =	vor.u32 $0x80, v6;
	[tilespmem:v19+s18+$0x0] =	vst.idx.add.f32.msk $0xffff, v8;
	v19 =	vmul.f32 v20, v15  }
0x49: {  	v6 =	vunpack.i.u.bf16.f32 v10;
	v10 =	vunpack.i.l.bf16.f32 v10;
	v17 =	vunpack.i.u.bf16.f32 v17;
	v5 =	vld.idx.msk [tilespmem:v5+s1+$0x0], $0xffff  }
0x4a: {  	v10 =	vmul.f32 v10, v1;
	v8 =	vor.u32 $0x80, v12;
	v20 =	vunpack.i.u.bf16.f32 v16;
	[tilespmem:v4+s18+$0x0] =	vst.idx.add.f32.msk $0xffff, v19  }
0x4b: {  	v16 =	vunpack.i.l.bf16.f32 v16;
	v17 =	vmul.f32 v17, v15;
	v19 =	vmul.f32 v20, v11;
	v20 =	vld [tilespmem:s31+$0x10]  }
0x4c: {  	v23 =	vor.u32 $0x100, v18;
	v16 =	vmul.f32 v16, v11;
	[tilespmem:v12+s18+$0x0] =	vst.idx.add.f32.msk $0xffff, v10  }
0x4d: {  	v22 =	vor.u32 $0x80, v7;
	v9 =	vor.u32 $0x80, v9;
	v7 =	vor.u32 $0x180, v12;
	[tilespmem:v3+s18+$0x0] =	vst.idx.add.f32.msk $0xffff, v17  }
0x4e: {  	v18 =	vor.u32 $0x180, v18;
	v10 =	vand.u32 $0x7F, v24;
	v17 =	vmul.f32 v6, v1;
	[tilespmem:v2+s18+$0x0] =	vst.idx.add.f32.msk $0xffff, v16  }
0x4f: {  	v6 =	vor.u32 $0x180, v2;
	[tilespmem:v14+s18+$0x0] =	vst.idx.add.f32.msk $0xffff, v19;
	v19 =	vshll.u32 v27, $0x1;
	v3 =	vunpack.i.l.bf16.f32 v5  }
0x50: {  	[tilespmem:v8+s18+$0x0] =	vst.idx.add.f32.msk $0xffff, v17;
	v17 =	vand.u32 $0x7F, v27;
	v5 =	vunpack.i.u.bf16.f32 v5;
	v25 =	vmul.f32 v3, v13  }
0x51: {  	v13 =	vmul.f32 v5, v13;
	v5 =	vor.u32 $0x100, v2;
	v2 =	vor.u32 $0x100, v12  }
0x52: {  	v16 =	vshll.u32 v20, $0x1;
	v14 =	vand.u32 $0x7F, v20;
	v12 =	vshll.u32 v24, $0x1  }
0x53: {  	v16 =	vand.u32 $0x1FF00, v16;
	v8 =	vand.u32 $0x1FF00, v12;
	v12 =	vand.u32 $0x7F, v26;
	[tilespmem:v23+s18+$0x0] =	vst.idx.add.f32.msk $0xffff, v25  }
0x54: {  	v16 =	vor.u32 v14, v16;
	v14 =	vshll.u32 v26, $0x1;
	v23 =	vld.idx.msk [tilespmem:v9+s1+$0x0], $0xffff;
	v9 =	vshrl.u32 v27, $0xE  }
0x55: {  	v14 =	vand.u32 $0x1FF00, v14;
	[tilespmem:v18+s18+$0x0] =	vst.idx.add.f32.msk $0xffff, v13;
	v13 =	vand.u32 $0x1FF00, v19;
	v18 =	vor.u32 v10, v8  }
0x56: {  	v8 =	vshrl.u32 v27, $0x10;
	v10 =	vshrl.u32 v24, $0x10;
	v9 =	vand.u32 $0x3FE00, v9  }
0x57: {  	v21 =	vld.idx.msk [tilespmem:v21+s1+$0x0], $0xffff;
	v19 =	vor.u32 v12, v14;
	v17 =	vor.u32 v17, v13;
	v12 =	vshrl.u32 v24, $0xE  }
0x58: {  	v34 =	vld.idx.msk [tilespmem:v22+s1+$0x0], $0xffff;
	v13 =	vshrl.u32 v26, $0x10;
	v8 =	vand.u32 $0x7F, v8;
	v14 =	vshrl.u32 v26, $0xE  }
0x59: {  	s24 =	simm.s32 $0x12F60;
	v25 =	vand.u32 $0x7F, v10;
	v26 =	vshrl.u32 v20, $0x10;
	v20 =	vshrl.u32 v20, $0xE;
	v24 =	vld.idx.msk [tilespmem:v16+s1+$0x0], $0xffff  }
0x5a: {  	v10 =	vld [tilespmem:s24+$0x10];
	v12 =	vand.u32 $0x3FE00, v12;
	v26 =	vand.u32 $0x7F, v26;
	v20 =	vand.u32 $0x3FE00, v20  }
0x5b: {  	v13 =	vand.u32 $0x7F, v13;
	v29 =	vand.u32 $0x3FE00, v14;
	v14 =	vor.u32 v8, v9;
	v27 =	vld.idx.msk [tilespmem:v18+s1+$0x0], $0xffff  }
0x5c: {  	v20 =	vor.u32 v26, v20;
	v8 =	vor.u32 v13, v29;
	v29 =	vor.u32 $0x80, v16;
	v16 =	vld [tilespmem:s24+$0xFFFFFFF0]  }
0x5d: {  	v9 =	vor.u32 v25, v12;
	v12 =	vld [tilespmem:s24+$0xFFFFFFE0];
	v26 =	vor.u32 $0x80, v20  }
0x5e: {  	v3 =	vor.u32 $0x100, v4;
	v4 =	vor.u32 $0x180, v4;
	v28 =	vld.idx.msk [tilespmem:v17+s1+$0x0], $0xffff;
	v13 =	vunpack.i.l.bf16.f32 v24  }
0x5f: {  	v32 =	vor.u32 $0x80, v9;
	v25 =	vld.idx.msk [tilespmem:v19+s1+$0x0], $0xffff;
	v24 =	vunpack.i.u.bf16.f32 v24;
	v31 =	vmul.f32 v13, v10  }
0x60: {  	v13 =	vld [tilespmem:s24+$0x0];
	v24 =	vmul.f32 v24, v10;
	v22 =	vunpack.i.u.bf16.f32 v27;
	v27 =	vunpack.i.l.bf16.f32 v27  }
0x61: {  	v30 =	vor.u32 $0x80, v14;
	v33 =	vor.u32 $0x80, v8;
	v27 =	vmul.f32 v27, v16;
	[tilespmem:v20+s18+$0x0] =	vst.idx.add.f32.msk $0xffff, v31  }
0x62: {  	v35 =	vunpack.i.u.bf16.f32 v23;
	v23 =	vunpack.i.l.bf16.f32 v23;
	v18 =	vor.u32 $0x80, v18;
	[tilespmem:v26+s18+$0x0] =	vst.idx.add.f32.msk $0xffff, v24  }
0x63: {  	v22 =	vmul.f32 v22, v16;
	v31 =	vunpack.i.u.bf16.f32 v28;
	v28 =	vunpack.i.l.bf16.f32 v28;
	[tilespmem:v9+s18+$0x0] =	vst.idx.add.f32.msk $0xffff, v27  }
0x64: {  	v17 =	vor.u32 $0x80, v17;
	v19 =	vor.u32 $0x80, v19;
	v24 =	vmul.f32 v28, v12;
	v28 =	vld.idx.msk [tilespmem:v29+s1+$0x0], $0xffff  }
0x65: {  	v26 =	vunpack.i.u.bf16.f32 v25;
	v25 =	vunpack.i.l.bf16.f32 v25;
	v29 =	vmul.f32 v31, v12;
	[tilespmem:v32+s18+$0x0] =	vst.idx.add.f32.msk $0xffff, v22  }
0x66: {  	v27 =	vunpack.i.l.bf16.f32 v34;
	v22 =	vmul.f32 v23, v15;
	v23 =	vmul.f32 v35, v15;
	[tilespmem:v14+s18+$0x0] =	vst.idx.add.f32.msk $0xffff, v24  }
0x67: {  	v31 =	vmul.f32 v25, v13;
	v25 =	vor.u32 $0x100, v20;
	[tilespmem:v30+s18+$0x0] =	vst.idx.add.f32.msk $0xffff, v29;
	v29 =	vmul.f32 v26, v13  }
0x68: {  	v30 =	vunpack.i.u.bf16.f32 v21;
	v21 =	vunpack.i.l.bf16.f32 v21;
	v26 =	vor.u32 $0x180, v20  }
0x69: {  	v24 =	vunpack.i.u.bf16.f32 v34;
	[tilespmem:v8+s18+$0x0] =	vst.idx.add.f32.msk $0xffff, v31;
	v20 =	vmul.f32 v21, v11;
	v31 =	vunpack.i.l.bf16.f32 v28  }
0x6a: {  	s25 =	simm.s32 $0x4;
	s26 =	simm.s32 $0xF0A0;
	v21 =	vmul.f32 v30, v11;
	[tilespmem:v33+s18+$0x0] =	vst.idx.add.f32.msk $0xffff, v29;
	v15 =	vunpack.i.u.bf16.f32 v28;
	v28 =	vmul.f32 v31, v10  }
.LBB2_5:
0x6b: {  	v29 =	vld [tilespmem:s26+$0x10];
	v30 =	vor.u32 $0x100, v14;
	v10 =	vmul.f32 v15, v10;
	v27 =	vmul.f32 v27, v1;
	v15 =	vmovc v12;
	v11 =	vmovc v16  }
0x6c: {  	v12 =	vor.u32 $0x180, v14;
	v14 =	vor.u32 $0x100, v9;
	v24 =	vmul.f32 v24, v1;
	v1 =	vmovc v13;
	[tilespmem:v25+s18+$0x0] =	vst.idx.add.f32.msk $0xffff, v28  }
0x6d: {  	v9 =	vor.u32 $0x180, v9;
	v13 =	vor.u32 $0x100, v8;
	v25 =	vor.u32 $0x180, v8;
	[tilespmem:v26+s18+$0x0] =	vst.idx.add.f32.msk $0xffff, v10  }
0x6e: {  	s25 =	sadd.s32 $0x4, s25;
	v8 =	vld [tilespmem:s26+$0xFFFFFFF0]  }
0x6f: {  	p0 =	slt.u32 s25, $0x1F0;
	v10 =	vld [tilespmem:s26+$0x0]  }
0x70: {  	v16 =	vld [tilespmem:s26+$0xFFFFFFE0]  }
0x71: {  	v26 =	vshll.u32 v29, $0x1;
	v28 =	vld.idx.msk [tilespmem:v17+s1+$0x0], $0xffff  }
0x72: {  	v17 =	vand.u32 $0x7F, v29;
	v26 =	vand.u32 $0x1FF00, v26;
	v31 =	vld.idx.msk [tilespmem:v18+s1+$0x0], $0xffff  }
0x73: {  	v17 =	vor.u32 v17, v26;
	v18 =	vand.u32 $0x7F, v8;
	v32 =	vshll.u32 v8, $0x1;
	v33 =	vld.idx.msk [tilespmem:v19+s1+$0x0], $0xffff  }
0x74: {  	v19 =	vand.u32 $0x1FF00, v32;
	v26 =	vand.u32 $0x7F, v10;
	v32 =	vshll.u32 v10, $0x1;
	[tilespmem:v3+s18+$0x0] =	vst.idx.add.f32.msk $0xffff, v22;
	v3 =	vmovc v30  }
0x75: {  	v22 =	vand.u32 $0x7F, v16;
	v30 =	vshll.u32 v16, $0x1;
	v32 =	vand.u32 $0x1FF00, v32;
	[tilespmem:v4+s18+$0x0] =	vst.idx.add.f32.msk $0xffff, v23;
	v4 =	vmovc v12  }
0x76: {  	v18 =	vor.u32 v18, v19;
	v12 =	vand.u32 $0x1FF00, v30;
	v19 =	vor.u32 v26, v32;
	[tilespmem:v5+s18+$0x0] =	vst.idx.add.f32.msk $0xffff, v20  }
0x77: {  	v20 =	vshrl.u32 v16, $0x10;
	v5 =	vmovc v14;
	v22 =	vor.u32 v22, v12;
	v12 =	vshrl.u32 v16, $0xE;
	[tilespmem:v6+s18+$0x0] =	vst.idx.add.f32.msk $0xffff, v21  }
0x78: {  	v14 =	vshrl.u32 v8, $0x10;
	v8 =	vshrl.u32 v8, $0xE;
	v16 =	vshrl.u32 v10, $0x10;
	v6 =	vmovc v9;
	v21 =	vld.idx.msk [tilespmem:v17+s1+$0x0], $0xffff  }
0x79: {  	s24 =	sadd.s32 $0x40, s24;
	v9 =	vand.u32 $0x7F, v20;
	v20 =	vshrl.u32 v10, $0xE;
	v12 =	vand.u32 $0x3FE00, v12;
	[tilespmem:v2+s18+$0x0] =	vst.idx.add.f32.msk $0xffff, v27;
	v2 =	vmovc v13  }
0x7a: {  	v23 =	vshrl.u32 v29, $0xE;
	v13 =	vand.u32 $0x7F, v14;
	v14 =	vshrl.u32 v29, $0x10;
	v10 =	vld [tilespmem:s24+$0x10]  }
0x7b: {  	v23 =	vand.u32 $0x3FE00, v23;
	v8 =	vand.u32 $0x3FE00, v8;
	v14 =	vand.u32 $0x7F, v14;
	v26 =	vld.idx.msk [tilespmem:v18+s1+$0x0], $0xffff  }
0x7c: {  	v16 =	vand.u32 $0x7F, v16;
	v20 =	vand.u32 $0x3FE00, v20;
	v23 =	vor.u32 v14, v23;
	v27 =	vld.idx.msk [tilespmem:v22+s1+$0x0], $0xffff  }
0x7d: {  	v14 =	vor.u32 v9, v12;
	v9 =	vor.u32 v13, v8;
	v30 =	vor.u32 $0x80, v23;
	v29 =	vld.idx.msk [tilespmem:v19+s1+$0x0], $0xffff  }
0x7e: {  	v8 =	vor.u32 v16, v20;
	v20 =	vor.u32 $0x80, v17;
	v13 =	vunpack.i.l.bf16.f32 v21;
	v12 =	vld [tilespmem:s24+$0xFFFFFFE0]  }
0x7f: {  	v32 =	vor.u32 $0x80, v14;
	v17 =	vunpack.i.u.bf16.f32 v21;
	v16 =	vld [tilespmem:s24+$0xFFFFFFF0];
	v21 =	vmul.f32 v13, v10  }
0x80: {  	v34 =	vor.u32 $0x80, v9;
	v35 =	vor.u32 $0x80, v8;
	v36 =	vmul.f32 v17, v10;
	v13 =	vld [tilespmem:s24+$0x0]  }
0x81: {  	v17 =	vor.u32 $0x80, v22;
	v22 =	vunpack.i.u.bf16.f32 v26;
	v26 =	vunpack.i.l.bf16.f32 v26;
	[tilespmem:v23+s18+$0x0] =	vst.idx.add.f32.msk $0xffff, v21  }
0x82: {  	v18 =	vor.u32 $0x80, v18;
	v21 =	vunpack.i.u.bf16.f32 v27;
	v27 =	vunpack.i.l.bf16.f32 v27;
	[tilespmem:v30+s18+$0x0] =	vst.idx.add.f32.msk $0xffff, v36  }
0x83: {  	v30 =	vunpack.i.u.bf16.f32 v29;
	v29 =	vunpack.i.l.bf16.f32 v29;
	v27 =	vmul.f32 v27, v12;
	v36 =	vld.idx.msk [tilespmem:v20+s1+$0x0], $0xffff  }
0x84: {  	v19 =	vor.u32 $0x80, v19;
	v20 =	vmul.f32 v21, v12;
	v21 =	vmul.f32 v26, v16;
	[tilespmem:v7+s18+$0x0] =	vst.idx.add.f32.msk $0xffff, v24  }
0x85: {  	v37 =	vunpack.i.u.bf16.f32 v28;
	v22 =	vmul.f32 v22, v16;
	[tilespmem:v14+s18+$0x0] =	vst.idx.add.f32.msk $0xffff, v27;
	v29 =	vmul.f32 v29, v13  }
.Ltmp3:
0x86: {  	v7 =	vmovc v25;
	v30 =	vmul.f32 v30, v13;
	[tilespmem:v32+s18+$0x0] =	vst.idx.add.f32.msk $0xffff, v20;
	v20 =	vunpack.i.l.bf16.f32 v28;
	v32 =	vunpack.i.u.bf16.f32 v31;
	(pc) =	sbr.rel @p0 .LBB2_5-.Ltmp3, $4  }
0x87: {  	v25 =	vor.u32 $0x100, v23;
	v24 =	vunpack.i.u.bf16.f32 v33;
	[tilespmem:v9+s18+$0x0] =	vst.idx.add.f32.msk $0xffff, v21;
	v21 =	vunpack.i.l.bf16.f32 v31  }
0x88: {  	v26 =	vor.u32 $0x180, v23;
	v27 =	vunpack.i.l.bf16.f32 v33;
	[tilespmem:v34+s18+$0x0] =	vst.idx.add.f32.msk $0xffff, v22;
	v22 =	vmul.f32 v20, v15  }
0x89: {  	v23 =	vmul.f32 v37, v15;
	v28 =	vunpack.i.l.bf16.f32 v36;
	v20 =	vmul.f32 v21, v11;
	[tilespmem:v8+s18+$0x0] =	vst.idx.add.f32.msk $0xffff, v29  }
0x8a: {  	s26 =	sadd.s32 $0x40, s26;
	v15 =	vunpack.i.u.bf16.f32 v36;
	v21 =	vmul.f32 v32, v11;
	v28 =	vmul.f32 v28, v10;
	[tilespmem:v35+s18+$0x0] =	vst.idx.add.f32.msk $0xffff, v30  }
0x8b: {  	_ =	sdelay $0x3  }
0x8c: {  	v11 =	vld.idx.msk [tilespmem:v18+s1+$0x0], $0xffff  }
0x8d: {  	v10 =	vmul.f32 v15, v10;
	v15 =	vld.idx.msk [tilespmem:v19+s1+$0x0], $0xffff  }
0x8e: {  	[tilespmem:v3+s18+$0x0] =	vst.idx.add.f32.msk $0xffff, v22  }
0x8f: {  	[tilespmem:v25+s18+$0x0] =	vst.idx.add.f32.msk $0xffff, v28  }
0x90: {  	[tilespmem:v26+s18+$0x0] =	vst.idx.add.f32.msk $0xffff, v10  }
0x91: {  	v10 =	vld.idx.msk [tilespmem:v17+s1+$0x0], $0xffff  }
0x92: {  	[tilespmem:v4+s18+$0x0] =	vst.idx.add.f32.msk $0xffff, v23;
	v4 =	vmul.f32 v27, v1  }
0x93: {  	[tilespmem:v5+s18+$0x0] =	vst.idx.add.f32.msk $0xffff, v20;
	v5 =	vor.u32 $0x100, v9;
	v1 =	vmul.f32 v24, v1  }
0x94: {  	v3 =	vor.u32 $0x100, v14;
	[tilespmem:v2+s18+$0x0] =	vst.idx.add.f32.msk $0xffff, v4  }
0x95: {  	v14 =	vor.u32 $0x180, v14;
	[tilespmem:v7+s18+$0x0] =	vst.idx.add.f32.msk $0xffff, v1;
	v1 =	vunpack.i.l.bf16.f32 v11  }
0x96: {  	v9 =	vor.u32 $0x180, v9;
	[tilespmem:v6+s18+$0x0] =	vst.idx.add.f32.msk $0xffff, v21;
	v1 =	vmul.f32 v1, v16;
	v6 =	vunpack.i.l.bf16.f32 v10  }
0x97: {  	v2 =	vunpack.i.u.bf16.f32 v10;
	v4 =	vmul.f32 v6, v12;
	v6 =	vor.u32 $0x100, v8  }
0x98: {  	p0 =	seq.s32 s23, $0x13;
	v7 =	vor.u32 $0x180, v8;
	v2 =	vmul.f32 v2, v12;
	v8 =	vunpack.i.u.bf16.f32 v11;
	[tilespmem:v5+s18+$0x0] =	vst.idx.add.f32.msk $0xffff, v1  }
0x99: {  	s24 =	smul.u32 @!p0 $0x3E80, s23;
	[tilespmem:v3+s18+$0x0] =	vst.idx.add.f32.msk $0xffff, v4;
	v3 =	vunpack.i.l.bf16.f32 v15;
	v4 =	vmul.f32 v8, v16  }
0x9a: {  	[tilespmem:v14+s18+$0x0] =	vst.idx.add.f32.msk $0xffff, v2;
	v2 =	vunpack.i.u.bf16.f32 v15;
	v3 =	vmul.f32 v3, v13  }
0x9b: {  	s24 =	sshrl.u32 @!p0 s24, $0x3;
	v1 =	vmul.f32 v2, v13;
	[tilespmem:v9+s18+$0x0] =	vst.idx.add.f32.msk $0xffff, v4  }
0x9c: {  	s24 =	sadd.s32 @!p0 $0x7D0, s24;
	[tilespmem:v6+s18+$0x0] =	vst.idx.add.f32.msk $0xffff, v3  }
0x9d: {  	s26 =	simm.s32 @!p0 $0x0;
	s28 =	simm.s32 @!p0 $0xF000;
	s25 =	sadd.s32 @!p0 s3, s24;
	[tilespmem:v7+s18+$0x0] =	vst.idx.add.f32.msk $0xffff, v1  }
0x9e: {  	[tilespmem:s28], [sflag:$0x1] =	stream.linear.gather @!p0 [hbm4b:s25+s26], $0x1F40, $0x38;
	[tilespmem:$0x16E00] =	vst v63  }
0x9f: {  	s24 =	sadd.s32 @!p0 s4, s24;
	s25 =	simm.s32 @!p0 $0x12F00  }
0xa0: {  	[tilespmem:s25], [sflag:$0x1] =	stream.linear.gather @!p0 [hbm4b:s24+s26], $0x1F40, $0x38;
	[tilespmem:$0x16E00] =	vst v63  }
0xa1: {  	_ =	swait.ge [sflag:s19], $0x1F40  }
0xa2: {  	[sflag:s19] =	ssyncset.done $0x0  }
0xa3: {  	[sflag:s19] =	ssyncadd.s32 $0xFFFFE0C0  }
0xa4: {  	_ =	swait.ge [sflag:s19], $0x1F40  }
0xa5: {  	[sflag:s19] =	ssyncset.done $0x0  }
0xa6: {  	s29 =	simm.s32 $0x10FA0;
	[sflag:s19] =	ssyncadd.s32 $0xFFFFE0C0  }
0xa7: {  	v1 =	vld [tilespmem:s29+$0x10];
	_ =	sdelay $0x1  }
0xa8: {  	v2 =	vld [tilespmem:s29+$0xFFFFFFF0]  }
0xa9: {  	v4 =	vld [tilespmem:s29+$0xFFFFFFE0];
	_ =	sdelay $0x1  }
0xaa: {  	v3 =	vld [tilespmem:s29+$0x0];
	v5 =	vshll.u32 v1, $0x1  }
0xab: {  	v6 =	vand.u32 $0x7F, v1;
	v5 =	vand.u32 $0x1FF00, v5  }
0xac: {  	v7 =	vand.u32 $0x7F, v2;
	v5 =	vor.u32 v6, v5  }
0xad: {  	s30 =	simm.s32 $0x14EA0;
	v8 =	vshll.u32 v2, $0x1;
	v9 =	vshll.u32 v4, $0x1;
	v10 =	vand.u32 $0x7F, v4  }
0xae: {  	v13 =	vld [tilespmem:s30+$0x10];
	v11 =	vshrl.u32 v1, $0x10;
	v1 =	vshrl.u32 v1, $0xE;
	v9 =	vand.u32 $0x1FF00, v9  }
0xaf: {  	s31 =	simm.s32 $0x10FE0;
	v15 =	vld [tilespmem:s30+$0xFFFFFFE0];
	v6 =	vand.u32 $0x1FF00, v8;
	v8 =	vshll.u32 v3, $0x1;
	v9 =	vor.u32 v10, v9  }
0xb0: {  	v24 =	vld [tilespmem:s31+$0xFFFFFFF0];
	v6 =	vor.u32 v7, v6;
	v7 =	vand.u32 $0x7F, v3;
	v8 =	vand.u32 $0x1FF00, v8  }
0xb1: {  	v14 =	vshrl.u32 v3, $0x10;
	v11 =	vand.u32 $0x7F, v11;
	v7 =	vor.u32 v7, v8;
	v12 =	vld.idx.msk [tilespmem:v5+s1+$0x0], $0xffff  }
0xb2: {  	v26 =	vld [tilespmem:s31+$0x0];
	v1 =	vand.u32 $0x3FE00, v1;
	v10 =	vshrl.u32 v2, $0x10;
	v2 =	vshrl.u32 v2, $0xE  }
0xb3: {  	v27 =	vld [tilespmem:s31+$0xFFFFFFE0];
	v18 =	vor.u32 v11, v1;
	v1 =	vshrl.u32 v3, $0xE;
	v3 =	vand.u32 $0x7F, v10  }
0xb4: {  	v19 =	vor.u32 $0x80, v18;
	v2 =	vand.u32 $0x3FE00, v2;
	v8 =	vshrl.u32 v4, $0x10;
	v17 =	vld.idx.msk [tilespmem:v9+s1+$0x0], $0xffff  }
0xb5: {  	v21 =	vand.u32 $0x3FE00, v1;
	v1 =	vld [tilespmem:s30+$0x0];
	v4 =	vshrl.u32 v4, $0xE;
	v8 =	vand.u32 $0x7F, v8  }
0xb6: {  	v4 =	vand.u32 $0x3FE00, v4;
	v5 =	vor.u32 $0x80, v5;
	v10 =	vld.idx.msk [tilespmem:v7+s1+$0x0], $0xffff;
	v20 =	vunpack.i.l.bf16.f32 v12  }
0xb7: {  	v4 =	vor.u32 v8, v4;
	v16 =	vld.idx.msk [tilespmem:v6+s1+$0x0], $0xffff;
	v12 =	vunpack.i.u.bf16.f32 v12;
	v20 =	vmul.f32 v20, v13  }
0xb8: {  	v14 =	vand.u32 $0x7F, v14;
	v11 =	vld [tilespmem:s30+$0xFFFFFFF0];
	v2 =	vor.u32 v3, v2;
	v8 =	vmul.f32 v12, v13  }
0xb9: {  	v3 =	vor.u32 $0x80, v4;
	v12 =	vor.u32 v14, v21;
	[tilespmem:v18+s18+$0x0] =	vst.idx.add.f32.msk $0xffff, v20;
	v20 =	vunpack.i.l.bf16.f32 v17  }
0xba: {  	v14 =	vor.u32 $0x80, v2;
	v21 =	vor.u32 $0x80, v6;
	[tilespmem:v19+s18+$0x0] =	vst.idx.add.f32.msk $0xffff, v8;
	v19 =	vmul.f32 v20, v15  }
0xbb: {  	v6 =	vunpack.i.u.bf16.f32 v10;
	v10 =	vunpack.i.l.bf16.f32 v10;
	v17 =	vunpack.i.u.bf16.f32 v17;
	v5 =	vld.idx.msk [tilespmem:v5+s1+$0x0], $0xffff  }
0xbc: {  	v10 =	vmul.f32 v10, v1;
	v8 =	vor.u32 $0x80, v12;
	v20 =	vunpack.i.u.bf16.f32 v16;
	[tilespmem:v4+s18+$0x0] =	vst.idx.add.f32.msk $0xffff, v19  }
0xbd: {  	v16 =	vunpack.i.l.bf16.f32 v16;
	v17 =	vmul.f32 v17, v15;
	v19 =	vmul.f32 v20, v11;
	v20 =	vld [tilespmem:s31+$0x10]  }
0xbe: {  	v16 =	vmul.f32 v16, v11;
	[tilespmem:v12+s18+$0x0] =	vst.idx.add.f32.msk $0xffff, v10  }
0xbf: {  	v23 =	vor.u32 $0x100, v18;
	v22 =	vor.u32 $0x80, v7;
	v9 =	vor.u32 $0x80, v9;
	[tilespmem:v3+s18+$0x0] =	vst.idx.add.f32.msk $0xffff, v17  }
0xc0: {  	v7 =	vor.u32 $0x180, v12;
	v18 =	vor.u32 $0x180, v18;
	v17 =	vmul.f32 v6, v1;
	[tilespmem:v2+s18+$0x0] =	vst.idx.add.f32.msk $0xffff, v16  }
0xc1: {  	v10 =	vand.u32 $0x7F, v24;
	v6 =	vor.u32 $0x180, v2;
	[tilespmem:v14+s18+$0x0] =	vst.idx.add.f32.msk $0xffff, v19;
	v19 =	vshll.u32 v27, $0x1  }
0xc2: {  	[tilespmem:v8+s18+$0x0] =	vst.idx.add.f32.msk $0xffff, v17;
	v17 =	vand.u32 $0x7F, v27;
	v3 =	vunpack.i.l.bf16.f32 v5;
	v5 =	vunpack.i.u.bf16.f32 v5  }
0xc3: {  	v25 =	vmul.f32 v3, v13;
	v13 =	vmul.f32 v5, v13;
	v5 =	vor.u32 $0x100, v2  }
0xc4: {  	v2 =	vor.u32 $0x100, v12;
	v16 =	vshll.u32 v20, $0x1;
	v12 =	vshll.u32 v24, $0x1  }
0xc5: {  	v14 =	vand.u32 $0x7F, v20;
	v16 =	vand.u32 $0x1FF00, v16;
	v8 =	vand.u32 $0x1FF00, v12;
	[tilespmem:v23+s18+$0x0] =	vst.idx.add.f32.msk $0xffff, v25  }
0xc6: {  	v12 =	vand.u32 $0x7F, v26;
	v14 =	vor.u32 v14, v16;
	v16 =	vshll.u32 v26, $0x1;
	v23 =	vld.idx.msk [tilespmem:v9+s1+$0x0], $0xffff  }
0xc7: {  	v9 =	vshrl.u32 v27, $0xE;
	v16 =	vand.u32 $0x1FF00, v16;
	[tilespmem:v18+s18+$0x0] =	vst.idx.add.f32.msk $0xffff, v13;
	v13 =	vand.u32 $0x1FF00, v19  }
0xc8: {  	v18 =	vor.u32 v10, v8;
	v8 =	vshrl.u32 v27, $0x10;
	v10 =	vshrl.u32 v24, $0x10  }
0xc9: {  	v21 =	vld.idx.msk [tilespmem:v21+s1+$0x0], $0xffff;
	v9 =	vand.u32 $0x3FE00, v9;
	v19 =	vor.u32 v12, v16;
	v17 =	vor.u32 v17, v13  }
0xca: {  	v34 =	vld.idx.msk [tilespmem:v22+s1+$0x0], $0xffff;
	v12 =	vshrl.u32 v24, $0xE;
	v13 =	vshrl.u32 v26, $0x10;
	v8 =	vand.u32 $0x7F, v8  }
0xcb: {  	s24 =	simm.s32 $0x14EE0;
	v16 =	vshrl.u32 v26, $0xE;
	v25 =	vand.u32 $0x7F, v10;
	v26 =	vshrl.u32 v20, $0x10;
	v24 =	vld.idx.msk [tilespmem:v14+s1+$0x0], $0xffff  }
0xcc: {  	v10 =	vld [tilespmem:s24+$0x10];
	v20 =	vshrl.u32 v20, $0xE;
	v12 =	vand.u32 $0x3FE00, v12;
	v26 =	vand.u32 $0x7F, v26  }
0xcd: {  	v20 =	vand.u32 $0x3FE00, v20;
	v29 =	vand.u32 $0x7F, v13;
	v16 =	vand.u32 $0x3FE00, v16;
	v27 =	vld.idx.msk [tilespmem:v18+s1+$0x0], $0xffff  }
0xce: {  	v13 =	vor.u32 v8, v9;
	v20 =	vor.u32 v26, v20;
	v8 =	vor.u32 v29, v16;
	v16 =	vld [tilespmem:s24+$0xFFFFFFF0]  }
0xcf: {  	v3 =	vor.u32 $0x100, v4;
	v9 =	vor.u32 v25, v12;
	v12 =	vld [tilespmem:s24+$0xFFFFFFE0];
	v26 =	vor.u32 $0x80, v20  }
0xd0: {  	v4 =	vor.u32 $0x180, v4;
	v30 =	vor.u32 $0x80, v14;
	v28 =	vld.idx.msk [tilespmem:v17+s1+$0x0], $0xffff;
	v29 =	vunpack.i.l.bf16.f32 v24  }
0xd1: {  	v32 =	vor.u32 $0x80, v9;
	v14 =	vld [tilespmem:s24+$0x0];
	v24 =	vunpack.i.u.bf16.f32 v24;
	v29 =	vmul.f32 v29, v10  }
0xd2: {  	v25 =	vld.idx.msk [tilespmem:v19+s1+$0x0], $0xffff;
	v24 =	vmul.f32 v24, v10;
	v22 =	vunpack.i.u.bf16.f32 v27;
	v27 =	vunpack.i.l.bf16.f32 v27  }
0xd3: {  	v31 =	vor.u32 $0x80, v13;
	v33 =	vor.u32 $0x80, v8;
	v27 =	vmul.f32 v27, v16;
	[tilespmem:v20+s18+$0x0] =	vst.idx.add.f32.msk $0xffff, v29  }
0xd4: {  	v35 =	vunpack.i.u.bf16.f32 v23;
	v23 =	vunpack.i.l.bf16.f32 v23;
	v18 =	vor.u32 $0x80, v18;
	[tilespmem:v26+s18+$0x0] =	vst.idx.add.f32.msk $0xffff, v24  }
0xd5: {  	v22 =	vmul.f32 v22, v16;
	v29 =	vunpack.i.u.bf16.f32 v28;
	v28 =	vunpack.i.l.bf16.f32 v28;
	[tilespmem:v9+s18+$0x0] =	vst.idx.add.f32.msk $0xffff, v27  }
0xd6: {  	v17 =	vor.u32 $0x80, v17;
	v19 =	vor.u32 $0x80, v19;
	v24 =	vmul.f32 v28, v12;
	v28 =	vld.idx.msk [tilespmem:v30+s1+$0x0], $0xffff  }
0xd7: {  	v26 =	vunpack.i.u.bf16.f32 v25;
	v25 =	vunpack.i.l.bf16.f32 v25;
	v29 =	vmul.f32 v29, v12;
	[tilespmem:v32+s18+$0x0] =	vst.idx.add.f32.msk $0xffff, v22  }
0xd8: {  	v27 =	vunpack.i.l.bf16.f32 v34;
	v30 =	vmul.f32 v25, v14;
	v22 =	vmul.f32 v23, v15;
	[tilespmem:v13+s18+$0x0] =	vst.idx.add.f32.msk $0xffff, v24  }
0xd9: {  	v25 =	vor.u32 $0x100, v20;
	v23 =	vmul.f32 v35, v15;
	[tilespmem:v31+s18+$0x0] =	vst.idx.add.f32.msk $0xffff, v29;
	v29 =	vmul.f32 v26, v14  }
0xda: {  	v31 =	vunpack.i.u.bf16.f32 v21;
	v21 =	vunpack.i.l.bf16.f32 v21;
	v26 =	vor.u32 $0x180, v20  }
0xdb: {  	v24 =	vunpack.i.u.bf16.f32 v34;
	[tilespmem:v8+s18+$0x0] =	vst.idx.add.f32.msk $0xffff, v30;
	v20 =	vmul.f32 v21, v11;
	v30 =	vunpack.i.l.bf16.f32 v28  }
0xdc: {  	s25 =	simm.s32 $0x4;
	s26 =	simm.s32 $0x11020;
	v21 =	vmul.f32 v31, v11;
	[tilespmem:v33+s18+$0x0] =	vst.idx.add.f32.msk $0xffff, v29;
	v15 =	vunpack.i.u.bf16.f32 v28;
	v28 =	vmul.f32 v30, v10  }
.LBB2_7:
0xdd: {  	v29 =	vld [tilespmem:s26+$0x10];
	v30 =	vor.u32 $0x100, v13;
	v10 =	vmul.f32 v15, v10;
	v27 =	vmul.f32 v27, v1;
	v15 =	vmovc v12;
	v11 =	vmovc v16  }
0xde: {  	v12 =	vor.u32 $0x180, v13;
	v13 =	vor.u32 $0x100, v9;
	v24 =	vmul.f32 v24, v1;
	v1 =	vmovc v14;
	[tilespmem:v25+s18+$0x0] =	vst.idx.add.f32.msk $0xffff, v28  }
0xdf: {  	v9 =	vor.u32 $0x180, v9;
	v14 =	vor.u32 $0x100, v8;
	v25 =	vor.u32 $0x180, v8;
	[tilespmem:v26+s18+$0x0] =	vst.idx.add.f32.msk $0xffff, v10  }
0xe0: {  	s25 =	sadd.s32 $0x4, s25;
	v8 =	vld [tilespmem:s26+$0xFFFFFFF0]  }
0xe1: {  	p1 =	slt.u32 s25, $0x1F0;
	v10 =	vld [tilespmem:s26+$0x0]  }
0xe2: {  	v16 =	vld [tilespmem:s26+$0xFFFFFFE0]  }
0xe3: {  	v26 =	vshll.u32 v29, $0x1;
	v28 =	vld.idx.msk [tilespmem:v17+s1+$0x0], $0xffff  }
0xe4: {  	v17 =	vand.u32 $0x7F, v29;
	v26 =	vand.u32 $0x1FF00, v26;
	v31 =	vld.idx.msk [tilespmem:v18+s1+$0x0], $0xffff  }
0xe5: {  	v17 =	vor.u32 v17, v26;
	v18 =	vand.u32 $0x7F, v8;
	v32 =	vshll.u32 v8, $0x1;
	v33 =	vld.idx.msk [tilespmem:v19+s1+$0x0], $0xffff  }
0xe6: {  	v19 =	vand.u32 $0x1FF00, v32;
	v26 =	vand.u32 $0x7F, v10;
	v32 =	vshll.u32 v10, $0x1;
	[tilespmem:v3+s18+$0x0] =	vst.idx.add.f32.msk $0xffff, v22;
	v3 =	vmovc v30  }
0xe7: {  	v22 =	vand.u32 $0x7F, v16;
	v30 =	vshll.u32 v16, $0x1;
	v32 =	vand.u32 $0x1FF00, v32;
	[tilespmem:v4+s18+$0x0] =	vst.idx.add.f32.msk $0xffff, v23;
	v4 =	vmovc v12  }
0xe8: {  	v18 =	vor.u32 v18, v19;
	v12 =	vand.u32 $0x1FF00, v30;
	v19 =	vor.u32 v26, v32;
	[tilespmem:v5+s18+$0x0] =	vst.idx.add.f32.msk $0xffff, v20  }
0xe9: {  	v20 =	vshrl.u32 v16, $0x10;
	v5 =	vmovc v13;
	v22 =	vor.u32 v22, v12;
	v12 =	vshrl.u32 v16, $0xE;
	[tilespmem:v6+s18+$0x0] =	vst.idx.add.f32.msk $0xffff, v21  }
0xea: {  	v13 =	vshrl.u32 v8, $0x10;
	v8 =	vshrl.u32 v8, $0xE;
	v16 =	vshrl.u32 v10, $0x10;
	v6 =	vmovc v9;
	v21 =	vld.idx.msk [tilespmem:v17+s1+$0x0], $0xffff  }
0xeb: {  	s24 =	sadd.s32 $0x40, s24;
	v9 =	vand.u32 $0x7F, v20;
	v20 =	vshrl.u32 v10, $0xE;
	v12 =	vand.u32 $0x3FE00, v12;
	[tilespmem:v2+s18+$0x0] =	vst.idx.add.f32.msk $0xffff, v27;
	v2 =	vmovc v14  }
0xec: {  	v23 =	vshrl.u32 v29, $0xE;
	v14 =	vand.u32 $0x7F, v13;
	v13 =	vshrl.u32 v29, $0x10;
	v10 =	vld [tilespmem:s24+$0x10]  }
0xed: {  	v23 =	vand.u32 $0x3FE00, v23;
	v8 =	vand.u32 $0x3FE00, v8;
	v13 =	vand.u32 $0x7F, v13;
	v26 =	vld.idx.msk [tilespmem:v18+s1+$0x0], $0xffff  }
0xee: {  	v16 =	vand.u32 $0x7F, v16;
	v20 =	vand.u32 $0x3FE00, v20;
	v23 =	vor.u32 v13, v23;
	v27 =	vld.idx.msk [tilespmem:v22+s1+$0x0], $0xffff  }
0xef: {  	v13 =	vor.u32 v9, v12;
	v9 =	vor.u32 v14, v8;
	v30 =	vor.u32 $0x80, v23;
	v29 =	vld.idx.msk [tilespmem:v19+s1+$0x0], $0xffff  }
0xf0: {  	v8 =	vor.u32 v16, v20;
	v20 =	vor.u32 $0x80, v17;
	v14 =	vunpack.i.l.bf16.f32 v21;
	v12 =	vld [tilespmem:s24+$0xFFFFFFE0]  }
0xf1: {  	v32 =	vor.u32 $0x80, v13;
	v17 =	vunpack.i.u.bf16.f32 v21;
	v16 =	vld [tilespmem:s24+$0xFFFFFFF0];
	v21 =	vmul.f32 v14, v10  }
0xf2: {  	v34 =	vor.u32 $0x80, v9;
	v35 =	vor.u32 $0x80, v8;
	v36 =	vmul.f32 v17, v10;
	v14 =	vld [tilespmem:s24+$0x0]  }
0xf3: {  	v17 =	vor.u32 $0x80, v22;
	v22 =	vunpack.i.u.bf16.f32 v26;
	v26 =	vunpack.i.l.bf16.f32 v26;
	[tilespmem:v23+s18+$0x0] =	vst.idx.add.f32.msk $0xffff, v21  }
0xf4: {  	v18 =	vor.u32 $0x80, v18;
	v21 =	vunpack.i.u.bf16.f32 v27;
	v27 =	vunpack.i.l.bf16.f32 v27;
	[tilespmem:v30+s18+$0x0] =	vst.idx.add.f32.msk $0xffff, v36  }
0xf5: {  	v30 =	vunpack.i.u.bf16.f32 v29;
	v29 =	vunpack.i.l.bf16.f32 v29;
	v27 =	vmul.f32 v27, v12;
	v36 =	vld.idx.msk [tilespmem:v20+s1+$0x0], $0xffff  }
0xf6: {  	v19 =	vor.u32 $0x80, v19;
	v20 =	vmul.f32 v21, v12;
	v21 =	vmul.f32 v26, v16;
	[tilespmem:v7+s18+$0x0] =	vst.idx.add.f32.msk $0xffff, v24  }
0xf7: {  	v37 =	vunpack.i.u.bf16.f32 v28;
	v22 =	vmul.f32 v22, v16;
	[tilespmem:v13+s18+$0x0] =	vst.idx.add.f32.msk $0xffff, v27;
	v29 =	vmul.f32 v29, v14  }
.Ltmp4:
0xf8: {  	v7 =	vmovc v25;
	v30 =	vmul.f32 v30, v14;
	[tilespmem:v32+s18+$0x0] =	vst.idx.add.f32.msk $0xffff, v20;
	v20 =	vunpack.i.l.bf16.f32 v28;
	v32 =	vunpack.i.u.bf16.f32 v31;
	(pc) =	sbr.rel @p1 .LBB2_7-.Ltmp4, $4  }
0xf9: {  	v25 =	vor.u32 $0x100, v23;
	v24 =	vunpack.i.u.bf16.f32 v33;
	[tilespmem:v9+s18+$0x0] =	vst.idx.add.f32.msk $0xffff, v21;
	v21 =	vunpack.i.l.bf16.f32 v31  }
0xfa: {  	v26 =	vor.u32 $0x180, v23;
	v27 =	vunpack.i.l.bf16.f32 v33;
	[tilespmem:v34+s18+$0x0] =	vst.idx.add.f32.msk $0xffff, v22;
	v22 =	vmul.f32 v20, v15  }
0xfb: {  	v23 =	vmul.f32 v37, v15;
	v28 =	vunpack.i.l.bf16.f32 v36;
	v20 =	vmul.f32 v21, v11;
	[tilespmem:v8+s18+$0x0] =	vst.idx.add.f32.msk $0xffff, v29  }
0xfc: {  	s26 =	sadd.s32 $0x40, s26;
	v15 =	vunpack.i.u.bf16.f32 v36;
	v21 =	vmul.f32 v32, v11;
	v28 =	vmul.f32 v28, v10;
	[tilespmem:v35+s18+$0x0] =	vst.idx.add.f32.msk $0xffff, v30  }
0xfd: {  	_ =	sdelay $0x3  }
0xfe: {  	v52 =	vld.idx.msk [tilespmem:v17+s1+$0x0], $0xffff  }
0xff: {  	v11 =	vld.idx.msk [tilespmem:v18+s1+$0x0], $0xffff  }
0x100: {  	v53 =	vld.idx.msk [tilespmem:v19+s1+$0x0], $0xffff  }
0x101: {  	[tilespmem:v3+s18+$0x0] =	vst.idx.add.f32.msk $0xffff, v22  }
0x102: {  	[tilespmem:v5+s18+$0x0] =	vst.idx.add.f32.msk $0xffff, v20  }
0x103: {  	[tilespmem:v25+s18+$0x0] =	vst.idx.add.f32.msk $0xffff, v28  }
0x104: {  	v3 =	vor.u32 $0x100, v13;
	v54 =	vmul.f32 v27, v1;
	[tilespmem:v4+s18+$0x0] =	vst.idx.add.f32.msk $0xffff, v23  }
0x105: {  	v56 =	vor.u32 $0x100, v9;
	v1 =	vmul.f32 v24, v1;
	[tilespmem:v6+s18+$0x0] =	vst.idx.add.f32.msk $0xffff, v21  }
0x106: {  	v10 =	vmul.f32 v15, v10;
	v55 =	vor.u32 $0x180, v13;
	[tilespmem:v2+s18+$0x0] =	vst.idx.add.f32.msk $0xffff, v54;
	v57 =	vunpack.i.l.bf16.f32 v52  }
0x107: {  	v58 =	vor.u32 $0x180, v9;
	[tilespmem:v7+s18+$0x0] =	vst.idx.add.f32.msk $0xffff, v1;
	v1 =	vunpack.i.l.bf16.f32 v11;
	v59 =	vmul.f32 v57, v12  }
0x108: {  	v60 =	vor.u32 $0x100, v8;
	[tilespmem:v26+s18+$0x0] =	vst.idx.add.f32.msk $0xffff, v10;
	v2 =	vunpack.i.u.bf16.f32 v52;
	v1 =	vmul.f32 v1, v16  }
0x109: {  	v61 =	vor.u32 $0x180, v8;
	v62 =	vunpack.i.u.bf16.f32 v11;
	v2 =	vmul.f32 v2, v12;
	[tilespmem:v3+s18+$0x0] =	vst.idx.add.f32.msk $0xffff, v59  }
.Ltmp5:
0x10a: {  	v63 =	vmul.f32 v62, v16;
	v3 =	vunpack.i.l.bf16.f32 v53;
	[tilespmem:v56+s18+$0x0] =	vst.idx.add.f32.msk $0xffff, v1;
	(pc) =	sbr.rel @p0 .LBB2_10-.Ltmp5, $4  }
0x10b: {  	[tilespmem:v55+s18+$0x0] =	vst.idx.add.f32.msk $0xffff, v2;
	v2 =	vunpack.i.u.bf16.f32 v53;
	v3 =	vmul.f32 v3, v14  }
0x10c: {  	[tilespmem:v58+s18+$0x0] =	vst.idx.add.f32.msk $0xffff, v63;
	v1 =	vmul.f32 v2, v14  }
0x10d: {  	[tilespmem:v60+s18+$0x0] =	vst.idx.add.f32.msk $0xffff, v3  }
0x10e: {  	[tilespmem:v61+s18+$0x0] =	vst.idx.add.f32.msk $0xffff, v1  }
0x10f: {  	s24 =	smul.u32 $0x3E80, s23;
	_ =	sdelay $0x1  }
0x110: {  	s24 =	sshrl.u32 s24, $0x3  }
.Ltmp6:
0x111: {  	s24 =	sadd.s32 $0xBB8, s24;
	(pc) =	sbr.rel .LBB2_4-.Ltmp6, $4  }
0x112: {  	s25 =	sadd.s32 s3, s24  }
0x113: {  	[tilespmem:s14], [sflag:$0x2] =	stream.linear.gather [hbm4b:s25+s1], $0x1F40, $0x38;
	[tilespmem:$0x16E00] =	vst v63  }
0x114: {  	s23 =	sadd.s32 $0x1, s23;
	s24 =	sadd.s32 s4, s24  }
0x115: {  	[tilespmem:s15], [sflag:$0x2] =	stream.linear.gather [hbm4b:s24+s1], $0x1F40, $0x38;
	[tilespmem:$0x16E00] =	vst v63  }
.LBB2_11:
0x116: {  	_ =	sfence.sel $0x180000  }
0x117: {  	[bflag:$0x0] =	sbarrier.arrive $0xFFFF  }
0x118: {  	p0 =	sne.s32 s2, $0x0;
	_ =	strace $0x90000050  }
0x119: {  	s0 =	sadd.s32 @!p0 $0x100000, s0;
	[bflag:$0x2] =	sbarrier.arrive $0xFFFF  }
0x11a: {  	[sflag:s0] =	ssyncadd.tile.s32 @!p0 $0x1;
	_ =	shalt  }
.Lfunc_end2:
_tile_overlayer_lowered:
.L_overlay_start_2:
0x11b: {  	(tag) =	ssettag $0x2  }
0x11c: {  	s0 =	rddreg [dreg:$0x0];
	s2 =	stileid.u32  }
0x11d: {  	s1 =	rddreg [dreg:$0x1];
	p0 =	sne.s32 s2, $0x0  }
0x11e: {  	s3 =	rddreg [dreg:$0x2];
	[bflag:$0x3] =	sbarrier.arrive $0xFFFF;
	s2 =	simm.s32 @!p0 $0x1C04  }
0x11f: {  	[timem:s3], [sflag:s2] =	dma.local @!p0 [hbm:s0], s1  }
0x120: {  	s0 =	simm.s32 @!p0 $0x4  }
0x121: {  	_ =	swait.ge @!p0 [sflag:s0], s1  }
0x122: {  	s1 =	ssub.s32 @!p0 $0x0, s1;
	[sflag:s0] =	ssyncset.done @!p0 $0x0  }
0x123: {  	[sflag:s0] =	ssyncadd.s32 @!p0 s1  }
0x124: {  	[bflag:$0x3] =	sbarrier.arrive $0xFFFF  }
0x125: {  	_ =	shalt  }

// kernel: kernel.23.cloned.1.call-start
scs
__scs_entry_jumppad:
0x0: {  	(pc) =	sbr.rel $0x88, $3  }
0x1: {  	(tag) =	ssettag $0x0;
	lr =	simm.s32 $0x1  }
0x2: {  	[smem:$0x3F98] =	sst lr;
	_ =	strace $0xD0000000  }
0x3: {  	_ = 	snop  }
0x4: {  	_ = 	snop  }
0x5: {  	_ = 	snop  }
0x6: {  	_ = 	snop  }
0x7: {  	_ = 	snop  }
__scs_overlays_trampoline_lowered:
0x8: {  	[smem:$0x3FA7] =	sst s0  }
0x9: {  	[smem:$0x3FA8] =	sst s1  }
0xa: {  	[smem:$0x3FA9] =	sst s2  }
0xb: {  	[smem:$0x3FAA] =	sst s3  }
0xc: {  	[smem:$0x3FAB] =	sst s4  }
0xd: {  	[smem:$0x3FAC] =	sst s5  }
0xe: {  	[smem:$0x3FAD] =	sst s6  }
0xf: {  	[smem:$0x3FAE] =	sst s7  }
0x10: {  	[smem:$0x3FAF] =	sst s8  }
0x11: {  	[smem:$0x3FB0] =	sst s9;
	s0 =	simm.s32 @!p0 $0x0  }
0x12: {  	s1 =	sld [smem:$0x3F96];
	s0 =	simm.s32 @p0 $0x1  }
0x13: {  	[smem:$0x3FB1] =	sst s0;
	s0 =	simm.s32 @!p1 $0x0  }
0x14: {  	s2 =	sld [smem:$0x3F95];
	s0 =	simm.s32 @p1 $0x1  }
0x15: {  	[smem:$0x3FB2] =	sst s0;
	s0 =	simm.s32 @!p2 $0x0  }
0x16: {  	s3 =	sld [smem:$0x3FDB];
	s0 =	simm.s32 @p2 $0x1  }
0x17: {  	s4 =	simm.s32 $0x1BF5;
	[smem:$0x3FB4] =	sst s0  }
0x18: {  	s0 =	sld [smem:$0x3F97];
	_ =	swait.ge [sflag:s4], $0x0  }
0x19: {  	s7 =	sld [smem:$0x3F98]  }
0x1a: {  	s8 =	sadd.s32 $0xFFFFE003, lr  }
0x1b: {  	s9 =	sadd.s32 $0xFFFFFEF7, lr;
	s5 =	simm.s32 $0xFFFFFFFF;
	p2 =	slt.u32 s8, $0xFFFFF086  }
0x1c: {  	p1 =	slt.u32 s9, $0xF7A;
	s5 =	simm.s32 @!p2 $0x0  }
0x1d: {  	s5 =	simm.s32 @p1 $0x1;
	p0 =	seq.s32 s7, s2  }
0x1e: {  	s7 =	smul.u32 @!p0 $0xF7A, s2;
	p2 =	seq.s32 @!p0 s5, $0x0  }
0x1f: {  	s9 =	smul.u32 $0xF7A, s1;
	s8 =	simm.s32 @!p0 $0x1BF5;
	p2 =	por !p2, p0  }
0x20: {  	[sflag:s8] =	ssyncset.s32 @!p0 $0xFFFFF086;
	s6 =	sadd.s32 @!p0 s3, s7;
	s7 =	simm.s32 @!p0 $0x108  }
0x21: {  	s3 =	sadd.s32 s3, s9;
	s6 =	sadd.s32 @!p0 $0x88, s6;
	s7 =	simm.s32 @p2 $0x1082  }
0x22: {  	[simem:s7], [sflag:s8] =	dma.local @!p0 [hbm:s6], $0xF7A  }
0x23: {  	s9 =	sor.u32 $0xD0000000, s2;
	s6 =	simm.s32 $0x108;
	_ =	swait.ge @!p0 [sflag:s8], $0x0  }
0x24: {  	s3 =	sadd.s32 $0x88, s3;
	s6 =	simm.s32 @!p1 $0x1082;
	[sflag:s4] =	ssyncset.s32 $0xFFFFF086  }
0x25: {  	[simem:s6], [sflag:s4] =	dma.local [hbm:s3], $0xF7A  }
0x26: {  	[smem:$0x3F98] =	sst s1;
	(tag) =	ssettag s2;
	_ =	strace s9  }
0x27: {  	s1 =	sld [smem:$0x3FA8]  }
0x28: {  	s2 =	sld [smem:$0x3FA9]  }
0x29: {  	s4 =	sld [smem:$0x3FAB]  }
0x2a: {  	p0 =	seq.s32 s5, $0x0;
	s5 =	sld [smem:$0x3FAC]  }
0x2b: {  	s6 =	sld [smem:$0x3FAD]  }
0x2c: {  	s7 =	sld [smem:$0x3FAE]  }
0x2d: {  	s3 =	simm.s32 $0x108;
	s8 =	sld [smem:$0x3FAF]  }
0x2e: {  	s3 =	simm.s32 @!p0 $0x1082;
	s9 =	sld [smem:$0x3FB0]  }
0x2f: {  	lr =	sadd.s32 s0, s3;
	s0 =	sld [smem:$0x3FA7]  }
0x30: {  	s3 =	sld [smem:$0x3FAA]  }
0x31: {  	[smem:$0x3FB3] =	sst s10  }
0x32: {  	s10 =	sld [smem:$0x3FB1];
	_ =	sdelay $0x3  }
0x33: {  	p0 =	seq.s32 s10, $0x1;
	s10 =	sld [smem:$0x3FB3];
	_ =	sdelay $0x3  }
0x34: {  	[smem:$0x3FB3] =	sst s10  }
0x35: {  	s10 =	sld [smem:$0x3FB2];
	_ =	sdelay $0x3  }
0x36: {  	p1 =	seq.s32 s10, $0x1;
	s10 =	sld [smem:$0x3FB3];
	_ =	sdelay $0x3  }
0x37: {  	[smem:$0x3FB3] =	sst s10  }
0x38: {  	s10 =	sld [smem:$0x3FB4]  }
0x39: {  	_ = 	snop;
	(pc) =	sbr.ind lr, $3  }
0x3a: {  	_ = 	snop  }
0x3b: {  	_ = 	snop  }
0x3c: {  	p2 =	seq.s32 s10, $0x1;
	s10 =	sld [smem:$0x3FB3]  }
0x3d: {  	_ =	shalt  }
0x3e: {  	_ =	shalt  }
0x3f: {  	_ =	shalt  }
0x40: {  	_ =	shalt  }
0x41: {  	_ =	shalt  }
0x42: {  	_ =	shalt  }
0x43: {  	_ =	shalt  }
0x44: {  	_ =	shalt  }
0x45: {  	_ =	shalt  }
0x46: {  	_ =	shalt  }
0x47: {  	_ =	shalt  }
0x48: {  	_ =	shalt  }
0x49: {  	_ =	shalt  }
0x4a: {  	_ =	shalt  }
0x4b: {  	_ =	shalt  }
0x4c: {  	_ =	shalt  }
0x4d: {  	_ =	shalt  }
0x4e: {  	_ =	shalt  }
0x4f: {  	_ =	shalt  }
0x50: {  	_ =	shalt  }
0x51: {  	_ =	shalt  }
0x52: {  	_ =	shalt  }
0x53: {  	_ =	shalt  }
0x54: {  	_ =	shalt  }
0x55: {  	_ =	shalt  }
0x56: {  	_ =	shalt  }
0x57: {  	_ =	shalt  }
0x58: {  	_ =	shalt  }
0x59: {  	_ =	shalt  }
0x5a: {  	_ =	shalt  }
0x5b: {  	_ =	shalt  }
0x5c: {  	_ =	shalt  }
0x5d: {  	_ =	shalt  }
0x5e: {  	_ =	shalt  }
0x5f: {  	_ =	shalt  }
0x60: {  	_ =	shalt  }
0x61: {  	_ =	shalt  }
0x62: {  	_ =	shalt  }
0x63: {  	_ =	shalt  }
0x64: {  	_ =	shalt  }
0x65: {  	_ =	shalt  }
0x66: {  	_ =	shalt  }
0x67: {  	_ =	shalt  }
0x68: {  	_ =	shalt  }
0x69: {  	_ =	shalt  }
0x6a: {  	_ =	shalt  }
0x6b: {  	_ =	shalt  }
0x6c: {  	_ =	shalt  }
0x6d: {  	_ =	shalt  }
0x6e: {  	_ =	shalt  }
0x6f: {  	_ =	shalt  }
0x70: {  	_ =	shalt  }
0x71: {  	_ =	shalt  }
0x72: {  	_ =	shalt  }
0x73: {  	_ =	shalt  }
0x74: {  	_ =	shalt  }
0x75: {  	_ =	shalt  }
0x76: {  	_ =	shalt  }
0x77: {  	_ =	shalt  }
0x78: {  	_ =	shalt  }
0x79: {  	_ =	shalt  }
0x7a: {  	_ =	shalt  }
0x7b: {  	_ =	shalt  }
0x7c: {  	_ =	shalt  }
0x7d: {  	_ =	shalt  }
0x7e: {  	_ =	shalt  }
0x7f: {  	_ =	shalt  }
0x80: {  	_ =	shalt  }
0x81: {  	_ =	shalt  }
0x82: {  	_ =	shalt  }
0x83: {  	_ =	shalt  }
0x84: {  	_ =	shalt  }
0x85: {  	_ =	shalt  }
0x86: {  	_ =	shalt  }
0x87: {  	_ =	shalt  }
.Lfunc_end0:
.L_simem_size_0:
called_computation.4_lowered:
.L_overlay_start_0:
0x88: {  	s2 =	sld [smem:$0x3FD9]  }
0x89: {  	s3 =	sld [smem:$0x3FFE];
	_ =	sdelay $0x1  }
0x8a: {  	s1 =	srdreg.scid  }
0x8b: {  	s0 =	sand.u32 $0x1, s1  }
0x8c: {  	s17 =	sshll.u32 s0, $0xA;
	s2 =	sadd.s32 s3, s2  }
0x8d: {  	s2 =	sadd.s32 s2, s17  }
0x8e: {  	[smem:$0x3FBF] =	sst s2  }
0x8f: {  	_ = 	snop  }
0x90: {  	s2 =	sld [smem:$0x3FD0];
	(tm) =	ssettm $0x1  }
0x91: {  	s18 =	sld [smem:$0x3FFB];
	_ =	sdelay $0x3  }
0x92: {  	_ =	strace s18  }
0x93: {  	s3 =	sld [smem:$0x3FFC];
	_ =	sdelay $0x3  }
0x94: {  	_ =	strace s3  }
0x95: {  	s3 =	sld [smem:$0x3FFD];
	_ =	sdelay $0x3  }
0x96: {  	_ =	strace s3  }
0x97: {  	_ =	strace $0x8FFFFFFF  }
0x98: {  	s19 =	sld [smem:$0x3FDB];
	_ =	sdelay $0x1  }
0x99: {  	s4 =	simm.s32 $_scs_section_size  }
0x9a: {  	s5 =	simm.s32 $_size__tile_overlayer_lowered;
	s6 =	simm.s32 $_tile_overlayer_lowered  }
0x9b: {  	s22 =	simm.s32 $0x1BFF;
	s21 =	sshll.u32 s6, $0x1;
	s3 =	sadd.s32 s4, s19  }
0x9c: {  	s7 =	simm.s32 $0x0;
	s20 =	sshll.u32 s5, $0x1;
	s5 =	sadd.s32 s21, s3  }
0x9d: {  	[timem:s7], [sflag:s22] =	dma.local [hbm:s5], s20  }
0x9e: {  	_ =	swait.ge [sflag:s22], s20  }
0x9f: {  	s4 =	ssub.s32 $0x0, s20;
	[sflag:s22] =	ssyncset.done $0x0  }
0xa0: {  	[sflag:s22] =	ssyncadd.s32 s4;
	_ =	sdelay $0x1  }
0xa1: {  	s23 =	simm.s32 $0x1B8B  }
0xa2: {  	_ =	swait.ge [sflag:s23], $0x1  }
0xa3: {  	[sflag:s23] =	ssyncset.done $0x0  }
0xa4: {  	s25 =	simm.s32 $0x1B8E;
	s24 =	sld [smem:$0x3FFE];
	[sflag:s23] =	ssyncadd.s32 $0xFFFFFFFF  }
0xa5: {  	s26 =	simm.s32 $execute0_lowered;
	[smem:$0x3FD2] =	sst s25  }
0xa6: {  	s5 =	sshll.u32 s26, $0x1;
	_ =	strace $0x80000052;
	[dreg:$0x1] =	wrdreg $0xFFFFFFFF  }
0xa7: {  	s28 =	simm.s32 $_size_execute0_lowered;
	s3 =	sadd.s32 s3, s5;
	[dreg:$0x0] =	wrdreg $0x0  }
0xa8: {  	s5 =	sshll.u32 s28, $0x1;
	[dreg:$0x2] =	wrdreg s3  }
0xa9: {  	[dreg:$0x3] =	wrdreg s5  }
0xaa: {  	[dreg:$0x4] =	wrdreg $0xC0  }
0xab: {  	_ =	task [dreg:s7], $0x5FFFF  }
0xac: {  	[dreg:$0x1] =	wrdreg $0xFFFFFFFF  }
0xad: {  	[dreg:$0x0] =	wrdreg $0x60  }
0xae: {  	[dreg:$0x2] =	wrdreg s2  }
0xaf: {  	[dreg:$0x3] =	wrdreg s24  }
0xb0: {  	[dreg:$0x4] =	wrdreg $0x9  }
0xb1: {  	_ =	task.clear_ibuf [dreg:s7], $0x5FFFF;
	_ =	strace $0x90000052  }
0xb2: {  	s29 =	simm.s32 $0x9;
	_ =	strace $0x80000054  }
0xb3: {  	_ =	swait.ge [sflag:s29], $0x1  }
0xb4: {  	[sflag:s29] =	ssyncadd.s32 $0xFFFFFFFF  }
0xb5: {  	_ =	strace $0x90000054  }
0xb6: {  	_ =	sfence  }
0xb7: {  	s30 =	sld [smem:$0x0];
	_ =	sdelay $0x2  }
0xb8: {  	s31 =	sshll.u32 s1, $0xD;
	s1 =	sshrl.u32 s1, $0x2  }
0xb9: {  	s3 =	sand.u32 $0x4000, s31;
	s1 =	sadd.s32 s1, s30  }
0xba: {  	s0 =	sor.u32 s3, s0;
	s1 =	sshll.u32 s1, $0x11  }
0xbb: {  	s0 =	sor.u32 s1, s0  }
0xbc: {  	s0 =	sadd.s32 $0x8F2B, s0  }
0xbd: {  	[sflag:s0] =	ssyncadd.remote.s32 $0x1  }
0xbe: {  	_ =	sfence.sel $0xFFFF  }
0xbf: {  	[dreg:$0x0] =	wrdreg $0xFFFFFFFF;
	(pc) =	sbr.abs _section_cstart, $3  }
0xc0: {  	[dreg:$0x1] =	wrdreg $0xFFFFFFFF  }
0xc1: {  	_ =	task.clear_ibuf [dreg:s7], $0x2FFFF;
	_ =	strace $0x9FFFFFFF  }
0xc2: {  	(tm) =	ssettm $0x7FFFFFFF  }
0xc3: {  	_ =	shalt  }
tec
execute0_lowered:
.L_overlay_start_1:
0x0: {  	(tag) =	ssettag $0x1  }
0x1: {  	s5 =	rddreg [dreg:$0x0]  }
0x2: {  	s7 =	rddreg [dreg:$0x1]  }
0x3: {  	s0 =	rddreg [dreg:$0x2];
	s1 =	simm.s32 $0x0  }
0x4: {  	s6 =	srdreg.scid;
	s2 =	stileid.u32;
	s13 =	simm.s32 $0x12F00  }
0x5: {  	s14 =	simm.s32 $0x10F80;
	s15 =	simm.s32 $0x14E80;
	s16 =	simm.s32 $0x3  }
0x6: {  	s17 =	simm.s32 $0x1;
	s18 =	simm.s32 $0x5000;
	s19 =	simm.s32 $0x2  }
0x7: {  	s20 =	simm.s32 $0x200;
	s21 =	simm.s32 $0x4;
	s22 =	simm.s32 $0x0  }
0x8: {  	[smem:$0x7FF] =	sst s1;
	s3 =	sadd.s32 $0x2BA00, s7;
	s4 =	sadd.s32 $0x21C00, s7  }
0x9: {  	s6 =	sand.u32 $0x1, s6;
	s8 =	smul.u32 $0x14000, s2;
	s10 =	sshrl.u32 s2, $0x1  }
0xa: {  	s11 =	sshll.u32 s2, $0x9;
	_ =	strace $0x80000053;
	s9 =	sshll.u32 s6, $0x9  }
0xb: {  	s10 =	smul.u32 $0x14000, s10;
	s12 =	sshll.u32 s6, $0x8;
	s11 =	sand.u32 $0x200, s11  }
0xc: {  	s6 =	ssub.s32 $0x2, s6;
	s8 =	sor.u32 s9, s8;
	s28 =	sor.u32 s12, s11  }
.Ltmp0:
0xd: {  	s29 =	sshrl.u32 s6, $0x1;
	s11 =	simm.s32 $0x400;
	(pc) =	sbr.rel .LBB2_1-.Ltmp0, $4  }
0xe: {  	s12 =	simm.s32 $0xF000;
	s8 =	sshrl.u32 s8, $0x3;
	s9 =	sor.u32 s10, s28  }
0xf: {  	s30 =	ssub.s32 s6, s29;
	s6 =	sadd.s32 $0x2BDE8, s7;
	s10 =	simm.s32 $0x100  }
0x10: {  	s8 =	sadd.s32 s8, s7;
	s31 =	sshrl.u32 s9, $0x3;
	s7 =	sadd.s32 $0x21FE8, s7  }
0x11: {  	v0 =	vimm.f32 $0.0e+00;
	s9 =	smax.u32 s30, $0x1;
	s5 =	sadd.s32 s5, s31;
	s8 =	sadd.s32 $0x35800, s8  }
.LBB2_10:
0x12: {  	s22 =	sadd.s32 $0x1, s22  }
0x13: {  	p0 =	sne.s32 s22, s9  }
.Ltmp1:
0x14: {  	_ = 	snop;
	(pc) =	sbr.rel @!p0 .LBB2_11-.Ltmp1, $4  }
0x15: {  	[hbm4b:s8+s20] =	stream.strided.scatter [tilespmem:s18], [sflag:$0x4], $0xA000, s11, s20, $0x38;
	[tilespmem:$0x16E00] =	vst v63  }
0x16: {  	_ =	swait.ge [sflag:s21], $0xA000  }
0x17: {  	[sflag:s21] =	ssyncset.done $0x0  }
0x18: {  	[sflag:s21] =	ssyncadd.s32 $0xFFFF6000  }
.LBB2_1:
0x19: {  	[tilespmem:s1], [sflag:$0x3] =	stream.strided.gather [hbm4b:s5+s10], $0x5000, s11, s10, $0x38;
	[tilespmem:$0x16E00] =	vst v63  }
0x1a: {  	_ = 	snop  }
0x1b: {  	[tilespmem:s12], [sflag:$0x1] =	stream.linear.gather [hbm4b:s3+s1], $0x1F40, $0x38;
	[tilespmem:$0x16E00] =	vst v63  }
0x1c: {  	_ = 	snop  }
0x1d: {  	[tilespmem:s13], [sflag:$0x1] =	stream.linear.gather [hbm4b:s4+s1], $0x1F40, $0x38;
	[tilespmem:$0x16E00] =	vst v63  }
0x1e: {  	s23 =	sand.u32 $0x70, s1;
	s24 =	sand.u32 $0xFE00, s1  }
0x1f: {  	[tilespmem:s14], [sflag:$0x2] =	stream.linear.gather [hbm4b:s6+s1], $0x1F40, $0x38;
	[tilespmem:$0x16E00] =	vst v63  }
0x20: {  	s25 =	sor.u32 s23, s24  }
0x21: {  	[tilespmem:s15], [sflag:$0x2] =	stream.linear.gather [hbm4b:s7+s1], $0x1F40, $0x38;
	[tilespmem:$0x16E00] =	vst v63  }
0x22: {  	[tilespmem:s25+$0x5180] =	vst v0  }
0x23: {  	[tilespmem:s25+$0x5000] =	vst v0  }
0x24: {  	s23 =	simm.s32 $0x10;
	s24 =	simm.s32 $0x0;
	[tilespmem:s25+$0x5080] =	vst v0  }
.LBB2_2:
0x25: {  	s26 =	sand.u32 $0x70, s23;
	[tilespmem:s25+$0x5100] =	vst v0;
	s24 =	sadd.s32 $0x40, s24;
	p0 =	sne.s32 s23, $0x27F0  }
.Ltmp2:
0x26: {  	s23 =	sadd.s32 $0x10, s23;
	s25 =	sand.u32 $0xFE00, s24;
	(pc) =	sbr.rel @p0 .LBB2_2-.Ltmp2, $4  }
0x27: {  	s25 =	sor.u32 s26, s25  }
0x28: {  	[tilespmem:s25+$0x5180] =	vst v0  }
0x29: {  	[tilespmem:s25+$0x5000] =	vst v0  }
0x2a: {  	[tilespmem:s25+$0x5080] =	vst v0  }
0x2b: {  	[tilespmem:s25+$0x5100] =	vst v0  }
0x2c: {  	_ =	swait.ge [sflag:s16], $0x5000  }
0x2d: {  	[sflag:s16] =	ssyncset.done $0x0  }
0x2e: {  	s23 =	simm.s32 $0x0;
	[sflag:s16] =	ssyncadd.s32 $0xFFFFB000  }
.LBB2_4:
0x2f: {  	_ =	swait.ge [sflag:s17], $0x1F40  }
0x30: {  	[sflag:s17] =	ssyncset.done $0x0  }
0x31: {  	[sflag:s17] =	ssyncadd.s32 $0xFFFFE0C0  }
0x32: {  	_ =	swait.ge [sflag:s17], $0x1F40  }
0x33: {  	[sflag:s17] =	ssyncset.done $0x0  }
0x34: {  	s24 =	simm.s32 $0xF020;
	[sflag:s17] =	ssyncadd.s32 $0xFFFFE0C0  }
0x35: {  	v1 =	vld [tilespmem:s24+$0x10];
	_ =	sdelay $0x1  }
0x36: {  	v2 =	vld [tilespmem:s24+$0xFFFFFFF0]  }
0x37: {  	v4 =	vld [tilespmem:s24+$0xFFFFFFE0];
	_ =	sdelay $0x1  }
0x38: {  	v3 =	vld [tilespmem:s24+$0x0];
	v5 =	vshll.u32 v1, $0x1  }
0x39: {  	v6 =	vand.u32 $0x7F, v1;
	v5 =	vand.u32 $0x1FF00, v5  }
0x3a: {  	v7 =	vand.u32 $0x7F, v2;
	v5 =	vor.u32 v6, v5  }
0x3b: {  	s30 =	simm.s32 $0x12F20;
	v8 =	vshll.u32 v2, $0x1;
	v9 =	vshll.u32 v4, $0x1;
	v10 =	vand.u32 $0x7F, v4  }
0x3c: {  	v13 =	vld [tilespmem:s30+$0x10];
	v11 =	vshrl.u32 v1, $0x10;
	v1 =	vshrl.u32 v1, $0xE;
	v9 =	vand.u32 $0x1FF00, v9  }
0x3d: {  	s31 =	simm.s32 $0xF060;
	v15 =	vld [tilespmem:s30+$0xFFFFFFE0];
	v6 =	vand.u32 $0x1FF00, v8;
	v8 =	vshll.u32 v3, $0x1;
	v9 =	vor.u32 v10, v9  }
0x3e: {  	v24 =	vld [tilespmem:s31+$0xFFFFFFF0];
	v6 =	vor.u32 v7, v6;
	v7 =	vand.u32 $0x7F, v3;
	v8 =	vand.u32 $0x1FF00, v8  }
0x3f: {  	v14 =	vshrl.u32 v3, $0x10;
	v11 =	vand.u32 $0x7F, v11;
	v7 =	vor.u32 v7, v8;
	v12 =	vld.idx.msk [tilespmem:v5+s1+$0x0], $0xffff  }
0x40: {  	v26 =	vld [tilespmem:s31+$0x0];
	v1 =	vand.u32 $0x3FE00, v1;
	v10 =	vshrl.u32 v2, $0x10;
	v2 =	vshrl.u32 v2, $0xE  }
0x41: {  	v27 =	vld [tilespmem:s31+$0xFFFFFFE0];
	v18 =	vor.u32 v11, v1;
	v1 =	vshrl.u32 v3, $0xE;
	v3 =	vand.u32 $0x7F, v10  }
0x42: {  	v19 =	vor.u32 $0x80, v18;
	v2 =	vand.u32 $0x3FE00, v2;
	v8 =	vshrl.u32 v4, $0x10;
	v17 =	vld.idx.msk [tilespmem:v9+s1+$0x0], $0xffff  }
0x43: {  	v21 =	vand.u32 $0x3FE00, v1;
	v1 =	vld [tilespmem:s30+$0x0];
	v4 =	vshrl.u32 v4, $0xE;
	v8 =	vand.u32 $0x7F, v8  }
0x44: {  	v4 =	vand.u32 $0x3FE00, v4;
	v5 =	vor.u32 $0x80, v5;
	v10 =	vld.idx.msk [tilespmem:v7+s1+$0x0], $0xffff;
	v20 =	vunpack.i.l.bf16.f32 v12  }
0x45: {  	v4 =	vor.u32 v8, v4;
	v16 =	vld.idx.msk [tilespmem:v6+s1+$0x0], $0xffff;
	v12 =	vunpack.i.u.bf16.f32 v12;
	v20 =	vmul.f32 v20, v13  }
0x46: {  	v14 =	vand.u32 $0x7F, v14;
	v11 =	vld [tilespmem:s30+$0xFFFFFFF0];
	v2 =	vor.u32 v3, v2;
	v8 =	vmul.f32 v12, v13  }
0x47: {  	v3 =	vor.u32 $0x80, v4;
	v12 =	vor.u32 v14, v21;
	[tilespmem:v18+s18+$0x0] =	vst.idx.add.f32.msk $0xffff, v20;
	v20 =	vunpack.i.l.bf16.f32 v17  }
0x48: {  	v14 =	vor.u32 $0x80, v2;
	v21 =	vor.u32 $0x80, v6;
	[tilespmem:v19+s18+$0x0] =	vst.idx.add.f32.msk $0xffff, v8;
	v19 =	vmul.f32 v20, v15  }
0x49: {  	v6 =	vunpack.i.u.bf16.f32 v10;
	v10 =	vunpack.i.l.bf16.f32 v10;
	v17 =	vunpack.i.u.bf16.f32 v17;
	v5 =	vld.idx.msk [tilespmem:v5+s1+$0x0], $0xffff  }
0x4a: {  	v10 =	vmul.f32 v10, v1;
	v8 =	vor.u32 $0x80, v12;
	v20 =	vunpack.i.u.bf16.f32 v16;
	[tilespmem:v4+s18+$0x0] =	vst.idx.add.f32.msk $0xffff, v19  }
0x4b: {  	v16 =	vunpack.i.l.bf16.f32 v16;
	v17 =	vmul.f32 v17, v15;
	v19 =	vmul.f32 v20, v11;
	v20 =	vld [tilespmem:s31+$0x10]  }
0x4c: {  	v23 =	vor.u32 $0x100, v18;
	v16 =	vmul.f32 v16, v11;
	[tilespmem:v12+s18+$0x0] =	vst.idx.add.f32.msk $0xffff, v10  }
0x4d: {  	v22 =	vor.u32 $0x80, v7;
	v9 =	vor.u32 $0x80, v9;
	v7 =	vor.u32 $0x180, v12;
	[tilespmem:v3+s18+$0x0] =	vst.idx.add.f32.msk $0xffff, v17  }
0x4e: {  	v18 =	vor.u32 $0x180, v18;
	v10 =	vand.u32 $0x7F, v24;
	v17 =	vmul.f32 v6, v1;
	[tilespmem:v2+s18+$0x0] =	vst.idx.add.f32.msk $0xffff, v16  }
0x4f: {  	v6 =	vor.u32 $0x180, v2;
	[tilespmem:v14+s18+$0x0] =	vst.idx.add.f32.msk $0xffff, v19;
	v19 =	vshll.u32 v27, $0x1;
	v3 =	vunpack.i.l.bf16.f32 v5  }
0x50: {  	[tilespmem:v8+s18+$0x0] =	vst.idx.add.f32.msk $0xffff, v17;
	v17 =	vand.u32 $0x7F, v27;
	v5 =	vunpack.i.u.bf16.f32 v5;
	v25 =	vmul.f32 v3, v13  }
0x51: {  	v13 =	vmul.f32 v5, v13;
	v5 =	vor.u32 $0x100, v2;
	v2 =	vor.u32 $0x100, v12  }
0x52: {  	v16 =	vshll.u32 v20, $0x1;
	v14 =	vand.u32 $0x7F, v20;
	v12 =	vshll.u32 v24, $0x1  }
0x53: {  	v16 =	vand.u32 $0x1FF00, v16;
	v8 =	vand.u32 $0x1FF00, v12;
	v12 =	vand.u32 $0x7F, v26;
	[tilespmem:v23+s18+$0x0] =	vst.idx.add.f32.msk $0xffff, v25  }
0x54: {  	v16 =	vor.u32 v14, v16;
	v14 =	vshll.u32 v26, $0x1;
	v23 =	vld.idx.msk [tilespmem:v9+s1+$0x0], $0xffff;
	v9 =	vshrl.u32 v27, $0xE  }
0x55: {  	v14 =	vand.u32 $0x1FF00, v14;
	[tilespmem:v18+s18+$0x0] =	vst.idx.add.f32.msk $0xffff, v13;
	v13 =	vand.u32 $0x1FF00, v19;
	v18 =	vor.u32 v10, v8  }
0x56: {  	v8 =	vshrl.u32 v27, $0x10;
	v10 =	vshrl.u32 v24, $0x10;
	v9 =	vand.u32 $0x3FE00, v9  }
0x57: {  	v21 =	vld.idx.msk [tilespmem:v21+s1+$0x0], $0xffff;
	v19 =	vor.u32 v12, v14;
	v17 =	vor.u32 v17, v13;
	v12 =	vshrl.u32 v24, $0xE  }
0x58: {  	v34 =	vld.idx.msk [tilespmem:v22+s1+$0x0], $0xffff;
	v13 =	vshrl.u32 v26, $0x10;
	v8 =	vand.u32 $0x7F, v8;
	v14 =	vshrl.u32 v26, $0xE  }
0x59: {  	s24 =	simm.s32 $0x12F60;
	v25 =	vand.u32 $0x7F, v10;
	v26 =	vshrl.u32 v20, $0x10;
	v20 =	vshrl.u32 v20, $0xE;
	v24 =	vld.idx.msk [tilespmem:v16+s1+$0x0], $0xffff  }
0x5a: {  	v10 =	vld [tilespmem:s24+$0x10];
	v12 =	vand.u32 $0x3FE00, v12;
	v26 =	vand.u32 $0x7F, v26;
	v20 =	vand.u32 $0x3FE00, v20  }
0x5b: {  	v13 =	vand.u32 $0x7F, v13;
	v29 =	vand.u32 $0x3FE00, v14;
	v14 =	vor.u32 v8, v9;
	v27 =	vld.idx.msk [tilespmem:v18+s1+$0x0], $0xffff  }
0x5c: {  	v20 =	vor.u32 v26, v20;
	v8 =	vor.u32 v13, v29;
	v29 =	vor.u32 $0x80, v16;
	v16 =	vld [tilespmem:s24+$0xFFFFFFF0]  }
0x5d: {  	v9 =	vor.u32 v25, v12;
	v12 =	vld [tilespmem:s24+$0xFFFFFFE0];
	v26 =	vor.u32 $0x80, v20  }
0x5e: {  	v3 =	vor.u32 $0x100, v4;
	v4 =	vor.u32 $0x180, v4;
	v28 =	vld.idx.msk [tilespmem:v17+s1+$0x0], $0xffff;
	v13 =	vunpack.i.l.bf16.f32 v24  }
0x5f: {  	v32 =	vor.u32 $0x80, v9;
	v25 =	vld.idx.msk [tilespmem:v19+s1+$0x0], $0xffff;
	v24 =	vunpack.i.u.bf16.f32 v24;
	v31 =	vmul.f32 v13, v10  }
0x60: {  	v13 =	vld [tilespmem:s24+$0x0];
	v24 =	vmul.f32 v24, v10;
	v22 =	vunpack.i.u.bf16.f32 v27;
	v27 =	vunpack.i.l.bf16.f32 v27  }
0x61: {  	v30 =	vor.u32 $0x80, v14;
	v33 =	vor.u32 $0x80, v8;
	v27 =	vmul.f32 v27, v16;
	[tilespmem:v20+s18+$0x0] =	vst.idx.add.f32.msk $0xffff, v31  }
0x62: {  	v35 =	vunpack.i.u.bf16.f32 v23;
	v23 =	vunpack.i.l.bf16.f32 v23;
	v18 =	vor.u32 $0x80, v18;
	[tilespmem:v26+s18+$0x0] =	vst.idx.add.f32.msk $0xffff, v24  }
0x63: {  	v22 =	vmul.f32 v22, v16;
	v31 =	vunpack.i.u.bf16.f32 v28;
	v28 =	vunpack.i.l.bf16.f32 v28;
	[tilespmem:v9+s18+$0x0] =	vst.idx.add.f32.msk $0xffff, v27  }
0x64: {  	v17 =	vor.u32 $0x80, v17;
	v19 =	vor.u32 $0x80, v19;
	v24 =	vmul.f32 v28, v12;
	v28 =	vld.idx.msk [tilespmem:v29+s1+$0x0], $0xffff  }
0x65: {  	v26 =	vunpack.i.u.bf16.f32 v25;
	v25 =	vunpack.i.l.bf16.f32 v25;
	v29 =	vmul.f32 v31, v12;
	[tilespmem:v32+s18+$0x0] =	vst.idx.add.f32.msk $0xffff, v22  }
0x66: {  	v27 =	vunpack.i.l.bf16.f32 v34;
	v22 =	vmul.f32 v23, v15;
	v23 =	vmul.f32 v35, v15;
	[tilespmem:v14+s18+$0x0] =	vst.idx.add.f32.msk $0xffff, v24  }
0x67: {  	v31 =	vmul.f32 v25, v13;
	v25 =	vor.u32 $0x100, v20;
	[tilespmem:v30+s18+$0x0] =	vst.idx.add.f32.msk $0xffff, v29;
	v29 =	vmul.f32 v26, v13  }
0x68: {  	v30 =	vunpack.i.u.bf16.f32 v21;
	v21 =	vunpack.i.l.bf16.f32 v21;
	v26 =	vor.u32 $0x180, v20  }
0x69: {  	v24 =	vunpack.i.u.bf16.f32 v34;
	[tilespmem:v8+s18+$0x0] =	vst.idx.add.f32.msk $0xffff, v31;
	v20 =	vmul.f32 v21, v11;
	v31 =	vunpack.i.l.bf16.f32 v28  }
0x6a: {  	s25 =	simm.s32 $0x4;
	s26 =	simm.s32 $0xF0A0;
	v21 =	vmul.f32 v30, v11;
	[tilespmem:v33+s18+$0x0] =	vst.idx.add.f32.msk $0xffff, v29;
	v15 =	vunpack.i.u.bf16.f32 v28;
	v28 =	vmul.f32 v31, v10  }
.LBB2_5:
0x6b: {  	v29 =	vld [tilespmem:s26+$0x10];
	v30 =	vor.u32 $0x100, v14;
	v10 =	vmul.f32 v15, v10;
	v27 =	vmul.f32 v27, v1;
	v15 =	vmovc v12;
	v11 =	vmovc v16  }
0x6c: {  	v12 =	vor.u32 $0x180, v14;
	v14 =	vor.u32 $0x100, v9;
	v24 =	vmul.f32 v24, v1;
	v1 =	vmovc v13;
	[tilespmem:v25+s18+$0x0] =	vst.idx.add.f32.msk $0xffff, v28  }
0x6d: {  	v9 =	vor.u32 $0x180, v9;
	v13 =	vor.u32 $0x100, v8;
	v25 =	vor.u32 $0x180, v8;
	[tilespmem:v26+s18+$0x0] =	vst.idx.add.f32.msk $0xffff, v10  }
0x6e: {  	s25 =	sadd.s32 $0x4, s25;
	v8 =	vld [tilespmem:s26+$0xFFFFFFF0]  }
0x6f: {  	p0 =	slt.u32 s25, $0x1F0;
	v10 =	vld [tilespmem:s26+$0x0]  }
0x70: {  	v16 =	vld [tilespmem:s26+$0xFFFFFFE0]  }
0x71: {  	v26 =	vshll.u32 v29, $0x1;
	v28 =	vld.idx.msk [tilespmem:v17+s1+$0x0], $0xffff  }
0x72: {  	v17 =	vand.u32 $0x7F, v29;
	v26 =	vand.u32 $0x1FF00, v26;
	v31 =	vld.idx.msk [tilespmem:v18+s1+$0x0], $0xffff  }
0x73: {  	v17 =	vor.u32 v17, v26;
	v18 =	vand.u32 $0x7F, v8;
	v32 =	vshll.u32 v8, $0x1;
	v33 =	vld.idx.msk [tilespmem:v19+s1+$0x0], $0xffff  }
0x74: {  	v19 =	vand.u32 $0x1FF00, v32;
	v26 =	vand.u32 $0x7F, v10;
	v32 =	vshll.u32 v10, $0x1;
	[tilespmem:v3+s18+$0x0] =	vst.idx.add.f32.msk $0xffff, v22;
	v3 =	vmovc v30  }
0x75: {  	v22 =	vand.u32 $0x7F, v16;
	v30 =	vshll.u32 v16, $0x1;
	v32 =	vand.u32 $0x1FF00, v32;
	[tilespmem:v4+s18+$0x0] =	vst.idx.add.f32.msk $0xffff, v23;
	v4 =	vmovc v12  }
0x76: {  	v18 =	vor.u32 v18, v19;
	v12 =	vand.u32 $0x1FF00, v30;
	v19 =	vor.u32 v26, v32;
	[tilespmem:v5+s18+$0x0] =	vst.idx.add.f32.msk $0xffff, v20  }
0x77: {  	v20 =	vshrl.u32 v16, $0x10;
	v5 =	vmovc v14;
	v22 =	vor.u32 v22, v12;
	v12 =	vshrl.u32 v16, $0xE;
	[tilespmem:v6+s18+$0x0] =	vst.idx.add.f32.msk $0xffff, v21  }
0x78: {  	v14 =	vshrl.u32 v8, $0x10;
	v8 =	vshrl.u32 v8, $0xE;
	v16 =	vshrl.u32 v10, $0x10;
	v6 =	vmovc v9;
	v21 =	vld.idx.msk [tilespmem:v17+s1+$0x0], $0xffff  }
0x79: {  	s24 =	sadd.s32 $0x40, s24;
	v9 =	vand.u32 $0x7F, v20;
	v20 =	vshrl.u32 v10, $0xE;
	v12 =	vand.u32 $0x3FE00, v12;
	[tilespmem:v2+s18+$0x0] =	vst.idx.add.f32.msk $0xffff, v27;
	v2 =	vmovc v13  }
0x7a: {  	v23 =	vshrl.u32 v29, $0xE;
	v13 =	vand.u32 $0x7F, v14;
	v14 =	vshrl.u32 v29, $0x10;
	v10 =	vld [tilespmem:s24+$0x10]  }
0x7b: {  	v23 =	vand.u32 $0x3FE00, v23;
	v8 =	vand.u32 $0x3FE00, v8;
	v14 =	vand.u32 $0x7F, v14;
	v26 =	vld.idx.msk [tilespmem:v18+s1+$0x0], $0xffff  }
0x7c: {  	v16 =	vand.u32 $0x7F, v16;
	v20 =	vand.u32 $0x3FE00, v20;
	v23 =	vor.u32 v14, v23;
	v27 =	vld.idx.msk [tilespmem:v22+s1+$0x0], $0xffff  }
0x7d: {  	v14 =	vor.u32 v9, v12;
	v9 =	vor.u32 v13, v8;
	v30 =	vor.u32 $0x80, v23;
	v29 =	vld.idx.msk [tilespmem:v19+s1+$0x0], $0xffff  }
0x7e: {  	v8 =	vor.u32 v16, v20;
	v20 =	vor.u32 $0x80, v17;
	v13 =	vunpack.i.l.bf16.f32 v21;
	v12 =	vld [tilespmem:s24+$0xFFFFFFE0]  }
0x7f: {  	v32 =	vor.u32 $0x80, v14;
	v17 =	vunpack.i.u.bf16.f32 v21;
	v16 =	vld [tilespmem:s24+$0xFFFFFFF0];
	v21 =	vmul.f32 v13, v10  }
0x80: {  	v34 =	vor.u32 $0x80, v9;
	v35 =	vor.u32 $0x80, v8;
	v36 =	vmul.f32 v17, v10;
	v13 =	vld [tilespmem:s24+$0x0]  }
0x81: {  	v17 =	vor.u32 $0x80, v22;
	v22 =	vunpack.i.u.bf16.f32 v26;
	v26 =	vunpack.i.l.bf16.f32 v26;
	[tilespmem:v23+s18+$0x0] =	vst.idx.add.f32.msk $0xffff, v21  }
0x82: {  	v18 =	vor.u32 $0x80, v18;
	v21 =	vunpack.i.u.bf16.f32 v27;
	v27 =	vunpack.i.l.bf16.f32 v27;
	[tilespmem:v30+s18+$0x0] =	vst.idx.add.f32.msk $0xffff, v36  }
0x83: {  	v30 =	vunpack.i.u.bf16.f32 v29;
	v29 =	vunpack.i.l.bf16.f32 v29;
	v27 =	vmul.f32 v27, v12;
	v36 =	vld.idx.msk [tilespmem:v20+s1+$0x0], $0xffff  }
0x84: {  	v19 =	vor.u32 $0x80, v19;
	v20 =	vmul.f32 v21, v12;
	v21 =	vmul.f32 v26, v16;
	[tilespmem:v7+s18+$0x0] =	vst.idx.add.f32.msk $0xffff, v24  }
0x85: {  	v37 =	vunpack.i.u.bf16.f32 v28;
	v22 =	vmul.f32 v22, v16;
	[tilespmem:v14+s18+$0x0] =	vst.idx.add.f32.msk $0xffff, v27;
	v29 =	vmul.f32 v29, v13  }
.Ltmp3:
0x86: {  	v7 =	vmovc v25;
	v30 =	vmul.f32 v30, v13;
	[tilespmem:v32+s18+$0x0] =	vst.idx.add.f32.msk $0xffff, v20;
	v20 =	vunpack.i.l.bf16.f32 v28;
	v32 =	vunpack.i.u.bf16.f32 v31;
	(pc) =	sbr.rel @p0 .LBB2_5-.Ltmp3, $4  }
0x87: {  	v25 =	vor.u32 $0x100, v23;
	v24 =	vunpack.i.u.bf16.f32 v33;
	[tilespmem:v9+s18+$0x0] =	vst.idx.add.f32.msk $0xffff, v21;
	v21 =	vunpack.i.l.bf16.f32 v31  }
0x88: {  	v26 =	vor.u32 $0x180, v23;
	v27 =	vunpack.i.l.bf16.f32 v33;
	[tilespmem:v34+s18+$0x0] =	vst.idx.add.f32.msk $0xffff, v22;
	v22 =	vmul.f32 v20, v15  }
0x89: {  	v23 =	vmul.f32 v37, v15;
	v28 =	vunpack.i.l.bf16.f32 v36;
	v20 =	vmul.f32 v21, v11;
	[tilespmem:v8+s18+$0x0] =	vst.idx.add.f32.msk $0xffff, v29  }
0x8a: {  	s26 =	sadd.s32 $0x40, s26;
	v15 =	vunpack.i.u.bf16.f32 v36;
	v21 =	vmul.f32 v32, v11;
	v28 =	vmul.f32 v28, v10;
	[tilespmem:v35+s18+$0x0] =	vst.idx.add.f32.msk $0xffff, v30  }
0x8b: {  	_ =	sdelay $0x3  }
0x8c: {  	v11 =	vld.idx.msk [tilespmem:v18+s1+$0x0], $0xffff  }
0x8d: {  	v10 =	vmul.f32 v15, v10;
	v15 =	vld.idx.msk [tilespmem:v19+s1+$0x0], $0xffff  }
0x8e: {  	[tilespmem:v3+s18+$0x0] =	vst.idx.add.f32.msk $0xffff, v22  }
0x8f: {  	[tilespmem:v25+s18+$0x0] =	vst.idx.add.f32.msk $0xffff, v28  }
0x90: {  	[tilespmem:v26+s18+$0x0] =	vst.idx.add.f32.msk $0xffff, v10  }
0x91: {  	v10 =	vld.idx.msk [tilespmem:v17+s1+$0x0], $0xffff  }
0x92: {  	[tilespmem:v4+s18+$0x0] =	vst.idx.add.f32.msk $0xffff, v23;
	v4 =	vmul.f32 v27, v1  }
0x93: {  	[tilespmem:v5+s18+$0x0] =	vst.idx.add.f32.msk $0xffff, v20;
	v5 =	vor.u32 $0x100, v9;
	v1 =	vmul.f32 v24, v1  }
0x94: {  	v3 =	vor.u32 $0x100, v14;
	[tilespmem:v2+s18+$0x0] =	vst.idx.add.f32.msk $0xffff, v4  }
0x95: {  	v14 =	vor.u32 $0x180, v14;
	[tilespmem:v7+s18+$0x0] =	vst.idx.add.f32.msk $0xffff, v1;
	v1 =	vunpack.i.l.bf16.f32 v11  }
0x96: {  	v9 =	vor.u32 $0x180, v9;
	[tilespmem:v6+s18+$0x0] =	vst.idx.add.f32.msk $0xffff, v21;
	v1 =	vmul.f32 v1, v16;
	v6 =	vunpack.i.l.bf16.f32 v10  }
0x97: {  	v2 =	vunpack.i.u.bf16.f32 v10;
	v4 =	vmul.f32 v6, v12;
	v6 =	vor.u32 $0x100, v8  }
0x98: {  	p0 =	seq.s32 s23, $0x13;
	v7 =	vor.u32 $0x180, v8;
	v2 =	vmul.f32 v2, v12;
	v8 =	vunpack.i.u.bf16.f32 v11;
	[tilespmem:v5+s18+$0x0] =	vst.idx.add.f32.msk $0xffff, v1  }
0x99: {  	s24 =	smul.u32 @!p0 $0x3E80, s23;
	[tilespmem:v3+s18+$0x0] =	vst.idx.add.f32.msk $0xffff, v4;
	v3 =	vunpack.i.l.bf16.f32 v15;
	v4 =	vmul.f32 v8, v16  }
0x9a: {  	[tilespmem:v14+s18+$0x0] =	vst.idx.add.f32.msk $0xffff, v2;
	v2 =	vunpack.i.u.bf16.f32 v15;
	v3 =	vmul.f32 v3, v13  }
0x9b: {  	s24 =	sshrl.u32 @!p0 s24, $0x3;
	v1 =	vmul.f32 v2, v13;
	[tilespmem:v9+s18+$0x0] =	vst.idx.add.f32.msk $0xffff, v4  }
0x9c: {  	s24 =	sadd.s32 @!p0 $0x7D0, s24;
	[tilespmem:v6+s18+$0x0] =	vst.idx.add.f32.msk $0xffff, v3  }
0x9d: {  	s26 =	simm.s32 @!p0 $0x0;
	s28 =	simm.s32 @!p0 $0xF000;
	s25 =	sadd.s32 @!p0 s3, s24;
	[tilespmem:v7+s18+$0x0] =	vst.idx.add.f32.msk $0xffff, v1  }
0x9e: {  	[tilespmem:s28], [sflag:$0x1] =	stream.linear.gather @!p0 [hbm4b:s25+s26], $0x1F40, $0x38;
	[tilespmem:$0x16E00] =	vst v63  }
0x9f: {  	s24 =	sadd.s32 @!p0 s4, s24;
	s25 =	simm.s32 @!p0 $0x12F00  }
0xa0: {  	[tilespmem:s25], [sflag:$0x1] =	stream.linear.gather @!p0 [hbm4b:s24+s26], $0x1F40, $0x38;
	[tilespmem:$0x16E00] =	vst v63  }
0xa1: {  	_ =	swait.ge [sflag:s19], $0x1F40  }
0xa2: {  	[sflag:s19] =	ssyncset.done $0x0  }
0xa3: {  	[sflag:s19] =	ssyncadd.s32 $0xFFFFE0C0  }
0xa4: {  	_ =	swait.ge [sflag:s19], $0x1F40  }
0xa5: {  	[sflag:s19] =	ssyncset.done $0x0  }
0xa6: {  	s29 =	simm.s32 $0x10FA0;
	[sflag:s19] =	ssyncadd.s32 $0xFFFFE0C0  }
0xa7: {  	v1 =	vld [tilespmem:s29+$0x10];
	_ =	sdelay $0x1  }
0xa8: {  	v2 =	vld [tilespmem:s29+$0xFFFFFFF0]  }
0xa9: {  	v4 =	vld [tilespmem:s29+$0xFFFFFFE0];
	_ =	sdelay $0x1  }
0xaa: {  	v3 =	vld [tilespmem:s29+$0x0];
	v5 =	vshll.u32 v1, $0x1  }
0xab: {  	v6 =	vand.u32 $0x7F, v1;
	v5 =	vand.u32 $0x1FF00, v5  }
0xac: {  	v7 =	vand.u32 $0x7F, v2;
	v5 =	vor.u32 v6, v5  }
0xad: {  	s30 =	simm.s32 $0x14EA0;
	v8 =	vshll.u32 v2, $0x1;
	v9 =	vshll.u32 v4, $0x1;
	v10 =	vand.u32 $0x7F, v4  }
0xae: {  	v13 =	vld [tilespmem:s30+$0x10];
	v11 =	vshrl.u32 v1, $0x10;
	v1 =	vshrl.u32 v1, $0xE;
	v9 =	vand.u32 $0x1FF00, v9  }
0xaf: {  	s31 =	simm.s32 $0x10FE0;
	v15 =	vld [tilespmem:s30+$0xFFFFFFE0];
	v6 =	vand.u32 $0x1FF00, v8;
	v8 =	vshll.u32 v3, $0x1;
	v9 =	vor.u32 v10, v9  }
0xb0: {  	v24 =	vld [tilespmem:s31+$0xFFFFFFF0];
	v6 =	vor.u32 v7, v6;
	v7 =	vand.u32 $0x7F, v3;
	v8 =	vand.u32 $0x1FF00, v8  }
0xb1: {  	v14 =	vshrl.u32 v3, $0x10;
	v11 =	vand.u32 $0x7F, v11;
	v7 =	vor.u32 v7, v8;
	v12 =	vld.idx.msk [tilespmem:v5+s1+$0x0], $0xffff  }
0xb2: {  	v26 =	vld [tilespmem:s31+$0x0];
	v1 =	vand.u32 $0x3FE00, v1;
	v10 =	vshrl.u32 v2, $0x10;
	v2 =	vshrl.u32 v2, $0xE  }
0xb3: {  	v27 =	vld [tilespmem:s31+$0xFFFFFFE0];
	v18 =	vor.u32 v11, v1;
	v1 =	vshrl.u32 v3, $0xE;
	v3 =	vand.u32 $0x7F, v10  }
0xb4: {  	v19 =	vor.u32 $0x80, v18;
	v2 =	vand.u32 $0x3FE00, v2;
	v8 =	vshrl.u32 v4, $0x10;
	v17 =	vld.idx.msk [tilespmem:v9+s1+$0x0], $0xffff  }
0xb5: {  	v21 =	vand.u32 $0x3FE00, v1;
	v1 =	vld [tilespmem:s30+$0x0];
	v4 =	vshrl.u32 v4, $0xE;
	v8 =	vand.u32 $0x7F, v8  }
0xb6: {  	v4 =	vand.u32 $0x3FE00, v4;
	v5 =	vor.u32 $0x80, v5;
	v10 =	vld.idx.msk [tilespmem:v7+s1+$0x0], $0xffff;
	v20 =	vunpack.i.l.bf16.f32 v12  }
0xb7: {  	v4 =	vor.u32 v8, v4;
	v16 =	vld.idx.msk [tilespmem:v6+s1+$0x0], $0xffff;
	v12 =	vunpack.i.u.bf16.f32 v12;
	v20 =	vmul.f32 v20, v13  }
0xb8: {  	v14 =	vand.u32 $0x7F, v14;
	v11 =	vld [tilespmem:s30+$0xFFFFFFF0];
	v2 =	vor.u32 v3, v2;
	v8 =	vmul.f32 v12, v13  }
0xb9: {  	v3 =	vor.u32 $0x80, v4;
	v12 =	vor.u32 v14, v21;
	[tilespmem:v18+s18+$0x0] =	vst.idx.add.f32.msk $0xffff, v20;
	v20 =	vunpack.i.l.bf16.f32 v17  }
0xba: {  	v14 =	vor.u32 $0x80, v2;
	v21 =	vor.u32 $0x80, v6;
	[tilespmem:v19+s18+$0x0] =	vst.idx.add.f32.msk $0xffff, v8;
	v19 =	vmul.f32 v20, v15  }
0xbb: {  	v6 =	vunpack.i.u.bf16.f32 v10;
	v10 =	vunpack.i.l.bf16.f32 v10;
	v17 =	vunpack.i.u.bf16.f32 v17;
	v5 =	vld.idx.msk [tilespmem:v5+s1+$0x0], $0xffff  }
0xbc: {  	v10 =	vmul.f32 v10, v1;
	v8 =	vor.u32 $0x80, v12;
	v20 =	vunpack.i.u.bf16.f32 v16;
	[tilespmem:v4+s18+$0x0] =	vst.idx.add.f32.msk $0xffff, v19  }
0xbd: {  	v16 =	vunpack.i.l.bf16.f32 v16;
	v17 =	vmul.f32 v17, v15;
	v19 =	vmul.f32 v20, v11;
	v20 =	vld [tilespmem:s31+$0x10]  }
0xbe: {  	v16 =	vmul.f32 v16, v11;
	[tilespmem:v12+s18+$0x0] =	vst.idx.add.f32.msk $0xffff, v10  }
0xbf: {  	v23 =	vor.u32 $0x100, v18;
	v22 =	vor.u32 $0x80, v7;
	v9 =	vor.u32 $0x80, v9;
	[tilespmem:v3+s18+$0x0] =	vst.idx.add.f32.msk $0xffff, v17  }
0xc0: {  	v7 =	vor.u32 $0x180, v12;
	v18 =	vor.u32 $0x180, v18;
	v17 =	vmul.f32 v6, v1;
	[tilespmem:v2+s18+$0x0] =	vst.idx.add.f32.msk $0xffff, v16  }
0xc1: {  	v10 =	vand.u32 $0x7F, v24;
	v6 =	vor.u32 $0x180, v2;
	[tilespmem:v14+s18+$0x0] =	vst.idx.add.f32.msk $0xffff, v19;
	v19 =	vshll.u32 v27, $0x1  }
0xc2: {  	[tilespmem:v8+s18+$0x0] =	vst.idx.add.f32.msk $0xffff, v17;
	v17 =	vand.u32 $0x7F, v27;
	v3 =	vunpack.i.l.bf16.f32 v5;
	v5 =	vunpack.i.u.bf16.f32 v5  }
0xc3: {  	v25 =	vmul.f32 v3, v13;
	v13 =	vmul.f32 v5, v13;
	v5 =	vor.u32 $0x100, v2  }
0xc4: {  	v2 =	vor.u32 $0x100, v12;
	v16 =	vshll.u32 v20, $0x1;
	v12 =	vshll.u32 v24, $0x1  }
0xc5: {  	v14 =	vand.u32 $0x7F, v20;
	v16 =	vand.u32 $0x1FF00, v16;
	v8 =	vand.u32 $0x1FF00, v12;
	[tilespmem:v23+s18+$0x0] =	vst.idx.add.f32.msk $0xffff, v25  }
0xc6: {  	v12 =	vand.u32 $0x7F, v26;
	v14 =	vor.u32 v14, v16;
	v16 =	vshll.u32 v26, $0x1;
	v23 =	vld.idx.msk [tilespmem:v9+s1+$0x0], $0xffff  }
0xc7: {  	v9 =	vshrl.u32 v27, $0xE;
	v16 =	vand.u32 $0x1FF00, v16;
	[tilespmem:v18+s18+$0x0] =	vst.idx.add.f32.msk $0xffff, v13;
	v13 =	vand.u32 $0x1FF00, v19  }
0xc8: {  	v18 =	vor.u32 v10, v8;
	v8 =	vshrl.u32 v27, $0x10;
	v10 =	vshrl.u32 v24, $0x10  }
0xc9: {  	v21 =	vld.idx.msk [tilespmem:v21+s1+$0x0], $0xffff;
	v9 =	vand.u32 $0x3FE00, v9;
	v19 =	vor.u32 v12, v16;
	v17 =	vor.u32 v17, v13  }
0xca: {  	v34 =	vld.idx.msk [tilespmem:v22+s1+$0x0], $0xffff;
	v12 =	vshrl.u32 v24, $0xE;
	v13 =	vshrl.u32 v26, $0x10;
	v8 =	vand.u32 $0x7F, v8  }
0xcb: {  	s24 =	simm.s32 $0x14EE0;
	v16 =	vshrl.u32 v26, $0xE;
	v25 =	vand.u32 $0x7F, v10;
	v26 =	vshrl.u32 v20, $0x10;
	v24 =	vld.idx.msk [tilespmem:v14+s1+$0x0], $0xffff  }
0xcc: {  	v10 =	vld [tilespmem:s24+$0x10];
	v20 =	vshrl.u32 v20, $0xE;
	v12 =	vand.u32 $0x3FE00, v12;
	v26 =	vand.u32 $0x7F, v26  }
0xcd: {  	v20 =	vand.u32 $0x3FE00, v20;
	v29 =	vand.u32 $0x7F, v13;
	v16 =	vand.u32 $0x3FE00, v16;
	v27 =	vld.idx.msk [tilespmem:v18+s1+$0x0], $0xffff  }
0xce: {  	v13 =	vor.u32 v8, v9;
	v20 =	vor.u32 v26, v20;
	v8 =	vor.u32 v29, v16;
	v16 =	vld [tilespmem:s24+$0xFFFFFFF0]  }
0xcf: {  	v3 =	vor.u32 $0x100, v4;
	v9 =	vor.u32 v25, v12;
	v12 =	vld [tilespmem:s24+$0xFFFFFFE0];
	v26 =	vor.u32 $0x80, v20  }
0xd0: {  	v4 =	vor.u32 $0x180, v4;
	v30 =	vor.u32 $0x80, v14;
	v28 =	vld.idx.msk [tilespmem:v17+s1+$0x0], $0xffff;
	v29 =	vunpack.i.l.bf16.f32 v24  }
0xd1: {  	v32 =	vor.u32 $0x80, v9;
	v14 =	vld [tilespmem:s24+$0x0];
	v24 =	vunpack.i.u.bf16.f32 v24;
	v29 =	vmul.f32 v29, v10  }
0xd2: {  	v25 =	vld.idx.msk [tilespmem:v19+s1+$0x0], $0xffff;
	v24 =	vmul.f32 v24, v10;
	v22 =	vunpack.i.u.bf16.f32 v27;
	v27 =	vunpack.i.l.bf16.f32 v27  }
0xd3: {  	v31 =	vor.u32 $0x80, v13;
	v33 =	vor.u32 $0x80, v8;
	v27 =	vmul.f32 v27, v16;
	[tilespmem:v20+s18+$0x0] =	vst.idx.add.f32.msk $0xffff, v29  }
0xd4: {  	v35 =	vunpack.i.u.bf16.f32 v23;
	v23 =	vunpack.i.l.bf16.f32 v23;
	v18 =	vor.u32 $0x80, v18;
	[tilespmem:v26+s18+$0x0] =	vst.idx.add.f32.msk $0xffff, v24  }
0xd5: {  	v22 =	vmul.f32 v22, v16;
	v29 =	vunpack.i.u.bf16.f32 v28;
	v28 =	vunpack.i.l.bf16.f32 v28;
	[tilespmem:v9+s18+$0x0] =	vst.idx.add.f32.msk $0xffff, v27  }
0xd6: {  	v17 =	vor.u32 $0x80, v17;
	v19 =	vor.u32 $0x80, v19;
	v24 =	vmul.f32 v28, v12;
	v28 =	vld.idx.msk [tilespmem:v30+s1+$0x0], $0xffff  }
0xd7: {  	v26 =	vunpack.i.u.bf16.f32 v25;
	v25 =	vunpack.i.l.bf16.f32 v25;
	v29 =	vmul.f32 v29, v12;
	[tilespmem:v32+s18+$0x0] =	vst.idx.add.f32.msk $0xffff, v22  }
0xd8: {  	v27 =	vunpack.i.l.bf16.f32 v34;
	v30 =	vmul.f32 v25, v14;
	v22 =	vmul.f32 v23, v15;
	[tilespmem:v13+s18+$0x0] =	vst.idx.add.f32.msk $0xffff, v24  }
0xd9: {  	v25 =	vor.u32 $0x100, v20;
	v23 =	vmul.f32 v35, v15;
	[tilespmem:v31+s18+$0x0] =	vst.idx.add.f32.msk $0xffff, v29;
	v29 =	vmul.f32 v26, v14  }
0xda: {  	v31 =	vunpack.i.u.bf16.f32 v21;
	v21 =	vunpack.i.l.bf16.f32 v21;
	v26 =	vor.u32 $0x180, v20  }
0xdb: {  	v24 =	vunpack.i.u.bf16.f32 v34;
	[tilespmem:v8+s18+$0x0] =	vst.idx.add.f32.msk $0xffff, v30;
	v20 =	vmul.f32 v21, v11;
	v30 =	vunpack.i.l.bf16.f32 v28  }
0xdc: {  	s25 =	simm.s32 $0x4;
	s26 =	simm.s32 $0x11020;
	v21 =	vmul.f32 v31, v11;
	[tilespmem:v33+s18+$0x0] =	vst.idx.add.f32.msk $0xffff, v29;
	v15 =	vunpack.i.u.bf16.f32 v28;
	v28 =	vmul.f32 v30, v10  }
.LBB2_7:
0xdd: {  	v29 =	vld [tilespmem:s26+$0x10];
	v30 =	vor.u32 $0x100, v13;
	v10 =	vmul.f32 v15, v10;
	v27 =	vmul.f32 v27, v1;
	v15 =	vmovc v12;
	v11 =	vmovc v16  }
0xde: {  	v12 =	vor.u32 $0x180, v13;
	v13 =	vor.u32 $0x100, v9;
	v24 =	vmul.f32 v24, v1;
	v1 =	vmovc v14;
	[tilespmem:v25+s18+$0x0] =	vst.idx.add.f32.msk $0xffff, v28  }
0xdf: {  	v9 =	vor.u32 $0x180, v9;
	v14 =	vor.u32 $0x100, v8;
	v25 =	vor.u32 $0x180, v8;
	[tilespmem:v26+s18+$0x0] =	vst.idx.add.f32.msk $0xffff, v10  }
0xe0: {  	s25 =	sadd.s32 $0x4, s25;
	v8 =	vld [tilespmem:s26+$0xFFFFFFF0]  }
0xe1: {  	p1 =	slt.u32 s25, $0x1F0;
	v10 =	vld [tilespmem:s26+$0x0]  }
0xe2: {  	v16 =	vld [tilespmem:s26+$0xFFFFFFE0]  }
0xe3: {  	v26 =	vshll.u32 v29, $0x1;
	v28 =	vld.idx.msk [tilespmem:v17+s1+$0x0], $0xffff  }
0xe4: {  	v17 =	vand.u32 $0x7F, v29;
	v26 =	vand.u32 $0x1FF00, v26;
	v31 =	vld.idx.msk [tilespmem:v18+s1+$0x0], $0xffff  }
0xe5: {  	v17 =	vor.u32 v17, v26;
	v18 =	vand.u32 $0x7F, v8;
	v32 =	vshll.u32 v8, $0x1;
	v33 =	vld.idx.msk [tilespmem:v19+s1+$0x0], $0xffff  }
0xe6: {  	v19 =	vand.u32 $0x1FF00, v32;
	v26 =	vand.u32 $0x7F, v10;
	v32 =	vshll.u32 v10, $0x1;
	[tilespmem:v3+s18+$0x0] =	vst.idx.add.f32.msk $0xffff, v22;
	v3 =	vmovc v30  }
0xe7: {  	v22 =	vand.u32 $0x7F, v16;
	v30 =	vshll.u32 v16, $0x1;
	v32 =	vand.u32 $0x1FF00, v32;
	[tilespmem:v4+s18+$0x0] =	vst.idx.add.f32.msk $0xffff, v23;
	v4 =	vmovc v12  }
0xe8: {  	v18 =	vor.u32 v18, v19;
	v12 =	vand.u32 $0x1FF00, v30;
	v19 =	vor.u32 v26, v32;
	[tilespmem:v5+s18+$0x0] =	vst.idx.add.f32.msk $0xffff, v20  }
0xe9: {  	v20 =	vshrl.u32 v16, $0x10;
	v5 =	vmovc v13;
	v22 =	vor.u32 v22, v12;
	v12 =	vshrl.u32 v16, $0xE;
	[tilespmem:v6+s18+$0x0] =	vst.idx.add.f32.msk $0xffff, v21  }
0xea: {  	v13 =	vshrl.u32 v8, $0x10;
	v8 =	vshrl.u32 v8, $0xE;
	v16 =	vshrl.u32 v10, $0x10;
	v6 =	vmovc v9;
	v21 =	vld.idx.msk [tilespmem:v17+s1+$0x0], $0xffff  }
0xeb: {  	s24 =	sadd.s32 $0x40, s24;
	v9 =	vand.u32 $0x7F, v20;
	v20 =	vshrl.u32 v10, $0xE;
	v12 =	vand.u32 $0x3FE00, v12;
	[tilespmem:v2+s18+$0x0] =	vst.idx.add.f32.msk $0xffff, v27;
	v2 =	vmovc v14  }
0xec: {  	v23 =	vshrl.u32 v29, $0xE;
	v14 =	vand.u32 $0x7F, v13;
	v13 =	vshrl.u32 v29, $0x10;
	v10 =	vld [tilespmem:s24+$0x10]  }
0xed: {  	v23 =	vand.u32 $0x3FE00, v23;
	v8 =	vand.u32 $0x3FE00, v8;
	v13 =	vand.u32 $0x7F, v13;
	v26 =	vld.idx.msk [tilespmem:v18+s1+$0x0], $0xffff  }
0xee: {  	v16 =	vand.u32 $0x7F, v16;
	v20 =	vand.u32 $0x3FE00, v20;
	v23 =	vor.u32 v13, v23;
	v27 =	vld.idx.msk [tilespmem:v22+s1+$0x0], $0xffff  }
0xef: {  	v13 =	vor.u32 v9, v12;
	v9 =	vor.u32 v14, v8;
	v30 =	vor.u32 $0x80, v23;
	v29 =	vld.idx.msk [tilespmem:v19+s1+$0x0], $0xffff  }
0xf0: {  	v8 =	vor.u32 v16, v20;
	v20 =	vor.u32 $0x80, v17;
	v14 =	vunpack.i.l.bf16.f32 v21;
	v12 =	vld [tilespmem:s24+$0xFFFFFFE0]  }
0xf1: {  	v32 =	vor.u32 $0x80, v13;
	v17 =	vunpack.i.u.bf16.f32 v21;
	v16 =	vld [tilespmem:s24+$0xFFFFFFF0];
	v21 =	vmul.f32 v14, v10  }
0xf2: {  	v34 =	vor.u32 $0x80, v9;
	v35 =	vor.u32 $0x80, v8;
	v36 =	vmul.f32 v17, v10;
	v14 =	vld [tilespmem:s24+$0x0]  }
0xf3: {  	v17 =	vor.u32 $0x80, v22;
	v22 =	vunpack.i.u.bf16.f32 v26;
	v26 =	vunpack.i.l.bf16.f32 v26;
	[tilespmem:v23+s18+$0x0] =	vst.idx.add.f32.msk $0xffff, v21  }
0xf4: {  	v18 =	vor.u32 $0x80, v18;
	v21 =	vunpack.i.u.bf16.f32 v27;
	v27 =	vunpack.i.l.bf16.f32 v27;
	[tilespmem:v30+s18+$0x0] =	vst.idx.add.f32.msk $0xffff, v36  }
0xf5: {  	v30 =	vunpack.i.u.bf16.f32 v29;
	v29 =	vunpack.i.l.bf16.f32 v29;
	v27 =	vmul.f32 v27, v12;
	v36 =	vld.idx.msk [tilespmem:v20+s1+$0x0], $0xffff  }
0xf6: {  	v19 =	vor.u32 $0x80, v19;
	v20 =	vmul.f32 v21, v12;
	v21 =	vmul.f32 v26, v16;
	[tilespmem:v7+s18+$0x0] =	vst.idx.add.f32.msk $0xffff, v24  }
0xf7: {  	v37 =	vunpack.i.u.bf16.f32 v28;
	v22 =	vmul.f32 v22, v16;
	[tilespmem:v13+s18+$0x0] =	vst.idx.add.f32.msk $0xffff, v27;
	v29 =	vmul.f32 v29, v14  }
.Ltmp4:
0xf8: {  	v7 =	vmovc v25;
	v30 =	vmul.f32 v30, v14;
	[tilespmem:v32+s18+$0x0] =	vst.idx.add.f32.msk $0xffff, v20;
	v20 =	vunpack.i.l.bf16.f32 v28;
	v32 =	vunpack.i.u.bf16.f32 v31;
	(pc) =	sbr.rel @p1 .LBB2_7-.Ltmp4, $4  }
0xf9: {  	v25 =	vor.u32 $0x100, v23;
	v24 =	vunpack.i.u.bf16.f32 v33;
	[tilespmem:v9+s18+$0x0] =	vst.idx.add.f32.msk $0xffff, v21;
	v21 =	vunpack.i.l.bf16.f32 v31  }
0xfa: {  	v26 =	vor.u32 $0x180, v23;
	v27 =	vunpack.i.l.bf16.f32 v33;
	[tilespmem:v34+s18+$0x0] =	vst.idx.add.f32.msk $0xffff, v22;
	v22 =	vmul.f32 v20, v15  }
0xfb: {  	v23 =	vmul.f32 v37, v15;
	v28 =	vunpack.i.l.bf16.f32 v36;
	v20 =	vmul.f32 v21, v11;
	[tilespmem:v8+s18+$0x0] =	vst.idx.add.f32.msk $0xffff, v29  }
0xfc: {  	s26 =	sadd.s32 $0x40, s26;
	v15 =	vunpack.i.u.bf16.f32 v36;
	v21 =	vmul.f32 v32, v11;
	v28 =	vmul.f32 v28, v10;
	[tilespmem:v35+s18+$0x0] =	vst.idx.add.f32.msk $0xffff, v30  }
0xfd: {  	_ =	sdelay $0x3  }
0xfe: {  	v52 =	vld.idx.msk [tilespmem:v17+s1+$0x0], $0xffff  }
0xff: {  	v11 =	vld.idx.msk [tilespmem:v18+s1+$0x0], $0xffff  }
0x100: {  	v53 =	vld.idx.msk [tilespmem:v19+s1+$0x0], $0xffff  }
0x101: {  	[tilespmem:v3+s18+$0x0] =	vst.idx.add.f32.msk $0xffff, v22  }
0x102: {  	[tilespmem:v5+s18+$0x0] =	vst.idx.add.f32.msk $0xffff, v20  }
0x103: {  	[tilespmem:v25+s18+$0x0] =	vst.idx.add.f32.msk $0xffff, v28  }
0x104: {  	v3 =	vor.u32 $0x100, v13;
	v54 =	vmul.f32 v27, v1;
	[tilespmem:v4+s18+$0x0] =	vst.idx.add.f32.msk $0xffff, v23  }
0x105: {  	v56 =	vor.u32 $0x100, v9;
	v1 =	vmul.f32 v24, v1;
	[tilespmem:v6+s18+$0x0] =	vst.idx.add.f32.msk $0xffff, v21  }
0x106: {  	v10 =	vmul.f32 v15, v10;
	v55 =	vor.u32 $0x180, v13;
	[tilespmem:v2+s18+$0x0] =	vst.idx.add.f32.msk $0xffff, v54;
	v57 =	vunpack.i.l.bf16.f32 v52  }
0x107: {  	v58 =	vor.u32 $0x180, v9;
	[tilespmem:v7+s18+$0x0] =	vst.idx.add.f32.msk $0xffff, v1;
	v1 =	vunpack.i.l.bf16.f32 v11;
	v59 =	vmul.f32 v57, v12  }
0x108: {  	v60 =	vor.u32 $0x100, v8;
	[tilespmem:v26+s18+$0x0] =	vst.idx.add.f32.msk $0xffff, v10;
	v2 =	vunpack.i.u.bf16.f32 v52;
	v1 =	vmul.f32 v1, v16  }
0x109: {  	v61 =	vor.u32 $0x180, v8;
	v62 =	vunpack.i.u.bf16.f32 v11;
	v2 =	vmul.f32 v2, v12;
	[tilespmem:v3+s18+$0x0] =	vst.idx.add.f32.msk $0xffff, v59  }
.Ltmp5:
0x10a: {  	v63 =	vmul.f32 v62, v16;
	v3 =	vunpack.i.l.bf16.f32 v53;
	[tilespmem:v56+s18+$0x0] =	vst.idx.add.f32.msk $0xffff, v1;
	(pc) =	sbr.rel @p0 .LBB2_10-.Ltmp5, $4  }
0x10b: {  	[tilespmem:v55+s18+$0x0] =	vst.idx.add.f32.msk $0xffff, v2;
	v2 =	vunpack.i.u.bf16.f32 v53;
	v3 =	vmul.f32 v3, v14  }
0x10c: {  	[tilespmem:v58+s18+$0x0] =	vst.idx.add.f32.msk $0xffff, v63;
	v1 =	vmul.f32 v2, v14  }
0x10d: {  	[tilespmem:v60+s18+$0x0] =	vst.idx.add.f32.msk $0xffff, v3  }
0x10e: {  	[tilespmem:v61+s18+$0x0] =	vst.idx.add.f32.msk $0xffff, v1  }
0x10f: {  	s24 =	smul.u32 $0x3E80, s23;
	_ =	sdelay $0x1  }
0x110: {  	s24 =	sshrl.u32 s24, $0x3  }
.Ltmp6:
0x111: {  	s24 =	sadd.s32 $0xBB8, s24;
	(pc) =	sbr.rel .LBB2_4-.Ltmp6, $4  }
0x112: {  	s25 =	sadd.s32 s3, s24  }
0x113: {  	[tilespmem:s14], [sflag:$0x2] =	stream.linear.gather [hbm4b:s25+s1], $0x1F40, $0x38;
	[tilespmem:$0x16E00] =	vst v63  }
0x114: {  	s23 =	sadd.s32 $0x1, s23;
	s24 =	sadd.s32 s4, s24  }
0x115: {  	[tilespmem:s15], [sflag:$0x2] =	stream.linear.gather [hbm4b:s24+s1], $0x1F40, $0x38;
	[tilespmem:$0x16E00] =	vst v63  }
.LBB2_11:
0x116: {  	_ =	sfence.sel $0x180000  }
0x117: {  	[bflag:$0x0] =	sbarrier.arrive $0xFFFF  }
0x118: {  	p0 =	sne.s32 s2, $0x0;
	_ =	strace $0x90000053  }
0x119: {  	s0 =	sadd.s32 @!p0 $0x100000, s0;
	[bflag:$0x2] =	sbarrier.arrive $0xFFFF  }
0x11a: {  	[sflag:s0] =	ssyncadd.tile.s32 @!p0 $0x1;
	_ =	shalt  }
.Lfunc_end2:
_tile_overlayer_lowered:
.L_overlay_start_2:
0x11b: {  	(tag) =	ssettag $0x2  }
0x11c: {  	s0 =	rddreg [dreg:$0x0];
	s2 =	stileid.u32  }
0x11d: {  	s1 =	rddreg [dreg:$0x1];
	p0 =	sne.s32 s2, $0x0  }
0x11e: {  	s3 =	rddreg [dreg:$0x2];
	[bflag:$0x3] =	sbarrier.arrive $0xFFFF;
	s2 =	simm.s32 @!p0 $0x1C04  }
0x11f: {  	[timem:s3], [sflag:s2] =	dma.local @!p0 [hbm:s0], s1  }
0x120: {  	s0 =	simm.s32 @!p0 $0x4  }
0x121: {  	_ =	swait.ge @!p0 [sflag:s0], s1  }
0x122: {  	s1 =	ssub.s32 @!p0 $0x0, s1;
	[sflag:s0] =	ssyncset.done @!p0 $0x0  }
0x123: {  	[sflag:s0] =	ssyncadd.s32 @!p0 s1  }
0x124: {  	[bflag:$0x3] =	sbarrier.arrive $0xFFFF  }
0x125: {  	_ =	shalt  }

</sc_bundles>
